<compile_context>
chip_gen: v7x
topology: tpu7x:2x2x1
jax: 0.10.2.dev20260603
libtpu: 0.0.44.dev20260713+nightly
codegen_flags: <defaults>
</compile_context>

<pallas_src>
import functools
import jax
import jax.numpy as jnp
from jax import lax
from jax.experimental import pallas as pl
from jax.experimental.pallas import tpu as pltpu
from jax.experimental.pallas import tpu_sc as plsc

N_NODES = 10000
N_EDGES = 320000
D_IN = 128
D_HID = 128
N_CLS = 16

NUM_CORES = 2
NUM_SUBCORES = 16
NUM_WORKERS = NUM_CORES * NUM_SUBCORES
EDGES_PER_CORE = N_EDGES // NUM_CORES
EDGES_PER_WORKER = EDGES_PER_CORE // NUM_SUBCORES
PIPE_W = 5
PIPE_N = 10

BATCH_W = 100
NB_W = EDGES_PER_WORKER // BATCH_W
BATCH_N = 100
NB_N = EDGES_PER_WORKER // BATCH_N

_SC_MESH = plsc.VectorSubcoreMesh(
    core_axis_name="c", subcore_axis_name="s",
    num_cores=NUM_CORES, num_subcores=NUM_SUBCORES)

_ZCHUNK = 624
_ZTAIL = N_NODES - NUM_SUBCORES * _ZCHUNK


def _zero_init(zeros_hbm, acc_sh, sid):
    off = pl.multiple_of(sid * _ZCHUNK, 8)
    pltpu.sync_copy(zeros_hbm.at[pl.ds(off, _ZCHUNK)],
                    acc_sh.at[pl.ds(off, _ZCHUNK)])

    @pl.when(sid == NUM_SUBCORES - 1)
    def _():
        pltpu.sync_copy(zeros_hbm.at[pl.ds(NUM_SUBCORES * _ZCHUNK, _ZTAIL)],
                        acc_sh.at[pl.ds(NUM_SUBCORES * _ZCHUNK, _ZTAIL)])


def _copy_out(acc_sh, acc_out, cid, sid):
    off = pl.multiple_of(sid * _ZCHUNK, 8)
    pltpu.sync_copy(acc_sh.at[pl.ds(off, _ZCHUNK)],
                    acc_out.at[cid].at[pl.ds(off, _ZCHUNK)])

    @pl.when(sid == NUM_SUBCORES - 1)
    def _():
        pltpu.sync_copy(acc_sh.at[pl.ds(NUM_SUBCORES * _ZCHUNK, _ZTAIL)],
                        acc_out.at[cid].at[pl.ds(NUM_SUBCORES * _ZCHUNK, _ZTAIL)])


DEG_W = 16


def _sc_degree(dstg_hbm, zeros_hbm, ones_hbm, deg_out, deg_sh, dst_v, ones_v,
               *sems):
    cid = lax.axis_index("c")
    sid = lax.axis_index("s")
    w = cid * NUM_SUBCORES + sid

    _zero_init(zeros_hbm, deg_sh, sid)
    pltpu.sync_copy(ones_hbm, ones_v)
    pltpu.sync_copy(dstg_hbm.at[w], dst_v)
    plsc.subcore_barrier()

    for b in range(PIPE_N):
        pltpu.async_copy(ones_v, deg_sh.at[dst_v.at[b]], sems[b], add=True)

    def round_(g, _):
        for b in range(PIPE_N):
            j = g * PIPE_N + b
            pltpu.make_async_copy(ones_v, deg_sh.at[dst_v.at[j]],
                                  sems[b]).wait()
            pltpu.async_copy(ones_v, deg_sh.at[dst_v.at[j]], sems[b],
                             add=True)
        return 0

    lax.fori_loop(1, NB_N // PIPE_N, round_, 0)
    for b in range(PIPE_N):
        j = NB_N - PIPE_N + b
        pltpu.make_async_copy(ones_v, deg_sh.at[dst_v.at[j]], sems[b]).wait()
    plsc.subcore_barrier()
    _copy_out(deg_sh, deg_out, cid, sid)


def _degree_parts(dstg, zeros_nw, ones_bw):
    return pl.kernel(
        _sc_degree,
        out_type=jax.ShapeDtypeStruct((NUM_CORES, N_NODES, DEG_W), jnp.float32),
        mesh=_SC_MESH,
        scratch_types=[
            pltpu.VMEM_SHARED((N_NODES, DEG_W), jnp.float32),
            pltpu.VMEM((NB_N, BATCH_N), jnp.int32),
            pltpu.VMEM((BATCH_N, DEG_W), jnp.float32),
        ] + [pltpu.SemaphoreType.DMA] * PIPE_N,
        compiler_params=pltpu.CompilerParams(use_tc_tiling_on_sc=False),
    )(dstg, zeros_nw, ones_bw)


def _sc_aggregate(d, batch, nb, pipe, tab_hbm, srcg_hbm, dstg_hbm, zeros_hbm,
                  acc_out, acc_sh, src_v, dst_v, rows_v, *sems):
    cid = lax.axis_index("c")
    sid = lax.axis_index("s")
    w = cid * NUM_SUBCORES + sid
    gsems = sems[:pipe]
    ssems = sems[pipe:2 * pipe]
    zc, zt, si, di = sems[2 * pipe:]

    off = pl.multiple_of(sid * _ZCHUNK, 8)
    zd = pltpu.async_copy(zeros_hbm.at[pl.ds(off, _ZCHUNK)],
                          acc_sh.at[pl.ds(off, _ZCHUNK)], zc)

    @pl.when(sid == NUM_SUBCORES - 1)
    def _():
        pltpu.async_copy(zeros_hbm.at[pl.ds(NUM_SUBCORES * _ZCHUNK, _ZTAIL)],
                         acc_sh.at[pl.ds(NUM_SUBCORES * _ZCHUNK, _ZTAIL)], zt)

    sd_src = pltpu.async_copy(srcg_hbm.at[w], src_v, si)
    sd_dst = pltpu.async_copy(dstg_hbm.at[w], dst_v, di)
    sd_src.wait()

    for b in range(pipe):
        pltpu.async_copy(tab_hbm.at[src_v.at[b]], rows_v.at[b], gsems[b])

    zd.wait()

    @pl.when(sid == NUM_SUBCORES - 1)
    def _():
        pltpu.make_async_copy(
            zeros_hbm.at[pl.ds(NUM_SUBCORES * _ZCHUNK, _ZTAIL)],
            acc_sh.at[pl.ds(NUM_SUBCORES * _ZCHUNK, _ZTAIL)], zt).wait()

    sd_dst.wait()
    plsc.subcore_barrier()

    rounds = nb // pipe

    def round_(g, _):
        sd = []
        for b in range(pipe):
            j = g * pipe + b
            pltpu.make_async_copy(tab_hbm.at[src_v.at[j]], rows_v.at[b],
                                  gsems[b]).wait()
            sd.append(pltpu.async_copy(
                rows_v.at[b], acc_sh.at[dst_v.at[j]], ssems[b], add=True))
        for b in range(pipe):
            sd[b].wait()

            @pl.when(g < rounds - 1)
            def _(b=b):
                jn = (g + 1) * pipe + b
                pltpu.async_copy(tab_hbm.at[src_v.at[jn]], rows_v.at[b],
                                 gsems[b])
        return 0

    lax.fori_loop(0, rounds, round_, 0)
    plsc.subcore_barrier()
    _copy_out(acc_sh, acc_out, cid, sid)


def _aggregate_parts(d, batch, nb, pipe, tab, srcg, dstg, zeros_nd):
    dt = tab.dtype
    return pl.kernel(
        functools.partial(_sc_aggregate, d, batch, nb, pipe),
        out_type=jax.ShapeDtypeStruct((NUM_CORES, N_NODES, d), dt),
        mesh=_SC_MESH,
        scratch_types=[
            pltpu.VMEM_SHARED((N_NODES, d), dt),
            pltpu.VMEM((nb, batch), jnp.int32),
            pltpu.VMEM((nb, batch), jnp.int32),
            pltpu.VMEM((pipe, batch, d), dt),
        ] + [pltpu.SemaphoreType.DMA] * (2 * pipe + 4),
        compiler_params=pltpu.CompilerParams(use_tc_tiling_on_sc=False),
    )(tab, srcg, dstg, zeros_nd)


def _tc_mm1_scale(x_ref, w1_ref, degp_ref, xws_ref, dinv_ref):
    deg = 1.0 + degp_ref[0, :, 0] + degp_ref[1, :, 0]
    dinv = lax.rsqrt(deg)
    dinv_ref[:, 0] = dinv
    xws_ref[...] = ((x_ref[...] @ w1_ref[...]) * dinv[:, None]).astype(
        jnp.bfloat16)


def _tc_middle(accp_ref, xws_ref, dinv_ref, b1_ref, w2_ref, out_ref):
    dinv = dinv_ref[:, 0][:, None]
    agg = (accp_ref[0].astype(jnp.float32) + accp_ref[1].astype(jnp.float32)
           + xws_ref[...].astype(jnp.float32))
    h = dinv * agg + b1_ref[...]
    h = jnp.maximum(h, 0.0)
    out_ref[...] = (h @ w2_ref[...]) * dinv


def _tc_final(accp_ref, hw2s_ref, dinv_ref, b2_ref, out_ref):
    dinv = dinv_ref[:, 0][:, None]
    logits = dinv * (accp_ref[0] + accp_ref[1] + hw2s_ref[...]) + b2_ref[...]
    m = jnp.max(logits, axis=1, keepdims=True)
    e = jnp.exp(logits - m)
    out_ref[...] = e / jnp.sum(e, axis=1, keepdims=True)


_ROW_BLK = 2000
_N_BLKS = N_NODES // _ROW_BLK


def _mm1_scale(x, w1, degp):
    return pl.pallas_call(
        _tc_mm1_scale,
        grid=(_N_BLKS,),
        in_specs=[
            pl.BlockSpec((_ROW_BLK, D_IN), lambda i: (i, 0)),
            pl.BlockSpec((D_IN, D_HID), lambda i: (0, 0)),
            pl.BlockSpec((NUM_CORES, _ROW_BLK, DEG_W), lambda i: (0, i, 0)),
        ],
        out_specs=[
            pl.BlockSpec((_ROW_BLK, D_HID), lambda i: (i, 0)),
            pl.BlockSpec((_ROW_BLK, 1), lambda i: (i, 0)),
        ],
        out_shape=[
            jax.ShapeDtypeStruct((N_NODES, D_HID), jnp.bfloat16),
            jax.ShapeDtypeStruct((N_NODES, 1), jnp.float32),
        ],
    )(x, w1, degp)


def _middle(accp, xws, dinv, b1, w2):
    return pl.pallas_call(
        _tc_middle,
        grid=(_N_BLKS,),
        in_specs=[
            pl.BlockSpec((NUM_CORES, _ROW_BLK, D_HID), lambda i: (0, i, 0)),
            pl.BlockSpec((_ROW_BLK, D_HID), lambda i: (i, 0)),
            pl.BlockSpec((_ROW_BLK, 1), lambda i: (i, 0)),
            pl.BlockSpec((1, D_HID), lambda i: (0, 0)),
            pl.BlockSpec((D_HID, N_CLS), lambda i: (0, 0)),
        ],
        out_specs=pl.BlockSpec((_ROW_BLK, N_CLS), lambda i: (i, 0)),
        out_shape=jax.ShapeDtypeStruct((N_NODES, N_CLS), jnp.float32),
    )(accp, xws, dinv, b1, w2)


def _final(accp, hw2s, dinv, b2):
    return pl.pallas_call(
        _tc_final,
        grid=(_N_BLKS,),
        in_specs=[
            pl.BlockSpec((NUM_CORES, _ROW_BLK, N_CLS), lambda i: (0, i, 0)),
            pl.BlockSpec((_ROW_BLK, N_CLS), lambda i: (i, 0)),
            pl.BlockSpec((_ROW_BLK, 1), lambda i: (i, 0)),
            pl.BlockSpec((1, N_CLS), lambda i: (0, 0)),
        ],
        out_specs=pl.BlockSpec((_ROW_BLK, N_CLS), lambda i: (i, 0)),
        out_shape=jax.ShapeDtypeStruct((N_NODES, N_CLS), jnp.float32),
    )(accp, hw2s, dinv, b2)


@jax.jit
def kernel(node_features, edge_index, W1, b1, W2, b2):
    grp_w = (NUM_WORKERS, NB_W, BATCH_W)
    grp_n = (NUM_WORKERS, NB_N, BATCH_N)
    srcg_w = edge_index[0].reshape(grp_w)
    dstg_w = edge_index[1].reshape(grp_w)
    srcg_n = edge_index[0].reshape(grp_n)
    dstg_n = edge_index[1].reshape(grp_n)
    zeros_nw = jnp.zeros((N_NODES, DEG_W), jnp.float32)
    ones_bw = jnp.ones((BATCH_N, DEG_W), jnp.float32)
    zeros_nh = jnp.zeros((N_NODES, D_HID), jnp.bfloat16)
    zeros_nc = jnp.zeros((N_NODES, N_CLS), jnp.float32)

    degp = _degree_parts(dstg_n, zeros_nw, ones_bw)
    xws, dinv = _mm1_scale(node_features, W1, degp)
    accp1 = _aggregate_parts(D_HID, BATCH_W, NB_W, PIPE_W, xws, srcg_w,
                             dstg_w, zeros_nh)
    hw2s = _middle(accp1, xws, dinv, b1.reshape(1, D_HID), W2)
    accp2 = _aggregate_parts(N_CLS, BATCH_N, NB_N, PIPE_N, hw2s, srcg_n,
                             dstg_n, zeros_nc)
    return _final(accp2, hw2s, dinv, b2.reshape(1, N_CLS))

# --- scband reference (transcript-rebuilt; emitter-appended) ---
"""Pipeline reference for scband-gnn-3504693313899 (READ-ONLY COPY).

The authoritative reference and input builder live on the scoring server;
editing this copy changes nothing except your own understanding.
"""

import jax, jax.numpy as jnp
import numpy as np

N = 10000
E = 320000
D_IN = 128
D_HID = 128
N_CLS = 16


def setup_inputs(seed: int = 0) -> dict:
    key = jax.random.key(seed)
    k1, k2, k3, k4 = jax.random.split(key, 4)
    node_features = jax.random.normal(k1, (N, D_IN), dtype=jnp.float32)
    edge_index = jax.random.randint(k2, (2, E), 0, N, dtype=jnp.int32)
    W1 = jax.random.normal(k3, (D_IN, D_HID), dtype=jnp.float32) * (1.0 / np.sqrt(D_IN))
    b1 = jnp.zeros((D_HID,), dtype=jnp.float32)
    W2 = jax.random.normal(k4, (D_HID, N_CLS), dtype=jnp.float32) * (1.0 / np.sqrt(D_HID))
    b2 = jnp.zeros((N_CLS,), dtype=jnp.float32)
    return {"node_features": node_features, "edge_index": edge_index, "W1": W1, "b1": b1, "W2": W2, "b2": b2}


def reference(node_features, edge_index, W1, b1, W2, b2):
    # GCNConv (Kipf & Welling): add self-loops, symmetric normalization,
    # x' = D^{-1/2} (A+I) D^{-1/2} X W + b
    src = edge_index[0]
    dst = edge_index[1]
    loop = jnp.arange(N, dtype=src.dtype)
    src2 = jnp.concatenate([src, loop])
    dst2 = jnp.concatenate([dst, loop])
    deg = jnp.zeros((N,), dtype=jnp.float32).at[dst2].add(1.0)
    dinv = jnp.where(deg > 0, jax.lax.rsqrt(deg), 0.0)
    norm = dinv[src2] * dinv[dst2]

    def gcn_conv(x, W, b):
        xw = x @ W
        msg = jnp.take(xw, src2, axis=0) * norm[:, None]
        out = jnp.zeros((N, W.shape[1]), dtype=jnp.float32).at[dst2].add(msg)
        return out + b

    h = gcn_conv(node_features, W1, b1)
    h = jax.nn.relu(h)
    # dropout is identity in eval mode
    logits = gcn_conv(h, W2, b2)
    # torch.exp(LogSoftmax(dim=1)(logits)) == softmax
    return jax.nn.softmax(logits, axis=1)

if __name__ == "__main__":
    import jax
    _d = setup_inputs()
    print(jax.jit(kernel)(*tuple(_d.values())))

</pallas_src>

<mosaic_0001>
#map = affine_map<(d0, d1) -> (0, 0, 0)>
#map1 = affine_map<(d0, d1) -> (0, 0)>
module attributes {stable_mosaic.version = 14 : i64} {
  func.func @_sc_degree(%arg0: i32, %arg1: i32, %arg2: memref<32x100x100xi32, #tpu.memory_space<hbm>>, %arg3: memref<10000x16xf32, #tpu.memory_space<hbm>>, %arg4: memref<100x16xf32, #tpu.memory_space<hbm>>, %arg5: memref<2x10000x16xf32, #tpu.memory_space<hbm>>, %arg6: memref<10000x16xf32, #tpu.memory_space<vmem_shared>>, %arg7: memref<100x100xi32, #tpu.memory_space<vmem>>, %arg8: memref<100x16xf32, #tpu.memory_space<vmem>>, %arg9: memref<!tpu.dma_semaphore, #tpu.memory_space<semaphore_mem>>, %arg10: memref<!tpu.dma_semaphore, #tpu.memory_space<semaphore_mem>>, %arg11: memref<!tpu.dma_semaphore, #tpu.memory_space<semaphore_mem>>, %arg12: memref<!tpu.dma_semaphore, #tpu.memory_space<semaphore_mem>>, %arg13: memref<!tpu.dma_semaphore, #tpu.memory_space<semaphore_mem>>, %arg14: memref<!tpu.dma_semaphore, #tpu.memory_space<semaphore_mem>>, %arg15: memref<!tpu.dma_semaphore, #tpu.memory_space<semaphore_mem>>, %arg16: memref<!tpu.dma_semaphore, #tpu.memory_space<semaphore_mem>>, %arg17: memref<!tpu.dma_semaphore, #tpu.memory_space<semaphore_mem>>, %arg18: memref<!tpu.dma_semaphore, #tpu.memory_space<semaphore_mem>>) attributes {dimension_semantics = [#tpu.dimension_semantics<core_parallel>, #tpu.dimension_semantics<subcore_parallel>], iteration_bounds = array<i64: 2, 16>, scalar_prefetch = 0 : i64, scratch_operands = 13 : i64, tpu.core_type = #tpu.core_type<sc_vector_subcore>, window_params = [{transform_indices = #map}, {transform_indices = #map1}, {transform_indices = #map1}, {transform_indices = #map}]} {
    %mul3A = arith.constant 16 : i32
    %mul3A_0 = arith.muli %arg0, %mul3A : i32
    %add3A = arith.addi %mul3A_0, %arg1 : i32
    %mul3A_1 = arith.constant 624 : i32
    %mul3A_2 = arith.muli %arg1, %mul3A_1 : i32
    %multiple_of3A = tpu.assume_multiple %mul3A_2, 8 : i32
    "tpu.region"() ({
      %run_scoped3A = tpu.sem_alloc : memref<!tpu.dma_semaphore, #tpu.memory_space<semaphore_mem>>
      %dma_start3A_158 = arith.constant 0 : i32
      %dma_start3A_159 = tpu.memref_slice %arg6[%multiple_of3A, %dma_start3A_158] : memref<10000x16xf32, #tpu.memory_space<vmem_shared>> -> memref<624x16xf32, #tpu.memory_space<vmem_shared>>
      %dma_start3A_160 = arith.constant 0 : i32
      %dma_start3A_161 = tpu.memref_slice %arg3[%multiple_of3A, %dma_start3A_160] : memref<10000x16xf32, #tpu.memory_space<hbm>> -> memref<624x16xf32, #tpu.memory_space<hbm>>
      tpu.enqueue_dma source(%dma_start3A_161 : memref<624x16xf32, #tpu.memory_space<hbm>>) target(%dma_start3A_159 : memref<624x16xf32, #tpu.memory_space<vmem_shared>>) target_semaphore(%run_scoped3A : memref<!tpu.dma_semaphore, #tpu.memory_space<semaphore_mem>>)
      %dma_wait3A_162 = arith.constant 0 : i32
      %dma_wait3A_163 = tpu.memref_slice %arg6[%multiple_of3A, %dma_wait3A_162] : memref<10000x16xf32, #tpu.memory_space<vmem_shared>> -> memref<624x16xf32, #tpu.memory_space<vmem_shared>>
      %dma_wait3A_164 = arith.constant 0 : i32
      %dma_wait3A_165 = tpu.memref_slice %arg3[%multiple_of3A, %dma_wait3A_164] : memref<10000x16xf32, #tpu.memory_space<hbm>> -> memref<624x16xf32, #tpu.memory_space<hbm>>
      tpu.wait_dma2 semaphore(%run_scoped3A : memref<!tpu.dma_semaphore, #tpu.memory_space<semaphore_mem>>) src(%dma_wait3A_165 : memref<624x16xf32, #tpu.memory_space<hbm>>) dst(%dma_wait3A_163 : memref<624x16xf32, #tpu.memory_space<vmem_shared>>)
      tpu.yield
    }) : () -> ()
    %eq3A = arith.constant 15 : i32
    %eq3A_3 = arith.cmpi eq, %arg1, %eq3A : i32
    %convert_element_type3A = arith.extui %eq3A_3 : i1 to i32
    %cond3A = arith.constant 0 : i32
    %cond3A_4 = arith.cmpi ne, %convert_element_type3A, %cond3A : i32
    scf.if %cond3A_4 {
      "tpu.region"() ({
        %run_scoped3A = tpu.sem_alloc : memref<!tpu.dma_semaphore, #tpu.memory_space<semaphore_mem>>
        %dma_start3A_158 = arith.constant 9984 : i32
        %dma_start3A_159 = arith.constant 0 : i32
        %dma_start3A_160 = tpu.memref_slice %arg6[%dma_start3A_158, %dma_start3A_159] : memref<10000x16xf32, #tpu.memory_space<vmem_shared>> -> memref<16x16xf32, #tpu.memory_space<vmem_shared>>
        %dma_start3A_161 = arith.constant 9984 : i32
        %dma_start3A_162 = arith.constant 0 : i32
        %dma_start3A_163 = tpu.memref_slice %arg3[%dma_start3A_161, %dma_start3A_162] : memref<10000x16xf32, #tpu.memory_space<hbm>> -> memref<16x16xf32, #tpu.memory_space<hbm>>
        tpu.enqueue_dma source(%dma_start3A_163 : memref<16x16xf32, #tpu.memory_space<hbm>>) target(%dma_start3A_160 : memref<16x16xf32, #tpu.memory_space<vmem_shared>>) target_semaphore(%run_scoped3A : memref<!tpu.dma_semaphore, #tpu.memory_space<semaphore_mem>>)
        %dma_wait3A_164 = arith.constant 9984 : i32
        %dma_wait3A_165 = arith.constant 0 : i32
        %dma_wait3A_166 = tpu.memref_slice %arg6[%dma_wait3A_164, %dma_wait3A_165] : memref<10000x16xf32, #tpu.memory_space<vmem_shared>> -> memref<16x16xf32, #tpu.memory_space<vmem_shared>>
        %dma_wait3A_167 = arith.constant 9984 : i32
        %dma_wait3A_168 = arith.constant 0 : i32
        %dma_wait3A_169 = tpu.memref_slice %arg3[%dma_wait3A_167, %dma_wait3A_168] : memref<10000x16xf32, #tpu.memory_space<hbm>> -> memref<16x16xf32, #tpu.memory_space<hbm>>
        tpu.wait_dma2 semaphore(%run_scoped3A : memref<!tpu.dma_semaphore, #tpu.memory_space<semaphore_mem>>) src(%dma_wait3A_169 : memref<16x16xf32, #tpu.memory_space<hbm>>) dst(%dma_wait3A_166 : memref<16x16xf32, #tpu.memory_space<vmem_shared>>)
        tpu.yield
      }) : () -> ()
    } else {
    }
    "tpu.region"() ({
      %run_scoped3A = tpu.sem_alloc : memref<!tpu.dma_semaphore, #tpu.memory_space<semaphore_mem>>
      tpu.enqueue_dma source(%arg4 : memref<100x16xf32, #tpu.memory_space<hbm>>) target(%arg8 : memref<100x16xf32, #tpu.memory_space<vmem>>) target_semaphore(%run_scoped3A : memref<!tpu.dma_semaphore, #tpu.memory_space<semaphore_mem>>)
      tpu.wait_dma2 semaphore(%run_scoped3A : memref<!tpu.dma_semaphore, #tpu.memory_space<semaphore_mem>>) src(%arg4 : memref<100x16xf32, #tpu.memory_space<hbm>>) dst(%arg8 : memref<100x16xf32, #tpu.memory_space<vmem>>)
      tpu.yield
    }) : () -> ()
    "tpu.region"() ({
      %run_scoped3A = tpu.sem_alloc : memref<!tpu.dma_semaphore, #tpu.memory_space<semaphore_mem>>
      %dma_start3A_158 = arith.constant 0 : i32
      %dma_start3A_159 = arith.constant 0 : i32
      %dma_start3A_160 = tpu.memref_slice %arg2[%add3A, %dma_start3A_158, %dma_start3A_159] : memref<32x100x100xi32, #tpu.memory_space<hbm>> -> memref<1x100x100xi32, #tpu.memory_space<hbm>>
      %dma_start3A_161 = tpu.memref_squeeze %dma_start3A_160 : memref<1x100x100xi32, #tpu.memory_space<hbm>> -> memref<100x100xi32, #tpu.memory_space<hbm>>
      %dma_start3A_162 = arith.constant 0 : i32
      %dma_start3A_163 = arith.constant 0 : i32
      %dma_start3A_164 = tpu.memref_slice %arg2[%add3A, %dma_start3A_162, %dma_start3A_163] : memref<32x100x100xi32, #tpu.memory_space<hbm>> -> memref<1x100x100xi32, #tpu.memory_space<hbm>>
      %dma_start3A_165 = tpu.memref_squeeze %dma_start3A_164 : memref<1x100x100xi32, #tpu.memory_space<hbm>> -> memref<100x100xi32, #tpu.memory_space<hbm>>
      tpu.enqueue_dma source(%dma_start3A_165 : memref<100x100xi32, #tpu.memory_space<hbm>>) target(%arg7 : memref<100x100xi32, #tpu.memory_space<vmem>>) target_semaphore(%run_scoped3A : memref<!tpu.dma_semaphore, #tpu.memory_space<semaphore_mem>>)
      %dma_wait3A_166 = arith.constant 0 : i32
      %dma_wait3A_167 = arith.constant 0 : i32
      %dma_wait3A_168 = tpu.memref_slice %arg2[%add3A, %dma_wait3A_166, %dma_wait3A_167] : memref<32x100x100xi32, #tpu.memory_space<hbm>> -> memref<1x100x100xi32, #tpu.memory_space<hbm>>
      %dma_wait3A_169 = tpu.memref_squeeze %dma_wait3A_168 : memref<1x100x100xi32, #tpu.memory_space<hbm>> -> memref<100x100xi32, #tpu.memory_space<hbm>>
      %dma_wait3A_170 = arith.constant 0 : i32
      %dma_wait3A_171 = arith.constant 0 : i32
      %dma_wait3A_172 = tpu.memref_slice %arg2[%add3A, %dma_wait3A_170, %dma_wait3A_171] : memref<32x100x100xi32, #tpu.memory_space<hbm>> -> memref<1x100x100xi32, #tpu.memory_space<hbm>>
      %dma_wait3A_173 = tpu.memref_squeeze %dma_wait3A_172 : memref<1x100x100xi32, #tpu.memory_space<hbm>> -> memref<100x100xi32, #tpu.memory_space<hbm>>
      tpu.wait_dma2 semaphore(%run_scoped3A : memref<!tpu.dma_semaphore, #tpu.memory_space<semaphore_mem>>) src(%dma_wait3A_173 : memref<100x100xi32, #tpu.memory_space<hbm>>) dst(%arg7 : memref<100x100xi32, #tpu.memory_space<vmem>>)
      tpu.yield
    }) : () -> ()
    %barrier3A = arith.constant 0 : index
    tpu.barrier barrier_id(%barrier3A)
    %dma_start3A = arith.constant 0 : i32
    %dma_start3A_5 = arith.constant 0 : i32
    %dma_start3A_6 = tpu.memref_slice %arg7[%dma_start3A, %dma_start3A_5] : memref<100x100xi32, #tpu.memory_space<vmem>> -> memref<1x100xi32, #tpu.memory_space<vmem>>
    %dma_start3A_7 = tpu.memref_squeeze %dma_start3A_6 : memref<1x100xi32, #tpu.memory_space<vmem>> -> memref<100xi32, #tpu.memory_space<vmem>>
    %dma_start3A_8 = arith.constant 0 : i32
    %dma_start3A_9 = arith.constant 0 : i32
    %dma_start3A_10 = tpu.memref_slice %arg6[%dma_start3A_8, %dma_start3A_9] : memref<10000x16xf32, #tpu.memory_space<vmem_shared>> -> memref<10000x16xf32, #tpu.memory_space<vmem_shared>>
    tpu.enqueue_indirect_dma source(%arg8 : memref<100x16xf32, #tpu.memory_space<vmem>>) target(%dma_start3A_10 : memref<10000x16xf32, #tpu.memory_space<vmem_shared>>) offsets(%dma_start3A_7 : memref<100xi32, #tpu.memory_space<vmem>>) semaphore(%arg9 : memref<!tpu.dma_semaphore, #tpu.memory_space<semaphore_mem>>) {add = true}
    %dma_start3A_11 = arith.constant 1 : i32
    %dma_start3A_12 = arith.constant 0 : i32
    %dma_start3A_13 = tpu.memref_slice %arg7[%dma_start3A_11, %dma_start3A_12] : memref<100x100xi32, #tpu.memory_space<vmem>> -> memref<1x100xi32, #tpu.memory_space<vmem>>
    %dma_start3A_14 = tpu.memref_squeeze %dma_start3A_13 : memref<1x100xi32, #tpu.memory_space<vmem>> -> memref<100xi32, #tpu.memory_space<vmem>>
    %dma_start3A_15 = arith.constant 0 : i32
    %dma_start3A_16 = arith.constant 0 : i32
    %dma_start3A_17 = tpu.memref_slice %arg6[%dma_start3A_15, %dma_start3A_16] : memref<10000x16xf32, #tpu.memory_space<vmem_shared>> -> memref<10000x16xf32, #tpu.memory_space<vmem_shared>>
    tpu.enqueue_indirect_dma source(%arg8 : memref<100x16xf32, #tpu.memory_space<vmem>>) target(%dma_start3A_17 : memref<10000x16xf32, #tpu.memory_space<vmem_shared>>) offsets(%dma_start3A_14 : memref<100xi32, #tpu.memory_space<vmem>>) semaphore(%arg10 : memref<!tpu.dma_semaphore, #tpu.memory_space<semaphore_mem>>) {add = true}
    %dma_start3A_18 = arith.constant 2 : i32
    %dma_start3A_19 = arith.constant 0 : i32
    %dma_start3A_20 = tpu.memref_slice %arg7[%dma_start3A_18, %dma_start3A_19] : memref<100x100xi32, #tpu.memory_space<vmem>> -> memref<1x100xi32, #tpu.memory_space<vmem>>
    %dma_start3A_21 = tpu.memref_squeeze %dma_start3A_20 : memref<1x100xi32, #tpu.memory_space<vmem>> -> memref<100xi32, #tpu.memory_space<vmem>>
    %dma_start3A_22 = arith.constant 0 : i32
    %dma_start3A_23 = arith.constant 0 : i32
    %dma_start3A_24 = tpu.memref_slice %arg6[%dma_start3A_22, %dma_start3A_23] : memref<10000x16xf32, #tpu.memory_space<vmem_shared>> -> memref<10000x16xf32, #tpu.memory_space<vmem_shared>>
    tpu.enqueue_indirect_dma source(%arg8 : memref<100x16xf32, #tpu.memory_space<vmem>>) target(%dma_start3A_24 : memref<10000x16xf32, #tpu.memory_space<vmem_shared>>) offsets(%dma_start3A_21 : memref<100xi32, #tpu.memory_space<vmem>>) semaphore(%arg11 : memref<!tpu.dma_semaphore, #tpu.memory_space<semaphore_mem>>) {add = true}
    %dma_start3A_25 = arith.constant 3 : i32
    %dma_start3A_26 = arith.constant 0 : i32
    %dma_start3A_27 = tpu.memref_slice %arg7[%dma_start3A_25, %dma_start3A_26] : memref<100x100xi32, #tpu.memory_space<vmem>> -> memref<1x100xi32, #tpu.memory_space<vmem>>
    %dma_start3A_28 = tpu.memref_squeeze %dma_start3A_27 : memref<1x100xi32, #tpu.memory_space<vmem>> -> memref<100xi32, #tpu.memory_space<vmem>>
    %dma_start3A_29 = arith.constant 0 : i32
    %dma_start3A_30 = arith.constant 0 : i32
    %dma_start3A_31 = tpu.memref_slice %arg6[%dma_start3A_29, %dma_start3A_30] : memref<10000x16xf32, #tpu.memory_space<vmem_shared>> -> memref<10000x16xf32, #tpu.memory_space<vmem_shared>>
    tpu.enqueue_indirect_dma source(%arg8 : memref<100x16xf32, #tpu.memory_space<vmem>>) target(%dma_start3A_31 : memref<10000x16xf32, #tpu.memory_space<vmem_shared>>) offsets(%dma_start3A_28 : memref<100xi32, #tpu.memory_space<vmem>>) semaphore(%arg12 : memref<!tpu.dma_semaphore, #tpu.memory_space<semaphore_mem>>) {add = true}
    %dma_start3A_32 = arith.constant 4 : i32
    %dma_start3A_33 = arith.constant 0 : i32
    %dma_start3A_34 = tpu.memref_slice %arg7[%dma_start3A_32, %dma_start3A_33] : memref<100x100xi32, #tpu.memory_space<vmem>> -> memref<1x100xi32, #tpu.memory_space<vmem>>
    %dma_start3A_35 = tpu.memref_squeeze %dma_start3A_34 : memref<1x100xi32, #tpu.memory_space<vmem>> -> memref<100xi32, #tpu.memory_space<vmem>>
    %dma_start3A_36 = arith.constant 0 : i32
    %dma_start3A_37 = arith.constant 0 : i32
    %dma_start3A_38 = tpu.memref_slice %arg6[%dma_start3A_36, %dma_start3A_37] : memref<10000x16xf32, #tpu.memory_space<vmem_shared>> -> memref<10000x16xf32, #tpu.memory_space<vmem_shared>>
    tpu.enqueue_indirect_dma source(%arg8 : memref<100x16xf32, #tpu.memory_space<vmem>>) target(%dma_start3A_38 : memref<10000x16xf32, #tpu.memory_space<vmem_shared>>) offsets(%dma_start3A_35 : memref<100xi32, #tpu.memory_space<vmem>>) semaphore(%arg13 : memref<!tpu.dma_semaphore, #tpu.memory_space<semaphore_mem>>) {add = true}
    %dma_start3A_39 = arith.constant 5 : i32
    %dma_start3A_40 = arith.constant 0 : i32
    %dma_start3A_41 = tpu.memref_slice %arg7[%dma_start3A_39, %dma_start3A_40] : memref<100x100xi32, #tpu.memory_space<vmem>> -> memref<1x100xi32, #tpu.memory_space<vmem>>
    %dma_start3A_42 = tpu.memref_squeeze %dma_start3A_41 : memref<1x100xi32, #tpu.memory_space<vmem>> -> memref<100xi32, #tpu.memory_space<vmem>>
    %dma_start3A_43 = arith.constant 0 : i32
    %dma_start3A_44 = arith.constant 0 : i32
    %dma_start3A_45 = tpu.memref_slice %arg6[%dma_start3A_43, %dma_start3A_44] : memref<10000x16xf32, #tpu.memory_space<vmem_shared>> -> memref<10000x16xf32, #tpu.memory_space<vmem_shared>>
    tpu.enqueue_indirect_dma source(%arg8 : memref<100x16xf32, #tpu.memory_space<vmem>>) target(%dma_start3A_45 : memref<10000x16xf32, #tpu.memory_space<vmem_shared>>) offsets(%dma_start3A_42 : memref<100xi32, #tpu.memory_space<vmem>>) semaphore(%arg14 : memref<!tpu.dma_semaphore, #tpu.memory_space<semaphore_mem>>) {add = true}
    %dma_start3A_46 = arith.constant 6 : i32
    %dma_start3A_47 = arith.constant 0 : i32
    %dma_start3A_48 = tpu.memref_slice %arg7[%dma_start3A_46, %dma_start3A_47] : memref<100x100xi32, #tpu.memory_space<vmem>> -> memref<1x100xi32, #tpu.memory_space<vmem>>
    %dma_start3A_49 = tpu.memref_squeeze %dma_start3A_48 : memref<1x100xi32, #tpu.memory_space<vmem>> -> memref<100xi32, #tpu.memory_space<vmem>>
    %dma_start3A_50 = arith.constant 0 : i32
    %dma_start3A_51 = arith.constant 0 : i32
    %dma_start3A_52 = tpu.memref_slice %arg6[%dma_start3A_50, %dma_start3A_51] : memref<10000x16xf32, #tpu.memory_space<vmem_shared>> -> memref<10000x16xf32, #tpu.memory_space<vmem_shared>>
    tpu.enqueue_indirect_dma source(%arg8 : memref<100x16xf32, #tpu.memory_space<vmem>>) target(%dma_start3A_52 : memref<10000x16xf32, #tpu.memory_space<vmem_shared>>) offsets(%dma_start3A_49 : memref<100xi32, #tpu.memory_space<vmem>>) semaphore(%arg15 : memref<!tpu.dma_semaphore, #tpu.memory_space<semaphore_mem>>) {add = true}
    %dma_start3A_53 = arith.constant 7 : i32
    %dma_start3A_54 = arith.constant 0 : i32
    %dma_start3A_55 = tpu.memref_slice %arg7[%dma_start3A_53, %dma_start3A_54] : memref<100x100xi32, #tpu.memory_space<vmem>> -> memref<1x100xi32, #tpu.memory_space<vmem>>
    %dma_start3A_56 = tpu.memref_squeeze %dma_start3A_55 : memref<1x100xi32, #tpu.memory_space<vmem>> -> memref<100xi32, #tpu.memory_space<vmem>>
    %dma_start3A_57 = arith.constant 0 : i32
    %dma_start3A_58 = arith.constant 0 : i32
    %dma_start3A_59 = tpu.memref_slice %arg6[%dma_start3A_57, %dma_start3A_58] : memref<10000x16xf32, #tpu.memory_space<vmem_shared>> -> memref<10000x16xf32, #tpu.memory_space<vmem_shared>>
    tpu.enqueue_indirect_dma source(%arg8 : memref<100x16xf32, #tpu.memory_space<vmem>>) target(%dma_start3A_59 : memref<10000x16xf32, #tpu.memory_space<vmem_shared>>) offsets(%dma_start3A_56 : memref<100xi32, #tpu.memory_space<vmem>>) semaphore(%arg16 : memref<!tpu.dma_semaphore, #tpu.memory_space<semaphore_mem>>) {add = true}
    %dma_start3A_60 = arith.constant 8 : i32
    %dma_start3A_61 = arith.constant 0 : i32
    %dma_start3A_62 = tpu.memref_slice %arg7[%dma_start3A_60, %dma_start3A_61] : memref<100x100xi32, #tpu.memory_space<vmem>> -> memref<1x100xi32, #tpu.memory_space<vmem>>
    %dma_start3A_63 = tpu.memref_squeeze %dma_start3A_62 : memref<1x100xi32, #tpu.memory_space<vmem>> -> memref<100xi32, #tpu.memory_space<vmem>>
    %dma_start3A_64 = arith.constant 0 : i32
    %dma_start3A_65 = arith.constant 0 : i32
    %dma_start3A_66 = tpu.memref_slice %arg6[%dma_start3A_64, %dma_start3A_65] : memref<10000x16xf32, #tpu.memory_space<vmem_shared>> -> memref<10000x16xf32, #tpu.memory_space<vmem_shared>>
    tpu.enqueue_indirect_dma source(%arg8 : memref<100x16xf32, #tpu.memory_space<vmem>>) target(%dma_start3A_66 : memref<10000x16xf32, #tpu.memory_space<vmem_shared>>) offsets(%dma_start3A_63 : memref<100xi32, #tpu.memory_space<vmem>>) semaphore(%arg17 : memref<!tpu.dma_semaphore, #tpu.memory_space<semaphore_mem>>) {add = true}
    %dma_start3A_67 = arith.constant 9 : i32
    %dma_start3A_68 = arith.constant 0 : i32
    %dma_start3A_69 = tpu.memref_slice %arg7[%dma_start3A_67, %dma_start3A_68] : memref<100x100xi32, #tpu.memory_space<vmem>> -> memref<1x100xi32, #tpu.memory_space<vmem>>
    %dma_start3A_70 = tpu.memref_squeeze %dma_start3A_69 : memref<1x100xi32, #tpu.memory_space<vmem>> -> memref<100xi32, #tpu.memory_space<vmem>>
    %dma_start3A_71 = arith.constant 0 : i32
    %dma_start3A_72 = arith.constant 0 : i32
    %dma_start3A_73 = tpu.memref_slice %arg6[%dma_start3A_71, %dma_start3A_72] : memref<10000x16xf32, #tpu.memory_space<vmem_shared>> -> memref<10000x16xf32, #tpu.memory_space<vmem_shared>>
    tpu.enqueue_indirect_dma source(%arg8 : memref<100x16xf32, #tpu.memory_space<vmem>>) target(%dma_start3A_73 : memref<10000x16xf32, #tpu.memory_space<vmem_shared>>) offsets(%dma_start3A_70 : memref<100xi32, #tpu.memory_space<vmem>>) semaphore(%arg18 : memref<!tpu.dma_semaphore, #tpu.memory_space<semaphore_mem>>) {add = true}
    %scan3A = arith.constant 0 : i32
    %scan3A_74 = arith.constant 1 : i32
    %scan3A_75 = arith.constant 9 : i32
    %scan3A_76 = arith.addi %scan3A_74, %scan3A_75 : i32
    %scan3A_77 = arith.constant 1 : i32
    %scan3A_78 = scf.for %scan3A_158 = %scan3A_74 to %scan3A_76 step %scan3A_77 iter_args(%scan3A_159 = %scan3A) -> (i32)  : i32 {
      %mul3A_160 = arith.constant 10 : i32
      %mul3A_161 = arith.muli %scan3A_158, %mul3A_160 : i32
      %add3A_162 = arith.constant 0 : i32
      %add3A_163 = arith.addi %mul3A_161, %add3A_162 : i32
      %dma_wait3A_164 = arith.constant 0 : i32
      %dma_wait3A_165 = tpu.memref_slice %arg7[%add3A_163, %dma_wait3A_164] : memref<100x100xi32, #tpu.memory_space<vmem>> -> memref<1x100xi32, #tpu.memory_space<vmem>>
      %dma_wait3A_166 = tpu.memref_squeeze %dma_wait3A_165 : memref<1x100xi32, #tpu.memory_space<vmem>> -> memref<100xi32, #tpu.memory_space<vmem>>
      %dma_wait3A_167 = arith.constant 0 : i32
      %dma_wait3A_168 = arith.constant 0 : i32
      %dma_wait3A_169 = tpu.memref_slice %arg6[%dma_wait3A_167, %dma_wait3A_168] : memref<10000x16xf32, #tpu.memory_space<vmem_shared>> -> memref<10000x16xf32, #tpu.memory_space<vmem_shared>>
      tpu.wait_indirect_dma semaphore(%arg9 : memref<!tpu.dma_semaphore, #tpu.memory_space<semaphore_mem>>) src(%arg8 : memref<100x16xf32, #tpu.memory_space<vmem>>) dst(%dma_wait3A_169 : memref<10000x16xf32, #tpu.memory_space<vmem_shared>>)
      %dma_start3A_170 = arith.constant 0 : i32
      %dma_start3A_171 = tpu.memref_slice %arg7[%add3A_163, %dma_start3A_170] : memref<100x100xi32, #tpu.memory_space<vmem>> -> memref<1x100xi32, #tpu.memory_space<vmem>>
      %dma_start3A_172 = tpu.memref_squeeze %dma_start3A_171 : memref<1x100xi32, #tpu.memory_space<vmem>> -> memref<100xi32, #tpu.memory_space<vmem>>
      %dma_start3A_173 = arith.constant 0 : i32
      %dma_start3A_174 = arith.constant 0 : i32
      %dma_start3A_175 = tpu.memref_slice %arg6[%dma_start3A_173, %dma_start3A_174] : memref<10000x16xf32, #tpu.memory_space<vmem_shared>> -> memref<10000x16xf32, #tpu.memory_space<vmem_shared>>
      tpu.enqueue_indirect_dma source(%arg8 : memref<100x16xf32, #tpu.memory_space<vmem>>) target(%dma_start3A_175 : memref<10000x16xf32, #tpu.memory_space<vmem_shared>>) offsets(%dma_start3A_172 : memref<100xi32, #tpu.memory_space<vmem>>) semaphore(%arg9 : memref<!tpu.dma_semaphore, #tpu.memory_space<semaphore_mem>>) {add = true}
      %mul3A_176 = arith.constant 10 : i32
      %mul3A_177 = arith.muli %scan3A_158, %mul3A_176 : i32
      %add3A_178 = arith.constant 1 : i32
      %add3A_179 = arith.addi %mul3A_177, %add3A_178 : i32
      %dma_wait3A_180 = arith.constant 0 : i32
      %dma_wait3A_181 = tpu.memref_slice %arg7[%add3A_179, %dma_wait3A_180] : memref<100x100xi32, #tpu.memory_space<vmem>> -> memref<1x100xi32, #tpu.memory_space<vmem>>
      %dma_wait3A_182 = tpu.memref_squeeze %dma_wait3A_181 : memref<1x100xi32, #tpu.memory_space<vmem>> -> memref<100xi32, #tpu.memory_space<vmem>>
      %dma_wait3A_183 = arith.constant 0 : i32
      %dma_wait3A_184 = arith.constant 0 : i32
      %dma_wait3A_185 = tpu.memref_slice %arg6[%dma_wait3A_183, %dma_wait3A_184] : memref<10000x16xf32, #tpu.memory_space<vmem_shared>> -> memref<10000x16xf32, #tpu.memory_space<vmem_shared>>
      tpu.wait_indirect_dma semaphore(%arg10 : memref<!tpu.dma_semaphore, #tpu.memory_space<semaphore_mem>>) src(%arg8 : memref<100x16xf32, #tpu.memory_space<vmem>>) dst(%dma_wait3A_185 : memref<10000x16xf32, #tpu.memory_space<vmem_shared>>)
      %dma_start3A_186 = arith.constant 0 : i32
      %dma_start3A_187 = tpu.memref_slice %arg7[%add3A_179, %dma_start3A_186] : memref<100x100xi32, #tpu.memory_space<vmem>> -> memref<1x100xi32, #tpu.memory_space<vmem>>
      %dma_start3A_188 = tpu.memref_squeeze %dma_start3A_187 : memref<1x100xi32, #tpu.memory_space<vmem>> -> memref<100xi32, #tpu.memory_space<vmem>>
      %dma_start3A_189 = arith.constant 0 : i32
      %dma_start3A_190 = arith.constant 0 : i32
      %dma_start3A_191 = tpu.memref_slice %arg6[%dma_start3A_189, %dma_start3A_190] : memref<10000x16xf32, #tpu.memory_space<vmem_shared>> -> memref<10000x16xf32, #tpu.memory_space<vmem_shared>>
      tpu.enqueue_indirect_dma source(%arg8 : memref<100x16xf32, #tpu.memory_space<vmem>>) target(%dma_start3A_191 : memref<10000x16xf32, #tpu.memory_space<vmem_shared>>) offsets(%dma_start3A_188 : memref<100xi32, #tpu.memory_space<vmem>>) semaphore(%arg10 : memref<!tpu.dma_semaphore, #tpu.memory_space<semaphore_mem>>) {add = true}
      %mul3A_192 = arith.constant 10 : i32
      %mul3A_193 = arith.muli %scan3A_158, %mul3A_192 : i32
      %add3A_194 = arith.constant 2 : i32
      %add3A_195 = arith.addi %mul3A_193, %add3A_194 : i32
      %dma_wait3A_196 = arith.constant 0 : i32
      %dma_wait3A_197 = tpu.memref_slice %arg7[%add3A_195, %dma_wait3A_196] : memref<100x100xi32, #tpu.memory_space<vmem>> -> memref<1x100xi32, #tpu.memory_space<vmem>>
      %dma_wait3A_198 = tpu.memref_squeeze %dma_wait3A_197 : memref<1x100xi32, #tpu.memory_space<vmem>> -> memref<100xi32, #tpu.memory_space<vmem>>
      %dma_wait3A_199 = arith.constant 0 : i32
      %dma_wait3A_200 = arith.constant 0 : i32
      %dma_wait3A_201 = tpu.memref_slice %arg6[%dma_wait3A_199, %dma_wait3A_200] : memref<10000x16xf32, #tpu.memory_space<vmem_shared>> -> memref<10000x16xf32, #tpu.memory_space<vmem_shared>>
      tpu.wait_indirect_dma semaphore(%arg11 : memref<!tpu.dma_semaphore, #tpu.memory_space<semaphore_mem>>) src(%arg8 : memref<100x16xf32, #tpu.memory_space<vmem>>) dst(%dma_wait3A_201 : memref<10000x16xf32, #tpu.memory_space<vmem_shared>>)
      %dma_start3A_202 = arith.constant 0 : i32
      %dma_start3A_203 = tpu.memref_slice %arg7[%add3A_195, %dma_start3A_202] : memref<100x100xi32, #tpu.memory_space<vmem>> -> memref<1x100xi32, #tpu.memory_space<vmem>>
      %dma_start3A_204 = tpu.memref_squeeze %dma_start3A_203 : memref<1x100xi32, #tpu.memory_space<vmem>> -> memref<100xi32, #tpu.memory_space<vmem>>
      %dma_start3A_205 = arith.constant 0 : i32
      %dma_start3A_206 = arith.constant 0 : i32
      %dma_start3A_207 = tpu.memref_slice %arg6[%dma_start3A_205, %dma_start3A_206] : memref<10000x16xf32, #tpu.memory_space<vmem_shared>> -> memref<10000x16xf32, #tpu.memory_space<vmem_shared>>
      tpu.enqueue_indirect_dma source(%arg8 : memref<100x16xf32, #tpu.memory_space<vmem>>) target(%dma_start3A_207 : memref<10000x16xf32, #tpu.memory_space<vmem_shared>>) offsets(%dma_start3A_204 : memref<100xi32, #tpu.memory_space<vmem>>) semaphore(%arg11 : memref<!tpu.dma_semaphore, #tpu.memory_space<semaphore_mem>>) {add = true}
      %mul3A_208 = arith.constant 10 : i32
      %mul3A_209 = arith.muli %scan3A_158, %mul3A_208 : i32
      %add3A_210 = arith.constant 3 : i32
      %add3A_211 = arith.addi %mul3A_209, %add3A_210 : i32
      %dma_wait3A_212 = arith.constant 0 : i32
      %dma_wait3A_213 = tpu.memref_slice %arg7[%add3A_211, %dma_wait3A_212] : memref<100x100xi32, #tpu.memory_space<vmem>> -> memref<1x100xi32, #tpu.memory_space<vmem>>
      %dma_wait3A_214 = tpu.memref_squeeze %dma_wait3A_213 : memref<1x100xi32, #tpu.memory_space<vmem>> -> memref<100xi32, #tpu.memory_space<vmem>>
      %dma_wait3A_215 = arith.constant 0 : i32
      %dma_wait3A_216 = arith.constant 0 : i32
      %dma_wait3A_217 = tpu.memref_slice %arg6[%dma_wait3A_215, %dma_wait3A_216] : memref<10000x16xf32, #tpu.memory_space<vmem_shared>> -> memref<10000x16xf32, #tpu.memory_space<vmem_shared>>
      tpu.wait_indirect_dma semaphore(%arg12 : memref<!tpu.dma_semaphore, #tpu.memory_space<semaphore_mem>>) src(%arg8 : memref<100x16xf32, #tpu.memory_space<vmem>>) dst(%dma_wait3A_217 : memref<10000x16xf32, #tpu.memory_space<vmem_shared>>)
      %dma_start3A_218 = arith.constant 0 : i32
      %dma_start3A_219 = tpu.memref_slice %arg7[%add3A_211, %dma_start3A_218] : memref<100x100xi32, #tpu.memory_space<vmem>> -> memref<1x100xi32, #tpu.memory_space<vmem>>
      %dma_start3A_220 = tpu.memref_squeeze %dma_start3A_219 : memref<1x100xi32, #tpu.memory_space<vmem>> -> memref<100xi32, #tpu.memory_space<vmem>>
      %dma_start3A_221 = arith.constant 0 : i32
      %dma_start3A_222 = arith.constant 0 : i32
      %dma_start3A_223 = tpu.memref_slice %arg6[%dma_start3A_221, %dma_start3A_222] : memref<10000x16xf32, #tpu.memory_space<vmem_shared>> -> memref<10000x16xf32, #tpu.memory_space<vmem_shared>>
      tpu.enqueue_indirect_dma source(%arg8 : memref<100x16xf32, #tpu.memory_space<vmem>>) target(%dma_start3A_223 : memref<10000x16xf32, #tpu.memory_space<vmem_shared>>) offsets(%dma_start3A_220 : memref<100xi32, #tpu.memory_space<vmem>>) semaphore(%arg12 : memref<!tpu.dma_semaphore, #tpu.memory_space<semaphore_mem>>) {add = true}
      %mul3A_224 = arith.constant 10 : i32
      %mul3A_225 = arith.muli %scan3A_158, %mul3A_224 : i32
      %add3A_226 = arith.constant 4 : i32
      %add3A_227 = arith.addi %mul3A_225, %add3A_226 : i32
      %dma_wait3A_228 = arith.constant 0 : i32
      %dma_wait3A_229 = tpu.memref_slice %arg7[%add3A_227, %dma_wait3A_228] : memref<100x100xi32, #tpu.memory_space<vmem>> -> memref<1x100xi32, #tpu.memory_space<vmem>>
      %dma_wait3A_230 = tpu.memref_squeeze %dma_wait3A_229 : memref<1x100xi32, #tpu.memory_space<vmem>> -> memref<100xi32, #tpu.memory_space<vmem>>
      %dma_wait3A_231 = arith.constant 0 : i32
      %dma_wait3A_232 = arith.constant 0 : i32
      %dma_wait3A_233 = tpu.memref_slice %arg6[%dma_wait3A_231, %dma_wait3A_232] : memref<10000x16xf32, #tpu.memory_space<vmem_shared>> -> memref<10000x16xf32, #tpu.memory_space<vmem_shared>>
      tpu.wait_indirect_dma semaphore(%arg13 : memref<!tpu.dma_semaphore, #tpu.memory_space<semaphore_mem>>) src(%arg8 : memref<100x16xf32, #tpu.memory_space<vmem>>) dst(%dma_wait3A_233 : memref<10000x16xf32, #tpu.memory_space<vmem_shared>>)
      %dma_start3A_234 = arith.constant 0 : i32
      %dma_start3A_235 = tpu.memref_slice %arg7[%add3A_227, %dma_start3A_234] : memref<100x100xi32, #tpu.memory_space<vmem>> -> memref<1x100xi32, #tpu.memory_space<vmem>>
      %dma_start3A_236 = tpu.memref_squeeze %dma_start3A_235 : memref<1x100xi32, #tpu.memory_space<vmem>> -> memref<100xi32, #tpu.memory_space<vmem>>
      %dma_start3A_237 = arith.constant 0 : i32
      %dma_start3A_238 = arith.constant 0 : i32
      %dma_start3A_239 = tpu.memref_slice %arg6[%dma_start3A_237, %dma_start3A_238] : memref<10000x16xf32, #tpu.memory_space<vmem_shared>> -> memref<10000x16xf32, #tpu.memory_space<vmem_shared>>
      tpu.enqueue_indirect_dma source(%arg8 : memref<100x16xf32, #tpu.memory_space<vmem>>) target(%dma_start3A_239 : memref<10000x16xf32, #tpu.memory_space<vmem_shared>>) offsets(%dma_start3A_236 : memref<100xi32, #tpu.memory_space<vmem>>) semaphore(%arg13 : memref<!tpu.dma_semaphore, #tpu.memory_space<semaphore_mem>>) {add = true}
      %mul3A_240 = arith.constant 10 : i32
      %mul3A_241 = arith.muli %scan3A_158, %mul3A_240 : i32
      %add3A_242 = arith.constant 5 : i32
      %add3A_243 = arith.addi %mul3A_241, %add3A_242 : i32
      %dma_wait3A_244 = arith.constant 0 : i32
      %dma_wait3A_245 = tpu.memref_slice %arg7[%add3A_243, %dma_wait3A_244] : memref<100x100xi32, #tpu.memory_space<vmem>> -> memref<1x100xi32, #tpu.memory_space<vmem>>
      %dma_wait3A_246 = tpu.memref_squeeze %dma_wait3A_245 : memref<1x100xi32, #tpu.memory_space<vmem>> -> memref<100xi32, #tpu.memory_space<vmem>>
      %dma_wait3A_247 = arith.constant 0 : i32
      %dma_wait3A_248 = arith.constant 0 : i32
      %dma_wait3A_249 = tpu.memref_slice %arg6[%dma_wait3A_247, %dma_wait3A_248] : memref<10000x16xf32, #tpu.memory_space<vmem_shared>> -> memref<10000x16xf32, #tpu.memory_space<vmem_shared>>
      tpu.wait_indirect_dma semaphore(%arg14 : memref<!tpu.dma_semaphore, #tpu.memory_space<semaphore_mem>>) src(%arg8 : memref<100x16xf32, #tpu.memory_space<vmem>>) dst(%dma_wait3A_249 : memref<10000x16xf32, #tpu.memory_space<vmem_shared>>)
      %dma_start3A_250 = arith.constant 0 : i32
      %dma_start3A_251 = tpu.memref_slice %arg7[%add3A_243, %dma_start3A_250] : memref<100x100xi32, #tpu.memory_space<vmem>> -> memref<1x100xi32, #tpu.memory_space<vmem>>
      %dma_start3A_252 = tpu.memref_squeeze %dma_start3A_251 : memref<1x100xi32, #tpu.memory_space<vmem>> -> memref<100xi32, #tpu.memory_space<vmem>>
      %dma_start3A_253 = arith.constant 0 : i32
      %dma_start3A_254 = arith.constant 0 : i32
      %dma_start3A_255 = tpu.memref_slice %arg6[%dma_start3A_253, %dma_start3A_254] : memref<10000x16xf32, #tpu.memory_space<vmem_shared>> -> memref<10000x16xf32, #tpu.memory_space<vmem_shared>>
      tpu.enqueue_indirect_dma source(%arg8 : memref<100x16xf32, #tpu.memory_space<vmem>>) target(%dma_start3A_255 : memref<10000x16xf32, #tpu.memory_space<vmem_shared>>) offsets(%dma_start3A_252 : memref<100xi32, #tpu.memory_space<vmem>>) semaphore(%arg14 : memref<!tpu.dma_semaphore, #tpu.memory_space<semaphore_mem>>) {add = true}
      %mul3A_256 = arith.constant 10 : i32
      %mul3A_257 = arith.muli %scan3A_158, %mul3A_256 : i32
      %add3A_258 = arith.constant 6 : i32
      %add3A_259 = arith.addi %mul3A_257, %add3A_258 : i32
      %dma_wait3A_260 = arith.constant 0 : i32
      %dma_wait3A_261 = tpu.memref_slice %arg7[%add3A_259, %dma_wait3A_260] : memref<100x100xi32, #tpu.memory_space<vmem>> -> memref<1x100xi32, #tpu.memory_space<vmem>>
      %dma_wait3A_262 = tpu.memref_squeeze %dma_wait3A_261 : memref<1x100xi32, #tpu.memory_space<vmem>> -> memref<100xi32, #tpu.memory_space<vmem>>
      %dma_wait3A_263 = arith.constant 0 : i32
      %dma_wait3A_264 = arith.constant 0 : i32
      %dma_wait3A_265 = tpu.memref_slice %arg6[%dma_wait3A_263, %dma_wait3A_264] : memref<10000x16xf32, #tpu.memory_space<vmem_shared>> -> memref<10000x16xf32, #tpu.memory_space<vmem_shared>>
      tpu.wait_indirect_dma semaphore(%arg15 : memref<!tpu.dma_semaphore, #tpu.memory_space<semaphore_mem>>) src(%arg8 : memref<100x16xf32, #tpu.memory_space<vmem>>) dst(%dma_wait3A_265 : memref<10000x16xf32, #tpu.memory_space<vmem_shared>>)
      %dma_start3A_266 = arith.constant 0 : i32
      %dma_start3A_267 = tpu.memref_slice %arg7[%add3A_259, %dma_start3A_266] : memref<100x100xi32, #tpu.memory_space<vmem>> -> memref<1x100xi32, #tpu.memory_space<vmem>>
      %dma_start3A_268 = tpu.memref_squeeze %dma_start3A_267 : memref<1x100xi32, #tpu.memory_space<vmem>> -> memref<100xi32, #tpu.memory_space<vmem>>
      %dma_start3A_269 = arith.constant 0 : i32
      %dma_start3A_270 = arith.constant 0 : i32
      %dma_start3A_271 = tpu.memref_slice %arg6[%dma_start3A_269, %dma_start3A_270] : memref<10000x16xf32, #tpu.memory_space<vmem_shared>> -> memref<10000x16xf32, #tpu.memory_space<vmem_shared>>
      tpu.enqueue_indirect_dma source(%arg8 : memref<100x16xf32, #tpu.memory_space<vmem>>) target(%dma_start3A_271 : memref<10000x16xf32, #tpu.memory_space<vmem_shared>>) offsets(%dma_start3A_268 : memref<100xi32, #tpu.memory_space<vmem>>) semaphore(%arg15 : memref<!tpu.dma_semaphore, #tpu.memory_space<semaphore_mem>>) {add = true}
      %mul3A_272 = arith.constant 10 : i32
      %mul3A_273 = arith.muli %scan3A_158, %mul3A_272 : i32
      %add3A_274 = arith.constant 7 : i32
      %add3A_275 = arith.addi %mul3A_273, %add3A_274 : i32
      %dma_wait3A_276 = arith.constant 0 : i32
      %dma_wait3A_277 = tpu.memref_slice %arg7[%add3A_275, %dma_wait3A_276] : memref<100x100xi32, #tpu.memory_space<vmem>> -> memref<1x100xi32, #tpu.memory_space<vmem>>
      %dma_wait3A_278 = tpu.memref_squeeze %dma_wait3A_277 : memref<1x100xi32, #tpu.memory_space<vmem>> -> memref<100xi32, #tpu.memory_space<vmem>>
      %dma_wait3A_279 = arith.constant 0 : i32
      %dma_wait3A_280 = arith.constant 0 : i32
      %dma_wait3A_281 = tpu.memref_slice %arg6[%dma_wait3A_279, %dma_wait3A_280] : memref<10000x16xf32, #tpu.memory_space<vmem_shared>> -> memref<10000x16xf32, #tpu.memory_space<vmem_shared>>
      tpu.wait_indirect_dma semaphore(%arg16 : memref<!tpu.dma_semaphore, #tpu.memory_space<semaphore_mem>>) src(%arg8 : memref<100x16xf32, #tpu.memory_space<vmem>>) dst(%dma_wait3A_281 : memref<10000x16xf32, #tpu.memory_space<vmem_shared>>)
      %dma_start3A_282 = arith.constant 0 : i32
      %dma_start3A_283 = tpu.memref_slice %arg7[%add3A_275, %dma_start3A_282] : memref<100x100xi32, #tpu.memory_space<vmem>> -> memref<1x100xi32, #tpu.memory_space<vmem>>
      %dma_start3A_284 = tpu.memref_squeeze %dma_start3A_283 : memref<1x100xi32, #tpu.memory_space<vmem>> -> memref<100xi32, #tpu.memory_space<vmem>>
      %dma_start3A_285 = arith.constant 0 : i32
      %dma_start3A_286 = arith.constant 0 : i32
      %dma_start3A_287 = tpu.memref_slice %arg6[%dma_start3A_285, %dma_start3A_286] : memref<10000x16xf32, #tpu.memory_space<vmem_shared>> -> memref<10000x16xf32, #tpu.memory_space<vmem_shared>>
      tpu.enqueue_indirect_dma source(%arg8 : memref<100x16xf32, #tpu.memory_space<vmem>>) target(%dma_start3A_287 : memref<10000x16xf32, #tpu.memory_space<vmem_shared>>) offsets(%dma_start3A_284 : memref<100xi32, #tpu.memory_space<vmem>>) semaphore(%arg16 : memref<!tpu.dma_semaphore, #tpu.memory_space<semaphore_mem>>) {add = true}
      %mul3A_288 = arith.constant 10 : i32
      %mul3A_289 = arith.muli %scan3A_158, %mul3A_288 : i32
      %add3A_290 = arith.constant 8 : i32
      %add3A_291 = arith.addi %mul3A_289, %add3A_290 : i32
      %dma_wait3A_292 = arith.constant 0 : i32
      %dma_wait3A_293 = tpu.memref_slice %arg7[%add3A_291, %dma_wait3A_292] : memref<100x100xi32, #tpu.memory_space<vmem>> -> memref<1x100xi32, #tpu.memory_space<vmem>>
      %dma_wait3A_294 = tpu.memref_squeeze %dma_wait3A_293 : memref<1x100xi32, #tpu.memory_space<vmem>> -> memref<100xi32, #tpu.memory_space<vmem>>
      %dma_wait3A_295 = arith.constant 0 : i32
      %dma_wait3A_296 = arith.constant 0 : i32
      %dma_wait3A_297 = tpu.memref_slice %arg6[%dma_wait3A_295, %dma_wait3A_296] : memref<10000x16xf32, #tpu.memory_space<vmem_shared>> -> memref<10000x16xf32, #tpu.memory_space<vmem_shared>>
      tpu.wait_indirect_dma semaphore(%arg17 : memref<!tpu.dma_semaphore, #tpu.memory_space<semaphore_mem>>) src(%arg8 : memref<100x16xf32, #tpu.memory_space<vmem>>) dst(%dma_wait3A_297 : memref<10000x16xf32, #tpu.memory_space<vmem_shared>>)
      %dma_start3A_298 = arith.constant 0 : i32
      %dma_start3A_299 = tpu.memref_slice %arg7[%add3A_291, %dma_start3A_298] : memref<100x100xi32, #tpu.memory_space<vmem>> -> memref<1x100xi32, #tpu.memory_space<vmem>>
      %dma_start3A_300 = tpu.memref_squeeze %dma_start3A_299 : memref<1x100xi32, #tpu.memory_space<vmem>> -> memref<100xi32, #tpu.memory_space<vmem>>
      %dma_start3A_301 = arith.constant 0 : i32
      %dma_start3A_302 = arith.constant 0 : i32
      %dma_start3A_303 = tpu.memref_slice %arg6[%dma_start3A_301, %dma_start3A_302] : memref<10000x16xf32, #tpu.memory_space<vmem_shared>> -> memref<10000x16xf32, #tpu.memory_space<vmem_shared>>
      tpu.enqueue_indirect_dma source(%arg8 : memref<100x16xf32, #tpu.memory_space<vmem>>) target(%dma_start3A_303 : memref<10000x16xf32, #tpu.memory_space<vmem_shared>>) offsets(%dma_start3A_300 : memref<100xi32, #tpu.memory_space<vmem>>) semaphore(%arg17 : memref<!tpu.dma_semaphore, #tpu.memory_space<semaphore_mem>>) {add = true}
      %mul3A_304 = arith.constant 10 : i32
      %mul3A_305 = arith.muli %scan3A_158, %mul3A_304 : i32
      %add3A_306 = arith.constant 9 : i32
      %add3A_307 = arith.addi %mul3A_305, %add3A_306 : i32
      %dma_wait3A_308 = arith.constant 0 : i32
      %dma_wait3A_309 = tpu.memref_slice %arg7[%add3A_307, %dma_wait3A_308] : memref<100x100xi32, #tpu.memory_space<vmem>> -> memref<1x100xi32, #tpu.memory_space<vmem>>
      %dma_wait3A_310 = tpu.memref_squeeze %dma_wait3A_309 : memref<1x100xi32, #tpu.memory_space<vmem>> -> memref<100xi32, #tpu.memory_space<vmem>>
      %dma_wait3A_311 = arith.constant 0 : i32
      %dma_wait3A_312 = arith.constant 0 : i32
      %dma_wait3A_313 = tpu.memref_slice %arg6[%dma_wait3A_311, %dma_wait3A_312] : memref<10000x16xf32, #tpu.memory_space<vmem_shared>> -> memref<10000x16xf32, #tpu.memory_space<vmem_shared>>
      tpu.wait_indirect_dma semaphore(%arg18 : memref<!tpu.dma_semaphore, #tpu.memory_space<semaphore_mem>>) src(%arg8 : memref<100x16xf32, #tpu.memory_space<vmem>>) dst(%dma_wait3A_313 : memref<10000x16xf32, #tpu.memory_space<vmem_shared>>)
      %dma_start3A_314 = arith.constant 0 : i32
      %dma_start3A_315 = tpu.memref_slice %arg7[%add3A_307, %dma_start3A_314] : memref<100x100xi32, #tpu.memory_space<vmem>> -> memref<1x100xi32, #tpu.memory_space<vmem>>
      %dma_start3A_316 = tpu.memref_squeeze %dma_start3A_315 : memref<1x100xi32, #tpu.memory_space<vmem>> -> memref<100xi32, #tpu.memory_space<vmem>>
      %dma_start3A_317 = arith.constant 0 : i32
      %dma_start3A_318 = arith.constant 0 : i32
      %dma_start3A_319 = tpu.memref_slice %arg6[%dma_start3A_317, %dma_start3A_318] : memref<10000x16xf32, #tpu.memory_space<vmem_shared>> -> memref<10000x16xf32, #tpu.memory_space<vmem_shared>>
      tpu.enqueue_indirect_dma source(%arg8 : memref<100x16xf32, #tpu.memory_space<vmem>>) target(%dma_start3A_319 : memref<10000x16xf32, #tpu.memory_space<vmem_shared>>) offsets(%dma_start3A_316 : memref<100xi32, #tpu.memory_space<vmem>>) semaphore(%arg18 : memref<!tpu.dma_semaphore, #tpu.memory_space<semaphore_mem>>) {add = true}
      %scan3A_320 = arith.constant 0 : i32
      scf.yield %scan3A_320 : i32
    }
    %scan3A_79 = arith.constant 9 : i32
    %dma_wait3A = arith.constant 90 : i32
    %dma_wait3A_80 = arith.constant 0 : i32
    %dma_wait3A_81 = tpu.memref_slice %arg7[%dma_wait3A, %dma_wait3A_80] : memref<100x100xi32, #tpu.memory_space<vmem>> -> memref<1x100xi32, #tpu.memory_space<vmem>>
    %dma_wait3A_82 = tpu.memref_squeeze %dma_wait3A_81 : memref<1x100xi32, #tpu.memory_space<vmem>> -> memref<100xi32, #tpu.memory_space<vmem>>
    %dma_wait3A_83 = arith.constant 0 : i32
    %dma_wait3A_84 = arith.constant 0 : i32
    %dma_wait3A_85 = tpu.memref_slice %arg6[%dma_wait3A_83, %dma_wait3A_84] : memref<10000x16xf32, #tpu.memory_space<vmem_shared>> -> memref<10000x16xf32, #tpu.memory_space<vmem_shared>>
    tpu.wait_indirect_dma semaphore(%arg9 : memref<!tpu.dma_semaphore, #tpu.memory_space<semaphore_mem>>) src(%arg8 : memref<100x16xf32, #tpu.memory_space<vmem>>) dst(%dma_wait3A_85 : memref<10000x16xf32, #tpu.memory_space<vmem_shared>>)
    %dma_wait3A_86 = arith.constant 91 : i32
    %dma_wait3A_87 = arith.constant 0 : i32
    %dma_wait3A_88 = tpu.memref_slice %arg7[%dma_wait3A_86, %dma_wait3A_87] : memref<100x100xi32, #tpu.memory_space<vmem>> -> memref<1x100xi32, #tpu.memory_space<vmem>>
    %dma_wait3A_89 = tpu.memref_squeeze %dma_wait3A_88 : memref<1x100xi32, #tpu.memory_space<vmem>> -> memref<100xi32, #tpu.memory_space<vmem>>
    %dma_wait3A_90 = arith.constant 0 : i32
    %dma_wait3A_91 = arith.constant 0 : i32
    %dma_wait3A_92 = tpu.memref_slice %arg6[%dma_wait3A_90, %dma_wait3A_91] : memref<10000x16xf32, #tpu.memory_space<vmem_shared>> -> memref<10000x16xf32, #tpu.memory_space<vmem_shared>>
    tpu.wait_indirect_dma semaphore(%arg10 : memref<!tpu.dma_semaphore, #tpu.memory_space<semaphore_mem>>) src(%arg8 : memref<100x16xf32, #tpu.memory_space<vmem>>) dst(%dma_wait3A_92 : memref<10000x16xf32, #tpu.memory_space<vmem_shared>>)
    %dma_wait3A_93 = arith.constant 92 : i32
    %dma_wait3A_94 = arith.constant 0 : i32
    %dma_wait3A_95 = tpu.memref_slice %arg7[%dma_wait3A_93, %dma_wait3A_94] : memref<100x100xi32, #tpu.memory_space<vmem>> -> memref<1x100xi32, #tpu.memory_space<vmem>>
    %dma_wait3A_96 = tpu.memref_squeeze %dma_wait3A_95 : memref<1x100xi32, #tpu.memory_space<vmem>> -> memref<100xi32, #tpu.memory_space<vmem>>
    %dma_wait3A_97 = arith.constant 0 : i32
    %dma_wait3A_98 = arith.constant 0 : i32
    %dma_wait3A_99 = tpu.memref_slice %arg6[%dma_wait3A_97, %dma_wait3A_98] : memref<10000x16xf32, #tpu.memory_space<vmem_shared>> -> memref<10000x16xf32, #tpu.memory_space<vmem_shared>>
    tpu.wait_indirect_dma semaphore(%arg11 : memref<!tpu.dma_semaphore, #tpu.memory_space<semaphore_mem>>) src(%arg8 : memref<100x16xf32, #tpu.memory_space<vmem>>) dst(%dma_wait3A_99 : memref<10000x16xf32, #tpu.memory_space<vmem_shared>>)
    %dma_wait3A_100 = arith.constant 93 : i32
    %dma_wait3A_101 = arith.constant 0 : i32
    %dma_wait3A_102 = tpu.memref_slice %arg7[%dma_wait3A_100, %dma_wait3A_101] : memref<100x100xi32, #tpu.memory_space<vmem>> -> memref<1x100xi32, #tpu.memory_space<vmem>>
    %dma_wait3A_103 = tpu.memref_squeeze %dma_wait3A_102 : memref<1x100xi32, #tpu.memory_space<vmem>> -> memref<100xi32, #tpu.memory_space<vmem>>
    %dma_wait3A_104 = arith.constant 0 : i32
    %dma_wait3A_105 = arith.constant 0 : i32
    %dma_wait3A_106 = tpu.memref_slice %arg6[%dma_wait3A_104, %dma_wait3A_105] : memref<10000x16xf32, #tpu.memory_space<vmem_shared>> -> memref<10000x16xf32, #tpu.memory_space<vmem_shared>>
    tpu.wait_indirect_dma semaphore(%arg12 : memref<!tpu.dma_semaphore, #tpu.memory_space<semaphore_mem>>) src(%arg8 : memref<100x16xf32, #tpu.memory_space<vmem>>) dst(%dma_wait3A_106 : memref<10000x16xf32, #tpu.memory_space<vmem_shared>>)
    %dma_wait3A_107 = arith.constant 94 : i32
    %dma_wait3A_108 = arith.constant 0 : i32
    %dma_wait3A_109 = tpu.memref_slice %arg7[%dma_wait3A_107, %dma_wait3A_108] : memref<100x100xi32, #tpu.memory_space<vmem>> -> memref<1x100xi32, #tpu.memory_space<vmem>>
    %dma_wait3A_110 = tpu.memref_squeeze %dma_wait3A_109 : memref<1x100xi32, #tpu.memory_space<vmem>> -> memref<100xi32, #tpu.memory_space<vmem>>
    %dma_wait3A_111 = arith.constant 0 : i32
    %dma_wait3A_112 = arith.constant 0 : i32
    %dma_wait3A_113 = tpu.memref_slice %arg6[%dma_wait3A_111, %dma_wait3A_112] : memref<10000x16xf32, #tpu.memory_space<vmem_shared>> -> memref<10000x16xf32, #tpu.memory_space<vmem_shared>>
    tpu.wait_indirect_dma semaphore(%arg13 : memref<!tpu.dma_semaphore, #tpu.memory_space<semaphore_mem>>) src(%arg8 : memref<100x16xf32, #tpu.memory_space<vmem>>) dst(%dma_wait3A_113 : memref<10000x16xf32, #tpu.memory_space<vmem_shared>>)
    %dma_wait3A_114 = arith.constant 95 : i32
    %dma_wait3A_115 = arith.constant 0 : i32
    %dma_wait3A_116 = tpu.memref_slice %arg7[%dma_wait3A_114, %dma_wait3A_115] : memref<100x100xi32, #tpu.memory_space<vmem>> -> memref<1x100xi32, #tpu.memory_space<vmem>>
    %dma_wait3A_117 = tpu.memref_squeeze %dma_wait3A_116 : memref<1x100xi32, #tpu.memory_space<vmem>> -> memref<100xi32, #tpu.memory_space<vmem>>
    %dma_wait3A_118 = arith.constant 0 : i32
    %dma_wait3A_119 = arith.constant 0 : i32
    %dma_wait3A_120 = tpu.memref_slice %arg6[%dma_wait3A_118, %dma_wait3A_119] : memref<10000x16xf32, #tpu.memory_space<vmem_shared>> -> memref<10000x16xf32, #tpu.memory_space<vmem_shared>>
    tpu.wait_indirect_dma semaphore(%arg14 : memref<!tpu.dma_semaphore, #tpu.memory_space<semaphore_mem>>) src(%arg8 : memref<100x16xf32, #tpu.memory_space<vmem>>) dst(%dma_wait3A_120 : memref<10000x16xf32, #tpu.memory_space<vmem_shared>>)
    %dma_wait3A_121 = arith.constant 96 : i32
    %dma_wait3A_122 = arith.constant 0 : i32
    %dma_wait3A_123 = tpu.memref_slice %arg7[%dma_wait3A_121, %dma_wait3A_122] : memref<100x100xi32, #tpu.memory_space<vmem>> -> memref<1x100xi32, #tpu.memory_space<vmem>>
    %dma_wait3A_124 = tpu.memref_squeeze %dma_wait3A_123 : memref<1x100xi32, #tpu.memory_space<vmem>> -> memref<100xi32, #tpu.memory_space<vmem>>
    %dma_wait3A_125 = arith.constant 0 : i32
    %dma_wait3A_126 = arith.constant 0 : i32
    %dma_wait3A_127 = tpu.memref_slice %arg6[%dma_wait3A_125, %dma_wait3A_126] : memref<10000x16xf32, #tpu.memory_space<vmem_shared>> -> memref<10000x16xf32, #tpu.memory_space<vmem_shared>>
    tpu.wait_indirect_dma semaphore(%arg15 : memref<!tpu.dma_semaphore, #tpu.memory_space<semaphore_mem>>) src(%arg8 : memref<100x16xf32, #tpu.memory_space<vmem>>) dst(%dma_wait3A_127 : memref<10000x16xf32, #tpu.memory_space<vmem_shared>>)
    %dma_wait3A_128 = arith.constant 97 : i32
    %dma_wait3A_129 = arith.constant 0 : i32
    %dma_wait3A_130 = tpu.memref_slice %arg7[%dma_wait3A_128, %dma_wait3A_129] : memref<100x100xi32, #tpu.memory_space<vmem>> -> memref<1x100xi32, #tpu.memory_space<vmem>>
    %dma_wait3A_131 = tpu.memref_squeeze %dma_wait3A_130 : memref<1x100xi32, #tpu.memory_space<vmem>> -> memref<100xi32, #tpu.memory_space<vmem>>
    %dma_wait3A_132 = arith.constant 0 : i32
    %dma_wait3A_133 = arith.constant 0 : i32
    %dma_wait3A_134 = tpu.memref_slice %arg6[%dma_wait3A_132, %dma_wait3A_133] : memref<10000x16xf32, #tpu.memory_space<vmem_shared>> -> memref<10000x16xf32, #tpu.memory_space<vmem_shared>>
    tpu.wait_indirect_dma semaphore(%arg16 : memref<!tpu.dma_semaphore, #tpu.memory_space<semaphore_mem>>) src(%arg8 : memref<100x16xf32, #tpu.memory_space<vmem>>) dst(%dma_wait3A_134 : memref<10000x16xf32, #tpu.memory_space<vmem_shared>>)
    %dma_wait3A_135 = arith.constant 98 : i32
    %dma_wait3A_136 = arith.constant 0 : i32
    %dma_wait3A_137 = tpu.memref_slice %arg7[%dma_wait3A_135, %dma_wait3A_136] : memref<100x100xi32, #tpu.memory_space<vmem>> -> memref<1x100xi32, #tpu.memory_space<vmem>>
    %dma_wait3A_138 = tpu.memref_squeeze %dma_wait3A_137 : memref<1x100xi32, #tpu.memory_space<vmem>> -> memref<100xi32, #tpu.memory_space<vmem>>
    %dma_wait3A_139 = arith.constant 0 : i32
    %dma_wait3A_140 = arith.constant 0 : i32
    %dma_wait3A_141 = tpu.memref_slice %arg6[%dma_wait3A_139, %dma_wait3A_140] : memref<10000x16xf32, #tpu.memory_space<vmem_shared>> -> memref<10000x16xf32, #tpu.memory_space<vmem_shared>>
    tpu.wait_indirect_dma semaphore(%arg17 : memref<!tpu.dma_semaphore, #tpu.memory_space<semaphore_mem>>) src(%arg8 : memref<100x16xf32, #tpu.memory_space<vmem>>) dst(%dma_wait3A_141 : memref<10000x16xf32, #tpu.memory_space<vmem_shared>>)
    %dma_wait3A_142 = arith.constant 99 : i32
    %dma_wait3A_143 = arith.constant 0 : i32
    %dma_wait3A_144 = tpu.memref_slice %arg7[%dma_wait3A_142, %dma_wait3A_143] : memref<100x100xi32, #tpu.memory_space<vmem>> -> memref<1x100xi32, #tpu.memory_space<vmem>>
    %dma_wait3A_145 = tpu.memref_squeeze %dma_wait3A_144 : memref<1x100xi32, #tpu.memory_space<vmem>> -> memref<100xi32, #tpu.memory_space<vmem>>
    %dma_wait3A_146 = arith.constant 0 : i32
    %dma_wait3A_147 = arith.constant 0 : i32
    %dma_wait3A_148 = tpu.memref_slice %arg6[%dma_wait3A_146, %dma_wait3A_147] : memref<10000x16xf32, #tpu.memory_space<vmem_shared>> -> memref<10000x16xf32, #tpu.memory_space<vmem_shared>>
    tpu.wait_indirect_dma semaphore(%arg18 : memref<!tpu.dma_semaphore, #tpu.memory_space<semaphore_mem>>) src(%arg8 : memref<100x16xf32, #tpu.memory_space<vmem>>) dst(%dma_wait3A_148 : memref<10000x16xf32, #tpu.memory_space<vmem_shared>>)
    %barrier3A_149 = arith.constant 0 : index
    tpu.barrier barrier_id(%barrier3A_149)
    %mul3A_150 = arith.constant 624 : i32
    %mul3A_151 = arith.muli %arg1, %mul3A_150 : i32
    %multiple_of3A_152 = tpu.assume_multiple %mul3A_151, 8 : i32
    "tpu.region"() ({
      %run_scoped3A = tpu.sem_alloc : memref<!tpu.dma_semaphore, #tpu.memory_space<semaphore_mem>>
      %dma_start3A_158 = arith.constant 0 : i32
      %dma_start3A_159 = arith.constant 0 : i32
      %dma_start3A_160 = tpu.memref_slice %arg5[%arg0, %dma_start3A_158, %dma_start3A_159] : memref<2x10000x16xf32, #tpu.memory_space<hbm>> -> memref<1x10000x16xf32, #tpu.memory_space<hbm>>
      %dma_start3A_161 = tpu.memref_squeeze %dma_start3A_160 : memref<1x10000x16xf32, #tpu.memory_space<hbm>> -> memref<10000x16xf32, #tpu.memory_space<hbm>>
      %dma_start3A_162 = arith.constant 0 : i32
      %dma_start3A_163 = tpu.memref_slice %dma_start3A_161[%multiple_of3A_152, %dma_start3A_162] : memref<10000x16xf32, #tpu.memory_space<hbm>> -> memref<624x16xf32, #tpu.memory_space<hbm>>
      %dma_start3A_164 = arith.constant 0 : i32
      %dma_start3A_165 = tpu.memref_slice %arg6[%multiple_of3A_152, %dma_start3A_164] : memref<10000x16xf32, #tpu.memory_space<vmem_shared>> -> memref<624x16xf32, #tpu.memory_space<vmem_shared>>
      tpu.enqueue_dma source(%dma_start3A_165 : memref<624x16xf32, #tpu.memory_space<vmem_shared>>) target(%dma_start3A_163 : memref<624x16xf32, #tpu.memory_space<hbm>>) target_semaphore(%run_scoped3A : memref<!tpu.dma_semaphore, #tpu.memory_space<semaphore_mem>>)
      %dma_wait3A_166 = arith.constant 0 : i32
      %dma_wait3A_167 = arith.constant 0 : i32
      %dma_wait3A_168 = tpu.memref_slice %arg5[%arg0, %dma_wait3A_166, %dma_wait3A_167] : memref<2x10000x16xf32, #tpu.memory_space<hbm>> -> memref<1x10000x16xf32, #tpu.memory_space<hbm>>
      %dma_wait3A_169 = tpu.memref_squeeze %dma_wait3A_168 : memref<1x10000x16xf32, #tpu.memory_space<hbm>> -> memref<10000x16xf32, #tpu.memory_space<hbm>>
      %dma_wait3A_170 = arith.constant 0 : i32
      %dma_wait3A_171 = tpu.memref_slice %dma_wait3A_169[%multiple_of3A_152, %dma_wait3A_170] : memref<10000x16xf32, #tpu.memory_space<hbm>> -> memref<624x16xf32, #tpu.memory_space<hbm>>
      %dma_wait3A_172 = arith.constant 0 : i32
      %dma_wait3A_173 = tpu.memref_slice %arg6[%multiple_of3A_152, %dma_wait3A_172] : memref<10000x16xf32, #tpu.memory_space<vmem_shared>> -> memref<624x16xf32, #tpu.memory_space<vmem_shared>>
      tpu.wait_dma2 semaphore(%run_scoped3A : memref<!tpu.dma_semaphore, #tpu.memory_space<semaphore_mem>>) src(%dma_wait3A_173 : memref<624x16xf32, #tpu.memory_space<vmem_shared>>) dst(%dma_wait3A_171 : memref<624x16xf32, #tpu.memory_space<hbm>>)
      tpu.yield
    }) : () -> ()
    %eq3A_153 = arith.constant 15 : i32
    %eq3A_154 = arith.cmpi eq, %arg1, %eq3A_153 : i32
    %convert_element_type3A_155 = arith.extui %eq3A_154 : i1 to i32
    %cond3A_156 = arith.constant 0 : i32
    %cond3A_157 = arith.cmpi ne, %convert_element_type3A_155, %cond3A_156 : i32
    scf.if %cond3A_157 {
      "tpu.region"() ({
        %run_scoped3A = tpu.sem_alloc : memref<!tpu.dma_semaphore, #tpu.memory_space<semaphore_mem>>
        %dma_start3A_158 = arith.constant 0 : i32
        %dma_start3A_159 = arith.constant 0 : i32
        %dma_start3A_160 = tpu.memref_slice %arg5[%arg0, %dma_start3A_158, %dma_start3A_159] : memref<2x10000x16xf32, #tpu.memory_space<hbm>> -> memref<1x10000x16xf32, #tpu.memory_space<hbm>>
        %dma_start3A_161 = tpu.memref_squeeze %dma_start3A_160 : memref<1x10000x16xf32, #tpu.memory_space<hbm>> -> memref<10000x16xf32, #tpu.memory_space<hbm>>
        %dma_start3A_162 = arith.constant 9984 : i32
        %dma_start3A_163 = arith.constant 0 : i32
        %dma_start3A_164 = tpu.memref_slice %dma_start3A_161[%dma_start3A_162, %dma_start3A_163] : memref<10000x16xf32, #tpu.memory_space<hbm>> -> memref<16x16xf32, #tpu.memory_space<hbm>>
        %dma_start3A_165 = arith.constant 9984 : i32
        %dma_start3A_166 = arith.constant 0 : i32
        %dma_start3A_167 = tpu.memref_slice %arg6[%dma_start3A_165, %dma_start3A_166] : memref<10000x16xf32, #tpu.memory_space<vmem_shared>> -> memref<16x16xf32, #tpu.memory_space<vmem_shared>>
        tpu.enqueue_dma source(%dma_start3A_167 : memref<16x16xf32, #tpu.memory_space<vmem_shared>>) target(%dma_start3A_164 : memref<16x16xf32, #tpu.memory_space<hbm>>) target_semaphore(%run_scoped3A : memref<!tpu.dma_semaphore, #tpu.memory_space<semaphore_mem>>)
        %dma_wait3A_168 = arith.constant 0 : i32
        %dma_wait3A_169 = arith.constant 0 : i32
        %dma_wait3A_170 = tpu.memref_slice %arg5[%arg0, %dma_wait3A_168, %dma_wait3A_169] : memref<2x10000x16xf32, #tpu.memory_space<hbm>> -> memref<1x10000x16xf32, #tpu.memory_space<hbm>>
        %dma_wait3A_171 = tpu.memref_squeeze %dma_wait3A_170 : memref<1x10000x16xf32, #tpu.memory_space<hbm>> -> memref<10000x16xf32, #tpu.memory_space<hbm>>
        %dma_wait3A_172 = arith.constant 9984 : i32
        %dma_wait3A_173 = arith.constant 0 : i32
        %dma_wait3A_174 = tpu.memref_slice %dma_wait3A_171[%dma_wait3A_172, %dma_wait3A_173] : memref<10000x16xf32, #tpu.memory_space<hbm>> -> memref<16x16xf32, #tpu.memory_space<hbm>>
        %dma_wait3A_175 = arith.constant 9984 : i32
        %dma_wait3A_176 = arith.constant 0 : i32
        %dma_wait3A_177 = tpu.memref_slice %arg6[%dma_wait3A_175, %dma_wait3A_176] : memref<10000x16xf32, #tpu.memory_space<vmem_shared>> -> memref<16x16xf32, #tpu.memory_space<vmem_shared>>
        tpu.wait_dma2 semaphore(%run_scoped3A : memref<!tpu.dma_semaphore, #tpu.memory_space<semaphore_mem>>) src(%dma_wait3A_177 : memref<16x16xf32, #tpu.memory_space<vmem_shared>>) dst(%dma_wait3A_174 : memref<16x16xf32, #tpu.memory_space<hbm>>)
        tpu.yield
      }) : () -> ()
    } else {
    }
    return
  }
}

#map = affine_map<(d0, d1) -> (0, 0)>
#map1 = affine_map<(d0, d1) -> (0, 0, 0)>
module attributes {stable_mosaic.version = 14 : i64} {
  func.func @_sc_aggregate(%arg0: i32, %arg1: i32, %arg2: memref<10000x128xbf16, #tpu.memory_space<hbm>>, %arg3: memref<32x100x100xi32, #tpu.memory_space<hbm>>, %arg4: memref<32x100x100xi32, #tpu.memory_space<hbm>>, %arg5: memref<10000x128xbf16, #tpu.memory_space<hbm>>, %arg6: memref<2x10000x128xbf16, #tpu.memory_space<hbm>>, %arg7: memref<10000x128xbf16, #tpu.memory_space<vmem_shared>>, %arg8: memref<100x100xi32, #tpu.memory_space<vmem>>, %arg9: memref<100x100xi32, #tpu.memory_space<vmem>>, %arg10: memref<5x100x128xbf16, #tpu.memory_space<vmem>>, %arg11: memref<!tpu.dma_semaphore, #tpu.memory_space<semaphore_mem>>, %arg12: memref<!tpu.dma_semaphore, #tpu.memory_space<semaphore_mem>>, %arg13: memref<!tpu.dma_semaphore, #tpu.memory_space<semaphore_mem>>, %arg14: memref<!tpu.dma_semaphore, #tpu.memory_space<semaphore_mem>>, %arg15: memref<!tpu.dma_semaphore, #tpu.memory_space<semaphore_mem>>, %arg16: memref<!tpu.dma_semaphore, #tpu.memory_space<semaphore_mem>>, %arg17: memref<!tpu.dma_semaphore, #tpu.memory_space<semaphore_mem>>, %arg18: memref<!tpu.dma_semaphore, #tpu.memory_space<semaphore_mem>>, %arg19: memref<!tpu.dma_semaphore, #tpu.memory_space<semaphore_mem>>, %arg20: memref<!tpu.dma_semaphore, #tpu.memory_space<semaphore_mem>>, %arg21: memref<!tpu.dma_semaphore, #tpu.memory_space<semaphore_mem>>, %arg22: memref<!tpu.dma_semaphore, #tpu.memory_space<semaphore_mem>>, %arg23: memref<!tpu.dma_semaphore, #tpu.memory_space<semaphore_mem>>, %arg24: memref<!tpu.dma_semaphore, #tpu.memory_space<semaphore_mem>>) attributes {dimension_semantics = [#tpu.dimension_semantics<core_parallel>, #tpu.dimension_semantics<subcore_parallel>], iteration_bounds = array<i64: 2, 16>, scalar_prefetch = 0 : i64, scratch_operands = 18 : i64, tpu.core_type = #tpu.core_type<sc_vector_subcore>, window_params = [{transform_indices = #map}, {transform_indices = #map1}, {transform_indices = #map1}, {transform_indices = #map}, {transform_indices = #map1}]} {
    %mul3A = arith.constant 16 : i32
    %mul3A_0 = arith.muli %arg0, %mul3A : i32
    %add3A = arith.addi %mul3A_0, %arg1 : i32
    %mul3A_1 = arith.constant 624 : i32
    %mul3A_2 = arith.muli %arg1, %mul3A_1 : i32
    %multiple_of3A = tpu.assume_multiple %mul3A_2, 8 : i32
    %dma_start3A = arith.constant 0 : i32
    %dma_start3A_3 = tpu.memref_slice %arg7[%multiple_of3A, %dma_start3A] : memref<10000x128xbf16, #tpu.memory_space<vmem_shared>> -> memref<624x128xbf16, #tpu.memory_space<vmem_shared>>
    %dma_start3A_4 = arith.constant 0 : i32
    %dma_start3A_5 = tpu.memref_slice %arg5[%multiple_of3A, %dma_start3A_4] : memref<10000x128xbf16, #tpu.memory_space<hbm>> -> memref<624x128xbf16, #tpu.memory_space<hbm>>
    tpu.enqueue_dma source(%dma_start3A_5 : memref<624x128xbf16, #tpu.memory_space<hbm>>) target(%dma_start3A_3 : memref<624x128xbf16, #tpu.memory_space<vmem_shared>>) target_semaphore(%arg21 : memref<!tpu.dma_semaphore, #tpu.memory_space<semaphore_mem>>)
    %eq3A = arith.constant 15 : i32
    %eq3A_6 = arith.cmpi eq, %arg1, %eq3A : i32
    %convert_element_type3A = arith.extui %eq3A_6 : i1 to i32
    %cond3A = arith.constant 0 : i32
    %cond3A_7 = arith.cmpi ne, %convert_element_type3A, %cond3A : i32
    scf.if %cond3A_7 {
      %dma_start3A_123 = arith.constant 9984 : i32
      %dma_start3A_124 = arith.constant 0 : i32
      %dma_start3A_125 = tpu.memref_slice %arg7[%dma_start3A_123, %dma_start3A_124] : memref<10000x128xbf16, #tpu.memory_space<vmem_shared>> -> memref<16x128xbf16, #tpu.memory_space<vmem_shared>>
      %dma_start3A_126 = arith.constant 9984 : i32
      %dma_start3A_127 = arith.constant 0 : i32
      %dma_start3A_128 = tpu.memref_slice %arg5[%dma_start3A_126, %dma_start3A_127] : memref<10000x128xbf16, #tpu.memory_space<hbm>> -> memref<16x128xbf16, #tpu.memory_space<hbm>>
      tpu.enqueue_dma source(%dma_start3A_128 : memref<16x128xbf16, #tpu.memory_space<hbm>>) target(%dma_start3A_125 : memref<16x128xbf16, #tpu.memory_space<vmem_shared>>) target_semaphore(%arg22 : memref<!tpu.dma_semaphore, #tpu.memory_space<semaphore_mem>>)
    } else {
    }
    %dma_start3A_8 = arith.constant 0 : i32
    %dma_start3A_9 = arith.constant 0 : i32
    %dma_start3A_10 = tpu.memref_slice %arg3[%add3A, %dma_start3A_8, %dma_start3A_9] : memref<32x100x100xi32, #tpu.memory_space<hbm>> -> memref<1x100x100xi32, #tpu.memory_space<hbm>>
    %dma_start3A_11 = tpu.memref_squeeze %dma_start3A_10 : memref<1x100x100xi32, #tpu.memory_space<hbm>> -> memref<100x100xi32, #tpu.memory_space<hbm>>
    %dma_start3A_12 = arith.constant 0 : i32
    %dma_start3A_13 = arith.constant 0 : i32
    %dma_start3A_14 = tpu.memref_slice %arg3[%add3A, %dma_start3A_12, %dma_start3A_13] : memref<32x100x100xi32, #tpu.memory_space<hbm>> -> memref<1x100x100xi32, #tpu.memory_space<hbm>>
    %dma_start3A_15 = tpu.memref_squeeze %dma_start3A_14 : memref<1x100x100xi32, #tpu.memory_space<hbm>> -> memref<100x100xi32, #tpu.memory_space<hbm>>
    tpu.enqueue_dma source(%dma_start3A_15 : memref<100x100xi32, #tpu.memory_space<hbm>>) target(%arg8 : memref<100x100xi32, #tpu.memory_space<vmem>>) target_semaphore(%arg23 : memref<!tpu.dma_semaphore, #tpu.memory_space<semaphore_mem>>)
    %dma_start3A_16 = arith.constant 0 : i32
    %dma_start3A_17 = arith.constant 0 : i32
    %dma_start3A_18 = tpu.memref_slice %arg4[%add3A, %dma_start3A_16, %dma_start3A_17] : memref<32x100x100xi32, #tpu.memory_space<hbm>> -> memref<1x100x100xi32, #tpu.memory_space<hbm>>
    %dma_start3A_19 = tpu.memref_squeeze %dma_start3A_18 : memref<1x100x100xi32, #tpu.memory_space<hbm>> -> memref<100x100xi32, #tpu.memory_space<hbm>>
    %dma_start3A_20 = arith.constant 0 : i32
    %dma_start3A_21 = arith.constant 0 : i32
    %dma_start3A_22 = tpu.memref_slice %arg4[%add3A, %dma_start3A_20, %dma_start3A_21] : memref<32x100x100xi32, #tpu.memory_space<hbm>> -> memref<1x100x100xi32, #tpu.memory_space<hbm>>
    %dma_start3A_23 = tpu.memref_squeeze %dma_start3A_22 : memref<1x100x100xi32, #tpu.memory_space<hbm>> -> memref<100x100xi32, #tpu.memory_space<hbm>>
    tpu.enqueue_dma source(%dma_start3A_23 : memref<100x100xi32, #tpu.memory_space<hbm>>) target(%arg9 : memref<100x100xi32, #tpu.memory_space<vmem>>) target_semaphore(%arg24 : memref<!tpu.dma_semaphore, #tpu.memory_space<semaphore_mem>>)
    %dma_wait3A = arith.constant 0 : i32
    %dma_wait3A_24 = arith.constant 0 : i32
    %dma_wait3A_25 = tpu.memref_slice %arg3[%add3A, %dma_wait3A, %dma_wait3A_24] : memref<32x100x100xi32, #tpu.memory_space<hbm>> -> memref<1x100x100xi32, #tpu.memory_space<hbm>>
    %dma_wait3A_26 = tpu.memref_squeeze %dma_wait3A_25 : memref<1x100x100xi32, #tpu.memory_space<hbm>> -> memref<100x100xi32, #tpu.memory_space<hbm>>
    %dma_wait3A_27 = arith.constant 0 : i32
    %dma_wait3A_28 = arith.constant 0 : i32
    %dma_wait3A_29 = tpu.memref_slice %arg3[%add3A, %dma_wait3A_27, %dma_wait3A_28] : memref<32x100x100xi32, #tpu.memory_space<hbm>> -> memref<1x100x100xi32, #tpu.memory_space<hbm>>
    %dma_wait3A_30 = tpu.memref_squeeze %dma_wait3A_29 : memref<1x100x100xi32, #tpu.memory_space<hbm>> -> memref<100x100xi32, #tpu.memory_space<hbm>>
    tpu.wait_dma2 semaphore(%arg23 : memref<!tpu.dma_semaphore, #tpu.memory_space<semaphore_mem>>) src(%dma_wait3A_30 : memref<100x100xi32, #tpu.memory_space<hbm>>) dst(%arg8 : memref<100x100xi32, #tpu.memory_space<vmem>>)
    %dma_start3A_31 = arith.constant 0 : i32
    %dma_start3A_32 = arith.constant 0 : i32
    %dma_start3A_33 = arith.constant 0 : i32
    %dma_start3A_34 = arith.constant 0 : i32
    %dma_start3A_35 = tpu.memref_slice %arg10[%dma_start3A_32, %dma_start3A_33, %dma_start3A_34] : memref<5x100x128xbf16, #tpu.memory_space<vmem>> -> memref<1x100x128xbf16, #tpu.memory_space<vmem>>
    %dma_start3A_36 = tpu.memref_squeeze %dma_start3A_35 : memref<1x100x128xbf16, #tpu.memory_space<vmem>> -> memref<100x128xbf16, #tpu.memory_space<vmem>>
    %dma_start3A_37 = arith.constant 0 : i32
    %dma_start3A_38 = tpu.memref_slice %arg8[%dma_start3A_31, %dma_start3A_37] : memref<100x100xi32, #tpu.memory_space<vmem>> -> memref<1x100xi32, #tpu.memory_space<vmem>>
    %dma_start3A_39 = tpu.memref_squeeze %dma_start3A_38 : memref<1x100xi32, #tpu.memory_space<vmem>> -> memref<100xi32, #tpu.memory_space<vmem>>
    %dma_start3A_40 = arith.constant 0 : i32
    %dma_start3A_41 = arith.constant 0 : i32
    %dma_start3A_42 = tpu.memref_slice %arg2[%dma_start3A_40, %dma_start3A_41] : memref<10000x128xbf16, #tpu.memory_space<hbm>> -> memref<10000x128xbf16, #tpu.memory_space<hbm>>
    tpu.enqueue_indirect_dma source(%dma_start3A_42 : memref<10000x128xbf16, #tpu.memory_space<hbm>>) target(%dma_start3A_36 : memref<100x128xbf16, #tpu.memory_space<vmem>>) offsets(%dma_start3A_39 : memref<100xi32, #tpu.memory_space<vmem>>) semaphore(%arg11 : memref<!tpu.dma_semaphore, #tpu.memory_space<semaphore_mem>>)
    %dma_start3A_43 = arith.constant 1 : i32
    %dma_start3A_44 = arith.constant 1 : i32
    %dma_start3A_45 = arith.constant 0 : i32
    %dma_start3A_46 = arith.constant 0 : i32
    %dma_start3A_47 = tpu.memref_slice %arg10[%dma_start3A_44, %dma_start3A_45, %dma_start3A_46] : memref<5x100x128xbf16, #tpu.memory_space<vmem>> -> memref<1x100x128xbf16, #tpu.memory_space<vmem>>
    %dma_start3A_48 = tpu.memref_squeeze %dma_start3A_47 : memref<1x100x128xbf16, #tpu.memory_space<vmem>> -> memref<100x128xbf16, #tpu.memory_space<vmem>>
    %dma_start3A_49 = arith.constant 0 : i32
    %dma_start3A_50 = tpu.memref_slice %arg8[%dma_start3A_43, %dma_start3A_49] : memref<100x100xi32, #tpu.memory_space<vmem>> -> memref<1x100xi32, #tpu.memory_space<vmem>>
    %dma_start3A_51 = tpu.memref_squeeze %dma_start3A_50 : memref<1x100xi32, #tpu.memory_space<vmem>> -> memref<100xi32, #tpu.memory_space<vmem>>
    %dma_start3A_52 = arith.constant 0 : i32
    %dma_start3A_53 = arith.constant 0 : i32
    %dma_start3A_54 = tpu.memref_slice %arg2[%dma_start3A_52, %dma_start3A_53] : memref<10000x128xbf16, #tpu.memory_space<hbm>> -> memref<10000x128xbf16, #tpu.memory_space<hbm>>
    tpu.enqueue_indirect_dma source(%dma_start3A_54 : memref<10000x128xbf16, #tpu.memory_space<hbm>>) target(%dma_start3A_48 : memref<100x128xbf16, #tpu.memory_space<vmem>>) offsets(%dma_start3A_51 : memref<100xi32, #tpu.memory_space<vmem>>) semaphore(%arg12 : memref<!tpu.dma_semaphore, #tpu.memory_space<semaphore_mem>>)
    %dma_start3A_55 = arith.constant 2 : i32
    %dma_start3A_56 = arith.constant 2 : i32
    %dma_start3A_57 = arith.constant 0 : i32
    %dma_start3A_58 = arith.constant 0 : i32
    %dma_start3A_59 = tpu.memref_slice %arg10[%dma_start3A_56, %dma_start3A_57, %dma_start3A_58] : memref<5x100x128xbf16, #tpu.memory_space<vmem>> -> memref<1x100x128xbf16, #tpu.memory_space<vmem>>
    %dma_start3A_60 = tpu.memref_squeeze %dma_start3A_59 : memref<1x100x128xbf16, #tpu.memory_space<vmem>> -> memref<100x128xbf16, #tpu.memory_space<vmem>>
    %dma_start3A_61 = arith.constant 0 : i32
    %dma_start3A_62 = tpu.memref_slice %arg8[%dma_start3A_55, %dma_start3A_61] : memref<100x100xi32, #tpu.memory_space<vmem>> -> memref<1x100xi32, #tpu.memory_space<vmem>>
    %dma_start3A_63 = tpu.memref_squeeze %dma_start3A_62 : memref<1x100xi32, #tpu.memory_space<vmem>> -> memref<100xi32, #tpu.memory_space<vmem>>
    %dma_start3A_64 = arith.constant 0 : i32
    %dma_start3A_65 = arith.constant 0 : i32
    %dma_start3A_66 = tpu.memref_slice %arg2[%dma_start3A_64, %dma_start3A_65] : memref<10000x128xbf16, #tpu.memory_space<hbm>> -> memref<10000x128xbf16, #tpu.memory_space<hbm>>
    tpu.enqueue_indirect_dma source(%dma_start3A_66 : memref<10000x128xbf16, #tpu.memory_space<hbm>>) target(%dma_start3A_60 : memref<100x128xbf16, #tpu.memory_space<vmem>>) offsets(%dma_start3A_63 : memref<100xi32, #tpu.memory_space<vmem>>) semaphore(%arg13 : memref<!tpu.dma_semaphore, #tpu.memory_space<semaphore_mem>>)
    %dma_start3A_67 = arith.constant 3 : i32
    %dma_start3A_68 = arith.constant 3 : i32
    %dma_start3A_69 = arith.constant 0 : i32
    %dma_start3A_70 = arith.constant 0 : i32
    %dma_start3A_71 = tpu.memref_slice %arg10[%dma_start3A_68, %dma_start3A_69, %dma_start3A_70] : memref<5x100x128xbf16, #tpu.memory_space<vmem>> -> memref<1x100x128xbf16, #tpu.memory_space<vmem>>
    %dma_start3A_72 = tpu.memref_squeeze %dma_start3A_71 : memref<1x100x128xbf16, #tpu.memory_space<vmem>> -> memref<100x128xbf16, #tpu.memory_space<vmem>>
    %dma_start3A_73 = arith.constant 0 : i32
    %dma_start3A_74 = tpu.memref_slice %arg8[%dma_start3A_67, %dma_start3A_73] : memref<100x100xi32, #tpu.memory_space<vmem>> -> memref<1x100xi32, #tpu.memory_space<vmem>>
    %dma_start3A_75 = tpu.memref_squeeze %dma_start3A_74 : memref<1x100xi32, #tpu.memory_space<vmem>> -> memref<100xi32, #tpu.memory_space<vmem>>
    %dma_start3A_76 = arith.constant 0 : i32
    %dma_start3A_77 = arith.constant 0 : i32
    %dma_start3A_78 = tpu.memref_slice %arg2[%dma_start3A_76, %dma_start3A_77] : memref<10000x128xbf16, #tpu.memory_space<hbm>> -> memref<10000x128xbf16, #tpu.memory_space<hbm>>
    tpu.enqueue_indirect_dma source(%dma_start3A_78 : memref<10000x128xbf16, #tpu.memory_space<hbm>>) target(%dma_start3A_72 : memref<100x128xbf16, #tpu.memory_space<vmem>>) offsets(%dma_start3A_75 : memref<100xi32, #tpu.memory_space<vmem>>) semaphore(%arg14 : memref<!tpu.dma_semaphore, #tpu.memory_space<semaphore_mem>>)
    %dma_start3A_79 = arith.constant 4 : i32
    %dma_start3A_80 = arith.constant 4 : i32
    %dma_start3A_81 = arith.constant 0 : i32
    %dma_start3A_82 = arith.constant 0 : i32
    %dma_start3A_83 = tpu.memref_slice %arg10[%dma_start3A_80, %dma_start3A_81, %dma_start3A_82] : memref<5x100x128xbf16, #tpu.memory_space<vmem>> -> memref<1x100x128xbf16, #tpu.memory_space<vmem>>
    %dma_start3A_84 = tpu.memref_squeeze %dma_start3A_83 : memref<1x100x128xbf16, #tpu.memory_space<vmem>> -> memref<100x128xbf16, #tpu.memory_space<vmem>>
    %dma_start3A_85 = arith.constant 0 : i32
    %dma_start3A_86 = tpu.memref_slice %arg8[%dma_start3A_79, %dma_start3A_85] : memref<100x100xi32, #tpu.memory_space<vmem>> -> memref<1x100xi32, #tpu.memory_space<vmem>>
    %dma_start3A_87 = tpu.memref_squeeze %dma_start3A_86 : memref<1x100xi32, #tpu.memory_space<vmem>> -> memref<100xi32, #tpu.memory_space<vmem>>
    %dma_start3A_88 = arith.constant 0 : i32
    %dma_start3A_89 = arith.constant 0 : i32
    %dma_start3A_90 = tpu.memref_slice %arg2[%dma_start3A_88, %dma_start3A_89] : memref<10000x128xbf16, #tpu.memory_space<hbm>> -> memref<10000x128xbf16, #tpu.memory_space<hbm>>
    tpu.enqueue_indirect_dma source(%dma_start3A_90 : memref<10000x128xbf16, #tpu.memory_space<hbm>>) target(%dma_start3A_84 : memref<100x128xbf16, #tpu.memory_space<vmem>>) offsets(%dma_start3A_87 : memref<100xi32, #tpu.memory_space<vmem>>) semaphore(%arg15 : memref<!tpu.dma_semaphore, #tpu.memory_space<semaphore_mem>>)
    %dma_wait3A_91 = arith.constant 0 : i32
    %dma_wait3A_92 = tpu.memref_slice %arg7[%multiple_of3A, %dma_wait3A_91] : memref<10000x128xbf16, #tpu.memory_space<vmem_shared>> -> memref<624x128xbf16, #tpu.memory_space<vmem_shared>>
    %dma_wait3A_93 = arith.constant 0 : i32
    %dma_wait3A_94 = tpu.memref_slice %arg5[%multiple_of3A, %dma_wait3A_93] : memref<10000x128xbf16, #tpu.memory_space<hbm>> -> memref<624x128xbf16, #tpu.memory_space<hbm>>
    tpu.wait_dma2 semaphore(%arg21 : memref<!tpu.dma_semaphore, #tpu.memory_space<semaphore_mem>>) src(%dma_wait3A_94 : memref<624x128xbf16, #tpu.memory_space<hbm>>) dst(%dma_wait3A_92 : memref<624x128xbf16, #tpu.memory_space<vmem_shared>>)
    %eq3A_95 = arith.constant 15 : i32
    %eq3A_96 = arith.cmpi eq, %arg1, %eq3A_95 : i32
    %convert_element_type3A_97 = arith.extui %eq3A_96 : i1 to i32
    %cond3A_98 = arith.constant 0 : i32
    %cond3A_99 = arith.cmpi ne, %convert_element_type3A_97, %cond3A_98 : i32
    scf.if %cond3A_99 {
      %dma_wait3A_123 = arith.constant 9984 : i32
      %dma_wait3A_124 = arith.constant 0 : i32
      %dma_wait3A_125 = tpu.memref_slice %arg7[%dma_wait3A_123, %dma_wait3A_124] : memref<10000x128xbf16, #tpu.memory_space<vmem_shared>> -> memref<16x128xbf16, #tpu.memory_space<vmem_shared>>
      %dma_wait3A_126 = arith.constant 9984 : i32
      %dma_wait3A_127 = arith.constant 0 : i32
      %dma_wait3A_128 = tpu.memref_slice %arg5[%dma_wait3A_126, %dma_wait3A_127] : memref<10000x128xbf16, #tpu.memory_space<hbm>> -> memref<16x128xbf16, #tpu.memory_space<hbm>>
      tpu.wait_dma2 semaphore(%arg22 : memref<!tpu.dma_semaphore, #tpu.memory_space<semaphore_mem>>) src(%dma_wait3A_128 : memref<16x128xbf16, #tpu.memory_space<hbm>>) dst(%dma_wait3A_125 : memref<16x128xbf16, #tpu.memory_space<vmem_shared>>)
    } else {
    }
    %dma_wait3A_100 = arith.constant 0 : i32
    %dma_wait3A_101 = arith.constant 0 : i32
    %dma_wait3A_102 = tpu.memref_slice %arg4[%add3A, %dma_wait3A_100, %dma_wait3A_101] : memref<32x100x100xi32, #tpu.memory_space<hbm>> -> memref<1x100x100xi32, #tpu.memory_space<hbm>>
    %dma_wait3A_103 = tpu.memref_squeeze %dma_wait3A_102 : memref<1x100x100xi32, #tpu.memory_space<hbm>> -> memref<100x100xi32, #tpu.memory_space<hbm>>
    %dma_wait3A_104 = arith.constant 0 : i32
    %dma_wait3A_105 = arith.constant 0 : i32
    %dma_wait3A_106 = tpu.memref_slice %arg4[%add3A, %dma_wait3A_104, %dma_wait3A_105] : memref<32x100x100xi32, #tpu.memory_space<hbm>> -> memref<1x100x100xi32, #tpu.memory_space<hbm>>
    %dma_wait3A_107 = tpu.memref_squeeze %dma_wait3A_106 : memref<1x100x100xi32, #tpu.memory_space<hbm>> -> memref<100x100xi32, #tpu.memory_space<hbm>>
    tpu.wait_dma2 semaphore(%arg24 : memref<!tpu.dma_semaphore, #tpu.memory_space<semaphore_mem>>) src(%dma_wait3A_107 : memref<100x100xi32, #tpu.memory_space<hbm>>) dst(%arg9 : memref<100x100xi32, #tpu.memory_space<vmem>>)
    %barrier3A = arith.constant 0 : index
    tpu.barrier barrier_id(%barrier3A)
    %scan3A = arith.constant 0 : i32
    %scan3A_108 = arith.constant 0 : i32
    %scan3A_109 = arith.constant 20 : i32
    %scan3A_110 = arith.addi %scan3A_108, %scan3A_109 : i32
    %scan3A_111 = arith.constant 1 : i32
    %scan3A_112 = scf.for %scan3A_123 = %scan3A_108 to %scan3A_110 step %scan3A_111 iter_args(%scan3A_124 = %scan3A) -> (i32)  : i32 {
      %mul3A_125 = arith.constant 5 : i32
      %mul3A_126 = arith.muli %scan3A_123, %mul3A_125 : i32
      %add3A_127 = arith.constant 0 : i32
      %add3A_128 = arith.addi %mul3A_126, %add3A_127 : i32
      %dma_wait3A_129 = arith.constant 0 : i32
      %dma_wait3A_130 = arith.constant 0 : i32
      %dma_wait3A_131 = arith.constant 0 : i32
      %dma_wait3A_132 = tpu.memref_slice %arg10[%dma_wait3A_129, %dma_wait3A_130, %dma_wait3A_131] : memref<5x100x128xbf16, #tpu.memory_space<vmem>> -> memref<1x100x128xbf16, #tpu.memory_space<vmem>>
      %dma_wait3A_133 = tpu.memref_squeeze %dma_wait3A_132 : memref<1x100x128xbf16, #tpu.memory_space<vmem>> -> memref<100x128xbf16, #tpu.memory_space<vmem>>
      %dma_wait3A_134 = arith.constant 0 : i32
      %dma_wait3A_135 = tpu.memref_slice %arg8[%add3A_128, %dma_wait3A_134] : memref<100x100xi32, #tpu.memory_space<vmem>> -> memref<1x100xi32, #tpu.memory_space<vmem>>
      %dma_wait3A_136 = tpu.memref_squeeze %dma_wait3A_135 : memref<1x100xi32, #tpu.memory_space<vmem>> -> memref<100xi32, #tpu.memory_space<vmem>>
      %dma_wait3A_137 = arith.constant 0 : i32
      %dma_wait3A_138 = arith.constant 0 : i32
      %dma_wait3A_139 = tpu.memref_slice %arg2[%dma_wait3A_137, %dma_wait3A_138] : memref<10000x128xbf16, #tpu.memory_space<hbm>> -> memref<10000x128xbf16, #tpu.memory_space<hbm>>
      tpu.wait_indirect_dma semaphore(%arg11 : memref<!tpu.dma_semaphore, #tpu.memory_space<semaphore_mem>>) src(%dma_wait3A_139 : memref<10000x128xbf16, #tpu.memory_space<hbm>>) dst(%dma_wait3A_133 : memref<100x128xbf16, #tpu.memory_space<vmem>>)
      %dma_start3A_140 = arith.constant 0 : i32
      %dma_start3A_141 = arith.constant 0 : i32
      %dma_start3A_142 = arith.constant 0 : i32
      %dma_start3A_143 = tpu.memref_slice %arg10[%dma_start3A_140, %dma_start3A_141, %dma_start3A_142] : memref<5x100x128xbf16, #tpu.memory_space<vmem>> -> memref<1x100x128xbf16, #tpu.memory_space<vmem>>
      %dma_start3A_144 = tpu.memref_squeeze %dma_start3A_143 : memref<1x100x128xbf16, #tpu.memory_space<vmem>> -> memref<100x128xbf16, #tpu.memory_space<vmem>>
      %dma_start3A_145 = arith.constant 0 : i32
      %dma_start3A_146 = tpu.memref_slice %arg9[%add3A_128, %dma_start3A_145] : memref<100x100xi32, #tpu.memory_space<vmem>> -> memref<1x100xi32, #tpu.memory_space<vmem>>
      %dma_start3A_147 = tpu.memref_squeeze %dma_start3A_146 : memref<1x100xi32, #tpu.memory_space<vmem>> -> memref<100xi32, #tpu.memory_space<vmem>>
      %dma_start3A_148 = arith.constant 0 : i32
      %dma_start3A_149 = arith.constant 0 : i32
      %dma_start3A_150 = tpu.memref_slice %arg7[%dma_start3A_148, %dma_start3A_149] : memref<10000x128xbf16, #tpu.memory_space<vmem_shared>> -> memref<10000x128xbf16, #tpu.memory_space<vmem_shared>>
      tpu.enqueue_indirect_dma source(%dma_start3A_144 : memref<100x128xbf16, #tpu.memory_space<vmem>>) target(%dma_start3A_150 : memref<10000x128xbf16, #tpu.memory_space<vmem_shared>>) offsets(%dma_start3A_147 : memref<100xi32, #tpu.memory_space<vmem>>) semaphore(%arg16 : memref<!tpu.dma_semaphore, #tpu.memory_space<semaphore_mem>>) {add = true}
      %mul3A_151 = arith.constant 5 : i32
      %mul3A_152 = arith.muli %scan3A_123, %mul3A_151 : i32
      %add3A_153 = arith.constant 1 : i32
      %add3A_154 = arith.addi %mul3A_152, %add3A_153 : i32
      %dma_wait3A_155 = arith.constant 1 : i32
      %dma_wait3A_156 = arith.constant 0 : i32
      %dma_wait3A_157 = arith.constant 0 : i32
      %dma_wait3A_158 = tpu.memref_slice %arg10[%dma_wait3A_155, %dma_wait3A_156, %dma_wait3A_157] : memref<5x100x128xbf16, #tpu.memory_space<vmem>> -> memref<1x100x128xbf16, #tpu.memory_space<vmem>>
      %dma_wait3A_159 = tpu.memref_squeeze %dma_wait3A_158 : memref<1x100x128xbf16, #tpu.memory_space<vmem>> -> memref<100x128xbf16, #tpu.memory_space<vmem>>
      %dma_wait3A_160 = arith.constant 0 : i32
      %dma_wait3A_161 = tpu.memref_slice %arg8[%add3A_154, %dma_wait3A_160] : memref<100x100xi32, #tpu.memory_space<vmem>> -> memref<1x100xi32, #tpu.memory_space<vmem>>
      %dma_wait3A_162 = tpu.memref_squeeze %dma_wait3A_161 : memref<1x100xi32, #tpu.memory_space<vmem>> -> memref<100xi32, #tpu.memory_space<vmem>>
      %dma_wait3A_163 = arith.constant 0 : i32
      %dma_wait3A_164 = arith.constant 0 : i32
      %dma_wait3A_165 = tpu.memref_slice %arg2[%dma_wait3A_163, %dma_wait3A_164] : memref<10000x128xbf16, #tpu.memory_space<hbm>> -> memref<10000x128xbf16, #tpu.memory_space<hbm>>
      tpu.wait_indirect_dma semaphore(%arg12 : memref<!tpu.dma_semaphore, #tpu.memory_space<semaphore_mem>>) src(%dma_wait3A_165 : memref<10000x128xbf16, #tpu.memory_space<hbm>>) dst(%dma_wait3A_159 : memref<100x128xbf16, #tpu.memory_space<vmem>>)
      %dma_start3A_166 = arith.constant 1 : i32
      %dma_start3A_167 = arith.constant 0 : i32
      %dma_start3A_168 = arith.constant 0 : i32
      %dma_start3A_169 = tpu.memref_slice %arg10[%dma_start3A_166, %dma_start3A_167, %dma_start3A_168] : memref<5x100x128xbf16, #tpu.memory_space<vmem>> -> memref<1x100x128xbf16, #tpu.memory_space<vmem>>
      %dma_start3A_170 = tpu.memref_squeeze %dma_start3A_169 : memref<1x100x128xbf16, #tpu.memory_space<vmem>> -> memref<100x128xbf16, #tpu.memory_space<vmem>>
      %dma_start3A_171 = arith.constant 0 : i32
      %dma_start3A_172 = tpu.memref_slice %arg9[%add3A_154, %dma_start3A_171] : memref<100x100xi32, #tpu.memory_space<vmem>> -> memref<1x100xi32, #tpu.memory_space<vmem>>
      %dma_start3A_173 = tpu.memref_squeeze %dma_start3A_172 : memref<1x100xi32, #tpu.memory_space<vmem>> -> memref<100xi32, #tpu.memory_space<vmem>>
      %dma_start3A_174 = arith.constant 0 : i32
      %dma_start3A_175 = arith.constant 0 : i32
      %dma_start3A_176 = tpu.memref_slice %arg7[%dma_start3A_174, %dma_start3A_175] : memref<10000x128xbf16, #tpu.memory_space<vmem_shared>> -> memref<10000x128xbf16, #tpu.memory_space<vmem_shared>>
      tpu.enqueue_indirect_dma source(%dma_start3A_170 : memref<100x128xbf16, #tpu.memory_space<vmem>>) target(%dma_start3A_176 : memref<10000x128xbf16, #tpu.memory_space<vmem_shared>>) offsets(%dma_start3A_173 : memref<100xi32, #tpu.memory_space<vmem>>) semaphore(%arg17 : memref<!tpu.dma_semaphore, #tpu.memory_space<semaphore_mem>>) {add = true}
      %mul3A_177 = arith.constant 5 : i32
      %mul3A_178 = arith.muli %scan3A_123, %mul3A_177 : i32
      %add3A_179 = arith.constant 2 : i32
      %add3A_180 = arith.addi %mul3A_178, %add3A_179 : i32
      %dma_wait3A_181 = arith.constant 2 : i32
      %dma_wait3A_182 = arith.constant 0 : i32
      %dma_wait3A_183 = arith.constant 0 : i32
      %dma_wait3A_184 = tpu.memref_slice %arg10[%dma_wait3A_181, %dma_wait3A_182, %dma_wait3A_183] : memref<5x100x128xbf16, #tpu.memory_space<vmem>> -> memref<1x100x128xbf16, #tpu.memory_space<vmem>>
      %dma_wait3A_185 = tpu.memref_squeeze %dma_wait3A_184 : memref<1x100x128xbf16, #tpu.memory_space<vmem>> -> memref<100x128xbf16, #tpu.memory_space<vmem>>
      %dma_wait3A_186 = arith.constant 0 : i32
      %dma_wait3A_187 = tpu.memref_slice %arg8[%add3A_180, %dma_wait3A_186] : memref<100x100xi32, #tpu.memory_space<vmem>> -> memref<1x100xi32, #tpu.memory_space<vmem>>
      %dma_wait3A_188 = tpu.memref_squeeze %dma_wait3A_187 : memref<1x100xi32, #tpu.memory_space<vmem>> -> memref<100xi32, #tpu.memory_space<vmem>>
      %dma_wait3A_189 = arith.constant 0 : i32
      %dma_wait3A_190 = arith.constant 0 : i32
      %dma_wait3A_191 = tpu.memref_slice %arg2[%dma_wait3A_189, %dma_wait3A_190] : memref<10000x128xbf16, #tpu.memory_space<hbm>> -> memref<10000x128xbf16, #tpu.memory_space<hbm>>
      tpu.wait_indirect_dma semaphore(%arg13 : memref<!tpu.dma_semaphore, #tpu.memory_space<semaphore_mem>>) src(%dma_wait3A_191 : memref<10000x128xbf16, #tpu.memory_space<hbm>>) dst(%dma_wait3A_185 : memref<100x128xbf16, #tpu.memory_space<vmem>>)
      %dma_start3A_192 = arith.constant 2 : i32
      %dma_start3A_193 = arith.constant 0 : i32
      %dma_start3A_194 = arith.constant 0 : i32
      %dma_start3A_195 = tpu.memref_slice %arg10[%dma_start3A_192, %dma_start3A_193, %dma_start3A_194] : memref<5x100x128xbf16, #tpu.memory_space<vmem>> -> memref<1x100x128xbf16, #tpu.memory_space<vmem>>
      %dma_start3A_196 = tpu.memref_squeeze %dma_start3A_195 : memref<1x100x128xbf16, #tpu.memory_space<vmem>> -> memref<100x128xbf16, #tpu.memory_space<vmem>>
      %dma_start3A_197 = arith.constant 0 : i32
      %dma_start3A_198 = tpu.memref_slice %arg9[%add3A_180, %dma_start3A_197] : memref<100x100xi32, #tpu.memory_space<vmem>> -> memref<1x100xi32, #tpu.memory_space<vmem>>
      %dma_start3A_199 = tpu.memref_squeeze %dma_start3A_198 : memref<1x100xi32, #tpu.memory_space<vmem>> -> memref<100xi32, #tpu.memory_space<vmem>>
      %dma_start3A_200 = arith.constant 0 : i32
      %dma_start3A_201 = arith.constant 0 : i32
      %dma_start3A_202 = tpu.memref_slice %arg7[%dma_start3A_200, %dma_start3A_201] : memref<10000x128xbf16, #tpu.memory_space<vmem_shared>> -> memref<10000x128xbf16, #tpu.memory_space<vmem_shared>>
      tpu.enqueue_indirect_dma source(%dma_start3A_196 : memref<100x128xbf16, #tpu.memory_space<vmem>>) target(%dma_start3A_202 : memref<10000x128xbf16, #tpu.memory_space<vmem_shared>>) offsets(%dma_start3A_199 : memref<100xi32, #tpu.memory_space<vmem>>) semaphore(%arg18 : memref<!tpu.dma_semaphore, #tpu.memory_space<semaphore_mem>>) {add = true}
      %mul3A_203 = arith.constant 5 : i32
      %mul3A_204 = arith.muli %scan3A_123, %mul3A_203 : i32
      %add3A_205 = arith.constant 3 : i32
      %add3A_206 = arith.addi %mul3A_204, %add3A_205 : i32
      %dma_wait3A_207 = arith.constant 3 : i32
      %dma_wait3A_208 = arith.constant 0 : i32
      %dma_wait3A_209 = arith.constant 0 : i32
      %dma_wait3A_210 = tpu.memref_slice %arg10[%dma_wait3A_207, %dma_wait3A_208, %dma_wait3A_209] : memref<5x100x128xbf16, #tpu.memory_space<vmem>> -> memref<1x100x128xbf16, #tpu.memory_space<vmem>>
      %dma_wait3A_211 = tpu.memref_squeeze %dma_wait3A_210 : memref<1x100x128xbf16, #tpu.memory_space<vmem>> -> memref<100x128xbf16, #tpu.memory_space<vmem>>
      %dma_wait3A_212 = arith.constant 0 : i32
      %dma_wait3A_213 = tpu.memref_slice %arg8[%add3A_206, %dma_wait3A_212] : memref<100x100xi32, #tpu.memory_space<vmem>> -> memref<1x100xi32, #tpu.memory_space<vmem>>
      %dma_wait3A_214 = tpu.memref_squeeze %dma_wait3A_213 : memref<1x100xi32, #tpu.memory_space<vmem>> -> memref<100xi32, #tpu.memory_space<vmem>>
      %dma_wait3A_215 = arith.constant 0 : i32
      %dma_wait3A_216 = arith.constant 0 : i32
      %dma_wait3A_217 = tpu.memref_slice %arg2[%dma_wait3A_215, %dma_wait3A_216] : memref<10000x128xbf16, #tpu.memory_space<hbm>> -> memref<10000x128xbf16, #tpu.memory_space<hbm>>
      tpu.wait_indirect_dma semaphore(%arg14 : memref<!tpu.dma_semaphore, #tpu.memory_space<semaphore_mem>>) src(%dma_wait3A_217 : memref<10000x128xbf16, #tpu.memory_space<hbm>>) dst(%dma_wait3A_211 : memref<100x128xbf16, #tpu.memory_space<vmem>>)
      %dma_start3A_218 = arith.constant 3 : i32
      %dma_start3A_219 = arith.constant 0 : i32
      %dma_start3A_220 = arith.constant 0 : i32
      %dma_start3A_221 = tpu.memref_slice %arg10[%dma_start3A_218, %dma_start3A_219, %dma_start3A_220] : memref<5x100x128xbf16, #tpu.memory_space<vmem>> -> memref<1x100x128xbf16, #tpu.memory_space<vmem>>
      %dma_start3A_222 = tpu.memref_squeeze %dma_start3A_221 : memref<1x100x128xbf16, #tpu.memory_space<vmem>> -> memref<100x128xbf16, #tpu.memory_space<vmem>>
      %dma_start3A_223 = arith.constant 0 : i32
      %dma_start3A_224 = tpu.memref_slice %arg9[%add3A_206, %dma_start3A_223] : memref<100x100xi32, #tpu.memory_space<vmem>> -> memref<1x100xi32, #tpu.memory_space<vmem>>
      %dma_start3A_225 = tpu.memref_squeeze %dma_start3A_224 : memref<1x100xi32, #tpu.memory_space<vmem>> -> memref<100xi32, #tpu.memory_space<vmem>>
      %dma_start3A_226 = arith.constant 0 : i32
      %dma_start3A_227 = arith.constant 0 : i32
      %dma_start3A_228 = tpu.memref_slice %arg7[%dma_start3A_226, %dma_start3A_227] : memref<10000x128xbf16, #tpu.memory_space<vmem_shared>> -> memref<10000x128xbf16, #tpu.memory_space<vmem_shared>>
      tpu.enqueue_indirect_dma source(%dma_start3A_222 : memref<100x128xbf16, #tpu.memory_space<vmem>>) target(%dma_start3A_228 : memref<10000x128xbf16, #tpu.memory_space<vmem_shared>>) offsets(%dma_start3A_225 : memref<100xi32, #tpu.memory_space<vmem>>) semaphore(%arg19 : memref<!tpu.dma_semaphore, #tpu.memory_space<semaphore_mem>>) {add = true}
      %mul3A_229 = arith.constant 5 : i32
      %mul3A_230 = arith.muli %scan3A_123, %mul3A_229 : i32
      %add3A_231 = arith.constant 4 : i32
      %add3A_232 = arith.addi %mul3A_230, %add3A_231 : i32
      %dma_wait3A_233 = arith.constant 4 : i32
      %dma_wait3A_234 = arith.constant 0 : i32
      %dma_wait3A_235 = arith.constant 0 : i32
      %dma_wait3A_236 = tpu.memref_slice %arg10[%dma_wait3A_233, %dma_wait3A_234, %dma_wait3A_235] : memref<5x100x128xbf16, #tpu.memory_space<vmem>> -> memref<1x100x128xbf16, #tpu.memory_space<vmem>>
      %dma_wait3A_237 = tpu.memref_squeeze %dma_wait3A_236 : memref<1x100x128xbf16, #tpu.memory_space<vmem>> -> memref<100x128xbf16, #tpu.memory_space<vmem>>
      %dma_wait3A_238 = arith.constant 0 : i32
      %dma_wait3A_239 = tpu.memref_slice %arg8[%add3A_232, %dma_wait3A_238] : memref<100x100xi32, #tpu.memory_space<vmem>> -> memref<1x100xi32, #tpu.memory_space<vmem>>
      %dma_wait3A_240 = tpu.memref_squeeze %dma_wait3A_239 : memref<1x100xi32, #tpu.memory_space<vmem>> -> memref<100xi32, #tpu.memory_space<vmem>>
      %dma_wait3A_241 = arith.constant 0 : i32
      %dma_wait3A_242 = arith.constant 0 : i32
      %dma_wait3A_243 = tpu.memref_slice %arg2[%dma_wait3A_241, %dma_wait3A_242] : memref<10000x128xbf16, #tpu.memory_space<hbm>> -> memref<10000x128xbf16, #tpu.memory_space<hbm>>
      tpu.wait_indirect_dma semaphore(%arg15 : memref<!tpu.dma_semaphore, #tpu.memory_space<semaphore_mem>>) src(%dma_wait3A_243 : memref<10000x128xbf16, #tpu.memory_space<hbm>>) dst(%dma_wait3A_237 : memref<100x128xbf16, #tpu.memory_space<vmem>>)
      %dma_start3A_244 = arith.constant 4 : i32
      %dma_start3A_245 = arith.constant 0 : i32
      %dma_start3A_246 = arith.constant 0 : i32
      %dma_start3A_247 = tpu.memref_slice %arg10[%dma_start3A_244, %dma_start3A_245, %dma_start3A_246] : memref<5x100x128xbf16, #tpu.memory_space<vmem>> -> memref<1x100x128xbf16, #tpu.memory_space<vmem>>
      %dma_start3A_248 = tpu.memref_squeeze %dma_start3A_247 : memref<1x100x128xbf16, #tpu.memory_space<vmem>> -> memref<100x128xbf16, #tpu.memory_space<vmem>>
      %dma_start3A_249 = arith.constant 0 : i32
      %dma_start3A_250 = tpu.memref_slice %arg9[%add3A_232, %dma_start3A_249] : memref<100x100xi32, #tpu.memory_space<vmem>> -> memref<1x100xi32, #tpu.memory_space<vmem>>
      %dma_start3A_251 = tpu.memref_squeeze %dma_start3A_250 : memref<1x100xi32, #tpu.memory_space<vmem>> -> memref<100xi32, #tpu.memory_space<vmem>>
      %dma_start3A_252 = arith.constant 0 : i32
      %dma_start3A_253 = arith.constant 0 : i32
      %dma_start3A_254 = tpu.memref_slice %arg7[%dma_start3A_252, %dma_start3A_253] : memref<10000x128xbf16, #tpu.memory_space<vmem_shared>> -> memref<10000x128xbf16, #tpu.memory_space<vmem_shared>>
      tpu.enqueue_indirect_dma source(%dma_start3A_248 : memref<100x128xbf16, #tpu.memory_space<vmem>>) target(%dma_start3A_254 : memref<10000x128xbf16, #tpu.memory_space<vmem_shared>>) offsets(%dma_start3A_251 : memref<100xi32, #tpu.memory_space<vmem>>) semaphore(%arg20 : memref<!tpu.dma_semaphore, #tpu.memory_space<semaphore_mem>>) {add = true}
      %dma_wait3A_255 = arith.constant 0 : i32
      %dma_wait3A_256 = arith.constant 0 : i32
      %dma_wait3A_257 = arith.constant 0 : i32
      %dma_wait3A_258 = tpu.memref_slice %arg10[%dma_wait3A_255, %dma_wait3A_256, %dma_wait3A_257] : memref<5x100x128xbf16, #tpu.memory_space<vmem>> -> memref<1x100x128xbf16, #tpu.memory_space<vmem>>
      %dma_wait3A_259 = tpu.memref_squeeze %dma_wait3A_258 : memref<1x100x128xbf16, #tpu.memory_space<vmem>> -> memref<100x128xbf16, #tpu.memory_space<vmem>>
      %dma_wait3A_260 = arith.constant 0 : i32
      %dma_wait3A_261 = tpu.memref_slice %arg9[%add3A_128, %dma_wait3A_260] : memref<100x100xi32, #tpu.memory_space<vmem>> -> memref<1x100xi32, #tpu.memory_space<vmem>>
      %dma_wait3A_262 = tpu.memref_squeeze %dma_wait3A_261 : memref<1x100xi32, #tpu.memory_space<vmem>> -> memref<100xi32, #tpu.memory_space<vmem>>
      %dma_wait3A_263 = arith.constant 0 : i32
      %dma_wait3A_264 = arith.constant 0 : i32
      %dma_wait3A_265 = tpu.memref_slice %arg7[%dma_wait3A_263, %dma_wait3A_264] : memref<10000x128xbf16, #tpu.memory_space<vmem_shared>> -> memref<10000x128xbf16, #tpu.memory_space<vmem_shared>>
      tpu.wait_indirect_dma semaphore(%arg16 : memref<!tpu.dma_semaphore, #tpu.memory_space<semaphore_mem>>) src(%dma_wait3A_259 : memref<100x128xbf16, #tpu.memory_space<vmem>>) dst(%dma_wait3A_265 : memref<10000x128xbf16, #tpu.memory_space<vmem_shared>>)
      %lt3A = arith.constant 19 : i32
      %lt3A_266 = arith.cmpi slt, %scan3A_123, %lt3A : i32
      %convert_element_type3A_267 = arith.extui %lt3A_266 : i1 to i32
      %cond3A_268 = arith.constant 0 : i32
      %cond3A_269 = arith.cmpi ne, %convert_element_type3A_267, %cond3A_268 : i32
      scf.if %cond3A_269 {
        %add3A_335 = arith.constant 1 : i32
        %add3A_336 = arith.addi %scan3A_123, %add3A_335 : i32
        %mul3A_337 = arith.constant 5 : i32
        %mul3A_338 = arith.muli %add3A_336, %mul3A_337 : i32
        %add3A_339 = arith.constant 0 : i32
        %add3A_340 = arith.addi %mul3A_338, %add3A_339 : i32
        %dma_start3A_341 = arith.constant 0 : i32
        %dma_start3A_342 = arith.constant 0 : i32
        %dma_start3A_343 = arith.constant 0 : i32
        %dma_start3A_344 = tpu.memref_slice %arg10[%dma_start3A_341, %dma_start3A_342, %dma_start3A_343] : memref<5x100x128xbf16, #tpu.memory_space<vmem>> -> memref<1x100x128xbf16, #tpu.memory_space<vmem>>
        %dma_start3A_345 = tpu.memref_squeeze %dma_start3A_344 : memref<1x100x128xbf16, #tpu.memory_space<vmem>> -> memref<100x128xbf16, #tpu.memory_space<vmem>>
        %dma_start3A_346 = arith.constant 0 : i32
        %dma_start3A_347 = tpu.memref_slice %arg8[%add3A_340, %dma_start3A_346] : memref<100x100xi32, #tpu.memory_space<vmem>> -> memref<1x100xi32, #tpu.memory_space<vmem>>
        %dma_start3A_348 = tpu.memref_squeeze %dma_start3A_347 : memref<1x100xi32, #tpu.memory_space<vmem>> -> memref<100xi32, #tpu.memory_space<vmem>>
        %dma_start3A_349 = arith.constant 0 : i32
        %dma_start3A_350 = arith.constant 0 : i32
        %dma_start3A_351 = tpu.memref_slice %arg2[%dma_start3A_349, %dma_start3A_350] : memref<10000x128xbf16, #tpu.memory_space<hbm>> -> memref<10000x128xbf16, #tpu.memory_space<hbm>>
        tpu.enqueue_indirect_dma source(%dma_start3A_351 : memref<10000x128xbf16, #tpu.memory_space<hbm>>) target(%dma_start3A_345 : memref<100x128xbf16, #tpu.memory_space<vmem>>) offsets(%dma_start3A_348 : memref<100xi32, #tpu.memory_space<vmem>>) semaphore(%arg11 : memref<!tpu.dma_semaphore, #tpu.memory_space<semaphore_mem>>)
      } else {
      }
      %dma_wait3A_270 = arith.constant 1 : i32
      %dma_wait3A_271 = arith.constant 0 : i32
      %dma_wait3A_272 = arith.constant 0 : i32
      %dma_wait3A_273 = tpu.memref_slice %arg10[%dma_wait3A_270, %dma_wait3A_271, %dma_wait3A_272] : memref<5x100x128xbf16, #tpu.memory_space<vmem>> -> memref<1x100x128xbf16, #tpu.memory_space<vmem>>
      %dma_wait3A_274 = tpu.memref_squeeze %dma_wait3A_273 : memref<1x100x128xbf16, #tpu.memory_space<vmem>> -> memref<100x128xbf16, #tpu.memory_space<vmem>>
      %dma_wait3A_275 = arith.constant 0 : i32
      %dma_wait3A_276 = tpu.memref_slice %arg9[%add3A_154, %dma_wait3A_275] : memref<100x100xi32, #tpu.memory_space<vmem>> -> memref<1x100xi32, #tpu.memory_space<vmem>>
      %dma_wait3A_277 = tpu.memref_squeeze %dma_wait3A_276 : memref<1x100xi32, #tpu.memory_space<vmem>> -> memref<100xi32, #tpu.memory_space<vmem>>
      %dma_wait3A_278 = arith.constant 0 : i32
      %dma_wait3A_279 = arith.constant 0 : i32
      %dma_wait3A_280 = tpu.memref_slice %arg7[%dma_wait3A_278, %dma_wait3A_279] : memref<10000x128xbf16, #tpu.memory_space<vmem_shared>> -> memref<10000x128xbf16, #tpu.memory_space<vmem_shared>>
      tpu.wait_indirect_dma semaphore(%arg17 : memref<!tpu.dma_semaphore, #tpu.memory_space<semaphore_mem>>) src(%dma_wait3A_274 : memref<100x128xbf16, #tpu.memory_space<vmem>>) dst(%dma_wait3A_280 : memref<10000x128xbf16, #tpu.memory_space<vmem_shared>>)
      %lt3A_281 = arith.constant 19 : i32
      %lt3A_282 = arith.cmpi slt, %scan3A_123, %lt3A_281 : i32
      %convert_element_type3A_283 = arith.extui %lt3A_282 : i1 to i32
      %cond3A_284 = arith.constant 0 : i32
      %cond3A_285 = arith.cmpi ne, %convert_element_type3A_283, %cond3A_284 : i32
      scf.if %cond3A_285 {
        %add3A_335 = arith.constant 1 : i32
        %add3A_336 = arith.addi %scan3A_123, %add3A_335 : i32
        %mul3A_337 = arith.constant 5 : i32
        %mul3A_338 = arith.muli %add3A_336, %mul3A_337 : i32
        %add3A_339 = arith.constant 1 : i32
        %add3A_340 = arith.addi %mul3A_338, %add3A_339 : i32
        %dma_start3A_341 = arith.constant 1 : i32
        %dma_start3A_342 = arith.constant 0 : i32
        %dma_start3A_343 = arith.constant 0 : i32
        %dma_start3A_344 = tpu.memref_slice %arg10[%dma_start3A_341, %dma_start3A_342, %dma_start3A_343] : memref<5x100x128xbf16, #tpu.memory_space<vmem>> -> memref<1x100x128xbf16, #tpu.memory_space<vmem>>
        %dma_start3A_345 = tpu.memref_squeeze %dma_start3A_344 : memref<1x100x128xbf16, #tpu.memory_space<vmem>> -> memref<100x128xbf16, #tpu.memory_space<vmem>>
        %dma_start3A_346 = arith.constant 0 : i32
        %dma_start3A_347 = tpu.memref_slice %arg8[%add3A_340, %dma_start3A_346] : memref<100x100xi32, #tpu.memory_space<vmem>> -> memref<1x100xi32, #tpu.memory_space<vmem>>
        %dma_start3A_348 = tpu.memref_squeeze %dma_start3A_347 : memref<1x100xi32, #tpu.memory_space<vmem>> -> memref<100xi32, #tpu.memory_space<vmem>>
        %dma_start3A_349 = arith.constant 0 : i32
        %dma_start3A_350 = arith.constant 0 : i32
        %dma_start3A_351 = tpu.memref_slice %arg2[%dma_start3A_349, %dma_start3A_350] : memref<10000x128xbf16, #tpu.memory_space<hbm>> -> memref<10000x128xbf16, #tpu.memory_space<hbm>>
        tpu.enqueue_indirect_dma source(%dma_start3A_351 : memref<10000x128xbf16, #tpu.memory_space<hbm>>) target(%dma_start3A_345 : memref<100x128xbf16, #tpu.memory_space<vmem>>) offsets(%dma_start3A_348 : memref<100xi32, #tpu.memory_space<vmem>>) semaphore(%arg12 : memref<!tpu.dma_semaphore, #tpu.memory_space<semaphore_mem>>)
      } else {
      }
      %dma_wait3A_286 = arith.constant 2 : i32
      %dma_wait3A_287 = arith.constant 0 : i32
      %dma_wait3A_288 = arith.constant 0 : i32
      %dma_wait3A_289 = tpu.memref_slice %arg10[%dma_wait3A_286, %dma_wait3A_287, %dma_wait3A_288] : memref<5x100x128xbf16, #tpu.memory_space<vmem>> -> memref<1x100x128xbf16, #tpu.memory_space<vmem>>
      %dma_wait3A_290 = tpu.memref_squeeze %dma_wait3A_289 : memref<1x100x128xbf16, #tpu.memory_space<vmem>> -> memref<100x128xbf16, #tpu.memory_space<vmem>>
      %dma_wait3A_291 = arith.constant 0 : i32
      %dma_wait3A_292 = tpu.memref_slice %arg9[%add3A_180, %dma_wait3A_291] : memref<100x100xi32, #tpu.memory_space<vmem>> -> memref<1x100xi32, #tpu.memory_space<vmem>>
      %dma_wait3A_293 = tpu.memref_squeeze %dma_wait3A_292 : memref<1x100xi32, #tpu.memory_space<vmem>> -> memref<100xi32, #tpu.memory_space<vmem>>
      %dma_wait3A_294 = arith.constant 0 : i32
      %dma_wait3A_295 = arith.constant 0 : i32
      %dma_wait3A_296 = tpu.memref_slice %arg7[%dma_wait3A_294, %dma_wait3A_295] : memref<10000x128xbf16, #tpu.memory_space<vmem_shared>> -> memref<10000x128xbf16, #tpu.memory_space<vmem_shared>>
      tpu.wait_indirect_dma semaphore(%arg18 : memref<!tpu.dma_semaphore, #tpu.memory_space<semaphore_mem>>) src(%dma_wait3A_290 : memref<100x128xbf16, #tpu.memory_space<vmem>>) dst(%dma_wait3A_296 : memref<10000x128xbf16, #tpu.memory_space<vmem_shared>>)
      %lt3A_297 = arith.constant 19 : i32
      %lt3A_298 = arith.cmpi slt, %scan3A_123, %lt3A_297 : i32
      %convert_element_type3A_299 = arith.extui %lt3A_298 : i1 to i32
      %cond3A_300 = arith.constant 0 : i32
      %cond3A_301 = arith.cmpi ne, %convert_element_type3A_299, %cond3A_300 : i32
      scf.if %cond3A_301 {
        %add3A_335 = arith.constant 1 : i32
        %add3A_336 = arith.addi %scan3A_123, %add3A_335 : i32
        %mul3A_337 = arith.constant 5 : i32
        %mul3A_338 = arith.muli %add3A_336, %mul3A_337 : i32
        %add3A_339 = arith.constant 2 : i32
        %add3A_340 = arith.addi %mul3A_338, %add3A_339 : i32
        %dma_start3A_341 = arith.constant 2 : i32
        %dma_start3A_342 = arith.constant 0 : i32
        %dma_start3A_343 = arith.constant 0 : i32
        %dma_start3A_344 = tpu.memref_slice %arg10[%dma_start3A_341, %dma_start3A_342, %dma_start3A_343] : memref<5x100x128xbf16, #tpu.memory_space<vmem>> -> memref<1x100x128xbf16, #tpu.memory_space<vmem>>
        %dma_start3A_345 = tpu.memref_squeeze %dma_start3A_344 : memref<1x100x128xbf16, #tpu.memory_space<vmem>> -> memref<100x128xbf16, #tpu.memory_space<vmem>>
        %dma_start3A_346 = arith.constant 0 : i32
        %dma_start3A_347 = tpu.memref_slice %arg8[%add3A_340, %dma_start3A_346] : memref<100x100xi32, #tpu.memory_space<vmem>> -> memref<1x100xi32, #tpu.memory_space<vmem>>
        %dma_start3A_348 = tpu.memref_squeeze %dma_start3A_347 : memref<1x100xi32, #tpu.memory_space<vmem>> -> memref<100xi32, #tpu.memory_space<vmem>>
        %dma_start3A_349 = arith.constant 0 : i32
        %dma_start3A_350 = arith.constant 0 : i32
        %dma_start3A_351 = tpu.memref_slice %arg2[%dma_start3A_349, %dma_start3A_350] : memref<10000x128xbf16, #tpu.memory_space<hbm>> -> memref<10000x128xbf16, #tpu.memory_space<hbm>>
        tpu.enqueue_indirect_dma source(%dma_start3A_351 : memref<10000x128xbf16, #tpu.memory_space<hbm>>) target(%dma_start3A_345 : memref<100x128xbf16, #tpu.memory_space<vmem>>) offsets(%dma_start3A_348 : memref<100xi32, #tpu.memory_space<vmem>>) semaphore(%arg13 : memref<!tpu.dma_semaphore, #tpu.memory_space<semaphore_mem>>)
      } else {
      }
      %dma_wait3A_302 = arith.constant 3 : i32
      %dma_wait3A_303 = arith.constant 0 : i32
      %dma_wait3A_304 = arith.constant 0 : i32
      %dma_wait3A_305 = tpu.memref_slice %arg10[%dma_wait3A_302, %dma_wait3A_303, %dma_wait3A_304] : memref<5x100x128xbf16, #tpu.memory_space<vmem>> -> memref<1x100x128xbf16, #tpu.memory_space<vmem>>
      %dma_wait3A_306 = tpu.memref_squeeze %dma_wait3A_305 : memref<1x100x128xbf16, #tpu.memory_space<vmem>> -> memref<100x128xbf16, #tpu.memory_space<vmem>>
      %dma_wait3A_307 = arith.constant 0 : i32
      %dma_wait3A_308 = tpu.memref_slice %arg9[%add3A_206, %dma_wait3A_307] : memref<100x100xi32, #tpu.memory_space<vmem>> -> memref<1x100xi32, #tpu.memory_space<vmem>>
      %dma_wait3A_309 = tpu.memref_squeeze %dma_wait3A_308 : memref<1x100xi32, #tpu.memory_space<vmem>> -> memref<100xi32, #tpu.memory_space<vmem>>
      %dma_wait3A_310 = arith.constant 0 : i32
      %dma_wait3A_311 = arith.constant 0 : i32
      %dma_wait3A_312 = tpu.memref_slice %arg7[%dma_wait3A_310, %dma_wait3A_311] : memref<10000x128xbf16, #tpu.memory_space<vmem_shared>> -> memref<10000x128xbf16, #tpu.memory_space<vmem_shared>>
      tpu.wait_indirect_dma semaphore(%arg19 : memref<!tpu.dma_semaphore, #tpu.memory_space<semaphore_mem>>) src(%dma_wait3A_306 : memref<100x128xbf16, #tpu.memory_space<vmem>>) dst(%dma_wait3A_312 : memref<10000x128xbf16, #tpu.memory_space<vmem_shared>>)
      %lt3A_313 = arith.constant 19 : i32
      %lt3A_314 = arith.cmpi slt, %scan3A_123, %lt3A_313 : i32
      %convert_element_type3A_315 = arith.extui %lt3A_314 : i1 to i32
      %cond3A_316 = arith.constant 0 : i32
      %cond3A_317 = arith.cmpi ne, %convert_element_type3A_315, %cond3A_316 : i32
      scf.if %cond3A_317 {
        %add3A_335 = arith.constant 1 : i32
        %add3A_336 = arith.addi %scan3A_123, %add3A_335 : i32
        %mul3A_337 = arith.constant 5 : i32
        %mul3A_338 = arith.muli %add3A_336, %mul3A_337 : i32
        %add3A_339 = arith.constant 3 : i32
        %add3A_340 = arith.addi %mul3A_338, %add3A_339 : i32
        %dma_start3A_341 = arith.constant 3 : i32
        %dma_start3A_342 = arith.constant 0 : i32
        %dma_start3A_343 = arith.constant 0 : i32
        %dma_start3A_344 = tpu.memref_slice %arg10[%dma_start3A_341, %dma_start3A_342, %dma_start3A_343] : memref<5x100x128xbf16, #tpu.memory_space<vmem>> -> memref<1x100x128xbf16, #tpu.memory_space<vmem>>
        %dma_start3A_345 = tpu.memref_squeeze %dma_start3A_344 : memref<1x100x128xbf16, #tpu.memory_space<vmem>> -> memref<100x128xbf16, #tpu.memory_space<vmem>>
        %dma_start3A_346 = arith.constant 0 : i32
        %dma_start3A_347 = tpu.memref_slice %arg8[%add3A_340, %dma_start3A_346] : memref<100x100xi32, #tpu.memory_space<vmem>> -> memref<1x100xi32, #tpu.memory_space<vmem>>
        %dma_start3A_348 = tpu.memref_squeeze %dma_start3A_347 : memref<1x100xi32, #tpu.memory_space<vmem>> -> memref<100xi32, #tpu.memory_space<vmem>>
        %dma_start3A_349 = arith.constant 0 : i32
        %dma_start3A_350 = arith.constant 0 : i32
        %dma_start3A_351 = tpu.memref_slice %arg2[%dma_start3A_349, %dma_start3A_350] : memref<10000x128xbf16, #tpu.memory_space<hbm>> -> memref<10000x128xbf16, #tpu.memory_space<hbm>>
        tpu.enqueue_indirect_dma source(%dma_start3A_351 : memref<10000x128xbf16, #tpu.memory_space<hbm>>) target(%dma_start3A_345 : memref<100x128xbf16, #tpu.memory_space<vmem>>) offsets(%dma_start3A_348 : memref<100xi32, #tpu.memory_space<vmem>>) semaphore(%arg14 : memref<!tpu.dma_semaphore, #tpu.memory_space<semaphore_mem>>)
      } else {
      }
      %dma_wait3A_318 = arith.constant 4 : i32
      %dma_wait3A_319 = arith.constant 0 : i32
      %dma_wait3A_320 = arith.constant 0 : i32
      %dma_wait3A_321 = tpu.memref_slice %arg10[%dma_wait3A_318, %dma_wait3A_319, %dma_wait3A_320] : memref<5x100x128xbf16, #tpu.memory_space<vmem>> -> memref<1x100x128xbf16, #tpu.memory_space<vmem>>
      %dma_wait3A_322 = tpu.memref_squeeze %dma_wait3A_321 : memref<1x100x128xbf16, #tpu.memory_space<vmem>> -> memref<100x128xbf16, #tpu.memory_space<vmem>>
      %dma_wait3A_323 = arith.constant 0 : i32
      %dma_wait3A_324 = tpu.memref_slice %arg9[%add3A_232, %dma_wait3A_323] : memref<100x100xi32, #tpu.memory_space<vmem>> -> memref<1x100xi32, #tpu.memory_space<vmem>>
      %dma_wait3A_325 = tpu.memref_squeeze %dma_wait3A_324 : memref<1x100xi32, #tpu.memory_space<vmem>> -> memref<100xi32, #tpu.memory_space<vmem>>
      %dma_wait3A_326 = arith.constant 0 : i32
      %dma_wait3A_327 = arith.constant 0 : i32
      %dma_wait3A_328 = tpu.memref_slice %arg7[%dma_wait3A_326, %dma_wait3A_327] : memref<10000x128xbf16, #tpu.memory_space<vmem_shared>> -> memref<10000x128xbf16, #tpu.memory_space<vmem_shared>>
      tpu.wait_indirect_dma semaphore(%arg20 : memref<!tpu.dma_semaphore, #tpu.memory_space<semaphore_mem>>) src(%dma_wait3A_322 : memref<100x128xbf16, #tpu.memory_space<vmem>>) dst(%dma_wait3A_328 : memref<10000x128xbf16, #tpu.memory_space<vmem_shared>>)
      %lt3A_329 = arith.constant 19 : i32
      %lt3A_330 = arith.cmpi slt, %scan3A_123, %lt3A_329 : i32
      %convert_element_type3A_331 = arith.extui %lt3A_330 : i1 to i32
      %cond3A_332 = arith.constant 0 : i32
      %cond3A_333 = arith.cmpi ne, %convert_element_type3A_331, %cond3A_332 : i32
      scf.if %cond3A_333 {
        %add3A_335 = arith.constant 1 : i32
        %add3A_336 = arith.addi %scan3A_123, %add3A_335 : i32
        %mul3A_337 = arith.constant 5 : i32
        %mul3A_338 = arith.muli %add3A_336, %mul3A_337 : i32
        %add3A_339 = arith.constant 4 : i32
        %add3A_340 = arith.addi %mul3A_338, %add3A_339 : i32
        %dma_start3A_341 = arith.constant 4 : i32
        %dma_start3A_342 = arith.constant 0 : i32
        %dma_start3A_343 = arith.constant 0 : i32
        %dma_start3A_344 = tpu.memref_slice %arg10[%dma_start3A_341, %dma_start3A_342, %dma_start3A_343] : memref<5x100x128xbf16, #tpu.memory_space<vmem>> -> memref<1x100x128xbf16, #tpu.memory_space<vmem>>
        %dma_start3A_345 = tpu.memref_squeeze %dma_start3A_344 : memref<1x100x128xbf16, #tpu.memory_space<vmem>> -> memref<100x128xbf16, #tpu.memory_space<vmem>>
        %dma_start3A_346 = arith.constant 0 : i32
        %dma_start3A_347 = tpu.memref_slice %arg8[%add3A_340, %dma_start3A_346] : memref<100x100xi32, #tpu.memory_space<vmem>> -> memref<1x100xi32, #tpu.memory_space<vmem>>
        %dma_start3A_348 = tpu.memref_squeeze %dma_start3A_347 : memref<1x100xi32, #tpu.memory_space<vmem>> -> memref<100xi32, #tpu.memory_space<vmem>>
        %dma_start3A_349 = arith.constant 0 : i32
        %dma_start3A_350 = arith.constant 0 : i32
        %dma_start3A_351 = tpu.memref_slice %arg2[%dma_start3A_349, %dma_start3A_350] : memref<10000x128xbf16, #tpu.memory_space<hbm>> -> memref<10000x128xbf16, #tpu.memory_space<hbm>>
        tpu.enqueue_indirect_dma source(%dma_start3A_351 : memref<10000x128xbf16, #tpu.memory_space<hbm>>) target(%dma_start3A_345 : memref<100x128xbf16, #tpu.memory_space<vmem>>) offsets(%dma_start3A_348 : memref<100xi32, #tpu.memory_space<vmem>>) semaphore(%arg15 : memref<!tpu.dma_semaphore, #tpu.memory_space<semaphore_mem>>)
      } else {
      }
      %scan3A_334 = arith.constant 0 : i32
      scf.yield %scan3A_334 : i32
    }
    %scan3A_113 = arith.constant 20 : i32
    %barrier3A_114 = arith.constant 0 : index
    tpu.barrier barrier_id(%barrier3A_114)
    %mul3A_115 = arith.constant 624 : i32
    %mul3A_116 = arith.muli %arg1, %mul3A_115 : i32
    %multiple_of3A_117 = tpu.assume_multiple %mul3A_116, 8 : i32
    "tpu.region"() ({
      %run_scoped3A = tpu.sem_alloc : memref<!tpu.dma_semaphore, #tpu.memory_space<semaphore_mem>>
      %dma_start3A_123 = arith.constant 0 : i32
      %dma_start3A_124 = arith.constant 0 : i32
      %dma_start3A_125 = tpu.memref_slice %arg6[%arg0, %dma_start3A_123, %dma_start3A_124] : memref<2x10000x128xbf16, #tpu.memory_space<hbm>> -> memref<1x10000x128xbf16, #tpu.memory_space<hbm>>
      %dma_start3A_126 = tpu.memref_squeeze %dma_start3A_125 : memref<1x10000x128xbf16, #tpu.memory_space<hbm>> -> memref<10000x128xbf16, #tpu.memory_space<hbm>>
      %dma_start3A_127 = arith.constant 0 : i32
      %dma_start3A_128 = tpu.memref_slice %dma_start3A_126[%multiple_of3A_117, %dma_start3A_127] : memref<10000x128xbf16, #tpu.memory_space<hbm>> -> memref<624x128xbf16, #tpu.memory_space<hbm>>
      %dma_start3A_129 = arith.constant 0 : i32
      %dma_start3A_130 = tpu.memref_slice %arg7[%multiple_of3A_117, %dma_start3A_129] : memref<10000x128xbf16, #tpu.memory_space<vmem_shared>> -> memref<624x128xbf16, #tpu.memory_space<vmem_shared>>
      tpu.enqueue_dma source(%dma_start3A_130 : memref<624x128xbf16, #tpu.memory_space<vmem_shared>>) target(%dma_start3A_128 : memref<624x128xbf16, #tpu.memory_space<hbm>>) target_semaphore(%run_scoped3A : memref<!tpu.dma_semaphore, #tpu.memory_space<semaphore_mem>>)
      %dma_wait3A_131 = arith.constant 0 : i32
      %dma_wait3A_132 = arith.constant 0 : i32
      %dma_wait3A_133 = tpu.memref_slice %arg6[%arg0, %dma_wait3A_131, %dma_wait3A_132] : memref<2x10000x128xbf16, #tpu.memory_space<hbm>> -> memref<1x10000x128xbf16, #tpu.memory_space<hbm>>
      %dma_wait3A_134 = tpu.memref_squeeze %dma_wait3A_133 : memref<1x10000x128xbf16, #tpu.memory_space<hbm>> -> memref<10000x128xbf16, #tpu.memory_space<hbm>>
      %dma_wait3A_135 = arith.constant 0 : i32
      %dma_wait3A_136 = tpu.memref_slice %dma_wait3A_134[%multiple_of3A_117, %dma_wait3A_135] : memref<10000x128xbf16, #tpu.memory_space<hbm>> -> memref<624x128xbf16, #tpu.memory_space<hbm>>
      %dma_wait3A_137 = arith.constant 0 : i32
      %dma_wait3A_138 = tpu.memref_slice %arg7[%multiple_of3A_117, %dma_wait3A_137] : memref<10000x128xbf16, #tpu.memory_space<vmem_shared>> -> memref<624x128xbf16, #tpu.memory_space<vmem_shared>>
      tpu.wait_dma2 semaphore(%run_scoped3A : memref<!tpu.dma_semaphore, #tpu.memory_space<semaphore_mem>>) src(%dma_wait3A_138 : memref<624x128xbf16, #tpu.memory_space<vmem_shared>>) dst(%dma_wait3A_136 : memref<624x128xbf16, #tpu.memory_space<hbm>>)
      tpu.yield
    }) : () -> ()
    %eq3A_118 = arith.constant 15 : i32
    %eq3A_119 = arith.cmpi eq, %arg1, %eq3A_118 : i32
    %convert_element_type3A_120 = arith.extui %eq3A_119 : i1 to i32
    %cond3A_121 = arith.constant 0 : i32
    %cond3A_122 = arith.cmpi ne, %convert_element_type3A_120, %cond3A_121 : i32
    scf.if %cond3A_122 {
      "tpu.region"() ({
        %run_scoped3A = tpu.sem_alloc : memref<!tpu.dma_semaphore, #tpu.memory_space<semaphore_mem>>
        %dma_start3A_123 = arith.constant 0 : i32
        %dma_start3A_124 = arith.constant 0 : i32
        %dma_start3A_125 = tpu.memref_slice %arg6[%arg0, %dma_start3A_123, %dma_start3A_124] : memref<2x10000x128xbf16, #tpu.memory_space<hbm>> -> memref<1x10000x128xbf16, #tpu.memory_space<hbm>>
        %dma_start3A_126 = tpu.memref_squeeze %dma_start3A_125 : memref<1x10000x128xbf16, #tpu.memory_space<hbm>> -> memref<10000x128xbf16, #tpu.memory_space<hbm>>
        %dma_start3A_127 = arith.constant 9984 : i32
        %dma_start3A_128 = arith.constant 0 : i32
        %dma_start3A_129 = tpu.memref_slice %dma_start3A_126[%dma_start3A_127, %dma_start3A_128] : memref<10000x128xbf16, #tpu.memory_space<hbm>> -> memref<16x128xbf16, #tpu.memory_space<hbm>>
        %dma_start3A_130 = arith.constant 9984 : i32
        %dma_start3A_131 = arith.constant 0 : i32
        %dma_start3A_132 = tpu.memref_slice %arg7[%dma_start3A_130, %dma_start3A_131] : memref<10000x128xbf16, #tpu.memory_space<vmem_shared>> -> memref<16x128xbf16, #tpu.memory_space<vmem_shared>>
        tpu.enqueue_dma source(%dma_start3A_132 : memref<16x128xbf16, #tpu.memory_space<vmem_shared>>) target(%dma_start3A_129 : memref<16x128xbf16, #tpu.memory_space<hbm>>) target_semaphore(%run_scoped3A : memref<!tpu.dma_semaphore, #tpu.memory_space<semaphore_mem>>)
        %dma_wait3A_133 = arith.constant 0 : i32
        %dma_wait3A_134 = arith.constant 0 : i32
        %dma_wait3A_135 = tpu.memref_slice %arg6[%arg0, %dma_wait3A_133, %dma_wait3A_134] : memref<2x10000x128xbf16, #tpu.memory_space<hbm>> -> memref<1x10000x128xbf16, #tpu.memory_space<hbm>>
        %dma_wait3A_136 = tpu.memref_squeeze %dma_wait3A_135 : memref<1x10000x128xbf16, #tpu.memory_space<hbm>> -> memref<10000x128xbf16, #tpu.memory_space<hbm>>
        %dma_wait3A_137 = arith.constant 9984 : i32
        %dma_wait3A_138 = arith.constant 0 : i32
        %dma_wait3A_139 = tpu.memref_slice %dma_wait3A_136[%dma_wait3A_137, %dma_wait3A_138] : memref<10000x128xbf16, #tpu.memory_space<hbm>> -> memref<16x128xbf16, #tpu.memory_space<hbm>>
        %dma_wait3A_140 = arith.constant 9984 : i32
        %dma_wait3A_141 = arith.constant 0 : i32
        %dma_wait3A_142 = tpu.memref_slice %arg7[%dma_wait3A_140, %dma_wait3A_141] : memref<10000x128xbf16, #tpu.memory_space<vmem_shared>> -> memref<16x128xbf16, #tpu.memory_space<vmem_shared>>
        tpu.wait_dma2 semaphore(%run_scoped3A : memref<!tpu.dma_semaphore, #tpu.memory_space<semaphore_mem>>) src(%dma_wait3A_142 : memref<16x128xbf16, #tpu.memory_space<vmem_shared>>) dst(%dma_wait3A_139 : memref<16x128xbf16, #tpu.memory_space<hbm>>)
        tpu.yield
      }) : () -> ()
    } else {
    }
    return
  }
}

#map = affine_map<(d0, d1) -> (0, 0)>
#map1 = affine_map<(d0, d1) -> (0, 0, 0)>
module attributes {stable_mosaic.version = 14 : i64} {
  func.func @_sc_aggregate(%arg0: i32, %arg1: i32, %arg2: memref<10000x16xf32, #tpu.memory_space<hbm>>, %arg3: memref<32x100x100xi32, #tpu.memory_space<hbm>>, %arg4: memref<32x100x100xi32, #tpu.memory_space<hbm>>, %arg5: memref<10000x16xf32, #tpu.memory_space<hbm>>, %arg6: memref<2x10000x16xf32, #tpu.memory_space<hbm>>, %arg7: memref<10000x16xf32, #tpu.memory_space<vmem_shared>>, %arg8: memref<100x100xi32, #tpu.memory_space<vmem>>, %arg9: memref<100x100xi32, #tpu.memory_space<vmem>>, %arg10: memref<10x100x16xf32, #tpu.memory_space<vmem>>, %arg11: memref<!tpu.dma_semaphore, #tpu.memory_space<semaphore_mem>>, %arg12: memref<!tpu.dma_semaphore, #tpu.memory_space<semaphore_mem>>, %arg13: memref<!tpu.dma_semaphore, #tpu.memory_space<semaphore_mem>>, %arg14: memref<!tpu.dma_semaphore, #tpu.memory_space<semaphore_mem>>, %arg15: memref<!tpu.dma_semaphore, #tpu.memory_space<semaphore_mem>>, %arg16: memref<!tpu.dma_semaphore, #tpu.memory_space<semaphore_mem>>, %arg17: memref<!tpu.dma_semaphore, #tpu.memory_space<semaphore_mem>>, %arg18: memref<!tpu.dma_semaphore, #tpu.memory_space<semaphore_mem>>, %arg19: memref<!tpu.dma_semaphore, #tpu.memory_space<semaphore_mem>>, %arg20: memref<!tpu.dma_semaphore, #tpu.memory_space<semaphore_mem>>, %arg21: memref<!tpu.dma_semaphore, #tpu.memory_space<semaphore_mem>>, %arg22: memref<!tpu.dma_semaphore, #tpu.memory_space<semaphore_mem>>, %arg23: memref<!tpu.dma_semaphore, #tpu.memory_space<semaphore_mem>>, %arg24: memref<!tpu.dma_semaphore, #tpu.memory_space<semaphore_mem>>, %arg25: memref<!tpu.dma_semaphore, #tpu.memory_space<semaphore_mem>>, %arg26: memref<!tpu.dma_semaphore, #tpu.memory_space<semaphore_mem>>, %arg27: memref<!tpu.dma_semaphore, #tpu.memory_space<semaphore_mem>>, %arg28: memref<!tpu.dma_semaphore, #tpu.memory_space<semaphore_mem>>, %arg29: memref<!tpu.dma_semaphore, #tpu.memory_space<semaphore_mem>>, %arg30: memref<!tpu.dma_semaphore, #tpu.memory_space<semaphore_mem>>, %arg31: memref<!tpu.dma_semaphore, #tpu.memory_space<semaphore_mem>>, %arg32: memref<!tpu.dma_semaphore, #tpu.memory_space<semaphore_mem>>, %arg33: memref<!tpu.dma_semaphore, #tpu.memory_space<semaphore_mem>>, %arg34: memref<!tpu.dma_semaphore, #tpu.memory_space<semaphore_mem>>) attributes {dimension_semantics = [#tpu.dimension_semantics<core_parallel>, #tpu.dimension_semantics<subcore_parallel>], iteration_bounds = array<i64: 2, 16>, scalar_prefetch = 0 : i64, scratch_operands = 28 : i64, tpu.core_type = #tpu.core_type<sc_vector_subcore>, window_params = [{transform_indices = #map}, {transform_indices = #map1}, {transform_indices = #map1}, {transform_indices = #map}, {transform_indices = #map1}]} {
    %mul3A = arith.constant 16 : i32
    %mul3A_0 = arith.muli %arg0, %mul3A : i32
    %add3A = arith.addi %mul3A_0, %arg1 : i32
    %mul3A_1 = arith.constant 624 : i32
    %mul3A_2 = arith.muli %arg1, %mul3A_1 : i32
    %multiple_of3A = tpu.assume_multiple %mul3A_2, 8 : i32
    %dma_start3A = arith.constant 0 : i32
    %dma_start3A_3 = tpu.memref_slice %arg7[%multiple_of3A, %dma_start3A] : memref<10000x16xf32, #tpu.memory_space<vmem_shared>> -> memref<624x16xf32, #tpu.memory_space<vmem_shared>>
    %dma_start3A_4 = arith.constant 0 : i32
    %dma_start3A_5 = tpu.memref_slice %arg5[%multiple_of3A, %dma_start3A_4] : memref<10000x16xf32, #tpu.memory_space<hbm>> -> memref<624x16xf32, #tpu.memory_space<hbm>>
    tpu.enqueue_dma source(%dma_start3A_5 : memref<624x16xf32, #tpu.memory_space<hbm>>) target(%dma_start3A_3 : memref<624x16xf32, #tpu.memory_space<vmem_shared>>) target_semaphore(%arg31 : memref<!tpu.dma_semaphore, #tpu.memory_space<semaphore_mem>>)
    %eq3A = arith.constant 15 : i32
    %eq3A_6 = arith.cmpi eq, %arg1, %eq3A : i32
    %convert_element_type3A = arith.extui %eq3A_6 : i1 to i32
    %cond3A = arith.constant 0 : i32
    %cond3A_7 = arith.cmpi ne, %convert_element_type3A, %cond3A : i32
    scf.if %cond3A_7 {
      %dma_start3A_183 = arith.constant 9984 : i32
      %dma_start3A_184 = arith.constant 0 : i32
      %dma_start3A_185 = tpu.memref_slice %arg7[%dma_start3A_183, %dma_start3A_184] : memref<10000x16xf32, #tpu.memory_space<vmem_shared>> -> memref<16x16xf32, #tpu.memory_space<vmem_shared>>
      %dma_start3A_186 = arith.constant 9984 : i32
      %dma_start3A_187 = arith.constant 0 : i32
      %dma_start3A_188 = tpu.memref_slice %arg5[%dma_start3A_186, %dma_start3A_187] : memref<10000x16xf32, #tpu.memory_space<hbm>> -> memref<16x16xf32, #tpu.memory_space<hbm>>
      tpu.enqueue_dma source(%dma_start3A_188 : memref<16x16xf32, #tpu.memory_space<hbm>>) target(%dma_start3A_185 : memref<16x16xf32, #tpu.memory_space<vmem_shared>>) target_semaphore(%arg32 : memref<!tpu.dma_semaphore, #tpu.memory_space<semaphore_mem>>)
    } else {
    }
    %dma_start3A_8 = arith.constant 0 : i32
    %dma_start3A_9 = arith.constant 0 : i32
    %dma_start3A_10 = tpu.memref_slice %arg3[%add3A, %dma_start3A_8, %dma_start3A_9] : memref<32x100x100xi32, #tpu.memory_space<hbm>> -> memref<1x100x100xi32, #tpu.memory_space<hbm>>
    %dma_start3A_11 = tpu.memref_squeeze %dma_start3A_10 : memref<1x100x100xi32, #tpu.memory_space<hbm>> -> memref<100x100xi32, #tpu.memory_space<hbm>>
    %dma_start3A_12 = arith.constant 0 : i32
    %dma_start3A_13 = arith.constant 0 : i32
    %dma_start3A_14 = tpu.memref_slice %arg3[%add3A, %dma_start3A_12, %dma_start3A_13] : memref<32x100x100xi32, #tpu.memory_space<hbm>> -> memref<1x100x100xi32, #tpu.memory_space<hbm>>
    %dma_start3A_15 = tpu.memref_squeeze %dma_start3A_14 : memref<1x100x100xi32, #tpu.memory_space<hbm>> -> memref<100x100xi32, #tpu.memory_space<hbm>>
    tpu.enqueue_dma source(%dma_start3A_15 : memref<100x100xi32, #tpu.memory_space<hbm>>) target(%arg8 : memref<100x100xi32, #tpu.memory_space<vmem>>) target_semaphore(%arg33 : memref<!tpu.dma_semaphore, #tpu.memory_space<semaphore_mem>>)
    %dma_start3A_16 = arith.constant 0 : i32
    %dma_start3A_17 = arith.constant 0 : i32
    %dma_start3A_18 = tpu.memref_slice %arg4[%add3A, %dma_start3A_16, %dma_start3A_17] : memref<32x100x100xi32, #tpu.memory_space<hbm>> -> memref<1x100x100xi32, #tpu.memory_space<hbm>>
    %dma_start3A_19 = tpu.memref_squeeze %dma_start3A_18 : memref<1x100x100xi32, #tpu.memory_space<hbm>> -> memref<100x100xi32, #tpu.memory_space<hbm>>
    %dma_start3A_20 = arith.constant 0 : i32
    %dma_start3A_21 = arith.constant 0 : i32
    %dma_start3A_22 = tpu.memref_slice %arg4[%add3A, %dma_start3A_20, %dma_start3A_21] : memref<32x100x100xi32, #tpu.memory_space<hbm>> -> memref<1x100x100xi32, #tpu.memory_space<hbm>>
    %dma_start3A_23 = tpu.memref_squeeze %dma_start3A_22 : memref<1x100x100xi32, #tpu.memory_space<hbm>> -> memref<100x100xi32, #tpu.memory_space<hbm>>
    tpu.enqueue_dma source(%dma_start3A_23 : memref<100x100xi32, #tpu.memory_space<hbm>>) target(%arg9 : memref<100x100xi32, #tpu.memory_space<vmem>>) target_semaphore(%arg34 : memref<!tpu.dma_semaphore, #tpu.memory_space<semaphore_mem>>)
    %dma_wait3A = arith.constant 0 : i32
    %dma_wait3A_24 = arith.constant 0 : i32
    %dma_wait3A_25 = tpu.memref_slice %arg3[%add3A, %dma_wait3A, %dma_wait3A_24] : memref<32x100x100xi32, #tpu.memory_space<hbm>> -> memref<1x100x100xi32, #tpu.memory_space<hbm>>
    %dma_wait3A_26 = tpu.memref_squeeze %dma_wait3A_25 : memref<1x100x100xi32, #tpu.memory_space<hbm>> -> memref<100x100xi32, #tpu.memory_space<hbm>>
    %dma_wait3A_27 = arith.constant 0 : i32
    %dma_wait3A_28 = arith.constant 0 : i32
    %dma_wait3A_29 = tpu.memref_slice %arg3[%add3A, %dma_wait3A_27, %dma_wait3A_28] : memref<32x100x100xi32, #tpu.memory_space<hbm>> -> memref<1x100x100xi32, #tpu.memory_space<hbm>>
    %dma_wait3A_30 = tpu.memref_squeeze %dma_wait3A_29 : memref<1x100x100xi32, #tpu.memory_space<hbm>> -> memref<100x100xi32, #tpu.memory_space<hbm>>
    tpu.wait_dma2 semaphore(%arg33 : memref<!tpu.dma_semaphore, #tpu.memory_space<semaphore_mem>>) src(%dma_wait3A_30 : memref<100x100xi32, #tpu.memory_space<hbm>>) dst(%arg8 : memref<100x100xi32, #tpu.memory_space<vmem>>)
    %dma_start3A_31 = arith.constant 0 : i32
    %dma_start3A_32 = arith.constant 0 : i32
    %dma_start3A_33 = arith.constant 0 : i32
    %dma_start3A_34 = arith.constant 0 : i32
    %dma_start3A_35 = tpu.memref_slice %arg10[%dma_start3A_32, %dma_start3A_33, %dma_start3A_34] : memref<10x100x16xf32, #tpu.memory_space<vmem>> -> memref<1x100x16xf32, #tpu.memory_space<vmem>>
    %dma_start3A_36 = tpu.memref_squeeze %dma_start3A_35 : memref<1x100x16xf32, #tpu.memory_space<vmem>> -> memref<100x16xf32, #tpu.memory_space<vmem>>
    %dma_start3A_37 = arith.constant 0 : i32
    %dma_start3A_38 = tpu.memref_slice %arg8[%dma_start3A_31, %dma_start3A_37] : memref<100x100xi32, #tpu.memory_space<vmem>> -> memref<1x100xi32, #tpu.memory_space<vmem>>
    %dma_start3A_39 = tpu.memref_squeeze %dma_start3A_38 : memref<1x100xi32, #tpu.memory_space<vmem>> -> memref<100xi32, #tpu.memory_space<vmem>>
    %dma_start3A_40 = arith.constant 0 : i32
    %dma_start3A_41 = arith.constant 0 : i32
    %dma_start3A_42 = tpu.memref_slice %arg2[%dma_start3A_40, %dma_start3A_41] : memref<10000x16xf32, #tpu.memory_space<hbm>> -> memref<10000x16xf32, #tpu.memory_space<hbm>>
    tpu.enqueue_indirect_dma source(%dma_start3A_42 : memref<10000x16xf32, #tpu.memory_space<hbm>>) target(%dma_start3A_36 : memref<100x16xf32, #tpu.memory_space<vmem>>) offsets(%dma_start3A_39 : memref<100xi32, #tpu.memory_space<vmem>>) semaphore(%arg11 : memref<!tpu.dma_semaphore, #tpu.memory_space<semaphore_mem>>)
    %dma_start3A_43 = arith.constant 1 : i32
    %dma_start3A_44 = arith.constant 1 : i32
    %dma_start3A_45 = arith.constant 0 : i32
    %dma_start3A_46 = arith.constant 0 : i32
    %dma_start3A_47 = tpu.memref_slice %arg10[%dma_start3A_44, %dma_start3A_45, %dma_start3A_46] : memref<10x100x16xf32, #tpu.memory_space<vmem>> -> memref<1x100x16xf32, #tpu.memory_space<vmem>>
    %dma_start3A_48 = tpu.memref_squeeze %dma_start3A_47 : memref<1x100x16xf32, #tpu.memory_space<vmem>> -> memref<100x16xf32, #tpu.memory_space<vmem>>
    %dma_start3A_49 = arith.constant 0 : i32
    %dma_start3A_50 = tpu.memref_slice %arg8[%dma_start3A_43, %dma_start3A_49] : memref<100x100xi32, #tpu.memory_space<vmem>> -> memref<1x100xi32, #tpu.memory_space<vmem>>
    %dma_start3A_51 = tpu.memref_squeeze %dma_start3A_50 : memref<1x100xi32, #tpu.memory_space<vmem>> -> memref<100xi32, #tpu.memory_space<vmem>>
    %dma_start3A_52 = arith.constant 0 : i32
    %dma_start3A_53 = arith.constant 0 : i32
    %dma_start3A_54 = tpu.memref_slice %arg2[%dma_start3A_52, %dma_start3A_53] : memref<10000x16xf32, #tpu.memory_space<hbm>> -> memref<10000x16xf32, #tpu.memory_space<hbm>>
    tpu.enqueue_indirect_dma source(%dma_start3A_54 : memref<10000x16xf32, #tpu.memory_space<hbm>>) target(%dma_start3A_48 : memref<100x16xf32, #tpu.memory_space<vmem>>) offsets(%dma_start3A_51 : memref<100xi32, #tpu.memory_space<vmem>>) semaphore(%arg12 : memref<!tpu.dma_semaphore, #tpu.memory_space<semaphore_mem>>)
    %dma_start3A_55 = arith.constant 2 : i32
    %dma_start3A_56 = arith.constant 2 : i32
    %dma_start3A_57 = arith.constant 0 : i32
    %dma_start3A_58 = arith.constant 0 : i32
    %dma_start3A_59 = tpu.memref_slice %arg10[%dma_start3A_56, %dma_start3A_57, %dma_start3A_58] : memref<10x100x16xf32, #tpu.memory_space<vmem>> -> memref<1x100x16xf32, #tpu.memory_space<vmem>>
    %dma_start3A_60 = tpu.memref_squeeze %dma_start3A_59 : memref<1x100x16xf32, #tpu.memory_space<vmem>> -> memref<100x16xf32, #tpu.memory_space<vmem>>
    %dma_start3A_61 = arith.constant 0 : i32
    %dma_start3A_62 = tpu.memref_slice %arg8[%dma_start3A_55, %dma_start3A_61] : memref<100x100xi32, #tpu.memory_space<vmem>> -> memref<1x100xi32, #tpu.memory_space<vmem>>
    %dma_start3A_63 = tpu.memref_squeeze %dma_start3A_62 : memref<1x100xi32, #tpu.memory_space<vmem>> -> memref<100xi32, #tpu.memory_space<vmem>>
    %dma_start3A_64 = arith.constant 0 : i32
    %dma_start3A_65 = arith.constant 0 : i32
    %dma_start3A_66 = tpu.memref_slice %arg2[%dma_start3A_64, %dma_start3A_65] : memref<10000x16xf32, #tpu.memory_space<hbm>> -> memref<10000x16xf32, #tpu.memory_space<hbm>>
    tpu.enqueue_indirect_dma source(%dma_start3A_66 : memref<10000x16xf32, #tpu.memory_space<hbm>>) target(%dma_start3A_60 : memref<100x16xf32, #tpu.memory_space<vmem>>) offsets(%dma_start3A_63 : memref<100xi32, #tpu.memory_space<vmem>>) semaphore(%arg13 : memref<!tpu.dma_semaphore, #tpu.memory_space<semaphore_mem>>)
    %dma_start3A_67 = arith.constant 3 : i32
    %dma_start3A_68 = arith.constant 3 : i32
    %dma_start3A_69 = arith.constant 0 : i32
    %dma_start3A_70 = arith.constant 0 : i32
    %dma_start3A_71 = tpu.memref_slice %arg10[%dma_start3A_68, %dma_start3A_69, %dma_start3A_70] : memref<10x100x16xf32, #tpu.memory_space<vmem>> -> memref<1x100x16xf32, #tpu.memory_space<vmem>>
    %dma_start3A_72 = tpu.memref_squeeze %dma_start3A_71 : memref<1x100x16xf32, #tpu.memory_space<vmem>> -> memref<100x16xf32, #tpu.memory_space<vmem>>
    %dma_start3A_73 = arith.constant 0 : i32
    %dma_start3A_74 = tpu.memref_slice %arg8[%dma_start3A_67, %dma_start3A_73] : memref<100x100xi32, #tpu.memory_space<vmem>> -> memref<1x100xi32, #tpu.memory_space<vmem>>
    %dma_start3A_75 = tpu.memref_squeeze %dma_start3A_74 : memref<1x100xi32, #tpu.memory_space<vmem>> -> memref<100xi32, #tpu.memory_space<vmem>>
    %dma_start3A_76 = arith.constant 0 : i32
    %dma_start3A_77 = arith.constant 0 : i32
    %dma_start3A_78 = tpu.memref_slice %arg2[%dma_start3A_76, %dma_start3A_77] : memref<10000x16xf32, #tpu.memory_space<hbm>> -> memref<10000x16xf32, #tpu.memory_space<hbm>>
    tpu.enqueue_indirect_dma source(%dma_start3A_78 : memref<10000x16xf32, #tpu.memory_space<hbm>>) target(%dma_start3A_72 : memref<100x16xf32, #tpu.memory_space<vmem>>) offsets(%dma_start3A_75 : memref<100xi32, #tpu.memory_space<vmem>>) semaphore(%arg14 : memref<!tpu.dma_semaphore, #tpu.memory_space<semaphore_mem>>)
    %dma_start3A_79 = arith.constant 4 : i32
    %dma_start3A_80 = arith.constant 4 : i32
    %dma_start3A_81 = arith.constant 0 : i32
    %dma_start3A_82 = arith.constant 0 : i32
    %dma_start3A_83 = tpu.memref_slice %arg10[%dma_start3A_80, %dma_start3A_81, %dma_start3A_82] : memref<10x100x16xf32, #tpu.memory_space<vmem>> -> memref<1x100x16xf32, #tpu.memory_space<vmem>>
    %dma_start3A_84 = tpu.memref_squeeze %dma_start3A_83 : memref<1x100x16xf32, #tpu.memory_space<vmem>> -> memref<100x16xf32, #tpu.memory_space<vmem>>
    %dma_start3A_85 = arith.constant 0 : i32
    %dma_start3A_86 = tpu.memref_slice %arg8[%dma_start3A_79, %dma_start3A_85] : memref<100x100xi32, #tpu.memory_space<vmem>> -> memref<1x100xi32, #tpu.memory_space<vmem>>
    %dma_start3A_87 = tpu.memref_squeeze %dma_start3A_86 : memref<1x100xi32, #tpu.memory_space<vmem>> -> memref<100xi32, #tpu.memory_space<vmem>>
    %dma_start3A_88 = arith.constant 0 : i32
    %dma_start3A_89 = arith.constant 0 : i32
    %dma_start3A_90 = tpu.memref_slice %arg2[%dma_start3A_88, %dma_start3A_89] : memref<10000x16xf32, #tpu.memory_space<hbm>> -> memref<10000x16xf32, #tpu.memory_space<hbm>>
    tpu.enqueue_indirect_dma source(%dma_start3A_90 : memref<10000x16xf32, #tpu.memory_space<hbm>>) target(%dma_start3A_84 : memref<100x16xf32, #tpu.memory_space<vmem>>) offsets(%dma_start3A_87 : memref<100xi32, #tpu.memory_space<vmem>>) semaphore(%arg15 : memref<!tpu.dma_semaphore, #tpu.memory_space<semaphore_mem>>)
    %dma_start3A_91 = arith.constant 5 : i32
    %dma_start3A_92 = arith.constant 5 : i32
    %dma_start3A_93 = arith.constant 0 : i32
    %dma_start3A_94 = arith.constant 0 : i32
    %dma_start3A_95 = tpu.memref_slice %arg10[%dma_start3A_92, %dma_start3A_93, %dma_start3A_94] : memref<10x100x16xf32, #tpu.memory_space<vmem>> -> memref<1x100x16xf32, #tpu.memory_space<vmem>>
    %dma_start3A_96 = tpu.memref_squeeze %dma_start3A_95 : memref<1x100x16xf32, #tpu.memory_space<vmem>> -> memref<100x16xf32, #tpu.memory_space<vmem>>
    %dma_start3A_97 = arith.constant 0 : i32
    %dma_start3A_98 = tpu.memref_slice %arg8[%dma_start3A_91, %dma_start3A_97] : memref<100x100xi32, #tpu.memory_space<vmem>> -> memref<1x100xi32, #tpu.memory_space<vmem>>
    %dma_start3A_99 = tpu.memref_squeeze %dma_start3A_98 : memref<1x100xi32, #tpu.memory_space<vmem>> -> memref<100xi32, #tpu.memory_space<vmem>>
    %dma_start3A_100 = arith.constant 0 : i32
    %dma_start3A_101 = arith.constant 0 : i32
    %dma_start3A_102 = tpu.memref_slice %arg2[%dma_start3A_100, %dma_start3A_101] : memref<10000x16xf32, #tpu.memory_space<hbm>> -> memref<10000x16xf32, #tpu.memory_space<hbm>>
    tpu.enqueue_indirect_dma source(%dma_start3A_102 : memref<10000x16xf32, #tpu.memory_space<hbm>>) target(%dma_start3A_96 : memref<100x16xf32, #tpu.memory_space<vmem>>) offsets(%dma_start3A_99 : memref<100xi32, #tpu.memory_space<vmem>>) semaphore(%arg16 : memref<!tpu.dma_semaphore, #tpu.memory_space<semaphore_mem>>)
    %dma_start3A_103 = arith.constant 6 : i32
    %dma_start3A_104 = arith.constant 6 : i32
    %dma_start3A_105 = arith.constant 0 : i32
    %dma_start3A_106 = arith.constant 0 : i32
    %dma_start3A_107 = tpu.memref_slice %arg10[%dma_start3A_104, %dma_start3A_105, %dma_start3A_106] : memref<10x100x16xf32, #tpu.memory_space<vmem>> -> memref<1x100x16xf32, #tpu.memory_space<vmem>>
    %dma_start3A_108 = tpu.memref_squeeze %dma_start3A_107 : memref<1x100x16xf32, #tpu.memory_space<vmem>> -> memref<100x16xf32, #tpu.memory_space<vmem>>
    %dma_start3A_109 = arith.constant 0 : i32
    %dma_start3A_110 = tpu.memref_slice %arg8[%dma_start3A_103, %dma_start3A_109] : memref<100x100xi32, #tpu.memory_space<vmem>> -> memref<1x100xi32, #tpu.memory_space<vmem>>
    %dma_start3A_111 = tpu.memref_squeeze %dma_start3A_110 : memref<1x100xi32, #tpu.memory_space<vmem>> -> memref<100xi32, #tpu.memory_space<vmem>>
    %dma_start3A_112 = arith.constant 0 : i32
    %dma_start3A_113 = arith.constant 0 : i32
    %dma_start3A_114 = tpu.memref_slice %arg2[%dma_start3A_112, %dma_start3A_113] : memref<10000x16xf32, #tpu.memory_space<hbm>> -> memref<10000x16xf32, #tpu.memory_space<hbm>>
    tpu.enqueue_indirect_dma source(%dma_start3A_114 : memref<10000x16xf32, #tpu.memory_space<hbm>>) target(%dma_start3A_108 : memref<100x16xf32, #tpu.memory_space<vmem>>) offsets(%dma_start3A_111 : memref<100xi32, #tpu.memory_space<vmem>>) semaphore(%arg17 : memref<!tpu.dma_semaphore, #tpu.memory_space<semaphore_mem>>)
    %dma_start3A_115 = arith.constant 7 : i32
    %dma_start3A_116 = arith.constant 7 : i32
    %dma_start3A_117 = arith.constant 0 : i32
    %dma_start3A_118 = arith.constant 0 : i32
    %dma_start3A_119 = tpu.memref_slice %arg10[%dma_start3A_116, %dma_start3A_117, %dma_start3A_118] : memref<10x100x16xf32, #tpu.memory_space<vmem>> -> memref<1x100x16xf32, #tpu.memory_space<vmem>>
    %dma_start3A_120 = tpu.memref_squeeze %dma_start3A_119 : memref<1x100x16xf32, #tpu.memory_space<vmem>> -> memref<100x16xf32, #tpu.memory_space<vmem>>
    %dma_start3A_121 = arith.constant 0 : i32
    %dma_start3A_122 = tpu.memref_slice %arg8[%dma_start3A_115, %dma_start3A_121] : memref<100x100xi32, #tpu.memory_space<vmem>> -> memref<1x100xi32, #tpu.memory_space<vmem>>
    %dma_start3A_123 = tpu.memref_squeeze %dma_start3A_122 : memref<1x100xi32, #tpu.memory_space<vmem>> -> memref<100xi32, #tpu.memory_space<vmem>>
    %dma_start3A_124 = arith.constant 0 : i32
    %dma_start3A_125 = arith.constant 0 : i32
    %dma_start3A_126 = tpu.memref_slice %arg2[%dma_start3A_124, %dma_start3A_125] : memref<10000x16xf32, #tpu.memory_space<hbm>> -> memref<10000x16xf32, #tpu.memory_space<hbm>>
    tpu.enqueue_indirect_dma source(%dma_start3A_126 : memref<10000x16xf32, #tpu.memory_space<hbm>>) target(%dma_start3A_120 : memref<100x16xf32, #tpu.memory_space<vmem>>) offsets(%dma_start3A_123 : memref<100xi32, #tpu.memory_space<vmem>>) semaphore(%arg18 : memref<!tpu.dma_semaphore, #tpu.memory_space<semaphore_mem>>)
    %dma_start3A_127 = arith.constant 8 : i32
    %dma_start3A_128 = arith.constant 8 : i32
    %dma_start3A_129 = arith.constant 0 : i32
    %dma_start3A_130 = arith.constant 0 : i32
    %dma_start3A_131 = tpu.memref_slice %arg10[%dma_start3A_128, %dma_start3A_129, %dma_start3A_130] : memref<10x100x16xf32, #tpu.memory_space<vmem>> -> memref<1x100x16xf32, #tpu.memory_space<vmem>>
    %dma_start3A_132 = tpu.memref_squeeze %dma_start3A_131 : memref<1x100x16xf32, #tpu.memory_space<vmem>> -> memref<100x16xf32, #tpu.memory_space<vmem>>
    %dma_start3A_133 = arith.constant 0 : i32
    %dma_start3A_134 = tpu.memref_slice %arg8[%dma_start3A_127, %dma_start3A_133] : memref<100x100xi32, #tpu.memory_space<vmem>> -> memref<1x100xi32, #tpu.memory_space<vmem>>
    %dma_start3A_135 = tpu.memref_squeeze %dma_start3A_134 : memref<1x100xi32, #tpu.memory_space<vmem>> -> memref<100xi32, #tpu.memory_space<vmem>>
    %dma_start3A_136 = arith.constant 0 : i32
    %dma_start3A_137 = arith.constant 0 : i32
    %dma_start3A_138 = tpu.memref_slice %arg2[%dma_start3A_136, %dma_start3A_137] : memref<10000x16xf32, #tpu.memory_space<hbm>> -> memref<10000x16xf32, #tpu.memory_space<hbm>>
    tpu.enqueue_indirect_dma source(%dma_start3A_138 : memref<10000x16xf32, #tpu.memory_space<hbm>>) target(%dma_start3A_132 : memref<100x16xf32, #tpu.memory_space<vmem>>) offsets(%dma_start3A_135 : memref<100xi32, #tpu.memory_space<vmem>>) semaphore(%arg19 : memref<!tpu.dma_semaphore, #tpu.memory_space<semaphore_mem>>)
    %dma_start3A_139 = arith.constant 9 : i32
    %dma_start3A_140 = arith.constant 9 : i32
    %dma_start3A_141 = arith.constant 0 : i32
    %dma_start3A_142 = arith.constant 0 : i32
    %dma_start3A_143 = tpu.memref_slice %arg10[%dma_start3A_140, %dma_start3A_141, %dma_start3A_142] : memref<10x100x16xf32, #tpu.memory_space<vmem>> -> memref<1x100x16xf32, #tpu.memory_space<vmem>>
    %dma_start3A_144 = tpu.memref_squeeze %dma_start3A_143 : memref<1x100x16xf32, #tpu.memory_space<vmem>> -> memref<100x16xf32, #tpu.memory_space<vmem>>
    %dma_start3A_145 = arith.constant 0 : i32
    %dma_start3A_146 = tpu.memref_slice %arg8[%dma_start3A_139, %dma_start3A_145] : memref<100x100xi32, #tpu.memory_space<vmem>> -> memref<1x100xi32, #tpu.memory_space<vmem>>
    %dma_start3A_147 = tpu.memref_squeeze %dma_start3A_146 : memref<1x100xi32, #tpu.memory_space<vmem>> -> memref<100xi32, #tpu.memory_space<vmem>>
    %dma_start3A_148 = arith.constant 0 : i32
    %dma_start3A_149 = arith.constant 0 : i32
    %dma_start3A_150 = tpu.memref_slice %arg2[%dma_start3A_148, %dma_start3A_149] : memref<10000x16xf32, #tpu.memory_space<hbm>> -> memref<10000x16xf32, #tpu.memory_space<hbm>>
    tpu.enqueue_indirect_dma source(%dma_start3A_150 : memref<10000x16xf32, #tpu.memory_space<hbm>>) target(%dma_start3A_144 : memref<100x16xf32, #tpu.memory_space<vmem>>) offsets(%dma_start3A_147 : memref<100xi32, #tpu.memory_space<vmem>>) semaphore(%arg20 : memref<!tpu.dma_semaphore, #tpu.memory_space<semaphore_mem>>)
    %dma_wait3A_151 = arith.constant 0 : i32
    %dma_wait3A_152 = tpu.memref_slice %arg7[%multiple_of3A, %dma_wait3A_151] : memref<10000x16xf32, #tpu.memory_space<vmem_shared>> -> memref<624x16xf32, #tpu.memory_space<vmem_shared>>
    %dma_wait3A_153 = arith.constant 0 : i32
    %dma_wait3A_154 = tpu.memref_slice %arg5[%multiple_of3A, %dma_wait3A_153] : memref<10000x16xf32, #tpu.memory_space<hbm>> -> memref<624x16xf32, #tpu.memory_space<hbm>>
    tpu.wait_dma2 semaphore(%arg31 : memref<!tpu.dma_semaphore, #tpu.memory_space<semaphore_mem>>) src(%dma_wait3A_154 : memref<624x16xf32, #tpu.memory_space<hbm>>) dst(%dma_wait3A_152 : memref<624x16xf32, #tpu.memory_space<vmem_shared>>)
    %eq3A_155 = arith.constant 15 : i32
    %eq3A_156 = arith.cmpi eq, %arg1, %eq3A_155 : i32
    %convert_element_type3A_157 = arith.extui %eq3A_156 : i1 to i32
    %cond3A_158 = arith.constant 0 : i32
    %cond3A_159 = arith.cmpi ne, %convert_element_type3A_157, %cond3A_158 : i32
    scf.if %cond3A_159 {
      %dma_wait3A_183 = arith.constant 9984 : i32
      %dma_wait3A_184 = arith.constant 0 : i32
      %dma_wait3A_185 = tpu.memref_slice %arg7[%dma_wait3A_183, %dma_wait3A_184] : memref<10000x16xf32, #tpu.memory_space<vmem_shared>> -> memref<16x16xf32, #tpu.memory_space<vmem_shared>>
      %dma_wait3A_186 = arith.constant 9984 : i32
      %dma_wait3A_187 = arith.constant 0 : i32
      %dma_wait3A_188 = tpu.memref_slice %arg5[%dma_wait3A_186, %dma_wait3A_187] : memref<10000x16xf32, #tpu.memory_space<hbm>> -> memref<16x16xf32, #tpu.memory_space<hbm>>
      tpu.wait_dma2 semaphore(%arg32 : memref<!tpu.dma_semaphore, #tpu.memory_space<semaphore_mem>>) src(%dma_wait3A_188 : memref<16x16xf32, #tpu.memory_space<hbm>>) dst(%dma_wait3A_185 : memref<16x16xf32, #tpu.memory_space<vmem_shared>>)
    } else {
    }
    %dma_wait3A_160 = arith.constant 0 : i32
    %dma_wait3A_161 = arith.constant 0 : i32
    %dma_wait3A_162 = tpu.memref_slice %arg4[%add3A, %dma_wait3A_160, %dma_wait3A_161] : memref<32x100x100xi32, #tpu.memory_space<hbm>> -> memref<1x100x100xi32, #tpu.memory_space<hbm>>
    %dma_wait3A_163 = tpu.memref_squeeze %dma_wait3A_162 : memref<1x100x100xi32, #tpu.memory_space<hbm>> -> memref<100x100xi32, #tpu.memory_space<hbm>>
    %dma_wait3A_164 = arith.constant 0 : i32
    %dma_wait3A_165 = arith.constant 0 : i32
    %dma_wait3A_166 = tpu.memref_slice %arg4[%add3A, %dma_wait3A_164, %dma_wait3A_165] : memref<32x100x100xi32, #tpu.memory_space<hbm>> -> memref<1x100x100xi32, #tpu.memory_space<hbm>>
    %dma_wait3A_167 = tpu.memref_squeeze %dma_wait3A_166 : memref<1x100x100xi32, #tpu.memory_space<hbm>> -> memref<100x100xi32, #tpu.memory_space<hbm>>
    tpu.wait_dma2 semaphore(%arg34 : memref<!tpu.dma_semaphore, #tpu.memory_space<semaphore_mem>>) src(%dma_wait3A_167 : memref<100x100xi32, #tpu.memory_space<hbm>>) dst(%arg9 : memref<100x100xi32, #tpu.memory_space<vmem>>)
    %barrier3A = arith.constant 0 : index
    tpu.barrier barrier_id(%barrier3A)
    %scan3A = arith.constant 0 : i32
    %scan3A_168 = arith.constant 0 : i32
    %scan3A_169 = arith.constant 10 : i32
    %scan3A_170 = arith.addi %scan3A_168, %scan3A_169 : i32
    %scan3A_171 = arith.constant 1 : i32
    %scan3A_172 = scf.for %scan3A_183 = %scan3A_168 to %scan3A_170 step %scan3A_171 iter_args(%scan3A_184 = %scan3A) -> (i32)  : i32 {
      %mul3A_185 = arith.constant 10 : i32
      %mul3A_186 = arith.muli %scan3A_183, %mul3A_185 : i32
      %add3A_187 = arith.constant 0 : i32
      %add3A_188 = arith.addi %mul3A_186, %add3A_187 : i32
      %dma_wait3A_189 = arith.constant 0 : i32
      %dma_wait3A_190 = arith.constant 0 : i32
      %dma_wait3A_191 = arith.constant 0 : i32
      %dma_wait3A_192 = tpu.memref_slice %arg10[%dma_wait3A_189, %dma_wait3A_190, %dma_wait3A_191] : memref<10x100x16xf32, #tpu.memory_space<vmem>> -> memref<1x100x16xf32, #tpu.memory_space<vmem>>
      %dma_wait3A_193 = tpu.memref_squeeze %dma_wait3A_192 : memref<1x100x16xf32, #tpu.memory_space<vmem>> -> memref<100x16xf32, #tpu.memory_space<vmem>>
      %dma_wait3A_194 = arith.constant 0 : i32
      %dma_wait3A_195 = tpu.memref_slice %arg8[%add3A_188, %dma_wait3A_194] : memref<100x100xi32, #tpu.memory_space<vmem>> -> memref<1x100xi32, #tpu.memory_space<vmem>>
      %dma_wait3A_196 = tpu.memref_squeeze %dma_wait3A_195 : memref<1x100xi32, #tpu.memory_space<vmem>> -> memref<100xi32, #tpu.memory_space<vmem>>
      %dma_wait3A_197 = arith.constant 0 : i32
      %dma_wait3A_198 = arith.constant 0 : i32
      %dma_wait3A_199 = tpu.memref_slice %arg2[%dma_wait3A_197, %dma_wait3A_198] : memref<10000x16xf32, #tpu.memory_space<hbm>> -> memref<10000x16xf32, #tpu.memory_space<hbm>>
      tpu.wait_indirect_dma semaphore(%arg11 : memref<!tpu.dma_semaphore, #tpu.memory_space<semaphore_mem>>) src(%dma_wait3A_199 : memref<10000x16xf32, #tpu.memory_space<hbm>>) dst(%dma_wait3A_193 : memref<100x16xf32, #tpu.memory_space<vmem>>)
      %dma_start3A_200 = arith.constant 0 : i32
      %dma_start3A_201 = arith.constant 0 : i32
      %dma_start3A_202 = arith.constant 0 : i32
      %dma_start3A_203 = tpu.memref_slice %arg10[%dma_start3A_200, %dma_start3A_201, %dma_start3A_202] : memref<10x100x16xf32, #tpu.memory_space<vmem>> -> memref<1x100x16xf32, #tpu.memory_space<vmem>>
      %dma_start3A_204 = tpu.memref_squeeze %dma_start3A_203 : memref<1x100x16xf32, #tpu.memory_space<vmem>> -> memref<100x16xf32, #tpu.memory_space<vmem>>
      %dma_start3A_205 = arith.constant 0 : i32
      %dma_start3A_206 = tpu.memref_slice %arg9[%add3A_188, %dma_start3A_205] : memref<100x100xi32, #tpu.memory_space<vmem>> -> memref<1x100xi32, #tpu.memory_space<vmem>>
      %dma_start3A_207 = tpu.memref_squeeze %dma_start3A_206 : memref<1x100xi32, #tpu.memory_space<vmem>> -> memref<100xi32, #tpu.memory_space<vmem>>
      %dma_start3A_208 = arith.constant 0 : i32
      %dma_start3A_209 = arith.constant 0 : i32
      %dma_start3A_210 = tpu.memref_slice %arg7[%dma_start3A_208, %dma_start3A_209] : memref<10000x16xf32, #tpu.memory_space<vmem_shared>> -> memref<10000x16xf32, #tpu.memory_space<vmem_shared>>
      tpu.enqueue_indirect_dma source(%dma_start3A_204 : memref<100x16xf32, #tpu.memory_space<vmem>>) target(%dma_start3A_210 : memref<10000x16xf32, #tpu.memory_space<vmem_shared>>) offsets(%dma_start3A_207 : memref<100xi32, #tpu.memory_space<vmem>>) semaphore(%arg21 : memref<!tpu.dma_semaphore, #tpu.memory_space<semaphore_mem>>) {add = true}
      %mul3A_211 = arith.constant 10 : i32
      %mul3A_212 = arith.muli %scan3A_183, %mul3A_211 : i32
      %add3A_213 = arith.constant 1 : i32
      %add3A_214 = arith.addi %mul3A_212, %add3A_213 : i32
      %dma_wait3A_215 = arith.constant 1 : i32
      %dma_wait3A_216 = arith.constant 0 : i32
      %dma_wait3A_217 = arith.constant 0 : i32
      %dma_wait3A_218 = tpu.memref_slice %arg10[%dma_wait3A_215, %dma_wait3A_216, %dma_wait3A_217] : memref<10x100x16xf32, #tpu.memory_space<vmem>> -> memref<1x100x16xf32, #tpu.memory_space<vmem>>
      %dma_wait3A_219 = tpu.memref_squeeze %dma_wait3A_218 : memref<1x100x16xf32, #tpu.memory_space<vmem>> -> memref<100x16xf32, #tpu.memory_space<vmem>>
      %dma_wait3A_220 = arith.constant 0 : i32
      %dma_wait3A_221 = tpu.memref_slice %arg8[%add3A_214, %dma_wait3A_220] : memref<100x100xi32, #tpu.memory_space<vmem>> -> memref<1x100xi32, #tpu.memory_space<vmem>>
      %dma_wait3A_222 = tpu.memref_squeeze %dma_wait3A_221 : memref<1x100xi32, #tpu.memory_space<vmem>> -> memref<100xi32, #tpu.memory_space<vmem>>
      %dma_wait3A_223 = arith.constant 0 : i32
      %dma_wait3A_224 = arith.constant 0 : i32
      %dma_wait3A_225 = tpu.memref_slice %arg2[%dma_wait3A_223, %dma_wait3A_224] : memref<10000x16xf32, #tpu.memory_space<hbm>> -> memref<10000x16xf32, #tpu.memory_space<hbm>>
      tpu.wait_indirect_dma semaphore(%arg12 : memref<!tpu.dma_semaphore, #tpu.memory_space<semaphore_mem>>) src(%dma_wait3A_225 : memref<10000x16xf32, #tpu.memory_space<hbm>>) dst(%dma_wait3A_219 : memref<100x16xf32, #tpu.memory_space<vmem>>)
      %dma_start3A_226 = arith.constant 1 : i32
      %dma_start3A_227 = arith.constant 0 : i32
      %dma_start3A_228 = arith.constant 0 : i32
      %dma_start3A_229 = tpu.memref_slice %arg10[%dma_start3A_226, %dma_start3A_227, %dma_start3A_228] : memref<10x100x16xf32, #tpu.memory_space<vmem>> -> memref<1x100x16xf32, #tpu.memory_space<vmem>>
      %dma_start3A_230 = tpu.memref_squeeze %dma_start3A_229 : memref<1x100x16xf32, #tpu.memory_space<vmem>> -> memref<100x16xf32, #tpu.memory_space<vmem>>
      %dma_start3A_231 = arith.constant 0 : i32
      %dma_start3A_232 = tpu.memref_slice %arg9[%add3A_214, %dma_start3A_231] : memref<100x100xi32, #tpu.memory_space<vmem>> -> memref<1x100xi32, #tpu.memory_space<vmem>>
      %dma_start3A_233 = tpu.memref_squeeze %dma_start3A_232 : memref<1x100xi32, #tpu.memory_space<vmem>> -> memref<100xi32, #tpu.memory_space<vmem>>
      %dma_start3A_234 = arith.constant 0 : i32
      %dma_start3A_235 = arith.constant 0 : i32
      %dma_start3A_236 = tpu.memref_slice %arg7[%dma_start3A_234, %dma_start3A_235] : memref<10000x16xf32, #tpu.memory_space<vmem_shared>> -> memref<10000x16xf32, #tpu.memory_space<vmem_shared>>
      tpu.enqueue_indirect_dma source(%dma_start3A_230 : memref<100x16xf32, #tpu.memory_space<vmem>>) target(%dma_start3A_236 : memref<10000x16xf32, #tpu.memory_space<vmem_shared>>) offsets(%dma_start3A_233 : memref<100xi32, #tpu.memory_space<vmem>>) semaphore(%arg22 : memref<!tpu.dma_semaphore, #tpu.memory_space<semaphore_mem>>) {add = true}
      %mul3A_237 = arith.constant 10 : i32
      %mul3A_238 = arith.muli %scan3A_183, %mul3A_237 : i32
      %add3A_239 = arith.constant 2 : i32
      %add3A_240 = arith.addi %mul3A_238, %add3A_239 : i32
      %dma_wait3A_241 = arith.constant 2 : i32
      %dma_wait3A_242 = arith.constant 0 : i32
      %dma_wait3A_243 = arith.constant 0 : i32
      %dma_wait3A_244 = tpu.memref_slice %arg10[%dma_wait3A_241, %dma_wait3A_242, %dma_wait3A_243] : memref<10x100x16xf32, #tpu.memory_space<vmem>> -> memref<1x100x16xf32, #tpu.memory_space<vmem>>
      %dma_wait3A_245 = tpu.memref_squeeze %dma_wait3A_244 : memref<1x100x16xf32, #tpu.memory_space<vmem>> -> memref<100x16xf32, #tpu.memory_space<vmem>>
      %dma_wait3A_246 = arith.constant 0 : i32
      %dma_wait3A_247 = tpu.memref_slice %arg8[%add3A_240, %dma_wait3A_246] : memref<100x100xi32, #tpu.memory_space<vmem>> -> memref<1x100xi32, #tpu.memory_space<vmem>>
      %dma_wait3A_248 = tpu.memref_squeeze %dma_wait3A_247 : memref<1x100xi32, #tpu.memory_space<vmem>> -> memref<100xi32, #tpu.memory_space<vmem>>
      %dma_wait3A_249 = arith.constant 0 : i32
      %dma_wait3A_250 = arith.constant 0 : i32
      %dma_wait3A_251 = tpu.memref_slice %arg2[%dma_wait3A_249, %dma_wait3A_250] : memref<10000x16xf32, #tpu.memory_space<hbm>> -> memref<10000x16xf32, #tpu.memory_space<hbm>>
      tpu.wait_indirect_dma semaphore(%arg13 : memref<!tpu.dma_semaphore, #tpu.memory_space<semaphore_mem>>) src(%dma_wait3A_251 : memref<10000x16xf32, #tpu.memory_space<hbm>>) dst(%dma_wait3A_245 : memref<100x16xf32, #tpu.memory_space<vmem>>)
      %dma_start3A_252 = arith.constant 2 : i32
      %dma_start3A_253 = arith.constant 0 : i32
      %dma_start3A_254 = arith.constant 0 : i32
      %dma_start3A_255 = tpu.memref_slice %arg10[%dma_start3A_252, %dma_start3A_253, %dma_start3A_254] : memref<10x100x16xf32, #tpu.memory_space<vmem>> -> memref<1x100x16xf32, #tpu.memory_space<vmem>>
      %dma_start3A_256 = tpu.memref_squeeze %dma_start3A_255 : memref<1x100x16xf32, #tpu.memory_space<vmem>> -> memref<100x16xf32, #tpu.memory_space<vmem>>
      %dma_start3A_257 = arith.constant 0 : i32
      %dma_start3A_258 = tpu.memref_slice %arg9[%add3A_240, %dma_start3A_257] : memref<100x100xi32, #tpu.memory_space<vmem>> -> memref<1x100xi32, #tpu.memory_space<vmem>>
      %dma_start3A_259 = tpu.memref_squeeze %dma_start3A_258 : memref<1x100xi32, #tpu.memory_space<vmem>> -> memref<100xi32, #tpu.memory_space<vmem>>
      %dma_start3A_260 = arith.constant 0 : i32
      %dma_start3A_261 = arith.constant 0 : i32
      %dma_start3A_262 = tpu.memref_slice %arg7[%dma_start3A_260, %dma_start3A_261] : memref<10000x16xf32, #tpu.memory_space<vmem_shared>> -> memref<10000x16xf32, #tpu.memory_space<vmem_shared>>
      tpu.enqueue_indirect_dma source(%dma_start3A_256 : memref<100x16xf32, #tpu.memory_space<vmem>>) target(%dma_start3A_262 : memref<10000x16xf32, #tpu.memory_space<vmem_shared>>) offsets(%dma_start3A_259 : memref<100xi32, #tpu.memory_space<vmem>>) semaphore(%arg23 : memref<!tpu.dma_semaphore, #tpu.memory_space<semaphore_mem>>) {add = true}
      %mul3A_263 = arith.constant 10 : i32
      %mul3A_264 = arith.muli %scan3A_183, %mul3A_263 : i32
      %add3A_265 = arith.constant 3 : i32
      %add3A_266 = arith.addi %mul3A_264, %add3A_265 : i32
      %dma_wait3A_267 = arith.constant 3 : i32
      %dma_wait3A_268 = arith.constant 0 : i32
      %dma_wait3A_269 = arith.constant 0 : i32
      %dma_wait3A_270 = tpu.memref_slice %arg10[%dma_wait3A_267, %dma_wait3A_268, %dma_wait3A_269] : memref<10x100x16xf32, #tpu.memory_space<vmem>> -> memref<1x100x16xf32, #tpu.memory_space<vmem>>
      %dma_wait3A_271 = tpu.memref_squeeze %dma_wait3A_270 : memref<1x100x16xf32, #tpu.memory_space<vmem>> -> memref<100x16xf32, #tpu.memory_space<vmem>>
      %dma_wait3A_272 = arith.constant 0 : i32
      %dma_wait3A_273 = tpu.memref_slice %arg8[%add3A_266, %dma_wait3A_272] : memref<100x100xi32, #tpu.memory_space<vmem>> -> memref<1x100xi32, #tpu.memory_space<vmem>>
      %dma_wait3A_274 = tpu.memref_squeeze %dma_wait3A_273 : memref<1x100xi32, #tpu.memory_space<vmem>> -> memref<100xi32, #tpu.memory_space<vmem>>
      %dma_wait3A_275 = arith.constant 0 : i32
      %dma_wait3A_276 = arith.constant 0 : i32
      %dma_wait3A_277 = tpu.memref_slice %arg2[%dma_wait3A_275, %dma_wait3A_276] : memref<10000x16xf32, #tpu.memory_space<hbm>> -> memref<10000x16xf32, #tpu.memory_space<hbm>>
      tpu.wait_indirect_dma semaphore(%arg14 : memref<!tpu.dma_semaphore, #tpu.memory_space<semaphore_mem>>) src(%dma_wait3A_277 : memref<10000x16xf32, #tpu.memory_space<hbm>>) dst(%dma_wait3A_271 : memref<100x16xf32, #tpu.memory_space<vmem>>)
      %dma_start3A_278 = arith.constant 3 : i32
      %dma_start3A_279 = arith.constant 0 : i32
      %dma_start3A_280 = arith.constant 0 : i32
      %dma_start3A_281 = tpu.memref_slice %arg10[%dma_start3A_278, %dma_start3A_279, %dma_start3A_280] : memref<10x100x16xf32, #tpu.memory_space<vmem>> -> memref<1x100x16xf32, #tpu.memory_space<vmem>>
      %dma_start3A_282 = tpu.memref_squeeze %dma_start3A_281 : memref<1x100x16xf32, #tpu.memory_space<vmem>> -> memref<100x16xf32, #tpu.memory_space<vmem>>
      %dma_start3A_283 = arith.constant 0 : i32
      %dma_start3A_284 = tpu.memref_slice %arg9[%add3A_266, %dma_start3A_283] : memref<100x100xi32, #tpu.memory_space<vmem>> -> memref<1x100xi32, #tpu.memory_space<vmem>>
      %dma_start3A_285 = tpu.memref_squeeze %dma_start3A_284 : memref<1x100xi32, #tpu.memory_space<vmem>> -> memref<100xi32, #tpu.memory_space<vmem>>
      %dma_start3A_286 = arith.constant 0 : i32
      %dma_start3A_287 = arith.constant 0 : i32
      %dma_start3A_288 = tpu.memref_slice %arg7[%dma_start3A_286, %dma_start3A_287] : memref<10000x16xf32, #tpu.memory_space<vmem_shared>> -> memref<10000x16xf32, #tpu.memory_space<vmem_shared>>
      tpu.enqueue_indirect_dma source(%dma_start3A_282 : memref<100x16xf32, #tpu.memory_space<vmem>>) target(%dma_start3A_288 : memref<10000x16xf32, #tpu.memory_space<vmem_shared>>) offsets(%dma_start3A_285 : memref<100xi32, #tpu.memory_space<vmem>>) semaphore(%arg24 : memref<!tpu.dma_semaphore, #tpu.memory_space<semaphore_mem>>) {add = true}
      %mul3A_289 = arith.constant 10 : i32
      %mul3A_290 = arith.muli %scan3A_183, %mul3A_289 : i32
      %add3A_291 = arith.constant 4 : i32
      %add3A_292 = arith.addi %mul3A_290, %add3A_291 : i32
      %dma_wait3A_293 = arith.constant 4 : i32
      %dma_wait3A_294 = arith.constant 0 : i32
      %dma_wait3A_295 = arith.constant 0 : i32
      %dma_wait3A_296 = tpu.memref_slice %arg10[%dma_wait3A_293, %dma_wait3A_294, %dma_wait3A_295] : memref<10x100x16xf32, #tpu.memory_space<vmem>> -> memref<1x100x16xf32, #tpu.memory_space<vmem>>
      %dma_wait3A_297 = tpu.memref_squeeze %dma_wait3A_296 : memref<1x100x16xf32, #tpu.memory_space<vmem>> -> memref<100x16xf32, #tpu.memory_space<vmem>>
      %dma_wait3A_298 = arith.constant 0 : i32
      %dma_wait3A_299 = tpu.memref_slice %arg8[%add3A_292, %dma_wait3A_298] : memref<100x100xi32, #tpu.memory_space<vmem>> -> memref<1x100xi32, #tpu.memory_space<vmem>>
      %dma_wait3A_300 = tpu.memref_squeeze %dma_wait3A_299 : memref<1x100xi32, #tpu.memory_space<vmem>> -> memref<100xi32, #tpu.memory_space<vmem>>
      %dma_wait3A_301 = arith.constant 0 : i32
      %dma_wait3A_302 = arith.constant 0 : i32
      %dma_wait3A_303 = tpu.memref_slice %arg2[%dma_wait3A_301, %dma_wait3A_302] : memref<10000x16xf32, #tpu.memory_space<hbm>> -> memref<10000x16xf32, #tpu.memory_space<hbm>>
      tpu.wait_indirect_dma semaphore(%arg15 : memref<!tpu.dma_semaphore, #tpu.memory_space<semaphore_mem>>) src(%dma_wait3A_303 : memref<10000x16xf32, #tpu.memory_space<hbm>>) dst(%dma_wait3A_297 : memref<100x16xf32, #tpu.memory_space<vmem>>)
      %dma_start3A_304 = arith.constant 4 : i32
      %dma_start3A_305 = arith.constant 0 : i32
      %dma_start3A_306 = arith.constant 0 : i32
      %dma_start3A_307 = tpu.memref_slice %arg10[%dma_start3A_304, %dma_start3A_305, %dma_start3A_306] : memref<10x100x16xf32, #tpu.memory_space<vmem>> -> memref<1x100x16xf32, #tpu.memory_space<vmem>>
      %dma_start3A_308 = tpu.memref_squeeze %dma_start3A_307 : memref<1x100x16xf32, #tpu.memory_space<vmem>> -> memref<100x16xf32, #tpu.memory_space<vmem>>
      %dma_start3A_309 = arith.constant 0 : i32
      %dma_start3A_310 = tpu.memref_slice %arg9[%add3A_292, %dma_start3A_309] : memref<100x100xi32, #tpu.memory_space<vmem>> -> memref<1x100xi32, #tpu.memory_space<vmem>>
      %dma_start3A_311 = tpu.memref_squeeze %dma_start3A_310 : memref<1x100xi32, #tpu.memory_space<vmem>> -> memref<100xi32, #tpu.memory_space<vmem>>
      %dma_start3A_312 = arith.constant 0 : i32
      %dma_start3A_313 = arith.constant 0 : i32
      %dma_start3A_314 = tpu.memref_slice %arg7[%dma_start3A_312, %dma_start3A_313] : memref<10000x16xf32, #tpu.memory_space<vmem_shared>> -> memref<10000x16xf32, #tpu.memory_space<vmem_shared>>
      tpu.enqueue_indirect_dma source(%dma_start3A_308 : memref<100x16xf32, #tpu.memory_space<vmem>>) target(%dma_start3A_314 : memref<10000x16xf32, #tpu.memory_space<vmem_shared>>) offsets(%dma_start3A_311 : memref<100xi32, #tpu.memory_space<vmem>>) semaphore(%arg25 : memref<!tpu.dma_semaphore, #tpu.memory_space<semaphore_mem>>) {add = true}
      %mul3A_315 = arith.constant 10 : i32
      %mul3A_316 = arith.muli %scan3A_183, %mul3A_315 : i32
      %add3A_317 = arith.constant 5 : i32
      %add3A_318 = arith.addi %mul3A_316, %add3A_317 : i32
      %dma_wait3A_319 = arith.constant 5 : i32
      %dma_wait3A_320 = arith.constant 0 : i32
      %dma_wait3A_321 = arith.constant 0 : i32
      %dma_wait3A_322 = tpu.memref_slice %arg10[%dma_wait3A_319, %dma_wait3A_320, %dma_wait3A_321] : memref<10x100x16xf32, #tpu.memory_space<vmem>> -> memref<1x100x16xf32, #tpu.memory_space<vmem>>
      %dma_wait3A_323 = tpu.memref_squeeze %dma_wait3A_322 : memref<1x100x16xf32, #tpu.memory_space<vmem>> -> memref<100x16xf32, #tpu.memory_space<vmem>>
      %dma_wait3A_324 = arith.constant 0 : i32
      %dma_wait3A_325 = tpu.memref_slice %arg8[%add3A_318, %dma_wait3A_324] : memref<100x100xi32, #tpu.memory_space<vmem>> -> memref<1x100xi32, #tpu.memory_space<vmem>>
      %dma_wait3A_326 = tpu.memref_squeeze %dma_wait3A_325 : memref<1x100xi32, #tpu.memory_space<vmem>> -> memref<100xi32, #tpu.memory_space<vmem>>
      %dma_wait3A_327 = arith.constant 0 : i32
      %dma_wait3A_328 = arith.constant 0 : i32
      %dma_wait3A_329 = tpu.memref_slice %arg2[%dma_wait3A_327, %dma_wait3A_328] : memref<10000x16xf32, #tpu.memory_space<hbm>> -> memref<10000x16xf32, #tpu.memory_space<hbm>>
      tpu.wait_indirect_dma semaphore(%arg16 : memref<!tpu.dma_semaphore, #tpu.memory_space<semaphore_mem>>) src(%dma_wait3A_329 : memref<10000x16xf32, #tpu.memory_space<hbm>>) dst(%dma_wait3A_323 : memref<100x16xf32, #tpu.memory_space<vmem>>)
      %dma_start3A_330 = arith.constant 5 : i32
      %dma_start3A_331 = arith.constant 0 : i32
      %dma_start3A_332 = arith.constant 0 : i32
      %dma_start3A_333 = tpu.memref_slice %arg10[%dma_start3A_330, %dma_start3A_331, %dma_start3A_332] : memref<10x100x16xf32, #tpu.memory_space<vmem>> -> memref<1x100x16xf32, #tpu.memory_space<vmem>>
      %dma_start3A_334 = tpu.memref_squeeze %dma_start3A_333 : memref<1x100x16xf32, #tpu.memory_space<vmem>> -> memref<100x16xf32, #tpu.memory_space<vmem>>
      %dma_start3A_335 = arith.constant 0 : i32
      %dma_start3A_336 = tpu.memref_slice %arg9[%add3A_318, %dma_start3A_335] : memref<100x100xi32, #tpu.memory_space<vmem>> -> memref<1x100xi32, #tpu.memory_space<vmem>>
      %dma_start3A_337 = tpu.memref_squeeze %dma_start3A_336 : memref<1x100xi32, #tpu.memory_space<vmem>> -> memref<100xi32, #tpu.memory_space<vmem>>
      %dma_start3A_338 = arith.constant 0 : i32
      %dma_start3A_339 = arith.constant 0 : i32
      %dma_start3A_340 = tpu.memref_slice %arg7[%dma_start3A_338, %dma_start3A_339] : memref<10000x16xf32, #tpu.memory_space<vmem_shared>> -> memref<10000x16xf32, #tpu.memory_space<vmem_shared>>
      tpu.enqueue_indirect_dma source(%dma_start3A_334 : memref<100x16xf32, #tpu.memory_space<vmem>>) target(%dma_start3A_340 : memref<10000x16xf32, #tpu.memory_space<vmem_shared>>) offsets(%dma_start3A_337 : memref<100xi32, #tpu.memory_space<vmem>>) semaphore(%arg26 : memref<!tpu.dma_semaphore, #tpu.memory_space<semaphore_mem>>) {add = true}
      %mul3A_341 = arith.constant 10 : i32
      %mul3A_342 = arith.muli %scan3A_183, %mul3A_341 : i32
      %add3A_343 = arith.constant 6 : i32
      %add3A_344 = arith.addi %mul3A_342, %add3A_343 : i32
      %dma_wait3A_345 = arith.constant 6 : i32
      %dma_wait3A_346 = arith.constant 0 : i32
      %dma_wait3A_347 = arith.constant 0 : i32
      %dma_wait3A_348 = tpu.memref_slice %arg10[%dma_wait3A_345, %dma_wait3A_346, %dma_wait3A_347] : memref<10x100x16xf32, #tpu.memory_space<vmem>> -> memref<1x100x16xf32, #tpu.memory_space<vmem>>
      %dma_wait3A_349 = tpu.memref_squeeze %dma_wait3A_348 : memref<1x100x16xf32, #tpu.memory_space<vmem>> -> memref<100x16xf32, #tpu.memory_space<vmem>>
      %dma_wait3A_350 = arith.constant 0 : i32
      %dma_wait3A_351 = tpu.memref_slice %arg8[%add3A_344, %dma_wait3A_350] : memref<100x100xi32, #tpu.memory_space<vmem>> -> memref<1x100xi32, #tpu.memory_space<vmem>>
      %dma_wait3A_352 = tpu.memref_squeeze %dma_wait3A_351 : memref<1x100xi32, #tpu.memory_space<vmem>> -> memref<100xi32, #tpu.memory_space<vmem>>
      %dma_wait3A_353 = arith.constant 0 : i32
      %dma_wait3A_354 = arith.constant 0 : i32
      %dma_wait3A_355 = tpu.memref_slice %arg2[%dma_wait3A_353, %dma_wait3A_354] : memref<10000x16xf32, #tpu.memory_space<hbm>> -> memref<10000x16xf32, #tpu.memory_space<hbm>>
      tpu.wait_indirect_dma semaphore(%arg17 : memref<!tpu.dma_semaphore, #tpu.memory_space<semaphore_mem>>) src(%dma_wait3A_355 : memref<10000x16xf32, #tpu.memory_space<hbm>>) dst(%dma_wait3A_349 : memref<100x16xf32, #tpu.memory_space<vmem>>)
      %dma_start3A_356 = arith.constant 6 : i32
      %dma_start3A_357 = arith.constant 0 : i32
      %dma_start3A_358 = arith.constant 0 : i32
      %dma_start3A_359 = tpu.memref_slice %arg10[%dma_start3A_356, %dma_start3A_357, %dma_start3A_358] : memref<10x100x16xf32, #tpu.memory_space<vmem>> -> memref<1x100x16xf32, #tpu.memory_space<vmem>>
      %dma_start3A_360 = tpu.memref_squeeze %dma_start3A_359 : memref<1x100x16xf32, #tpu.memory_space<vmem>> -> memref<100x16xf32, #tpu.memory_space<vmem>>
      %dma_start3A_361 = arith.constant 0 : i32
      %dma_start3A_362 = tpu.memref_slice %arg9[%add3A_344, %dma_start3A_361] : memref<100x100xi32, #tpu.memory_space<vmem>> -> memref<1x100xi32, #tpu.memory_space<vmem>>
      %dma_start3A_363 = tpu.memref_squeeze %dma_start3A_362 : memref<1x100xi32, #tpu.memory_space<vmem>> -> memref<100xi32, #tpu.memory_space<vmem>>
      %dma_start3A_364 = arith.constant 0 : i32
      %dma_start3A_365 = arith.constant 0 : i32
      %dma_start3A_366 = tpu.memref_slice %arg7[%dma_start3A_364, %dma_start3A_365] : memref<10000x16xf32, #tpu.memory_space<vmem_shared>> -> memref<10000x16xf32, #tpu.memory_space<vmem_shared>>
      tpu.enqueue_indirect_dma source(%dma_start3A_360 : memref<100x16xf32, #tpu.memory_space<vmem>>) target(%dma_start3A_366 : memref<10000x16xf32, #tpu.memory_space<vmem_shared>>) offsets(%dma_start3A_363 : memref<100xi32, #tpu.memory_space<vmem>>) semaphore(%arg27 : memref<!tpu.dma_semaphore, #tpu.memory_space<semaphore_mem>>) {add = true}
      %mul3A_367 = arith.constant 10 : i32
      %mul3A_368 = arith.muli %scan3A_183, %mul3A_367 : i32
      %add3A_369 = arith.constant 7 : i32
      %add3A_370 = arith.addi %mul3A_368, %add3A_369 : i32
      %dma_wait3A_371 = arith.constant 7 : i32
      %dma_wait3A_372 = arith.constant 0 : i32
      %dma_wait3A_373 = arith.constant 0 : i32
      %dma_wait3A_374 = tpu.memref_slice %arg10[%dma_wait3A_371, %dma_wait3A_372, %dma_wait3A_373] : memref<10x100x16xf32, #tpu.memory_space<vmem>> -> memref<1x100x16xf32, #tpu.memory_space<vmem>>
      %dma_wait3A_375 = tpu.memref_squeeze %dma_wait3A_374 : memref<1x100x16xf32, #tpu.memory_space<vmem>> -> memref<100x16xf32, #tpu.memory_space<vmem>>
      %dma_wait3A_376 = arith.constant 0 : i32
      %dma_wait3A_377 = tpu.memref_slice %arg8[%add3A_370, %dma_wait3A_376] : memref<100x100xi32, #tpu.memory_space<vmem>> -> memref<1x100xi32, #tpu.memory_space<vmem>>
      %dma_wait3A_378 = tpu.memref_squeeze %dma_wait3A_377 : memref<1x100xi32, #tpu.memory_space<vmem>> -> memref<100xi32, #tpu.memory_space<vmem>>
      %dma_wait3A_379 = arith.constant 0 : i32
      %dma_wait3A_380 = arith.constant 0 : i32
      %dma_wait3A_381 = tpu.memref_slice %arg2[%dma_wait3A_379, %dma_wait3A_380] : memref<10000x16xf32, #tpu.memory_space<hbm>> -> memref<10000x16xf32, #tpu.memory_space<hbm>>
      tpu.wait_indirect_dma semaphore(%arg18 : memref<!tpu.dma_semaphore, #tpu.memory_space<semaphore_mem>>) src(%dma_wait3A_381 : memref<10000x16xf32, #tpu.memory_space<hbm>>) dst(%dma_wait3A_375 : memref<100x16xf32, #tpu.memory_space<vmem>>)
      %dma_start3A_382 = arith.constant 7 : i32
      %dma_start3A_383 = arith.constant 0 : i32
      %dma_start3A_384 = arith.constant 0 : i32
      %dma_start3A_385 = tpu.memref_slice %arg10[%dma_start3A_382, %dma_start3A_383, %dma_start3A_384] : memref<10x100x16xf32, #tpu.memory_space<vmem>> -> memref<1x100x16xf32, #tpu.memory_space<vmem>>
      %dma_start3A_386 = tpu.memref_squeeze %dma_start3A_385 : memref<1x100x16xf32, #tpu.memory_space<vmem>> -> memref<100x16xf32, #tpu.memory_space<vmem>>
      %dma_start3A_387 = arith.constant 0 : i32
      %dma_start3A_388 = tpu.memref_slice %arg9[%add3A_370, %dma_start3A_387] : memref<100x100xi32, #tpu.memory_space<vmem>> -> memref<1x100xi32, #tpu.memory_space<vmem>>
      %dma_start3A_389 = tpu.memref_squeeze %dma_start3A_388 : memref<1x100xi32, #tpu.memory_space<vmem>> -> memref<100xi32, #tpu.memory_space<vmem>>
      %dma_start3A_390 = arith.constant 0 : i32
      %dma_start3A_391 = arith.constant 0 : i32
      %dma_start3A_392 = tpu.memref_slice %arg7[%dma_start3A_390, %dma_start3A_391] : memref<10000x16xf32, #tpu.memory_space<vmem_shared>> -> memref<10000x16xf32, #tpu.memory_space<vmem_shared>>
      tpu.enqueue_indirect_dma source(%dma_start3A_386 : memref<100x16xf32, #tpu.memory_space<vmem>>) target(%dma_start3A_392 : memref<10000x16xf32, #tpu.memory_space<vmem_shared>>) offsets(%dma_start3A_389 : memref<100xi32, #tpu.memory_space<vmem>>) semaphore(%arg28 : memref<!tpu.dma_semaphore, #tpu.memory_space<semaphore_mem>>) {add = true}
      %mul3A_393 = arith.constant 10 : i32
      %mul3A_394 = arith.muli %scan3A_183, %mul3A_393 : i32
      %add3A_395 = arith.constant 8 : i32
      %add3A_396 = arith.addi %mul3A_394, %add3A_395 : i32
      %dma_wait3A_397 = arith.constant 8 : i32
      %dma_wait3A_398 = arith.constant 0 : i32
      %dma_wait3A_399 = arith.constant 0 : i32
      %dma_wait3A_400 = tpu.memref_slice %arg10[%dma_wait3A_397, %dma_wait3A_398, %dma_wait3A_399] : memref<10x100x16xf32, #tpu.memory_space<vmem>> -> memref<1x100x16xf32, #tpu.memory_space<vmem>>
      %dma_wait3A_401 = tpu.memref_squeeze %dma_wait3A_400 : memref<1x100x16xf32, #tpu.memory_space<vmem>> -> memref<100x16xf32, #tpu.memory_space<vmem>>
      %dma_wait3A_402 = arith.constant 0 : i32
      %dma_wait3A_403 = tpu.memref_slice %arg8[%add3A_396, %dma_wait3A_402] : memref<100x100xi32, #tpu.memory_space<vmem>> -> memref<1x100xi32, #tpu.memory_space<vmem>>
      %dma_wait3A_404 = tpu.memref_squeeze %dma_wait3A_403 : memref<1x100xi32, #tpu.memory_space<vmem>> -> memref<100xi32, #tpu.memory_space<vmem>>
      %dma_wait3A_405 = arith.constant 0 : i32
      %dma_wait3A_406 = arith.constant 0 : i32
      %dma_wait3A_407 = tpu.memref_slice %arg2[%dma_wait3A_405, %dma_wait3A_406] : memref<10000x16xf32, #tpu.memory_space<hbm>> -> memref<10000x16xf32, #tpu.memory_space<hbm>>
      tpu.wait_indirect_dma semaphore(%arg19 : memref<!tpu.dma_semaphore, #tpu.memory_space<semaphore_mem>>) src(%dma_wait3A_407 : memref<10000x16xf32, #tpu.memory_space<hbm>>) dst(%dma_wait3A_401 : memref<100x16xf32, #tpu.memory_space<vmem>>)
      %dma_start3A_408 = arith.constant 8 : i32
      %dma_start3A_409 = arith.constant 0 : i32
      %dma_start3A_410 = arith.constant 0 : i32
      %dma_start3A_411 = tpu.memref_slice %arg10[%dma_start3A_408, %dma_start3A_409, %dma_start3A_410] : memref<10x100x16xf32, #tpu.memory_space<vmem>> -> memref<1x100x16xf32, #tpu.memory_space<vmem>>
      %dma_start3A_412 = tpu.memref_squeeze %dma_start3A_411 : memref<1x100x16xf32, #tpu.memory_space<vmem>> -> memref<100x16xf32, #tpu.memory_space<vmem>>
      %dma_start3A_413 = arith.constant 0 : i32
      %dma_start3A_414 = tpu.memref_slice %arg9[%add3A_396, %dma_start3A_413] : memref<100x100xi32, #tpu.memory_space<vmem>> -> memref<1x100xi32, #tpu.memory_space<vmem>>
      %dma_start3A_415 = tpu.memref_squeeze %dma_start3A_414 : memref<1x100xi32, #tpu.memory_space<vmem>> -> memref<100xi32, #tpu.memory_space<vmem>>
      %dma_start3A_416 = arith.constant 0 : i32
      %dma_start3A_417 = arith.constant 0 : i32
      %dma_start3A_418 = tpu.memref_slice %arg7[%dma_start3A_416, %dma_start3A_417] : memref<10000x16xf32, #tpu.memory_space<vmem_shared>> -> memref<10000x16xf32, #tpu.memory_space<vmem_shared>>
      tpu.enqueue_indirect_dma source(%dma_start3A_412 : memref<100x16xf32, #tpu.memory_space<vmem>>) target(%dma_start3A_418 : memref<10000x16xf32, #tpu.memory_space<vmem_shared>>) offsets(%dma_start3A_415 : memref<100xi32, #tpu.memory_space<vmem>>) semaphore(%arg29 : memref<!tpu.dma_semaphore, #tpu.memory_space<semaphore_mem>>) {add = true}
      %mul3A_419 = arith.constant 10 : i32
      %mul3A_420 = arith.muli %scan3A_183, %mul3A_419 : i32
      %add3A_421 = arith.constant 9 : i32
      %add3A_422 = arith.addi %mul3A_420, %add3A_421 : i32
      %dma_wait3A_423 = arith.constant 9 : i32
      %dma_wait3A_424 = arith.constant 0 : i32
      %dma_wait3A_425 = arith.constant 0 : i32
      %dma_wait3A_426 = tpu.memref_slice %arg10[%dma_wait3A_423, %dma_wait3A_424, %dma_wait3A_425] : memref<10x100x16xf32, #tpu.memory_space<vmem>> -> memref<1x100x16xf32, #tpu.memory_space<vmem>>
      %dma_wait3A_427 = tpu.memref_squeeze %dma_wait3A_426 : memref<1x100x16xf32, #tpu.memory_space<vmem>> -> memref<100x16xf32, #tpu.memory_space<vmem>>
      %dma_wait3A_428 = arith.constant 0 : i32
      %dma_wait3A_429 = tpu.memref_slice %arg8[%add3A_422, %dma_wait3A_428] : memref<100x100xi32, #tpu.memory_space<vmem>> -> memref<1x100xi32, #tpu.memory_space<vmem>>
      %dma_wait3A_430 = tpu.memref_squeeze %dma_wait3A_429 : memref<1x100xi32, #tpu.memory_space<vmem>> -> memref<100xi32, #tpu.memory_space<vmem>>
      %dma_wait3A_431 = arith.constant 0 : i32
      %dma_wait3A_432 = arith.constant 0 : i32
      %dma_wait3A_433 = tpu.memref_slice %arg2[%dma_wait3A_431, %dma_wait3A_432] : memref<10000x16xf32, #tpu.memory_space<hbm>> -> memref<10000x16xf32, #tpu.memory_space<hbm>>
      tpu.wait_indirect_dma semaphore(%arg20 : memref<!tpu.dma_semaphore, #tpu.memory_space<semaphore_mem>>) src(%dma_wait3A_433 : memref<10000x16xf32, #tpu.memory_space<hbm>>) dst(%dma_wait3A_427 : memref<100x16xf32, #tpu.memory_space<vmem>>)
      %dma_start3A_434 = arith.constant 9 : i32
      %dma_start3A_435 = arith.constant 0 : i32
      %dma_start3A_436 = arith.constant 0 : i32
      %dma_start3A_437 = tpu.memref_slice %arg10[%dma_start3A_434, %dma_start3A_435, %dma_start3A_436] : memref<10x100x16xf32, #tpu.memory_space<vmem>> -> memref<1x100x16xf32, #tpu.memory_space<vmem>>
      %dma_start3A_438 = tpu.memref_squeeze %dma_start3A_437 : memref<1x100x16xf32, #tpu.memory_space<vmem>> -> memref<100x16xf32, #tpu.memory_space<vmem>>
      %dma_start3A_439 = arith.constant 0 : i32
      %dma_start3A_440 = tpu.memref_slice %arg9[%add3A_422, %dma_start3A_439] : memref<100x100xi32, #tpu.memory_space<vmem>> -> memref<1x100xi32, #tpu.memory_space<vmem>>
      %dma_start3A_441 = tpu.memref_squeeze %dma_start3A_440 : memref<1x100xi32, #tpu.memory_space<vmem>> -> memref<100xi32, #tpu.memory_space<vmem>>
      %dma_start3A_442 = arith.constant 0 : i32
      %dma_start3A_443 = arith.constant 0 : i32
      %dma_start3A_444 = tpu.memref_slice %arg7[%dma_start3A_442, %dma_start3A_443] : memref<10000x16xf32, #tpu.memory_space<vmem_shared>> -> memref<10000x16xf32, #tpu.memory_space<vmem_shared>>
      tpu.enqueue_indirect_dma source(%dma_start3A_438 : memref<100x16xf32, #tpu.memory_space<vmem>>) target(%dma_start3A_444 : memref<10000x16xf32, #tpu.memory_space<vmem_shared>>) offsets(%dma_start3A_441 : memref<100xi32, #tpu.memory_space<vmem>>) semaphore(%arg30 : memref<!tpu.dma_semaphore, #tpu.memory_space<semaphore_mem>>) {add = true}
      %dma_wait3A_445 = arith.constant 0 : i32
      %dma_wait3A_446 = arith.constant 0 : i32
      %dma_wait3A_447 = arith.constant 0 : i32
      %dma_wait3A_448 = tpu.memref_slice %arg10[%dma_wait3A_445, %dma_wait3A_446, %dma_wait3A_447] : memref<10x100x16xf32, #tpu.memory_space<vmem>> -> memref<1x100x16xf32, #tpu.memory_space<vmem>>
      %dma_wait3A_449 = tpu.memref_squeeze %dma_wait3A_448 : memref<1x100x16xf32, #tpu.memory_space<vmem>> -> memref<100x16xf32, #tpu.memory_space<vmem>>
      %dma_wait3A_450 = arith.constant 0 : i32
      %dma_wait3A_451 = tpu.memref_slice %arg9[%add3A_188, %dma_wait3A_450] : memref<100x100xi32, #tpu.memory_space<vmem>> -> memref<1x100xi32, #tpu.memory_space<vmem>>
      %dma_wait3A_452 = tpu.memref_squeeze %dma_wait3A_451 : memref<1x100xi32, #tpu.memory_space<vmem>> -> memref<100xi32, #tpu.memory_space<vmem>>
      %dma_wait3A_453 = arith.constant 0 : i32
      %dma_wait3A_454 = arith.constant 0 : i32
      %dma_wait3A_455 = tpu.memref_slice %arg7[%dma_wait3A_453, %dma_wait3A_454] : memref<10000x16xf32, #tpu.memory_space<vmem_shared>> -> memref<10000x16xf32, #tpu.memory_space<vmem_shared>>
      tpu.wait_indirect_dma semaphore(%arg21 : memref<!tpu.dma_semaphore, #tpu.memory_space<semaphore_mem>>) src(%dma_wait3A_449 : memref<100x16xf32, #tpu.memory_space<vmem>>) dst(%dma_wait3A_455 : memref<10000x16xf32, #tpu.memory_space<vmem_shared>>)
      %lt3A = arith.constant 9 : i32
      %lt3A_456 = arith.cmpi slt, %scan3A_183, %lt3A : i32
      %convert_element_type3A_457 = arith.extui %lt3A_456 : i1 to i32
      %cond3A_458 = arith.constant 0 : i32
      %cond3A_459 = arith.cmpi ne, %convert_element_type3A_457, %cond3A_458 : i32
      scf.if %cond3A_459 {
        %add3A_605 = arith.constant 1 : i32
        %add3A_606 = arith.addi %scan3A_183, %add3A_605 : i32
        %mul3A_607 = arith.constant 10 : i32
        %mul3A_608 = arith.muli %add3A_606, %mul3A_607 : i32
        %add3A_609 = arith.constant 0 : i32
        %add3A_610 = arith.addi %mul3A_608, %add3A_609 : i32
        %dma_start3A_611 = arith.constant 0 : i32
        %dma_start3A_612 = arith.constant 0 : i32
        %dma_start3A_613 = arith.constant 0 : i32
        %dma_start3A_614 = tpu.memref_slice %arg10[%dma_start3A_611, %dma_start3A_612, %dma_start3A_613] : memref<10x100x16xf32, #tpu.memory_space<vmem>> -> memref<1x100x16xf32, #tpu.memory_space<vmem>>
        %dma_start3A_615 = tpu.memref_squeeze %dma_start3A_614 : memref<1x100x16xf32, #tpu.memory_space<vmem>> -> memref<100x16xf32, #tpu.memory_space<vmem>>
        %dma_start3A_616 = arith.constant 0 : i32
        %dma_start3A_617 = tpu.memref_slice %arg8[%add3A_610, %dma_start3A_616] : memref<100x100xi32, #tpu.memory_space<vmem>> -> memref<1x100xi32, #tpu.memory_space<vmem>>
        %dma_start3A_618 = tpu.memref_squeeze %dma_start3A_617 : memref<1x100xi32, #tpu.memory_space<vmem>> -> memref<100xi32, #tpu.memory_space<vmem>>
        %dma_start3A_619 = arith.constant 0 : i32
        %dma_start3A_620 = arith.constant 0 : i32
        %dma_start3A_621 = tpu.memref_slice %arg2[%dma_start3A_619, %dma_start3A_620] : memref<10000x16xf32, #tpu.memory_space<hbm>> -> memref<10000x16xf32, #tpu.memory_space<hbm>>
        tpu.enqueue_indirect_dma source(%dma_start3A_621 : memref<10000x16xf32, #tpu.memory_space<hbm>>) target(%dma_start3A_615 : memref<100x16xf32, #tpu.memory_space<vmem>>) offsets(%dma_start3A_618 : memref<100xi32, #tpu.memory_space<vmem>>) semaphore(%arg11 : memref<!tpu.dma_semaphore, #tpu.memory_space<semaphore_mem>>)
      } else {
      }
      %dma_wait3A_460 = arith.constant 1 : i32
      %dma_wait3A_461 = arith.constant 0 : i32
      %dma_wait3A_462 = arith.constant 0 : i32
      %dma_wait3A_463 = tpu.memref_slice %arg10[%dma_wait3A_460, %dma_wait3A_461, %dma_wait3A_462] : memref<10x100x16xf32, #tpu.memory_space<vmem>> -> memref<1x100x16xf32, #tpu.memory_space<vmem>>
      %dma_wait3A_464 = tpu.memref_squeeze %dma_wait3A_463 : memref<1x100x16xf32, #tpu.memory_space<vmem>> -> memref<100x16xf32, #tpu.memory_space<vmem>>
      %dma_wait3A_465 = arith.constant 0 : i32
      %dma_wait3A_466 = tpu.memref_slice %arg9[%add3A_214, %dma_wait3A_465] : memref<100x100xi32, #tpu.memory_space<vmem>> -> memref<1x100xi32, #tpu.memory_space<vmem>>
      %dma_wait3A_467 = tpu.memref_squeeze %dma_wait3A_466 : memref<1x100xi32, #tpu.memory_space<vmem>> -> memref<100xi32, #tpu.memory_space<vmem>>
      %dma_wait3A_468 = arith.constant 0 : i32
      %dma_wait3A_469 = arith.constant 0 : i32
      %dma_wait3A_470 = tpu.memref_slice %arg7[%dma_wait3A_468, %dma_wait3A_469] : memref<10000x16xf32, #tpu.memory_space<vmem_shared>> -> memref<10000x16xf32, #tpu.memory_space<vmem_shared>>
      tpu.wait_indirect_dma semaphore(%arg22 : memref<!tpu.dma_semaphore, #tpu.memory_space<semaphore_mem>>) src(%dma_wait3A_464 : memref<100x16xf32, #tpu.memory_space<vmem>>) dst(%dma_wait3A_470 : memref<10000x16xf32, #tpu.memory_space<vmem_shared>>)
      %lt3A_471 = arith.constant 9 : i32
      %lt3A_472 = arith.cmpi slt, %scan3A_183, %lt3A_471 : i32
      %convert_element_type3A_473 = arith.extui %lt3A_472 : i1 to i32
      %cond3A_474 = arith.constant 0 : i32
      %cond3A_475 = arith.cmpi ne, %convert_element_type3A_473, %cond3A_474 : i32
      scf.if %cond3A_475 {
        %add3A_605 = arith.constant 1 : i32
        %add3A_606 = arith.addi %scan3A_183, %add3A_605 : i32
        %mul3A_607 = arith.constant 10 : i32
        %mul3A_608 = arith.muli %add3A_606, %mul3A_607 : i32
        %add3A_609 = arith.constant 1 : i32
        %add3A_610 = arith.addi %mul3A_608, %add3A_609 : i32
        %dma_start3A_611 = arith.constant 1 : i32
        %dma_start3A_612 = arith.constant 0 : i32
        %dma_start3A_613 = arith.constant 0 : i32
        %dma_start3A_614 = tpu.memref_slice %arg10[%dma_start3A_611, %dma_start3A_612, %dma_start3A_613] : memref<10x100x16xf32, #tpu.memory_space<vmem>> -> memref<1x100x16xf32, #tpu.memory_space<vmem>>
        %dma_start3A_615 = tpu.memref_squeeze %dma_start3A_614 : memref<1x100x16xf32, #tpu.memory_space<vmem>> -> memref<100x16xf32, #tpu.memory_space<vmem>>
        %dma_start3A_616 = arith.constant 0 : i32
        %dma_start3A_617 = tpu.memref_slice %arg8[%add3A_610, %dma_start3A_616] : memref<100x100xi32, #tpu.memory_space<vmem>> -> memref<1x100xi32, #tpu.memory_space<vmem>>
        %dma_start3A_618 = tpu.memref_squeeze %dma_start3A_617 : memref<1x100xi32, #tpu.memory_space<vmem>> -> memref<100xi32, #tpu.memory_space<vmem>>
        %dma_start3A_619 = arith.constant 0 : i32
        %dma_start3A_620 = arith.constant 0 : i32
        %dma_start3A_621 = tpu.memref_slice %arg2[%dma_start3A_619, %dma_start3A_620] : memref<10000x16xf32, #tpu.memory_space<hbm>> -> memref<10000x16xf32, #tpu.memory_space<hbm>>
        tpu.enqueue_indirect_dma source(%dma_start3A_621 : memref<10000x16xf32, #tpu.memory_space<hbm>>) target(%dma_start3A_615 : memref<100x16xf32, #tpu.memory_space<vmem>>) offsets(%dma_start3A_618 : memref<100xi32, #tpu.memory_space<vmem>>) semaphore(%arg12 : memref<!tpu.dma_semaphore, #tpu.memory_space<semaphore_mem>>)
      } else {
      }
      %dma_wait3A_476 = arith.constant 2 : i32
      %dma_wait3A_477 = arith.constant 0 : i32
      %dma_wait3A_478 = arith.constant 0 : i32
      %dma_wait3A_479 = tpu.memref_slice %arg10[%dma_wait3A_476, %dma_wait3A_477, %dma_wait3A_478] : memref<10x100x16xf32, #tpu.memory_space<vmem>> -> memref<1x100x16xf32, #tpu.memory_space<vmem>>
      %dma_wait3A_480 = tpu.memref_squeeze %dma_wait3A_479 : memref<1x100x16xf32, #tpu.memory_space<vmem>> -> memref<100x16xf32, #tpu.memory_space<vmem>>
      %dma_wait3A_481 = arith.constant 0 : i32
      %dma_wait3A_482 = tpu.memref_slice %arg9[%add3A_240, %dma_wait3A_481] : memref<100x100xi32, #tpu.memory_space<vmem>> -> memref<1x100xi32, #tpu.memory_space<vmem>>
      %dma_wait3A_483 = tpu.memref_squeeze %dma_wait3A_482 : memref<1x100xi32, #tpu.memory_space<vmem>> -> memref<100xi32, #tpu.memory_space<vmem>>
      %dma_wait3A_484 = arith.constant 0 : i32
      %dma_wait3A_485 = arith.constant 0 : i32
      %dma_wait3A_486 = tpu.memref_slice %arg7[%dma_wait3A_484, %dma_wait3A_485] : memref<10000x16xf32, #tpu.memory_space<vmem_shared>> -> memref<10000x16xf32, #tpu.memory_space<vmem_shared>>
      tpu.wait_indirect_dma semaphore(%arg23 : memref<!tpu.dma_semaphore, #tpu.memory_space<semaphore_mem>>) src(%dma_wait3A_480 : memref<100x16xf32, #tpu.memory_space<vmem>>) dst(%dma_wait3A_486 : memref<10000x16xf32, #tpu.memory_space<vmem_shared>>)
      %lt3A_487 = arith.constant 9 : i32
      %lt3A_488 = arith.cmpi slt, %scan3A_183, %lt3A_487 : i32
      %convert_element_type3A_489 = arith.extui %lt3A_488 : i1 to i32
      %cond3A_490 = arith.constant 0 : i32
      %cond3A_491 = arith.cmpi ne, %convert_element_type3A_489, %cond3A_490 : i32
      scf.if %cond3A_491 {
        %add3A_605 = arith.constant 1 : i32
        %add3A_606 = arith.addi %scan3A_183, %add3A_605 : i32
        %mul3A_607 = arith.constant 10 : i32
        %mul3A_608 = arith.muli %add3A_606, %mul3A_607 : i32
        %add3A_609 = arith.constant 2 : i32
        %add3A_610 = arith.addi %mul3A_608, %add3A_609 : i32
        %dma_start3A_611 = arith.constant 2 : i32
        %dma_start3A_612 = arith.constant 0 : i32
        %dma_start3A_613 = arith.constant 0 : i32
        %dma_start3A_614 = tpu.memref_slice %arg10[%dma_start3A_611, %dma_start3A_612, %dma_start3A_613] : memref<10x100x16xf32, #tpu.memory_space<vmem>> -> memref<1x100x16xf32, #tpu.memory_space<vmem>>
        %dma_start3A_615 = tpu.memref_squeeze %dma_start3A_614 : memref<1x100x16xf32, #tpu.memory_space<vmem>> -> memref<100x16xf32, #tpu.memory_space<vmem>>
        %dma_start3A_616 = arith.constant 0 : i32
        %dma_start3A_617 = tpu.memref_slice %arg8[%add3A_610, %dma_start3A_616] : memref<100x100xi32, #tpu.memory_space<vmem>> -> memref<1x100xi32, #tpu.memory_space<vmem>>
        %dma_start3A_618 = tpu.memref_squeeze %dma_start3A_617 : memref<1x100xi32, #tpu.memory_space<vmem>> -> memref<100xi32, #tpu.memory_space<vmem>>
        %dma_start3A_619 = arith.constant 0 : i32
        %dma_start3A_620 = arith.constant 0 : i32
        %dma_start3A_621 = tpu.memref_slice %arg2[%dma_start3A_619, %dma_start3A_620] : memref<10000x16xf32, #tpu.memory_space<hbm>> -> memref<10000x16xf32, #tpu.memory_space<hbm>>
        tpu.enqueue_indirect_dma source(%dma_start3A_621 : memref<10000x16xf32, #tpu.memory_space<hbm>>) target(%dma_start3A_615 : memref<100x16xf32, #tpu.memory_space<vmem>>) offsets(%dma_start3A_618 : memref<100xi32, #tpu.memory_space<vmem>>) semaphore(%arg13 : memref<!tpu.dma_semaphore, #tpu.memory_space<semaphore_mem>>)
      } else {
      }
      %dma_wait3A_492 = arith.constant 3 : i32
      %dma_wait3A_493 = arith.constant 0 : i32
      %dma_wait3A_494 = arith.constant 0 : i32
      %dma_wait3A_495 = tpu.memref_slice %arg10[%dma_wait3A_492, %dma_wait3A_493, %dma_wait3A_494] : memref<10x100x16xf32, #tpu.memory_space<vmem>> -> memref<1x100x16xf32, #tpu.memory_space<vmem>>
      %dma_wait3A_496 = tpu.memref_squeeze %dma_wait3A_495 : memref<1x100x16xf32, #tpu.memory_space<vmem>> -> memref<100x16xf32, #tpu.memory_space<vmem>>
      %dma_wait3A_497 = arith.constant 0 : i32
      %dma_wait3A_498 = tpu.memref_slice %arg9[%add3A_266, %dma_wait3A_497] : memref<100x100xi32, #tpu.memory_space<vmem>> -> memref<1x100xi32, #tpu.memory_space<vmem>>
      %dma_wait3A_499 = tpu.memref_squeeze %dma_wait3A_498 : memref<1x100xi32, #tpu.memory_space<vmem>> -> memref<100xi32, #tpu.memory_space<vmem>>
      %dma_wait3A_500 = arith.constant 0 : i32
      %dma_wait3A_501 = arith.constant 0 : i32
      %dma_wait3A_502 = tpu.memref_slice %arg7[%dma_wait3A_500, %dma_wait3A_501] : memref<10000x16xf32, #tpu.memory_space<vmem_shared>> -> memref<10000x16xf32, #tpu.memory_space<vmem_shared>>
      tpu.wait_indirect_dma semaphore(%arg24 : memref<!tpu.dma_semaphore, #tpu.memory_space<semaphore_mem>>) src(%dma_wait3A_496 : memref<100x16xf32, #tpu.memory_space<vmem>>) dst(%dma_wait3A_502 : memref<10000x16xf32, #tpu.memory_space<vmem_shared>>)
      %lt3A_503 = arith.constant 9 : i32
      %lt3A_504 = arith.cmpi slt, %scan3A_183, %lt3A_503 : i32
      %convert_element_type3A_505 = arith.extui %lt3A_504 : i1 to i32
      %cond3A_506 = arith.constant 0 : i32
      %cond3A_507 = arith.cmpi ne, %convert_element_type3A_505, %cond3A_506 : i32
      scf.if %cond3A_507 {
        %add3A_605 = arith.constant 1 : i32
        %add3A_606 = arith.addi %scan3A_183, %add3A_605 : i32
        %mul3A_607 = arith.constant 10 : i32
        %mul3A_608 = arith.muli %add3A_606, %mul3A_607 : i32
        %add3A_609 = arith.constant 3 : i32
        %add3A_610 = arith.addi %mul3A_608, %add3A_609 : i32
        %dma_start3A_611 = arith.constant 3 : i32
        %dma_start3A_612 = arith.constant 0 : i32
        %dma_start3A_613 = arith.constant 0 : i32
        %dma_start3A_614 = tpu.memref_slice %arg10[%dma_start3A_611, %dma_start3A_612, %dma_start3A_613] : memref<10x100x16xf32, #tpu.memory_space<vmem>> -> memref<1x100x16xf32, #tpu.memory_space<vmem>>
        %dma_start3A_615 = tpu.memref_squeeze %dma_start3A_614 : memref<1x100x16xf32, #tpu.memory_space<vmem>> -> memref<100x16xf32, #tpu.memory_space<vmem>>
        %dma_start3A_616 = arith.constant 0 : i32
        %dma_start3A_617 = tpu.memref_slice %arg8[%add3A_610, %dma_start3A_616] : memref<100x100xi32, #tpu.memory_space<vmem>> -> memref<1x100xi32, #tpu.memory_space<vmem>>
        %dma_start3A_618 = tpu.memref_squeeze %dma_start3A_617 : memref<1x100xi32, #tpu.memory_space<vmem>> -> memref<100xi32, #tpu.memory_space<vmem>>
        %dma_start3A_619 = arith.constant 0 : i32
        %dma_start3A_620 = arith.constant 0 : i32
        %dma_start3A_621 = tpu.memref_slice %arg2[%dma_start3A_619, %dma_start3A_620] : memref<10000x16xf32, #tpu.memory_space<hbm>> -> memref<10000x16xf32, #tpu.memory_space<hbm>>
        tpu.enqueue_indirect_dma source(%dma_start3A_621 : memref<10000x16xf32, #tpu.memory_space<hbm>>) target(%dma_start3A_615 : memref<100x16xf32, #tpu.memory_space<vmem>>) offsets(%dma_start3A_618 : memref<100xi32, #tpu.memory_space<vmem>>) semaphore(%arg14 : memref<!tpu.dma_semaphore, #tpu.memory_space<semaphore_mem>>)
      } else {
      }
      %dma_wait3A_508 = arith.constant 4 : i32
      %dma_wait3A_509 = arith.constant 0 : i32
      %dma_wait3A_510 = arith.constant 0 : i32
      %dma_wait3A_511 = tpu.memref_slice %arg10[%dma_wait3A_508, %dma_wait3A_509, %dma_wait3A_510] : memref<10x100x16xf32, #tpu.memory_space<vmem>> -> memref<1x100x16xf32, #tpu.memory_space<vmem>>
      %dma_wait3A_512 = tpu.memref_squeeze %dma_wait3A_511 : memref<1x100x16xf32, #tpu.memory_space<vmem>> -> memref<100x16xf32, #tpu.memory_space<vmem>>
      %dma_wait3A_513 = arith.constant 0 : i32
      %dma_wait3A_514 = tpu.memref_slice %arg9[%add3A_292, %dma_wait3A_513] : memref<100x100xi32, #tpu.memory_space<vmem>> -> memref<1x100xi32, #tpu.memory_space<vmem>>
      %dma_wait3A_515 = tpu.memref_squeeze %dma_wait3A_514 : memref<1x100xi32, #tpu.memory_space<vmem>> -> memref<100xi32, #tpu.memory_space<vmem>>
      %dma_wait3A_516 = arith.constant 0 : i32
      %dma_wait3A_517 = arith.constant 0 : i32
      %dma_wait3A_518 = tpu.memref_slice %arg7[%dma_wait3A_516, %dma_wait3A_517] : memref<10000x16xf32, #tpu.memory_space<vmem_shared>> -> memref<10000x16xf32, #tpu.memory_space<vmem_shared>>
      tpu.wait_indirect_dma semaphore(%arg25 : memref<!tpu.dma_semaphore, #tpu.memory_space<semaphore_mem>>) src(%dma_wait3A_512 : memref<100x16xf32, #tpu.memory_space<vmem>>) dst(%dma_wait3A_518 : memref<10000x16xf32, #tpu.memory_space<vmem_shared>>)
      %lt3A_519 = arith.constant 9 : i32
      %lt3A_520 = arith.cmpi slt, %scan3A_183, %lt3A_519 : i32
      %convert_element_type3A_521 = arith.extui %lt3A_520 : i1 to i32
      %cond3A_522 = arith.constant 0 : i32
      %cond3A_523 = arith.cmpi ne, %convert_element_type3A_521, %cond3A_522 : i32
      scf.if %cond3A_523 {
        %add3A_605 = arith.constant 1 : i32
        %add3A_606 = arith.addi %scan3A_183, %add3A_605 : i32
        %mul3A_607 = arith.constant 10 : i32
        %mul3A_608 = arith.muli %add3A_606, %mul3A_607 : i32
        %add3A_609 = arith.constant 4 : i32
        %add3A_610 = arith.addi %mul3A_608, %add3A_609 : i32
        %dma_start3A_611 = arith.constant 4 : i32
        %dma_start3A_612 = arith.constant 0 : i32
        %dma_start3A_613 = arith.constant 0 : i32
        %dma_start3A_614 = tpu.memref_slice %arg10[%dma_start3A_611, %dma_start3A_612, %dma_start3A_613] : memref<10x100x16xf32, #tpu.memory_space<vmem>> -> memref<1x100x16xf32, #tpu.memory_space<vmem>>
        %dma_start3A_615 = tpu.memref_squeeze %dma_start3A_614 : memref<1x100x16xf32, #tpu.memory_space<vmem>> -> memref<100x16xf32, #tpu.memory_space<vmem>>
        %dma_start3A_616 = arith.constant 0 : i32
        %dma_start3A_617 = tpu.memref_slice %arg8[%add3A_610, %dma_start3A_616] : memref<100x100xi32, #tpu.memory_space<vmem>> -> memref<1x100xi32, #tpu.memory_space<vmem>>
        %dma_start3A_618 = tpu.memref_squeeze %dma_start3A_617 : memref<1x100xi32, #tpu.memory_space<vmem>> -> memref<100xi32, #tpu.memory_space<vmem>>
        %dma_start3A_619 = arith.constant 0 : i32
        %dma_start3A_620 = arith.constant 0 : i32
        %dma_start3A_621 = tpu.memref_slice %arg2[%dma_start3A_619, %dma_start3A_620] : memref<10000x16xf32, #tpu.memory_space<hbm>> -> memref<10000x16xf32, #tpu.memory_space<hbm>>
        tpu.enqueue_indirect_dma source(%dma_start3A_621 : memref<10000x16xf32, #tpu.memory_space<hbm>>) target(%dma_start3A_615 : memref<100x16xf32, #tpu.memory_space<vmem>>) offsets(%dma_start3A_618 : memref<100xi32, #tpu.memory_space<vmem>>) semaphore(%arg15 : memref<!tpu.dma_semaphore, #tpu.memory_space<semaphore_mem>>)
      } else {
      }
      %dma_wait3A_524 = arith.constant 5 : i32
      %dma_wait3A_525 = arith.constant 0 : i32
      %dma_wait3A_526 = arith.constant 0 : i32
      %dma_wait3A_527 = tpu.memref_slice %arg10[%dma_wait3A_524, %dma_wait3A_525, %dma_wait3A_526] : memref<10x100x16xf32, #tpu.memory_space<vmem>> -> memref<1x100x16xf32, #tpu.memory_space<vmem>>
      %dma_wait3A_528 = tpu.memref_squeeze %dma_wait3A_527 : memref<1x100x16xf32, #tpu.memory_space<vmem>> -> memref<100x16xf32, #tpu.memory_space<vmem>>
      %dma_wait3A_529 = arith.constant 0 : i32
      %dma_wait3A_530 = tpu.memref_slice %arg9[%add3A_318, %dma_wait3A_529] : memref<100x100xi32, #tpu.memory_space<vmem>> -> memref<1x100xi32, #tpu.memory_space<vmem>>
      %dma_wait3A_531 = tpu.memref_squeeze %dma_wait3A_530 : memref<1x100xi32, #tpu.memory_space<vmem>> -> memref<100xi32, #tpu.memory_space<vmem>>
      %dma_wait3A_532 = arith.constant 0 : i32
      %dma_wait3A_533 = arith.constant 0 : i32
      %dma_wait3A_534 = tpu.memref_slice %arg7[%dma_wait3A_532, %dma_wait3A_533] : memref<10000x16xf32, #tpu.memory_space<vmem_shared>> -> memref<10000x16xf32, #tpu.memory_space<vmem_shared>>
      tpu.wait_indirect_dma semaphore(%arg26 : memref<!tpu.dma_semaphore, #tpu.memory_space<semaphore_mem>>) src(%dma_wait3A_528 : memref<100x16xf32, #tpu.memory_space<vmem>>) dst(%dma_wait3A_534 : memref<10000x16xf32, #tpu.memory_space<vmem_shared>>)
      %lt3A_535 = arith.constant 9 : i32
      %lt3A_536 = arith.cmpi slt, %scan3A_183, %lt3A_535 : i32
      %convert_element_type3A_537 = arith.extui %lt3A_536 : i1 to i32
      %cond3A_538 = arith.constant 0 : i32
      %cond3A_539 = arith.cmpi ne, %convert_element_type3A_537, %cond3A_538 : i32
      scf.if %cond3A_539 {
        %add3A_605 = arith.constant 1 : i32
        %add3A_606 = arith.addi %scan3A_183, %add3A_605 : i32
        %mul3A_607 = arith.constant 10 : i32
        %mul3A_608 = arith.muli %add3A_606, %mul3A_607 : i32
        %add3A_609 = arith.constant 5 : i32
        %add3A_610 = arith.addi %mul3A_608, %add3A_609 : i32
        %dma_start3A_611 = arith.constant 5 : i32
        %dma_start3A_612 = arith.constant 0 : i32
        %dma_start3A_613 = arith.constant 0 : i32
        %dma_start3A_614 = tpu.memref_slice %arg10[%dma_start3A_611, %dma_start3A_612, %dma_start3A_613] : memref<10x100x16xf32, #tpu.memory_space<vmem>> -> memref<1x100x16xf32, #tpu.memory_space<vmem>>
        %dma_start3A_615 = tpu.memref_squeeze %dma_start3A_614 : memref<1x100x16xf32, #tpu.memory_space<vmem>> -> memref<100x16xf32, #tpu.memory_space<vmem>>
        %dma_start3A_616 = arith.constant 0 : i32
        %dma_start3A_617 = tpu.memref_slice %arg8[%add3A_610, %dma_start3A_616] : memref<100x100xi32, #tpu.memory_space<vmem>> -> memref<1x100xi32, #tpu.memory_space<vmem>>
        %dma_start3A_618 = tpu.memref_squeeze %dma_start3A_617 : memref<1x100xi32, #tpu.memory_space<vmem>> -> memref<100xi32, #tpu.memory_space<vmem>>
        %dma_start3A_619 = arith.constant 0 : i32
        %dma_start3A_620 = arith.constant 0 : i32
        %dma_start3A_621 = tpu.memref_slice %arg2[%dma_start3A_619, %dma_start3A_620] : memref<10000x16xf32, #tpu.memory_space<hbm>> -> memref<10000x16xf32, #tpu.memory_space<hbm>>
        tpu.enqueue_indirect_dma source(%dma_start3A_621 : memref<10000x16xf32, #tpu.memory_space<hbm>>) target(%dma_start3A_615 : memref<100x16xf32, #tpu.memory_space<vmem>>) offsets(%dma_start3A_618 : memref<100xi32, #tpu.memory_space<vmem>>) semaphore(%arg16 : memref<!tpu.dma_semaphore, #tpu.memory_space<semaphore_mem>>)
      } else {
      }
      %dma_wait3A_540 = arith.constant 6 : i32
      %dma_wait3A_541 = arith.constant 0 : i32
      %dma_wait3A_542 = arith.constant 0 : i32
      %dma_wait3A_543 = tpu.memref_slice %arg10[%dma_wait3A_540, %dma_wait3A_541, %dma_wait3A_542] : memref<10x100x16xf32, #tpu.memory_space<vmem>> -> memref<1x100x16xf32, #tpu.memory_space<vmem>>
      %dma_wait3A_544 = tpu.memref_squeeze %dma_wait3A_543 : memref<1x100x16xf32, #tpu.memory_space<vmem>> -> memref<100x16xf32, #tpu.memory_space<vmem>>
      %dma_wait3A_545 = arith.constant 0 : i32
      %dma_wait3A_546 = tpu.memref_slice %arg9[%add3A_344, %dma_wait3A_545] : memref<100x100xi32, #tpu.memory_space<vmem>> -> memref<1x100xi32, #tpu.memory_space<vmem>>
      %dma_wait3A_547 = tpu.memref_squeeze %dma_wait3A_546 : memref<1x100xi32, #tpu.memory_space<vmem>> -> memref<100xi32, #tpu.memory_space<vmem>>
      %dma_wait3A_548 = arith.constant 0 : i32
      %dma_wait3A_549 = arith.constant 0 : i32
      %dma_wait3A_550 = tpu.memref_slice %arg7[%dma_wait3A_548, %dma_wait3A_549] : memref<10000x16xf32, #tpu.memory_space<vmem_shared>> -> memref<10000x16xf32, #tpu.memory_space<vmem_shared>>
      tpu.wait_indirect_dma semaphore(%arg27 : memref<!tpu.dma_semaphore, #tpu.memory_space<semaphore_mem>>) src(%dma_wait3A_544 : memref<100x16xf32, #tpu.memory_space<vmem>>) dst(%dma_wait3A_550 : memref<10000x16xf32, #tpu.memory_space<vmem_shared>>)
      %lt3A_551 = arith.constant 9 : i32
      %lt3A_552 = arith.cmpi slt, %scan3A_183, %lt3A_551 : i32
      %convert_element_type3A_553 = arith.extui %lt3A_552 : i1 to i32
      %cond3A_554 = arith.constant 0 : i32
      %cond3A_555 = arith.cmpi ne, %convert_element_type3A_553, %cond3A_554 : i32
      scf.if %cond3A_555 {
        %add3A_605 = arith.constant 1 : i32
        %add3A_606 = arith.addi %scan3A_183, %add3A_605 : i32
        %mul3A_607 = arith.constant 10 : i32
        %mul3A_608 = arith.muli %add3A_606, %mul3A_607 : i32
        %add3A_609 = arith.constant 6 : i32
        %add3A_610 = arith.addi %mul3A_608, %add3A_609 : i32
        %dma_start3A_611 = arith.constant 6 : i32
        %dma_start3A_612 = arith.constant 0 : i32
        %dma_start3A_613 = arith.constant 0 : i32
        %dma_start3A_614 = tpu.memref_slice %arg10[%dma_start3A_611, %dma_start3A_612, %dma_start3A_613] : memref<10x100x16xf32, #tpu.memory_space<vmem>> -> memref<1x100x16xf32, #tpu.memory_space<vmem>>
        %dma_start3A_615 = tpu.memref_squeeze %dma_start3A_614 : memref<1x100x16xf32, #tpu.memory_space<vmem>> -> memref<100x16xf32, #tpu.memory_space<vmem>>
        %dma_start3A_616 = arith.constant 0 : i32
        %dma_start3A_617 = tpu.memref_slice %arg8[%add3A_610, %dma_start3A_616] : memref<100x100xi32, #tpu.memory_space<vmem>> -> memref<1x100xi32, #tpu.memory_space<vmem>>
        %dma_start3A_618 = tpu.memref_squeeze %dma_start3A_617 : memref<1x100xi32, #tpu.memory_space<vmem>> -> memref<100xi32, #tpu.memory_space<vmem>>
        %dma_start3A_619 = arith.constant 0 : i32
        %dma_start3A_620 = arith.constant 0 : i32
        %dma_start3A_621 = tpu.memref_slice %arg2[%dma_start3A_619, %dma_start3A_620] : memref<10000x16xf32, #tpu.memory_space<hbm>> -> memref<10000x16xf32, #tpu.memory_space<hbm>>
        tpu.enqueue_indirect_dma source(%dma_start3A_621 : memref<10000x16xf32, #tpu.memory_space<hbm>>) target(%dma_start3A_615 : memref<100x16xf32, #tpu.memory_space<vmem>>) offsets(%dma_start3A_618 : memref<100xi32, #tpu.memory_space<vmem>>) semaphore(%arg17 : memref<!tpu.dma_semaphore, #tpu.memory_space<semaphore_mem>>)
      } else {
      }
      %dma_wait3A_556 = arith.constant 7 : i32
      %dma_wait3A_557 = arith.constant 0 : i32
      %dma_wait3A_558 = arith.constant 0 : i32
      %dma_wait3A_559 = tpu.memref_slice %arg10[%dma_wait3A_556, %dma_wait3A_557, %dma_wait3A_558] : memref<10x100x16xf32, #tpu.memory_space<vmem>> -> memref<1x100x16xf32, #tpu.memory_space<vmem>>
      %dma_wait3A_560 = tpu.memref_squeeze %dma_wait3A_559 : memref<1x100x16xf32, #tpu.memory_space<vmem>> -> memref<100x16xf32, #tpu.memory_space<vmem>>
      %dma_wait3A_561 = arith.constant 0 : i32
      %dma_wait3A_562 = tpu.memref_slice %arg9[%add3A_370, %dma_wait3A_561] : memref<100x100xi32, #tpu.memory_space<vmem>> -> memref<1x100xi32, #tpu.memory_space<vmem>>
      %dma_wait3A_563 = tpu.memref_squeeze %dma_wait3A_562 : memref<1x100xi32, #tpu.memory_space<vmem>> -> memref<100xi32, #tpu.memory_space<vmem>>
      %dma_wait3A_564 = arith.constant 0 : i32
      %dma_wait3A_565 = arith.constant 0 : i32
      %dma_wait3A_566 = tpu.memref_slice %arg7[%dma_wait3A_564, %dma_wait3A_565] : memref<10000x16xf32, #tpu.memory_space<vmem_shared>> -> memref<10000x16xf32, #tpu.memory_space<vmem_shared>>
      tpu.wait_indirect_dma semaphore(%arg28 : memref<!tpu.dma_semaphore, #tpu.memory_space<semaphore_mem>>) src(%dma_wait3A_560 : memref<100x16xf32, #tpu.memory_space<vmem>>) dst(%dma_wait3A_566 : memref<10000x16xf32, #tpu.memory_space<vmem_shared>>)
      %lt3A_567 = arith.constant 9 : i32
      %lt3A_568 = arith.cmpi slt, %scan3A_183, %lt3A_567 : i32
      %convert_element_type3A_569 = arith.extui %lt3A_568 : i1 to i32
      %cond3A_570 = arith.constant 0 : i32
      %cond3A_571 = arith.cmpi ne, %convert_element_type3A_569, %cond3A_570 : i32
      scf.if %cond3A_571 {
        %add3A_605 = arith.constant 1 : i32
        %add3A_606 = arith.addi %scan3A_183, %add3A_605 : i32
        %mul3A_607 = arith.constant 10 : i32
        %mul3A_608 = arith.muli %add3A_606, %mul3A_607 : i32
        %add3A_609 = arith.constant 7 : i32
        %add3A_610 = arith.addi %mul3A_608, %add3A_609 : i32
        %dma_start3A_611 = arith.constant 7 : i32
        %dma_start3A_612 = arith.constant 0 : i32
        %dma_start3A_613 = arith.constant 0 : i32
        %dma_start3A_614 = tpu.memref_slice %arg10[%dma_start3A_611, %dma_start3A_612, %dma_start3A_613] : memref<10x100x16xf32, #tpu.memory_space<vmem>> -> memref<1x100x16xf32, #tpu.memory_space<vmem>>
        %dma_start3A_615 = tpu.memref_squeeze %dma_start3A_614 : memref<1x100x16xf32, #tpu.memory_space<vmem>> -> memref<100x16xf32, #tpu.memory_space<vmem>>
        %dma_start3A_616 = arith.constant 0 : i32
        %dma_start3A_617 = tpu.memref_slice %arg8[%add3A_610, %dma_start3A_616] : memref<100x100xi32, #tpu.memory_space<vmem>> -> memref<1x100xi32, #tpu.memory_space<vmem>>
        %dma_start3A_618 = tpu.memref_squeeze %dma_start3A_617 : memref<1x100xi32, #tpu.memory_space<vmem>> -> memref<100xi32, #tpu.memory_space<vmem>>
        %dma_start3A_619 = arith.constant 0 : i32
        %dma_start3A_620 = arith.constant 0 : i32
        %dma_start3A_621 = tpu.memref_slice %arg2[%dma_start3A_619, %dma_start3A_620] : memref<10000x16xf32, #tpu.memory_space<hbm>> -> memref<10000x16xf32, #tpu.memory_space<hbm>>
        tpu.enqueue_indirect_dma source(%dma_start3A_621 : memref<10000x16xf32, #tpu.memory_space<hbm>>) target(%dma_start3A_615 : memref<100x16xf32, #tpu.memory_space<vmem>>) offsets(%dma_start3A_618 : memref<100xi32, #tpu.memory_space<vmem>>) semaphore(%arg18 : memref<!tpu.dma_semaphore, #tpu.memory_space<semaphore_mem>>)
      } else {
      }
      %dma_wait3A_572 = arith.constant 8 : i32
      %dma_wait3A_573 = arith.constant 0 : i32
      %dma_wait3A_574 = arith.constant 0 : i32
      %dma_wait3A_575 = tpu.memref_slice %arg10[%dma_wait3A_572, %dma_wait3A_573, %dma_wait3A_574] : memref<10x100x16xf32, #tpu.memory_space<vmem>> -> memref<1x100x16xf32, #tpu.memory_space<vmem>>
      %dma_wait3A_576 = tpu.memref_squeeze %dma_wait3A_575 : memref<1x100x16xf32, #tpu.memory_space<vmem>> -> memref<100x16xf32, #tpu.memory_space<vmem>>
      %dma_wait3A_577 = arith.constant 0 : i32
      %dma_wait3A_578 = tpu.memref_slice %arg9[%add3A_396, %dma_wait3A_577] : memref<100x100xi32, #tpu.memory_space<vmem>> -> memref<1x100xi32, #tpu.memory_space<vmem>>
      %dma_wait3A_579 = tpu.memref_squeeze %dma_wait3A_578 : memref<1x100xi32, #tpu.memory_space<vmem>> -> memref<100xi32, #tpu.memory_space<vmem>>
      %dma_wait3A_580 = arith.constant 0 : i32
      %dma_wait3A_581 = arith.constant 0 : i32
      %dma_wait3A_582 = tpu.memref_slice %arg7[%dma_wait3A_580, %dma_wait3A_581] : memref<10000x16xf32, #tpu.memory_space<vmem_shared>> -> memref<10000x16xf32, #tpu.memory_space<vmem_shared>>
      tpu.wait_indirect_dma semaphore(%arg29 : memref<!tpu.dma_semaphore, #tpu.memory_space<semaphore_mem>>) src(%dma_wait3A_576 : memref<100x16xf32, #tpu.memory_space<vmem>>) dst(%dma_wait3A_582 : memref<10000x16xf32, #tpu.memory_space<vmem_shared>>)
      %lt3A_583 = arith.constant 9 : i32
      %lt3A_584 = arith.cmpi slt, %scan3A_183, %lt3A_583 : i32
      %convert_element_type3A_585 = arith.extui %lt3A_584 : i1 to i32
      %cond3A_586 = arith.constant 0 : i32
      %cond3A_587 = arith.cmpi ne, %convert_element_type3A_585, %cond3A_586 : i32
      scf.if %cond3A_587 {
        %add3A_605 = arith.constant 1 : i32
        %add3A_606 = arith.addi %scan3A_183, %add3A_605 : i32
        %mul3A_607 = arith.constant 10 : i32
        %mul3A_608 = arith.muli %add3A_606, %mul3A_607 : i32
        %add3A_609 = arith.constant 8 : i32
        %add3A_610 = arith.addi %mul3A_608, %add3A_609 : i32
        %dma_start3A_611 = arith.constant 8 : i32
        %dma_start3A_612 = arith.constant 0 : i32
        %dma_start3A_613 = arith.constant 0 : i32
        %dma_start3A_614 = tpu.memref_slice %arg10[%dma_start3A_611, %dma_start3A_612, %dma_start3A_613] : memref<10x100x16xf32, #tpu.memory_space<vmem>> -> memref<1x100x16xf32, #tpu.memory_space<vmem>>
        %dma_start3A_615 = tpu.memref_squeeze %dma_start3A_614 : memref<1x100x16xf32, #tpu.memory_space<vmem>> -> memref<100x16xf32, #tpu.memory_space<vmem>>
        %dma_start3A_616 = arith.constant 0 : i32
        %dma_start3A_617 = tpu.memref_slice %arg8[%add3A_610, %dma_start3A_616] : memref<100x100xi32, #tpu.memory_space<vmem>> -> memref<1x100xi32, #tpu.memory_space<vmem>>
        %dma_start3A_618 = tpu.memref_squeeze %dma_start3A_617 : memref<1x100xi32, #tpu.memory_space<vmem>> -> memref<100xi32, #tpu.memory_space<vmem>>
        %dma_start3A_619 = arith.constant 0 : i32
        %dma_start3A_620 = arith.constant 0 : i32
        %dma_start3A_621 = tpu.memref_slice %arg2[%dma_start3A_619, %dma_start3A_620] : memref<10000x16xf32, #tpu.memory_space<hbm>> -> memref<10000x16xf32, #tpu.memory_space<hbm>>
        tpu.enqueue_indirect_dma source(%dma_start3A_621 : memref<10000x16xf32, #tpu.memory_space<hbm>>) target(%dma_start3A_615 : memref<100x16xf32, #tpu.memory_space<vmem>>) offsets(%dma_start3A_618 : memref<100xi32, #tpu.memory_space<vmem>>) semaphore(%arg19 : memref<!tpu.dma_semaphore, #tpu.memory_space<semaphore_mem>>)
      } else {
      }
      %dma_wait3A_588 = arith.constant 9 : i32
      %dma_wait3A_589 = arith.constant 0 : i32
      %dma_wait3A_590 = arith.constant 0 : i32
      %dma_wait3A_591 = tpu.memref_slice %arg10[%dma_wait3A_588, %dma_wait3A_589, %dma_wait3A_590] : memref<10x100x16xf32, #tpu.memory_space<vmem>> -> memref<1x100x16xf32, #tpu.memory_space<vmem>>
      %dma_wait3A_592 = tpu.memref_squeeze %dma_wait3A_591 : memref<1x100x16xf32, #tpu.memory_space<vmem>> -> memref<100x16xf32, #tpu.memory_space<vmem>>
      %dma_wait3A_593 = arith.constant 0 : i32
      %dma_wait3A_594 = tpu.memref_slice %arg9[%add3A_422, %dma_wait3A_593] : memref<100x100xi32, #tpu.memory_space<vmem>> -> memref<1x100xi32, #tpu.memory_space<vmem>>
      %dma_wait3A_595 = tpu.memref_squeeze %dma_wait3A_594 : memref<1x100xi32, #tpu.memory_space<vmem>> -> memref<100xi32, #tpu.memory_space<vmem>>
      %dma_wait3A_596 = arith.constant 0 : i32
      %dma_wait3A_597 = arith.constant 0 : i32
      %dma_wait3A_598 = tpu.memref_slice %arg7[%dma_wait3A_596, %dma_wait3A_597] : memref<10000x16xf32, #tpu.memory_space<vmem_shared>> -> memref<10000x16xf32, #tpu.memory_space<vmem_shared>>
      tpu.wait_indirect_dma semaphore(%arg30 : memref<!tpu.dma_semaphore, #tpu.memory_space<semaphore_mem>>) src(%dma_wait3A_592 : memref<100x16xf32, #tpu.memory_space<vmem>>) dst(%dma_wait3A_598 : memref<10000x16xf32, #tpu.memory_space<vmem_shared>>)
      %lt3A_599 = arith.constant 9 : i32
      %lt3A_600 = arith.cmpi slt, %scan3A_183, %lt3A_599 : i32
      %convert_element_type3A_601 = arith.extui %lt3A_600 : i1 to i32
      %cond3A_602 = arith.constant 0 : i32
      %cond3A_603 = arith.cmpi ne, %convert_element_type3A_601, %cond3A_602 : i32
      scf.if %cond3A_603 {
        %add3A_605 = arith.constant 1 : i32
        %add3A_606 = arith.addi %scan3A_183, %add3A_605 : i32
        %mul3A_607 = arith.constant 10 : i32
        %mul3A_608 = arith.muli %add3A_606, %mul3A_607 : i32
        %add3A_609 = arith.constant 9 : i32
        %add3A_610 = arith.addi %mul3A_608, %add3A_609 : i32
        %dma_start3A_611 = arith.constant 9 : i32
        %dma_start3A_612 = arith.constant 0 : i32
        %dma_start3A_613 = arith.constant 0 : i32
        %dma_start3A_614 = tpu.memref_slice %arg10[%dma_start3A_611, %dma_start3A_612, %dma_start3A_613] : memref<10x100x16xf32, #tpu.memory_space<vmem>> -> memref<1x100x16xf32, #tpu.memory_space<vmem>>
        %dma_start3A_615 = tpu.memref_squeeze %dma_start3A_614 : memref<1x100x16xf32, #tpu.memory_space<vmem>> -> memref<100x16xf32, #tpu.memory_space<vmem>>
        %dma_start3A_616 = arith.constant 0 : i32
        %dma_start3A_617 = tpu.memref_slice %arg8[%add3A_610, %dma_start3A_616] : memref<100x100xi32, #tpu.memory_space<vmem>> -> memref<1x100xi32, #tpu.memory_space<vmem>>
        %dma_start3A_618 = tpu.memref_squeeze %dma_start3A_617 : memref<1x100xi32, #tpu.memory_space<vmem>> -> memref<100xi32, #tpu.memory_space<vmem>>
        %dma_start3A_619 = arith.constant 0 : i32
        %dma_start3A_620 = arith.constant 0 : i32
        %dma_start3A_621 = tpu.memref_slice %arg2[%dma_start3A_619, %dma_start3A_620] : memref<10000x16xf32, #tpu.memory_space<hbm>> -> memref<10000x16xf32, #tpu.memory_space<hbm>>
        tpu.enqueue_indirect_dma source(%dma_start3A_621 : memref<10000x16xf32, #tpu.memory_space<hbm>>) target(%dma_start3A_615 : memref<100x16xf32, #tpu.memory_space<vmem>>) offsets(%dma_start3A_618 : memref<100xi32, #tpu.memory_space<vmem>>) semaphore(%arg20 : memref<!tpu.dma_semaphore, #tpu.memory_space<semaphore_mem>>)
      } else {
      }
      %scan3A_604 = arith.constant 0 : i32
      scf.yield %scan3A_604 : i32
    }
    %scan3A_173 = arith.constant 10 : i32
    %barrier3A_174 = arith.constant 0 : index
    tpu.barrier barrier_id(%barrier3A_174)
    %mul3A_175 = arith.constant 624 : i32
    %mul3A_176 = arith.muli %arg1, %mul3A_175 : i32
    %multiple_of3A_177 = tpu.assume_multiple %mul3A_176, 8 : i32
    "tpu.region"() ({
      %run_scoped3A = tpu.sem_alloc : memref<!tpu.dma_semaphore, #tpu.memory_space<semaphore_mem>>
      %dma_start3A_183 = arith.constant 0 : i32
      %dma_start3A_184 = arith.constant 0 : i32
      %dma_start3A_185 = tpu.memref_slice %arg6[%arg0, %dma_start3A_183, %dma_start3A_184] : memref<2x10000x16xf32, #tpu.memory_space<hbm>> -> memref<1x10000x16xf32, #tpu.memory_space<hbm>>
      %dma_start3A_186 = tpu.memref_squeeze %dma_start3A_185 : memref<1x10000x16xf32, #tpu.memory_space<hbm>> -> memref<10000x16xf32, #tpu.memory_space<hbm>>
      %dma_start3A_187 = arith.constant 0 : i32
      %dma_start3A_188 = tpu.memref_slice %dma_start3A_186[%multiple_of3A_177, %dma_start3A_187] : memref<10000x16xf32, #tpu.memory_space<hbm>> -> memref<624x16xf32, #tpu.memory_space<hbm>>
      %dma_start3A_189 = arith.constant 0 : i32
      %dma_start3A_190 = tpu.memref_slice %arg7[%multiple_of3A_177, %dma_start3A_189] : memref<10000x16xf32, #tpu.memory_space<vmem_shared>> -> memref<624x16xf32, #tpu.memory_space<vmem_shared>>
      tpu.enqueue_dma source(%dma_start3A_190 : memref<624x16xf32, #tpu.memory_space<vmem_shared>>) target(%dma_start3A_188 : memref<624x16xf32, #tpu.memory_space<hbm>>) target_semaphore(%run_scoped3A : memref<!tpu.dma_semaphore, #tpu.memory_space<semaphore_mem>>)
      %dma_wait3A_191 = arith.constant 0 : i32
      %dma_wait3A_192 = arith.constant 0 : i32
      %dma_wait3A_193 = tpu.memref_slice %arg6[%arg0, %dma_wait3A_191, %dma_wait3A_192] : memref<2x10000x16xf32, #tpu.memory_space<hbm>> -> memref<1x10000x16xf32, #tpu.memory_space<hbm>>
      %dma_wait3A_194 = tpu.memref_squeeze %dma_wait3A_193 : memref<1x10000x16xf32, #tpu.memory_space<hbm>> -> memref<10000x16xf32, #tpu.memory_space<hbm>>
      %dma_wait3A_195 = arith.constant 0 : i32
      %dma_wait3A_196 = tpu.memref_slice %dma_wait3A_194[%multiple_of3A_177, %dma_wait3A_195] : memref<10000x16xf32, #tpu.memory_space<hbm>> -> memref<624x16xf32, #tpu.memory_space<hbm>>
      %dma_wait3A_197 = arith.constant 0 : i32
      %dma_wait3A_198 = tpu.memref_slice %arg7[%multiple_of3A_177, %dma_wait3A_197] : memref<10000x16xf32, #tpu.memory_space<vmem_shared>> -> memref<624x16xf32, #tpu.memory_space<vmem_shared>>
      tpu.wait_dma2 semaphore(%run_scoped3A : memref<!tpu.dma_semaphore, #tpu.memory_space<semaphore_mem>>) src(%dma_wait3A_198 : memref<624x16xf32, #tpu.memory_space<vmem_shared>>) dst(%dma_wait3A_196 : memref<624x16xf32, #tpu.memory_space<hbm>>)
      tpu.yield
    }) : () -> ()
    %eq3A_178 = arith.constant 15 : i32
    %eq3A_179 = arith.cmpi eq, %arg1, %eq3A_178 : i32
    %convert_element_type3A_180 = arith.extui %eq3A_179 : i1 to i32
    %cond3A_181 = arith.constant 0 : i32
    %cond3A_182 = arith.cmpi ne, %convert_element_type3A_180, %cond3A_181 : i32
    scf.if %cond3A_182 {
      "tpu.region"() ({
        %run_scoped3A = tpu.sem_alloc : memref<!tpu.dma_semaphore, #tpu.memory_space<semaphore_mem>>
        %dma_start3A_183 = arith.constant 0 : i32
        %dma_start3A_184 = arith.constant 0 : i32
        %dma_start3A_185 = tpu.memref_slice %arg6[%arg0, %dma_start3A_183, %dma_start3A_184] : memref<2x10000x16xf32, #tpu.memory_space<hbm>> -> memref<1x10000x16xf32, #tpu.memory_space<hbm>>
        %dma_start3A_186 = tpu.memref_squeeze %dma_start3A_185 : memref<1x10000x16xf32, #tpu.memory_space<hbm>> -> memref<10000x16xf32, #tpu.memory_space<hbm>>
        %dma_start3A_187 = arith.constant 9984 : i32
        %dma_start3A_188 = arith.constant 0 : i32
        %dma_start3A_189 = tpu.memref_slice %dma_start3A_186[%dma_start3A_187, %dma_start3A_188] : memref<10000x16xf32, #tpu.memory_space<hbm>> -> memref<16x16xf32, #tpu.memory_space<hbm>>
        %dma_start3A_190 = arith.constant 9984 : i32
        %dma_start3A_191 = arith.constant 0 : i32
        %dma_start3A_192 = tpu.memref_slice %arg7[%dma_start3A_190, %dma_start3A_191] : memref<10000x16xf32, #tpu.memory_space<vmem_shared>> -> memref<16x16xf32, #tpu.memory_space<vmem_shared>>
        tpu.enqueue_dma source(%dma_start3A_192 : memref<16x16xf32, #tpu.memory_space<vmem_shared>>) target(%dma_start3A_189 : memref<16x16xf32, #tpu.memory_space<hbm>>) target_semaphore(%run_scoped3A : memref<!tpu.dma_semaphore, #tpu.memory_space<semaphore_mem>>)
        %dma_wait3A_193 = arith.constant 0 : i32
        %dma_wait3A_194 = arith.constant 0 : i32
        %dma_wait3A_195 = tpu.memref_slice %arg6[%arg0, %dma_wait3A_193, %dma_wait3A_194] : memref<2x10000x16xf32, #tpu.memory_space<hbm>> -> memref<1x10000x16xf32, #tpu.memory_space<hbm>>
        %dma_wait3A_196 = tpu.memref_squeeze %dma_wait3A_195 : memref<1x10000x16xf32, #tpu.memory_space<hbm>> -> memref<10000x16xf32, #tpu.memory_space<hbm>>
        %dma_wait3A_197 = arith.constant 9984 : i32
        %dma_wait3A_198 = arith.constant 0 : i32
        %dma_wait3A_199 = tpu.memref_slice %dma_wait3A_196[%dma_wait3A_197, %dma_wait3A_198] : memref<10000x16xf32, #tpu.memory_space<hbm>> -> memref<16x16xf32, #tpu.memory_space<hbm>>
        %dma_wait3A_200 = arith.constant 9984 : i32
        %dma_wait3A_201 = arith.constant 0 : i32
        %dma_wait3A_202 = tpu.memref_slice %arg7[%dma_wait3A_200, %dma_wait3A_201] : memref<10000x16xf32, #tpu.memory_space<vmem_shared>> -> memref<16x16xf32, #tpu.memory_space<vmem_shared>>
        tpu.wait_dma2 semaphore(%run_scoped3A : memref<!tpu.dma_semaphore, #tpu.memory_space<semaphore_mem>>) src(%dma_wait3A_202 : memref<16x16xf32, #tpu.memory_space<vmem_shared>>) dst(%dma_wait3A_199 : memref<16x16xf32, #tpu.memory_space<hbm>>)
        tpu.yield
      }) : () -> ()
    } else {
    }
    return
  }
}

module attributes {stable_mosaic.version = 14 : i64} {
  func.func @_tc_mm1_scale(%arg0: i32, %arg1: memref<2000x128xf32, #tpu.memory_space<vmem>>, %arg2: memref<128x128xf32, #tpu.memory_space<vmem>>, %arg3: memref<2x2000x16xf32, #tpu.memory_space<vmem>>, %arg4: memref<2000x128xbf16, #tpu.memory_space<vmem>>, %arg5: memref<2000x1xf32, #tpu.memory_space<vmem>>) attributes {dimension_semantics = [#tpu.dimension_semantics<arbitrary>], iteration_bounds = array<i64: 5>, scalar_prefetch = 0 : i64, scratch_operands = 0 : i64, tpu.core_type = #tpu.core_type<tc>, window_params = [{transform_indices = @transform_0, window_bounds = array<i64: 2000, 128>}, {pipeline_mode = #tpu.pipeline_mode<synchronous>, transform_indices = @transform_1, window_bounds = array<i64: 128, 128>}, {transform_indices = @transform_2, window_bounds = array<i64: 2, 2000, 16>}, {transform_indices = @transform_3, window_bounds = array<i64: 2000, 128>}, {transform_indices = @transform_4, window_bounds = array<i64: 2000, 1>}]} {
    %get3A = arith.constant 0 : index
    %get3A_0 = arith.constant 0 : index
    %get3A_1 = arith.constant 0 : index
    %get3A_2 = vector.load %arg3[%get3A, %get3A_0, %get3A_1] : memref<2x2000x16xf32, #tpu.memory_space<vmem>>, vector<1x2000x1xf32>
    %get3A_3 = vector.shape_cast %get3A_2 : vector<1x2000x1xf32> to vector<2000xf32>
    %add3A = arith.constant 1.000000e+00 : f32
    %add3A_4 = vector.broadcast %add3A : f32 to vector<2000xf32>
    %add3A_5 = arith.addf %add3A_4, %get3A_3 : vector<2000xf32>
    %get3A_6 = arith.constant 1 : index
    %get3A_7 = arith.constant 0 : index
    %get3A_8 = arith.constant 0 : index
    %get3A_9 = vector.load %arg3[%get3A_6, %get3A_7, %get3A_8] : memref<2x2000x16xf32, #tpu.memory_space<vmem>>, vector<1x2000x1xf32>
    %get3A_10 = vector.shape_cast %get3A_9 : vector<1x2000x1xf32> to vector<2000xf32>
    %add3A_11 = arith.addf %add3A_5, %get3A_10 : vector<2000xf32>
    %rsqrt3A = math.rsqrt %add3A_11 : vector<2000xf32>
    %swap3A = arith.constant 0 : index
    %swap3A_12 = arith.constant 0 : index
    %swap3A_13 = vector.load %arg5[%swap3A, %swap3A_12] : memref<2000x1xf32, #tpu.memory_space<vmem>>, vector<2000x1xf32>
    %swap3A_14 = vector.shape_cast %swap3A_13 : vector<2000x1xf32> to vector<2000xf32>
    %swap3A_15 = vector.shape_cast %rsqrt3A : vector<2000xf32> to vector<2000x1xf32>
    tpu.vector_store %arg5[%swap3A, %swap3A_12], %swap3A_15 {strides = array<i32>} : memref<2000x1xf32, #tpu.memory_space<vmem>>, vector<2000x1xf32>,
    %get3A_16 = arith.constant 0 : index
    %get3A_17 = arith.constant 0 : index
    %get3A_18 = vector.load %arg1[%get3A_16, %get3A_17] : memref<2000x128xf32, #tpu.memory_space<vmem>>, vector<2000x128xf32>
    %get3A_19 = arith.constant 0 : index
    %get3A_20 = arith.constant 0 : index
    %get3A_21 = vector.load %arg2[%get3A_19, %get3A_20] : memref<128x128xf32, #tpu.memory_space<vmem>>, vector<128x128xf32>
    %dot_general3A = arith.constant dense<0.000000e+00> : vector<2000x128xf32>
    %dot_general3A_22 = tpu.matmul %get3A_18, %get3A_21, %dot_general3A {dimension_numbers = #tpu.dot_dimension_numbers<[1], [0], [0], [1], [0, 0, 1, 1], [], []>, transpose_lhs_hint = false} : vector<2000x128xf32>, vector<128x128xf32>, vector<2000x128xf32> -> vector<2000x128xf32>
    %broadcast_in_dim3A = vector.shape_cast %rsqrt3A : vector<2000xf32> to vector<2000x1xf32>
    %mul3A = vector.broadcast %broadcast_in_dim3A : vector<2000x1xf32> to vector<2000x128xf32>
    %mul3A_23 = arith.mulf %dot_general3A_22, %mul3A : vector<2000x128xf32>
    %convert_element_type3A = arith.truncf %mul3A_23 : vector<2000x128xf32> to vector<2000x128xbf16>
    %swap3A_24 = arith.constant 0 : index
    %swap3A_25 = arith.constant 0 : index
    %swap3A_26 = vector.load %arg4[%swap3A_24, %swap3A_25] : memref<2000x128xbf16, #tpu.memory_space<vmem>>, vector<2000x128xbf16>
    tpu.vector_store %arg4[%swap3A_24, %swap3A_25], %convert_element_type3A {strides = array<i32>} : memref<2000x128xbf16, #tpu.memory_space<vmem>>, vector<2000x128xbf16>,
    return
  }
  func.func @transform_0(%arg0: i32) -> (i32, i32) {
    %c0_i32 = arith.constant 0 : i32
    %c0_i32_0 = arith.constant 0 : i32
    return %arg0, %c0_i32 : i32, i32
  }
  func.func @transform_1(%arg0: i32) -> (i32, i32) {
    %c0_i32 = arith.constant 0 : i32
    %c0_i32_0 = arith.constant 0 : i32
    %c0_i32_1 = arith.constant 0 : i32
    return %c0_i32, %c0_i32_0 : i32, i32
  }
  func.func @transform_2(%arg0: i32) -> (i32, i32, i32) {
    %c0_i32 = arith.constant 0 : i32
    %c0_i32_0 = arith.constant 0 : i32
    %c0_i32_1 = arith.constant 0 : i32
    return %c0_i32, %arg0, %c0_i32_0 : i32, i32, i32
  }
  func.func @transform_3(%arg0: i32) -> (i32, i32) {
    %c0_i32 = arith.constant 0 : i32
    %c0_i32_0 = arith.constant 0 : i32
    return %arg0, %c0_i32 : i32, i32
  }
  func.func @transform_4(%arg0: i32) -> (i32, i32) {
    %c0_i32 = arith.constant 0 : i32
    %c0_i32_0 = arith.constant 0 : i32
    return %arg0, %c0_i32 : i32, i32
  }
}

module attributes {stable_mosaic.version = 14 : i64} {
  func.func @_tc_middle(%arg0: i32, %arg1: memref<2x2000x128xbf16, #tpu.memory_space<vmem>>, %arg2: memref<2000x128xbf16, #tpu.memory_space<vmem>>, %arg3: memref<2000x1xf32, #tpu.memory_space<vmem>>, %arg4: memref<1x128xf32, #tpu.memory_space<vmem>>, %arg5: memref<128x16xf32, #tpu.memory_space<vmem>>, %arg6: memref<2000x16xf32, #tpu.memory_space<vmem>>) attributes {dimension_semantics = [#tpu.dimension_semantics<arbitrary>], iteration_bounds = array<i64: 5>, scalar_prefetch = 0 : i64, scratch_operands = 0 : i64, tpu.core_type = #tpu.core_type<tc>, window_params = [{transform_indices = @transform_0, window_bounds = array<i64: 2, 2000, 128>}, {transform_indices = @transform_1, window_bounds = array<i64: 2000, 128>}, {transform_indices = @transform_2, window_bounds = array<i64: 2000, 1>}, {pipeline_mode = #tpu.pipeline_mode<synchronous>, transform_indices = @transform_3, window_bounds = array<i64: 1, 128>}, {pipeline_mode = #tpu.pipeline_mode<synchronous>, transform_indices = @transform_4, window_bounds = array<i64: 128, 16>}, {transform_indices = @transform_5, window_bounds = array<i64: 2000, 16>}]} {
    %get3A = arith.constant 0 : index
    %get3A_0 = arith.constant 0 : index
    %get3A_1 = vector.load %arg3[%get3A, %get3A_0] : memref<2000x1xf32, #tpu.memory_space<vmem>>, vector<2000x1xf32>
    %get3A_2 = vector.shape_cast %get3A_1 : vector<2000x1xf32> to vector<2000xf32>
    %broadcast_in_dim3A = vector.shape_cast %get3A_2 : vector<2000xf32> to vector<2000x1xf32>
    %get3A_3 = arith.constant 0 : index
    %get3A_4 = arith.constant 0 : index
    %get3A_5 = arith.constant 0 : index
    %get3A_6 = vector.load %arg1[%get3A_3, %get3A_4, %get3A_5] : memref<2x2000x128xbf16, #tpu.memory_space<vmem>>, vector<1x2000x128xbf16>
    %get3A_7 = vector.shape_cast %get3A_6 : vector<1x2000x128xbf16> to vector<2000x128xbf16>
    %convert_element_type3A = arith.extf %get3A_7 : vector<2000x128xbf16> to vector<2000x128xf32>
    %get3A_8 = arith.constant 1 : index
    %get3A_9 = arith.constant 0 : index
    %get3A_10 = arith.constant 0 : index
    %get3A_11 = vector.load %arg1[%get3A_8, %get3A_9, %get3A_10] : memref<2x2000x128xbf16, #tpu.memory_space<vmem>>, vector<1x2000x128xbf16>
    %get3A_12 = vector.shape_cast %get3A_11 : vector<1x2000x128xbf16> to vector<2000x128xbf16>
    %convert_element_type3A_13 = arith.extf %get3A_12 : vector<2000x128xbf16> to vector<2000x128xf32>
    %add3A = arith.addf %convert_element_type3A, %convert_element_type3A_13 : vector<2000x128xf32>
    %get3A_14 = arith.constant 0 : index
    %get3A_15 = arith.constant 0 : index
    %get3A_16 = vector.load %arg2[%get3A_14, %get3A_15] : memref<2000x128xbf16, #tpu.memory_space<vmem>>, vector<2000x128xbf16>
    %convert_element_type3A_17 = arith.extf %get3A_16 : vector<2000x128xbf16> to vector<2000x128xf32>
    %add3A_18 = arith.addf %add3A, %convert_element_type3A_17 : vector<2000x128xf32>
    %mul3A = vector.broadcast %broadcast_in_dim3A : vector<2000x1xf32> to vector<2000x128xf32>
    %mul3A_19 = arith.mulf %mul3A, %add3A_18 : vector<2000x128xf32>
    %get3A_20 = arith.constant 0 : index
    %get3A_21 = arith.constant 0 : index
    %get3A_22 = vector.load %arg4[%get3A_20, %get3A_21] : memref<1x128xf32, #tpu.memory_space<vmem>>, vector<1x128xf32>
    %add3A_23 = vector.broadcast %get3A_22 : vector<1x128xf32> to vector<2000x128xf32>
    %add3A_24 = arith.addf %mul3A_19, %add3A_23 : vector<2000x128xf32>
    %max3A = arith.constant 0.000000e+00 : f32
    %max3A_25 = vector.broadcast %max3A : f32 to vector<2000x128xf32>
    %max3A_26 = arith.maximumf %add3A_24, %max3A_25 : vector<2000x128xf32>
    %get3A_27 = arith.constant 0 : index
    %get3A_28 = arith.constant 0 : index
    %get3A_29 = vector.load %arg5[%get3A_27, %get3A_28] : memref<128x16xf32, #tpu.memory_space<vmem>>, vector<128x16xf32>
    %dot_general3A = arith.constant dense<0.000000e+00> : vector<2000x16xf32>
    %dot_general3A_30 = tpu.matmul %max3A_26, %get3A_29, %dot_general3A {dimension_numbers = #tpu.dot_dimension_numbers<[1], [0], [0], [1], [0, 0, 1, 1], [], []>, transpose_lhs_hint = false} : vector<2000x128xf32>, vector<128x16xf32>, vector<2000x16xf32> -> vector<2000x16xf32>
    %mul3A_31 = vector.broadcast %broadcast_in_dim3A : vector<2000x1xf32> to vector<2000x16xf32>
    %mul3A_32 = arith.mulf %dot_general3A_30, %mul3A_31 : vector<2000x16xf32>
    %swap3A = arith.constant 0 : index
    %swap3A_33 = arith.constant 0 : index
    %swap3A_34 = vector.load %arg6[%swap3A, %swap3A_33] : memref<2000x16xf32, #tpu.memory_space<vmem>>, vector<2000x16xf32>
    tpu.vector_store %arg6[%swap3A, %swap3A_33], %mul3A_32 {strides = array<i32>} : memref<2000x16xf32, #tpu.memory_space<vmem>>, vector<2000x16xf32>,
    return
  }
  func.func @transform_0(%arg0: i32) -> (i32, i32, i32) {
    %c0_i32 = arith.constant 0 : i32
    %c0_i32_0 = arith.constant 0 : i32
    %c0_i32_1 = arith.constant 0 : i32
    return %c0_i32, %arg0, %c0_i32_0 : i32, i32, i32
  }
  func.func @transform_1(%arg0: i32) -> (i32, i32) {
    %c0_i32 = arith.constant 0 : i32
    %c0_i32_0 = arith.constant 0 : i32
    return %arg0, %c0_i32 : i32, i32
  }
  func.func @transform_2(%arg0: i32) -> (i32, i32) {
    %c0_i32 = arith.constant 0 : i32
    %c0_i32_0 = arith.constant 0 : i32
    return %arg0, %c0_i32 : i32, i32
  }
  func.func @transform_3(%arg0: i32) -> (i32, i32) {
    %c0_i32 = arith.constant 0 : i32
    %c0_i32_0 = arith.constant 0 : i32
    %c0_i32_1 = arith.constant 0 : i32
    return %c0_i32, %c0_i32_0 : i32, i32
  }
  func.func @transform_4(%arg0: i32) -> (i32, i32) {
    %c0_i32 = arith.constant 0 : i32
    %c0_i32_0 = arith.constant 0 : i32
    %c0_i32_1 = arith.constant 0 : i32
    return %c0_i32, %c0_i32_0 : i32, i32
  }
  func.func @transform_5(%arg0: i32) -> (i32, i32) {
    %c0_i32 = arith.constant 0 : i32
    %c0_i32_0 = arith.constant 0 : i32
    return %arg0, %c0_i32 : i32, i32
  }
}

module attributes {stable_mosaic.version = 14 : i64} {
  func.func @_tc_final(%arg0: i32, %arg1: memref<2x2000x16xf32, #tpu.memory_space<vmem>>, %arg2: memref<2000x16xf32, #tpu.memory_space<vmem>>, %arg3: memref<2000x1xf32, #tpu.memory_space<vmem>>, %arg4: memref<1x16xf32, #tpu.memory_space<vmem>>, %arg5: memref<2000x16xf32, #tpu.memory_space<vmem>>) attributes {dimension_semantics = [#tpu.dimension_semantics<arbitrary>], iteration_bounds = array<i64: 5>, scalar_prefetch = 0 : i64, scratch_operands = 0 : i64, tpu.core_type = #tpu.core_type<tc>, window_params = [{transform_indices = @transform_0, window_bounds = array<i64: 2, 2000, 16>}, {transform_indices = @transform_1, window_bounds = array<i64: 2000, 16>}, {transform_indices = @transform_2, window_bounds = array<i64: 2000, 1>}, {pipeline_mode = #tpu.pipeline_mode<synchronous>, transform_indices = @transform_3, window_bounds = array<i64: 1, 16>}, {transform_indices = @transform_4, window_bounds = array<i64: 2000, 16>}]} {
    %get3A = arith.constant 0 : index
    %get3A_0 = arith.constant 0 : index
    %get3A_1 = vector.load %arg3[%get3A, %get3A_0] : memref<2000x1xf32, #tpu.memory_space<vmem>>, vector<2000x1xf32>
    %get3A_2 = vector.shape_cast %get3A_1 : vector<2000x1xf32> to vector<2000xf32>
    %broadcast_in_dim3A = vector.shape_cast %get3A_2 : vector<2000xf32> to vector<2000x1xf32>
    %get3A_3 = arith.constant 0 : index
    %get3A_4 = arith.constant 0 : index
    %get3A_5 = arith.constant 0 : index
    %get3A_6 = vector.load %arg1[%get3A_3, %get3A_4, %get3A_5] : memref<2x2000x16xf32, #tpu.memory_space<vmem>>, vector<1x2000x16xf32>
    %get3A_7 = vector.shape_cast %get3A_6 : vector<1x2000x16xf32> to vector<2000x16xf32>
    %get3A_8 = arith.constant 1 : index
    %get3A_9 = arith.constant 0 : index
    %get3A_10 = arith.constant 0 : index
    %get3A_11 = vector.load %arg1[%get3A_8, %get3A_9, %get3A_10] : memref<2x2000x16xf32, #tpu.memory_space<vmem>>, vector<1x2000x16xf32>
    %get3A_12 = vector.shape_cast %get3A_11 : vector<1x2000x16xf32> to vector<2000x16xf32>
    %add3A = arith.addf %get3A_7, %get3A_12 : vector<2000x16xf32>
    %get3A_13 = arith.constant 0 : index
    %get3A_14 = arith.constant 0 : index
    %get3A_15 = vector.load %arg2[%get3A_13, %get3A_14] : memref<2000x16xf32, #tpu.memory_space<vmem>>, vector<2000x16xf32>
    %add3A_16 = arith.addf %add3A, %get3A_15 : vector<2000x16xf32>
    %mul3A = vector.broadcast %broadcast_in_dim3A : vector<2000x1xf32> to vector<2000x16xf32>
    %mul3A_17 = arith.mulf %mul3A, %add3A_16 : vector<2000x16xf32>
    %get3A_18 = arith.constant 0 : index
    %get3A_19 = arith.constant 0 : index
    %get3A_20 = vector.load %arg4[%get3A_18, %get3A_19] : memref<1x16xf32, #tpu.memory_space<vmem>>, vector<1x16xf32>
    %add3A_21 = vector.broadcast %get3A_20 : vector<1x16xf32> to vector<2000x16xf32>
    %add3A_22 = arith.addf %mul3A_17, %add3A_21 : vector<2000x16xf32>
    %reduce_max3A = arith.constant dense<0xFF800000> : vector<2000xf32>
    %reduce_max3A_23 = vector.multi_reduction <maximumf>, %add3A_22, %reduce_max3A [1] : vector<2000x16xf32> to vector<2000xf32>
    %broadcast_in_dim3A_24 = vector.shape_cast %reduce_max3A_23 : vector<2000xf32> to vector<2000x1xf32>
    %sub3A = vector.broadcast %broadcast_in_dim3A_24 : vector<2000x1xf32> to vector<2000x16xf32>
    %sub3A_25 = arith.subf %add3A_22, %sub3A : vector<2000x16xf32>
    %exp3A = math.exp %sub3A_25 : vector<2000x16xf32>
    %reduce_sum3A = arith.constant dense<0.000000e+00> : vector<2000xf32>
    %reduce_sum3A_26 = vector.multi_reduction <add>, %exp3A, %reduce_sum3A [1] : vector<2000x16xf32> to vector<2000xf32>
    %broadcast_in_dim3A_27 = vector.shape_cast %reduce_sum3A_26 : vector<2000xf32> to vector<2000x1xf32>
    %div3A = vector.broadcast %broadcast_in_dim3A_27 : vector<2000x1xf32> to vector<2000x16xf32>
    %div3A_28 = arith.divf %exp3A, %div3A : vector<2000x16xf32>
    %swap3A = arith.constant 0 : index
    %swap3A_29 = arith.constant 0 : index
    %swap3A_30 = vector.load %arg5[%swap3A, %swap3A_29] : memref<2000x16xf32, #tpu.memory_space<vmem>>, vector<2000x16xf32>
    tpu.vector_store %arg5[%swap3A, %swap3A_29], %div3A_28 {strides = array<i32>} : memref<2000x16xf32, #tpu.memory_space<vmem>>, vector<2000x16xf32>,
    return
  }
  func.func @transform_0(%arg0: i32) -> (i32, i32, i32) {
    %c0_i32 = arith.constant 0 : i32
    %c0_i32_0 = arith.constant 0 : i32
    %c0_i32_1 = arith.constant 0 : i32
    return %c0_i32, %arg0, %c0_i32_0 : i32, i32, i32
  }
  func.func @transform_1(%arg0: i32) -> (i32, i32) {
    %c0_i32 = arith.constant 0 : i32
    %c0_i32_0 = arith.constant 0 : i32
    return %arg0, %c0_i32 : i32, i32
  }
  func.func @transform_2(%arg0: i32) -> (i32, i32) {
    %c0_i32 = arith.constant 0 : i32
    %c0_i32_0 = arith.constant 0 : i32
    return %arg0, %c0_i32 : i32, i32
  }
  func.func @transform_3(%arg0: i32) -> (i32, i32) {
    %c0_i32 = arith.constant 0 : i32
    %c0_i32_0 = arith.constant 0 : i32
    %c0_i32_1 = arith.constant 0 : i32
    return %c0_i32, %c0_i32_0 : i32, i32
  }
  func.func @transform_4(%arg0: i32) -> (i32, i32) {
    %c0_i32 = arith.constant 0 : i32
    %c0_i32_0 = arith.constant 0 : i32
    return %arg0, %c0_i32 : i32, i32
  }
}

</mosaic_0001>

<sc_bundles>
// kernel: kernel.11.cloned.1.call-start
scs
__scs_entry_jumppad:
0x0: {  	(pc) =	sbr.rel $0x88, $3  }
0x1: {  	(tag) =	ssettag $0x0;
	lr =	simm.s32 $0x1  }
0x2: {  	[smem:$0x3F9B] =	sst lr;
	_ =	strace $0xD0000000  }
0x3: {  	_ = 	snop  }
0x4: {  	_ = 	snop  }
0x5: {  	_ = 	snop  }
0x6: {  	_ = 	snop  }
0x7: {  	_ = 	snop  }
__scs_overlays_trampoline_lowered:
0x8: {  	[smem:$0x3FAA] =	sst s0  }
0x9: {  	[smem:$0x3FAB] =	sst s1  }
0xa: {  	[smem:$0x3FAC] =	sst s2  }
0xb: {  	[smem:$0x3FAD] =	sst s3  }
0xc: {  	[smem:$0x3FAE] =	sst s4  }
0xd: {  	[smem:$0x3FAF] =	sst s5  }
0xe: {  	[smem:$0x3FB0] =	sst s6  }
0xf: {  	[smem:$0x3FB1] =	sst s7  }
0x10: {  	[smem:$0x3FB2] =	sst s8  }
0x11: {  	[smem:$0x3FB3] =	sst s9;
	s0 =	simm.s32 @!p0 $0x0  }
0x12: {  	s1 =	sld [smem:$0x3F99];
	s0 =	simm.s32 @p0 $0x1  }
0x13: {  	[smem:$0x3FB4] =	sst s0;
	s0 =	simm.s32 @!p1 $0x0  }
0x14: {  	s2 =	sld [smem:$0x3F98];
	s0 =	simm.s32 @p1 $0x1  }
0x15: {  	[smem:$0x3FB5] =	sst s0;
	s0 =	simm.s32 @!p2 $0x0  }
0x16: {  	s3 =	sld [smem:$0x3FDB];
	s0 =	simm.s32 @p2 $0x1  }
0x17: {  	s4 =	simm.s32 $0x1BF5;
	[smem:$0x3FB7] =	sst s0  }
0x18: {  	s0 =	sld [smem:$0x3F9A];
	_ =	swait.ge [sflag:s4], $0x0  }
0x19: {  	s7 =	sld [smem:$0x3F9B]  }
0x1a: {  	s8 =	sadd.s32 $0xFFFFE003, lr  }
0x1b: {  	s9 =	sadd.s32 $0xFFFFFEF7, lr;
	s5 =	simm.s32 $0xFFFFFFFF;
	p2 =	slt.u32 s8, $0xFFFFF086  }
0x1c: {  	p1 =	slt.u32 s9, $0xF7A;
	s5 =	simm.s32 @!p2 $0x0  }
0x1d: {  	s5 =	simm.s32 @p1 $0x1;
	p0 =	seq.s32 s7, s2  }
0x1e: {  	s7 =	smul.u32 @!p0 $0xF7A, s2;
	p2 =	seq.s32 @!p0 s5, $0x0  }
0x1f: {  	s9 =	smul.u32 $0xF7A, s1;
	s8 =	simm.s32 @!p0 $0x1BF5;
	p2 =	por !p2, p0  }
0x20: {  	[sflag:s8] =	ssyncset.s32 @!p0 $0xFFFFF086;
	s6 =	sadd.s32 @!p0 s3, s7;
	s7 =	simm.s32 @!p0 $0x108  }
0x21: {  	s3 =	sadd.s32 s3, s9;
	s6 =	sadd.s32 @!p0 $0x88, s6;
	s7 =	simm.s32 @p2 $0x1082  }
0x22: {  	[simem:s7], [sflag:s8] =	dma.local @!p0 [hbm:s6], $0xF7A  }
0x23: {  	s9 =	sor.u32 $0xD0000000, s2;
	s6 =	simm.s32 $0x108;
	_ =	swait.ge @!p0 [sflag:s8], $0x0  }
0x24: {  	s3 =	sadd.s32 $0x88, s3;
	s6 =	simm.s32 @!p1 $0x1082;
	[sflag:s4] =	ssyncset.s32 $0xFFFFF086  }
0x25: {  	[simem:s6], [sflag:s4] =	dma.local [hbm:s3], $0xF7A  }
0x26: {  	[smem:$0x3F9B] =	sst s1;
	(tag) =	ssettag s2;
	_ =	strace s9  }
0x27: {  	s1 =	sld [smem:$0x3FAB]  }
0x28: {  	s2 =	sld [smem:$0x3FAC]  }
0x29: {  	s4 =	sld [smem:$0x3FAE]  }
0x2a: {  	p0 =	seq.s32 s5, $0x0;
	s5 =	sld [smem:$0x3FAF]  }
0x2b: {  	s6 =	sld [smem:$0x3FB0]  }
0x2c: {  	s7 =	sld [smem:$0x3FB1]  }
0x2d: {  	s3 =	simm.s32 $0x108;
	s8 =	sld [smem:$0x3FB2]  }
0x2e: {  	s3 =	simm.s32 @!p0 $0x1082;
	s9 =	sld [smem:$0x3FB3]  }
0x2f: {  	lr =	sadd.s32 s0, s3;
	s0 =	sld [smem:$0x3FAA]  }
0x30: {  	s3 =	sld [smem:$0x3FAD]  }
0x31: {  	[smem:$0x3FB6] =	sst s10  }
0x32: {  	s10 =	sld [smem:$0x3FB4];
	_ =	sdelay $0x3  }
0x33: {  	p0 =	seq.s32 s10, $0x1;
	s10 =	sld [smem:$0x3FB6];
	_ =	sdelay $0x3  }
0x34: {  	[smem:$0x3FB6] =	sst s10  }
0x35: {  	s10 =	sld [smem:$0x3FB5];
	_ =	sdelay $0x3  }
0x36: {  	p1 =	seq.s32 s10, $0x1;
	s10 =	sld [smem:$0x3FB6];
	_ =	sdelay $0x3  }
0x37: {  	[smem:$0x3FB6] =	sst s10  }
0x38: {  	s10 =	sld [smem:$0x3FB7]  }
0x39: {  	_ = 	snop;
	(pc) =	sbr.ind lr, $3  }
0x3a: {  	_ = 	snop  }
0x3b: {  	_ = 	snop  }
0x3c: {  	p2 =	seq.s32 s10, $0x1;
	s10 =	sld [smem:$0x3FB6]  }
0x3d: {  	_ =	shalt  }
0x3e: {  	_ =	shalt  }
0x3f: {  	_ =	shalt  }
0x40: {  	_ =	shalt  }
0x41: {  	_ =	shalt  }
0x42: {  	_ =	shalt  }
0x43: {  	_ =	shalt  }
0x44: {  	_ =	shalt  }
0x45: {  	_ =	shalt  }
0x46: {  	_ =	shalt  }
0x47: {  	_ =	shalt  }
0x48: {  	_ =	shalt  }
0x49: {  	_ =	shalt  }
0x4a: {  	_ =	shalt  }
0x4b: {  	_ =	shalt  }
0x4c: {  	_ =	shalt  }
0x4d: {  	_ =	shalt  }
0x4e: {  	_ =	shalt  }
0x4f: {  	_ =	shalt  }
0x50: {  	_ =	shalt  }
0x51: {  	_ =	shalt  }
0x52: {  	_ =	shalt  }
0x53: {  	_ =	shalt  }
0x54: {  	_ =	shalt  }
0x55: {  	_ =	shalt  }
0x56: {  	_ =	shalt  }
0x57: {  	_ =	shalt  }
0x58: {  	_ =	shalt  }
0x59: {  	_ =	shalt  }
0x5a: {  	_ =	shalt  }
0x5b: {  	_ =	shalt  }
0x5c: {  	_ =	shalt  }
0x5d: {  	_ =	shalt  }
0x5e: {  	_ =	shalt  }
0x5f: {  	_ =	shalt  }
0x60: {  	_ =	shalt  }
0x61: {  	_ =	shalt  }
0x62: {  	_ =	shalt  }
0x63: {  	_ =	shalt  }
0x64: {  	_ =	shalt  }
0x65: {  	_ =	shalt  }
0x66: {  	_ =	shalt  }
0x67: {  	_ =	shalt  }
0x68: {  	_ =	shalt  }
0x69: {  	_ =	shalt  }
0x6a: {  	_ =	shalt  }
0x6b: {  	_ =	shalt  }
0x6c: {  	_ =	shalt  }
0x6d: {  	_ =	shalt  }
0x6e: {  	_ =	shalt  }
0x6f: {  	_ =	shalt  }
0x70: {  	_ =	shalt  }
0x71: {  	_ =	shalt  }
0x72: {  	_ =	shalt  }
0x73: {  	_ =	shalt  }
0x74: {  	_ =	shalt  }
0x75: {  	_ =	shalt  }
0x76: {  	_ =	shalt  }
0x77: {  	_ =	shalt  }
0x78: {  	_ =	shalt  }
0x79: {  	_ =	shalt  }
0x7a: {  	_ =	shalt  }
0x7b: {  	_ =	shalt  }
0x7c: {  	_ =	shalt  }
0x7d: {  	_ =	shalt  }
0x7e: {  	_ =	shalt  }
0x7f: {  	_ =	shalt  }
0x80: {  	_ =	shalt  }
0x81: {  	_ =	shalt  }
0x82: {  	_ =	shalt  }
0x83: {  	_ =	shalt  }
0x84: {  	_ =	shalt  }
0x85: {  	_ =	shalt  }
0x86: {  	_ =	shalt  }
0x87: {  	_ =	shalt  }
.Lfunc_end0:
.L_simem_size_0:
called_computation.1_lowered:
.L_overlay_start_0:
0x88: {  	s2 =	sld [smem:$0x3FD9]  }
0x89: {  	s3 =	sld [smem:$0x3FFE];
	_ =	sdelay $0x1  }
0x8a: {  	s1 =	srdreg.scid  }
0x8b: {  	s0 =	sand.u32 $0x1, s1  }
0x8c: {  	s16 =	sshll.u32 s0, $0xA;
	s2 =	sadd.s32 s3, s2  }
0x8d: {  	s2 =	sadd.s32 s2, s16  }
0x8e: {  	[smem:$0x3FC2] =	sst s2  }
0x8f: {  	_ = 	snop  }
0x90: {  	(tm) =	ssettm $0x1  }
0x91: {  	s17 =	sld [smem:$0x3FFB];
	_ =	sdelay $0x3  }
0x92: {  	_ =	strace s17  }
0x93: {  	s2 =	sld [smem:$0x3FFC];
	_ =	sdelay $0x3  }
0x94: {  	_ =	strace s2  }
0x95: {  	s2 =	sld [smem:$0x3FFD];
	_ =	sdelay $0x3  }
0x96: {  	_ =	strace s2  }
0x97: {  	_ =	strace $0x8FFFFFFF  }
0x98: {  	s18 =	sld [smem:$0x3FDB];
	_ =	sdelay $0x1  }
0x99: {  	s19 =	simm.s32 $_scs_section_size  }
0x9a: {  	s4 =	simm.s32 $_size__tile_overlayer_lowered;
	s5 =	simm.s32 $_tile_overlayer_lowered  }
0x9b: {  	s22 =	simm.s32 $0x1BFF;
	s21 =	sshll.u32 s5, $0x1;
	s2 =	sadd.s32 s19, s18  }
0x9c: {  	s6 =	simm.s32 $0x0;
	s20 =	sshll.u32 s4, $0x1;
	s4 =	sadd.s32 s21, s2  }
0x9d: {  	[timem:s6], [sflag:s22] =	dma.local [hbm:s4], s20  }
0x9e: {  	_ =	swait.ge [sflag:s22], s20  }
0x9f: {  	s3 =	ssub.s32 $0x0, s20;
	[sflag:s22] =	ssyncset.done $0x0  }
0xa0: {  	[sflag:s22] =	ssyncadd.s32 s3;
	_ =	sdelay $0x1  }
0xa1: {  	s23 =	simm.s32 $0x1B8B  }
0xa2: {  	_ =	swait.ge [sflag:s23], $0x1  }
0xa3: {  	[sflag:s23] =	ssyncset.done $0x0  }
0xa4: {  	s25 =	simm.s32 $0x1B8E;
	s24 =	sld [smem:$0x3FFE];
	[sflag:s23] =	ssyncadd.s32 $0xFFFFFFFF  }
0xa5: {  	s26 =	simm.s32 $execute0_lowered;
	[smem:$0x3FD2] =	sst s25  }
0xa6: {  	s4 =	sshll.u32 s26, $0x1;
	_ =	strace $0x80000049;
	[dreg:$0x1] =	wrdreg $0xFFFFFFFF  }
0xa7: {  	s28 =	simm.s32 $_size_execute0_lowered;
	s2 =	sadd.s32 s2, s4;
	[dreg:$0x0] =	wrdreg $0x0  }
0xa8: {  	s4 =	sshll.u32 s28, $0x1;
	[dreg:$0x2] =	wrdreg s2  }
0xa9: {  	[dreg:$0x3] =	wrdreg s4  }
0xaa: {  	[dreg:$0x4] =	wrdreg $0xC0  }
0xab: {  	_ =	task [dreg:s6], $0x5FFFF  }
0xac: {  	[dreg:$0x1] =	wrdreg $0xFFFFFFFF  }
0xad: {  	[dreg:$0x0] =	wrdreg $0x60  }
0xae: {  	[dreg:$0x2] =	wrdreg s24  }
0xaf: {  	[dreg:$0x3] =	wrdreg $0x0  }
0xb0: {  	[dreg:$0x4] =	wrdreg $0x9  }
0xb1: {  	_ =	task.clear_ibuf [dreg:s6], $0x5FFFF;
	_ =	strace $0x90000049  }
0xb2: {  	s29 =	simm.s32 $0x9;
	_ =	strace $0x8000004B  }
0xb3: {  	_ =	swait.ge [sflag:s29], $0x1  }
0xb4: {  	[sflag:s29] =	ssyncadd.s32 $0xFFFFFFFF  }
0xb5: {  	_ =	strace $0x9000004B  }
0xb6: {  	_ =	sfence  }
0xb7: {  	s30 =	sld [smem:$0x0];
	_ =	sdelay $0x2  }
0xb8: {  	s31 =	sshll.u32 s1, $0xD;
	s1 =	sshrl.u32 s1, $0x2  }
0xb9: {  	s3 =	sand.u32 $0x4000, s31;
	s1 =	sadd.s32 s1, s30  }
0xba: {  	s0 =	sor.u32 s3, s0;
	s1 =	sshll.u32 s1, $0x11  }
0xbb: {  	s0 =	sor.u32 s1, s0  }
0xbc: {  	s0 =	sadd.s32 $0x8F2B, s0  }
0xbd: {  	[sflag:s0] =	ssyncadd.remote.s32 $0x1  }
0xbe: {  	_ =	sfence.sel $0xFFFF  }
0xbf: {  	[dreg:$0x0] =	wrdreg $0xFFFFFFFF;
	(pc) =	sbr.abs _section_cstart, $3  }
0xc0: {  	[dreg:$0x1] =	wrdreg $0xFFFFFFFF  }
0xc1: {  	_ =	task.clear_ibuf [dreg:s6], $0x2FFFF;
	_ =	strace $0x9FFFFFFF  }
0xc2: {  	(tm) =	ssettm $0x7FFFFFFF  }
0xc3: {  	_ =	shalt  }
tec
execute0_lowered:
.L_overlay_start_1:
0x0: {  	(tag) =	ssettag $0x1  }
0x1: {  	s0 =	rddreg [dreg:$0x0]  }
0x2: {  	s1 =	rddreg [dreg:$0x1];
	s2 =	srdreg.scid;
	s4 =	simm.s32 $0x0  }
0x3: {  	s9 =	stileid.u32;
	s18 =	simm.s32 $0xD;
	s19 =	simm.s32 $0x64  }
0x4: {  	s20 =	simm.s32 $0xED80;
	s22 =	simm.s32 $0x10680;
	s29 =	simm.s32 $0x15180  }
0x5: {  	s30 =	simm.s32 $0xB;
	s31 =	simm.s32 $0xE;
	s17 =	simm.s32 $0x3  }
0x6: {  	s21 =	simm.s32 $0x4;
	s28 =	simm.s32 $0x7;
	s13 =	simm.s32 $0xC4E0  }
0x7: {  	s2 =	sand.u32 $0x1, s2;
	[smem:$0x7FF] =	sst s4;
	s5 =	smul.u32 $0x13800, s9  }
0x8: {  	s4 =	sadd.s32 $0x33800, s0;
	p0 =	sne.s32 s9, $0xF;
	s3 =	sshll.u32 s2, $0x4  }
0x9: {  	_ =	strace $0x8000004A;
	s6 =	smul.u32 $0x13880, s2;
	s2 =	ssub.s32 $0x2, s2  }
0xa: {  	s3 =	sor.u32 s9, s3;
	s7 =	sshrl.u32 s5, $0x4;
	s8 =	sshrl.u32 s2, $0x1  }
0xb: {  	s5 =	sshrl.u32 s5, $0x1;
	s3 =	smul.u32 $0x514, s3;
	[dreg:$0x3] =	wrdreg s7  }
0xc: {  	s7 =	sadd.s32 s7, s0;
	s6 =	sadd.s32 s6, s0;
	s2 =	ssub.s32 s2, s8  }
0xd: {  	s5 =	sadd.s32 s5, s1;
	s8 =	sadd.s32 $0x9C000, s1;
	s7 =	sadd.s32 $0x15A00, s7  }
0xe: {  	s12 =	sadd.s32 $0x47200, s6;
	s26 =	smax.u32 s2, $0x1;
	s14 =	sshrl.u32 s5, $0x3  }
0xf: {  	s15 =	sshrl.u32 @!p0 s8, $0x3;
	s2 =	simm.s32 $0x2;
	s5 =	simm.s32 $0x9  }
0x10: {  	s6 =	simm.s32 $0xA;
	s3 =	sadd.s32 s3, s0;
	[dreg:$0x4] =	wrdreg s7  }
0x11: {  	s7 =	sshll.u32 s9, $0x6;
	s0 =	sadd.s32 $0x29200, s0;
	[dreg:$0x9] =	wrdreg s26  }
0x12: {  	s8 =	simm.s32 $0xF;
	s23 =	sor.u32 $0x1C0B, s7;
	[dreg:$0x6] =	wrdreg s0  }
0x13: {  	s26 =	simm.s32 $0x13880;
	s24 =	sadd.s32 $0x29400, s3;
	[dreg:$0x5] =	wrdreg s23  }
0x14: {  	s9 =	simm.s32 $0x0;
	s25 =	sadd.s32 $0x1600, s3;
	[dreg:$0x7] =	wrdreg s24  }
0x15: {  	s0 =	simm.s32 $0x1;
	s3 =	simm.s32 $0x8;
	[dreg:$0x8] =	wrdreg s25  }
0x16: {  	s24 =	simm.s32 $0x11F80;
	s23 =	simm.s32 $0x5;
	s25 =	simm.s32 $0x6  }
.LBB2_1:
0x17: {  	s10 =	rddreg [dreg:$0x4]  }
0x18: {  	s11 =	rddreg [dreg:$0x5]  }
0x19: {  	[spmem:s14], [sflag:s11] =	dma.local [hbm:s10], $0x1380  }
0x1a: {  	s10 =	simm.s32 @!p0 $0x1FCC;
	s11 =	rddreg [dreg:$0x6]  }
0x1b: {  	[spmem:s15], [sflag:s10] =	dma.local @!p0 [hbm:s11], $0x80  }
0x1c: {  	s16 =	simm.s32 $0x9C40;
	s10 =	simm.s32 $0x0;
	s11 =	rddreg [dreg:$0x7]  }
0x1d: {  	[tilespmem:s16], [sflag:$0xD] =	stream.linear.gather [hbm4b:s11+s10], $0x28A0, $0x38;
	[tilespmem:$0x16A80] =	vst v63  }
0x1e: {  	s11 =	rddreg [dreg:$0x8]  }
0x1f: {  	[tilespmem:s13], [sflag:$0xE] =	stream.linear.gather [hbm4b:s11+s10], $0x28A0, $0x38;
	[tilespmem:$0x16A80] =	vst v63  }
0x20: {  	_ =	swait.ge [sflag:s18], $0x28A0  }
0x21: {  	[sflag:s18] =	ssyncset.done $0x0  }
0x22: {  	[sflag:s18] =	ssyncadd.s32 $0xFFFFD760  }
0x23: {  	[tilespmem:s20], [sflag:$0x1] =	stream.indirect.gather [hbm4b:s4+s19], $0x40, s16, s19, $0xb8;
	[tilespmem:$0x16A80] =	vst v63  }
0x24: {  	s16 =	simm.s32 $0x9CA8  }
0x25: {  	[tilespmem:s22], [sflag:$0x2] =	stream.indirect.gather [hbm4b:s4+s19], $0x40, s16, s19, $0xb8;
	[tilespmem:$0x16A80] =	vst v63  }
0x26: {  	s11 =	simm.s32 $0x9D10  }
0x27: {  	[tilespmem:s24], [sflag:$0x3] =	stream.indirect.gather [hbm4b:s4+s19], $0x40, s11, s19, $0xb8;
	[tilespmem:$0x16A80] =	vst v63  }
0x28: {  	s16 =	simm.s32 $0x9D78  }
0x29: {  	[tilespmem:s26], [sflag:$0x4] =	stream.indirect.gather [hbm4b:s4+s19], $0x40, s16, s19, $0xb8;
	[tilespmem:$0x16A80] =	vst v63  }
0x2a: {  	s11 =	simm.s32 $0x9DE0  }
0x2b: {  	[tilespmem:s29], [sflag:$0x5] =	stream.indirect.gather [hbm4b:s4+s19], $0x40, s11, s19, $0xb8;
	[tilespmem:$0x16A80] =	vst v63  }
0x2c: {  	_ =	swait.ge [sflag:s30], $0x1380  }
0x2d: {  	[sflag:s30] =	ssyncset.done $0x0  }
0x2e: {  	s10 =	simm.s32 @!p0 $0xC;
	[sflag:s30] =	ssyncadd.s32 $0xFFFFEC80  }
0x2f: {  	_ =	swait.ge @!p0 [sflag:s10], $0x80  }
0x30: {  	[sflag:s10] =	ssyncset.done @!p0 $0x0  }
0x31: {  	[sflag:s10] =	ssyncadd.s32 @!p0 $0xFFFFFF80  }
0x32: {  	_ =	swait.ge [sflag:s31], $0x28A0  }
0x33: {  	[sflag:s31] =	ssyncset.done $0x0  }
0x34: {  	[sflag:s31] =	ssyncadd.s32 $0xFFFFD760  }
0x35: {  	[bflag:$0x0] =	sbarrier.arrive $0xFFFF  }
0x36: {  	_ =	swait.ge [sflag:s0], $0x1900  }
0x37: {  	[sflag:s0] =	ssyncset.done $0x0  }
0x38: {  	s16 =	simm.s32 $0xC4E0;
	[sflag:s0] =	ssyncadd.s32 $0xFFFFE700  }
0x39: {  	[spmem:s1] =	stream.indirect.scatter.add.bf16 [tilespmem:s20], [sflag:$0x6], $0x40, s16, s19, $0xb8;
	[tilespmem:$0x16A80] =	vst v63  }
0x3a: {  	_ =	swait.ge [sflag:s2], $0x1900  }
0x3b: {  	[sflag:s2] =	ssyncset.done $0x0  }
0x3c: {  	s11 =	simm.s32 $0xC548;
	[sflag:s2] =	ssyncadd.s32 $0xFFFFE700  }
0x3d: {  	[spmem:s1] =	stream.indirect.scatter.add.bf16 [tilespmem:s22], [sflag:$0x7], $0x40, s11, s19, $0xb8;
	[tilespmem:$0x16A80] =	vst v63  }
0x3e: {  	_ =	swait.ge [sflag:s17], $0x1900  }
0x3f: {  	[sflag:s17] =	ssyncset.done $0x0  }
0x40: {  	s16 =	simm.s32 $0xC5B0;
	[sflag:s17] =	ssyncadd.s32 $0xFFFFE700  }
0x41: {  	[spmem:s1] =	stream.indirect.scatter.add.bf16 [tilespmem:s24], [sflag:$0x8], $0x40, s16, s19, $0xb8;
	[tilespmem:$0x16A80] =	vst v63  }
0x42: {  	_ =	swait.ge [sflag:s21], $0x1900  }
0x43: {  	[sflag:s21] =	ssyncset.done $0x0  }
0x44: {  	s11 =	simm.s32 $0xC618;
	[sflag:s21] =	ssyncadd.s32 $0xFFFFE700  }
0x45: {  	[spmem:s1] =	stream.indirect.scatter.add.bf16 [tilespmem:s26], [sflag:$0x9], $0x40, s11, s19, $0xb8;
	[tilespmem:$0x16A80] =	vst v63  }
0x46: {  	_ =	swait.ge [sflag:s23], $0x1900  }
0x47: {  	[sflag:s23] =	ssyncset.done $0x0  }
0x48: {  	s16 =	simm.s32 $0xC680;
	[sflag:s23] =	ssyncadd.s32 $0xFFFFE700  }
0x49: {  	[spmem:s1] =	stream.indirect.scatter.add.bf16 [tilespmem:s29], [sflag:$0xA], $0x40, s16, s19, $0xb8;
	[tilespmem:$0x16A80] =	vst v63  }
0x4a: {  	_ =	swait.ge [sflag:s25], $0x1900  }
0x4b: {  	[sflag:s25] =	ssyncset.done $0x0  }
0x4c: {  	s11 =	simm.s32 $0x9E48;
	[sflag:s25] =	ssyncadd.s32 $0xFFFFE700  }
0x4d: {  	[tilespmem:s20], [sflag:$0x1] =	stream.indirect.gather [hbm4b:s4+s19], $0x40, s11, s19, $0xb8;
	[tilespmem:$0x16A80] =	vst v63  }
0x4e: {  	_ =	swait.ge [sflag:s28], $0x1900  }
0x4f: {  	[sflag:s28] =	ssyncset.done $0x0  }
0x50: {  	s16 =	simm.s32 $0x9EB0;
	[sflag:s28] =	ssyncadd.s32 $0xFFFFE700  }
0x51: {  	[tilespmem:s22], [sflag:$0x2] =	stream.indirect.gather [hbm4b:s4+s19], $0x40, s16, s19, $0xb8;
	[tilespmem:$0x16A80] =	vst v63  }
0x52: {  	_ =	swait.ge [sflag:s3], $0x1900  }
0x53: {  	[sflag:s3] =	ssyncset.done $0x0  }
0x54: {  	s11 =	simm.s32 $0x9F18;
	[sflag:s3] =	ssyncadd.s32 $0xFFFFE700  }
0x55: {  	[tilespmem:s24], [sflag:$0x3] =	stream.indirect.gather [hbm4b:s4+s19], $0x40, s11, s19, $0xb8;
	[tilespmem:$0x16A80] =	vst v63  }
0x56: {  	_ =	swait.ge [sflag:s5], $0x1900  }
0x57: {  	[sflag:s5] =	ssyncset.done $0x0  }
0x58: {  	s16 =	simm.s32 $0x9F80;
	[sflag:s5] =	ssyncadd.s32 $0xFFFFE700  }
0x59: {  	[tilespmem:s26], [sflag:$0x4] =	stream.indirect.gather [hbm4b:s4+s19], $0x40, s16, s19, $0xb8;
	[tilespmem:$0x16A80] =	vst v63  }
0x5a: {  	_ =	swait.ge [sflag:s6], $0x1900  }
0x5b: {  	[sflag:s6] =	ssyncset.done $0x0  }
0x5c: {  	s10 =	simm.s32 $0x820;
	s11 =	simm.s32 $0x9FE8;
	[sflag:s6] =	ssyncadd.s32 $0xFFFFE700  }
.LBB2_2:
0x5d: {  	[tilespmem:s29], [sflag:$0x5] =	stream.indirect.gather [hbm4b:s4+s19], $0x40, s11, s19, $0xb8;
	[tilespmem:$0x16A80] =	vst v63  }
0x5e: {  	s11 =	smov.u32 s10  }
0x5f: {  	p1 =	sne.s32 s10, $0x9240;
	s10 =	sadd.s32 $0x820, s10;
	_ =	swait.ge [sflag:s0], $0x1900  }
0x60: {  	s11 =	sshra.s32 s11, $0x2;
	[sflag:s0] =	ssyncset.done $0x0  }
0x61: {  	s16 =	sadd.s32 $0xC4E0, s11;
	[sflag:s0] =	ssyncadd.s32 $0xFFFFE700  }
0x62: {  	[spmem:s1] =	stream.indirect.scatter.add.bf16 [tilespmem:s20], [sflag:$0x6], $0x40, s16, s19, $0xb8;
	[tilespmem:$0x16A80] =	vst v63  }
0x63: {  	_ =	swait.ge [sflag:s2], $0x1900  }
0x64: {  	[sflag:s2] =	ssyncset.done $0x0  }
0x65: {  	s16 =	sadd.s32 $0xC548, s11;
	[sflag:s2] =	ssyncadd.s32 $0xFFFFE700  }
0x66: {  	[spmem:s1] =	stream.indirect.scatter.add.bf16 [tilespmem:s22], [sflag:$0x7], $0x40, s16, s19, $0xb8;
	[tilespmem:$0x16A80] =	vst v63  }
0x67: {  	_ =	swait.ge [sflag:s17], $0x1900  }
0x68: {  	[sflag:s17] =	ssyncset.done $0x0  }
0x69: {  	s16 =	sadd.s32 $0xC5B0, s11;
	[sflag:s17] =	ssyncadd.s32 $0xFFFFE700  }
0x6a: {  	[spmem:s1] =	stream.indirect.scatter.add.bf16 [tilespmem:s24], [sflag:$0x8], $0x40, s16, s19, $0xb8;
	[tilespmem:$0x16A80] =	vst v63  }
0x6b: {  	_ =	swait.ge [sflag:s21], $0x1900  }
0x6c: {  	[sflag:s21] =	ssyncset.done $0x0  }
0x6d: {  	s16 =	sadd.s32 $0xC618, s11;
	[sflag:s21] =	ssyncadd.s32 $0xFFFFE700  }
0x6e: {  	[spmem:s1] =	stream.indirect.scatter.add.bf16 [tilespmem:s26], [sflag:$0x9], $0x40, s16, s19, $0xb8;
	[tilespmem:$0x16A80] =	vst v63  }
0x6f: {  	_ =	swait.ge [sflag:s23], $0x1900  }
0x70: {  	[sflag:s23] =	ssyncset.done $0x0  }
0x71: {  	s16 =	sadd.s32 $0xC680, s11;
	[sflag:s23] =	ssyncadd.s32 $0xFFFFE700  }
0x72: {  	[spmem:s1] =	stream.indirect.scatter.add.bf16 [tilespmem:s29], [sflag:$0xA], $0x40, s16, s19, $0xb8;
	[tilespmem:$0x16A80] =	vst v63  }
0x73: {  	_ =	swait.ge [sflag:s25], $0x1900  }
0x74: {  	[sflag:s25] =	ssyncset.done $0x0  }
0x75: {  	s16 =	sadd.s32 $0x9E48, s11;
	[sflag:s25] =	ssyncadd.s32 $0xFFFFE700  }
0x76: {  	[tilespmem:s20], [sflag:$0x1] =	stream.indirect.gather [hbm4b:s4+s19], $0x40, s16, s19, $0xb8;
	[tilespmem:$0x16A80] =	vst v63  }
0x77: {  	_ =	swait.ge [sflag:s28], $0x1900  }
0x78: {  	[sflag:s28] =	ssyncset.done $0x0  }
0x79: {  	s16 =	sadd.s32 $0x9EB0, s11;
	[sflag:s28] =	ssyncadd.s32 $0xFFFFE700  }
0x7a: {  	[tilespmem:s22], [sflag:$0x2] =	stream.indirect.gather [hbm4b:s4+s19], $0x40, s16, s19, $0xb8;
	[tilespmem:$0x16A80] =	vst v63  }
0x7b: {  	_ =	swait.ge [sflag:s3], $0x1900  }
0x7c: {  	[sflag:s3] =	ssyncset.done $0x0  }
0x7d: {  	s16 =	sadd.s32 $0x9F18, s11;
	[sflag:s3] =	ssyncadd.s32 $0xFFFFE700  }
0x7e: {  	[tilespmem:s24], [sflag:$0x3] =	stream.indirect.gather [hbm4b:s4+s19], $0x40, s16, s19, $0xb8;
	[tilespmem:$0x16A80] =	vst v63  }
0x7f: {  	_ =	swait.ge [sflag:s5], $0x1900  }
0x80: {  	[sflag:s5] =	ssyncset.done $0x0  }
.Ltmp0:
0x81: {  	s16 =	sadd.s32 $0x9F80, s11;
	[sflag:s5] =	ssyncadd.s32 $0xFFFFE700;
	(pc) =	sbr.rel @p1 .LBB2_2-.Ltmp0, $4  }
0x82: {  	[tilespmem:s26], [sflag:$0x4] =	stream.indirect.gather [hbm4b:s4+s19], $0x40, s16, s19, $0xb8;
	[tilespmem:$0x16A80] =	vst v63  }
0x83: {  	_ =	swait.ge [sflag:s6], $0x1900  }
0x84: {  	[sflag:s6] =	ssyncset.done $0x0  }
0x85: {  	s11 =	sadd.s32 $0x9FE8, s11;
	[sflag:s6] =	ssyncadd.s32 $0xFFFFE700  }
0x86: {  	[tilespmem:s29], [sflag:$0x5] =	stream.indirect.gather [hbm4b:s4+s19], $0x40, s11, s19, $0xb8;
	[tilespmem:$0x16A80] =	vst v63  }
0x87: {  	_ =	swait.ge [sflag:s0], $0x1900  }
0x88: {  	[sflag:s0] =	ssyncset.done $0x0  }
0x89: {  	s10 =	simm.s32 $0xEB78;
	[sflag:s0] =	ssyncadd.s32 $0xFFFFE700  }
0x8a: {  	[spmem:s1] =	stream.indirect.scatter.add.bf16 [tilespmem:s20], [sflag:$0x6], $0x40, s10, s19, $0xb8;
	[tilespmem:$0x16A80] =	vst v63  }
0x8b: {  	_ =	swait.ge [sflag:s2], $0x1900  }
0x8c: {  	[sflag:s2] =	ssyncset.done $0x0  }
0x8d: {  	s11 =	simm.s32 $0xEBE0;
	[sflag:s2] =	ssyncadd.s32 $0xFFFFE700  }
0x8e: {  	[spmem:s1] =	stream.indirect.scatter.add.bf16 [tilespmem:s22], [sflag:$0x7], $0x40, s11, s19, $0xb8;
	[tilespmem:$0x16A80] =	vst v63  }
0x8f: {  	_ =	swait.ge [sflag:s17], $0x1900  }
0x90: {  	[sflag:s17] =	ssyncset.done $0x0  }
0x91: {  	s16 =	simm.s32 $0xEC48;
	[sflag:s17] =	ssyncadd.s32 $0xFFFFE700  }
0x92: {  	[spmem:s1] =	stream.indirect.scatter.add.bf16 [tilespmem:s24], [sflag:$0x8], $0x40, s16, s19, $0xb8;
	[tilespmem:$0x16A80] =	vst v63  }
0x93: {  	_ =	swait.ge [sflag:s21], $0x1900  }
0x94: {  	[sflag:s21] =	ssyncset.done $0x0  }
0x95: {  	s11 =	simm.s32 $0xECB0;
	[sflag:s21] =	ssyncadd.s32 $0xFFFFE700  }
0x96: {  	[spmem:s1] =	stream.indirect.scatter.add.bf16 [tilespmem:s26], [sflag:$0x9], $0x40, s11, s19, $0xb8;
	[tilespmem:$0x16A80] =	vst v63  }
0x97: {  	_ =	swait.ge [sflag:s23], $0x1900  }
0x98: {  	[sflag:s23] =	ssyncset.done $0x0  }
0x99: {  	s16 =	simm.s32 $0xED18;
	[sflag:s23] =	ssyncadd.s32 $0xFFFFE700  }
0x9a: {  	[spmem:s1] =	stream.indirect.scatter.add.bf16 [tilespmem:s29], [sflag:$0xA], $0x40, s16, s19, $0xb8;
	[tilespmem:$0x16A80] =	vst v63  }
0x9b: {  	_ =	swait.ge [sflag:s25], $0x1900  }
0x9c: {  	[sflag:s25] =	ssyncset.done $0x0  }
0x9d: {  	[sflag:s25] =	ssyncadd.s32 $0xFFFFE700  }
0x9e: {  	_ =	swait.ge [sflag:s28], $0x1900  }
0x9f: {  	[sflag:s28] =	ssyncset.done $0x0  }
0xa0: {  	[sflag:s28] =	ssyncadd.s32 $0xFFFFE700  }
0xa1: {  	_ =	swait.ge [sflag:s3], $0x1900  }
0xa2: {  	[sflag:s3] =	ssyncset.done $0x0  }
0xa3: {  	[sflag:s3] =	ssyncadd.s32 $0xFFFFE700  }
0xa4: {  	_ =	swait.ge [sflag:s5], $0x1900  }
0xa5: {  	[sflag:s5] =	ssyncset.done $0x0  }
0xa6: {  	[sflag:s5] =	ssyncadd.s32 $0xFFFFE700  }
0xa7: {  	_ =	swait.ge [sflag:s6], $0x1900  }
0xa8: {  	[sflag:s6] =	ssyncset.done $0x0  }
0xa9: {  	[sflag:s6] =	ssyncadd.s32 $0xFFFFE700  }
0xaa: {  	[bflag:$0x0] =	sbarrier.arrive $0xFFFF  }
0xab: {  	s11 =	rddreg [dreg:$0x3]  }
0xac: {  	s10 =	sadd.s32 s11, s12;
	s11 =	sor.u32 $0x1C0F, s7  }
0xad: {  	[hbm:s10], [sflag:s11] =	dma.local [spmem:s14], $0x1380  }
0xae: {  	_ =	swait.ge [sflag:s8], $0x1380  }
0xaf: {  	[sflag:s8] =	ssyncset.done $0x0  }
0xb0: {  	s10 =	sadd.s32 @!p0 $0x13800, s12;
	[sflag:s8] =	ssyncadd.s32 $0xFFFFEC80  }
0xb1: {  	[hbm:s10], [sflag:s11] =	dma.local @!p0 [spmem:s15], $0x80  }
0xb2: {  	s10 =	simm.s32 @!p0 $0xF  }
0xb3: {  	_ =	swait.ge @!p0 [sflag:s10], $0x80  }
0xb4: {  	s9 =	sadd.s32 $0x1, s9;
	s16 =	rddreg [dreg:$0x9]  }
0xb5: {  	p1 =	sne.s32 s9, s16  }
.Ltmp1:
0xb6: {  	_ = 	snop;
	(pc) =	sbr.rel @p1 .LBB2_1-.Ltmp1, $3  }
0xb7: {  	_ =	sdelay $0x1  }
0xb8: {  	[sflag:s10] =	ssyncset.done @!p0 $0x0  }
0xb9: {  	[sflag:s10] =	ssyncadd.s32 @!p0 $0xFFFFFF80  }
0xba: {  	_ =	sfence.sel $0x180000  }
0xbb: {  	[bflag:$0x0] =	sbarrier.arrive $0xFFFF  }
0xbc: {  	_ =	strace $0x9000004A  }
0xbd: {  	s0 =	stileid.u32;
	[bflag:$0x2] =	sbarrier.arrive $0xFFFF  }
0xbe: {  	p0 =	sne.s32 s0, $0x0;
	s0 =	rddreg [dreg:$0x2]  }
0xbf: {  	s0 =	sadd.s32 @!p0 $0x100000, s0  }
0xc0: {  	[sflag:s0] =	ssyncadd.tile.s32 @!p0 $0x1;
	_ =	shalt  }
.Lfunc_end2:
_tile_overlayer_lowered:
.L_overlay_start_2:
0xc1: {  	(tag) =	ssettag $0x2  }
0xc2: {  	s0 =	rddreg [dreg:$0x0];
	s2 =	stileid.u32  }
0xc3: {  	s1 =	rddreg [dreg:$0x1];
	p0 =	sne.s32 s2, $0x0  }
0xc4: {  	s3 =	rddreg [dreg:$0x2];
	[bflag:$0x3] =	sbarrier.arrive $0xFFFF;
	s2 =	simm.s32 @!p0 $0x1C0F  }
0xc5: {  	[timem:s3], [sflag:s2] =	dma.local @!p0 [hbm:s0], s1  }
0xc6: {  	s0 =	simm.s32 @!p0 $0xF  }
0xc7: {  	_ =	swait.ge @!p0 [sflag:s0], s1  }
0xc8: {  	s1 =	ssub.s32 @!p0 $0x0, s1;
	[sflag:s0] =	ssyncset.done @!p0 $0x0  }
0xc9: {  	[sflag:s0] =	ssyncadd.s32 @!p0 s1  }
0xca: {  	[bflag:$0x3] =	sbarrier.arrive $0xFFFF  }
0xcb: {  	_ =	shalt  }

// kernel: kernel.14.cloned.1.call-start
scs
__scs_entry_jumppad:
0x0: {  	(pc) =	sbr.rel $0x88, $3  }
0x1: {  	(tag) =	ssettag $0x0;
	lr =	simm.s32 $0x1  }
0x2: {  	[smem:$0x3F9B] =	sst lr;
	_ =	strace $0xD0000000  }
0x3: {  	_ = 	snop  }
0x4: {  	_ = 	snop  }
0x5: {  	_ = 	snop  }
0x6: {  	_ = 	snop  }
0x7: {  	_ = 	snop  }
__scs_overlays_trampoline_lowered:
0x8: {  	[smem:$0x3FAA] =	sst s0  }
0x9: {  	[smem:$0x3FAB] =	sst s1  }
0xa: {  	[smem:$0x3FAC] =	sst s2  }
0xb: {  	[smem:$0x3FAD] =	sst s3  }
0xc: {  	[smem:$0x3FAE] =	sst s4  }
0xd: {  	[smem:$0x3FAF] =	sst s5  }
0xe: {  	[smem:$0x3FB0] =	sst s6  }
0xf: {  	[smem:$0x3FB1] =	sst s7  }
0x10: {  	[smem:$0x3FB2] =	sst s8  }
0x11: {  	[smem:$0x3FB3] =	sst s9;
	s0 =	simm.s32 @!p0 $0x0  }
0x12: {  	s1 =	sld [smem:$0x3F99];
	s0 =	simm.s32 @p0 $0x1  }
0x13: {  	[smem:$0x3FB4] =	sst s0;
	s0 =	simm.s32 @!p1 $0x0  }
0x14: {  	s2 =	sld [smem:$0x3F98];
	s0 =	simm.s32 @p1 $0x1  }
0x15: {  	[smem:$0x3FB5] =	sst s0;
	s0 =	simm.s32 @!p2 $0x0  }
0x16: {  	s3 =	sld [smem:$0x3FDB];
	s0 =	simm.s32 @p2 $0x1  }
0x17: {  	s4 =	simm.s32 $0x1BF5;
	[smem:$0x3FB7] =	sst s0  }
0x18: {  	s0 =	sld [smem:$0x3F9A];
	_ =	swait.ge [sflag:s4], $0x0  }
0x19: {  	s7 =	sld [smem:$0x3F9B]  }
0x1a: {  	s8 =	sadd.s32 $0xFFFFE003, lr  }
0x1b: {  	s9 =	sadd.s32 $0xFFFFFEF7, lr;
	s5 =	simm.s32 $0xFFFFFFFF;
	p2 =	slt.u32 s8, $0xFFFFF086  }
0x1c: {  	p1 =	slt.u32 s9, $0xF7A;
	s5 =	simm.s32 @!p2 $0x0  }
0x1d: {  	s5 =	simm.s32 @p1 $0x1;
	p0 =	seq.s32 s7, s2  }
0x1e: {  	s7 =	smul.u32 @!p0 $0xF7A, s2;
	p2 =	seq.s32 @!p0 s5, $0x0  }
0x1f: {  	s9 =	smul.u32 $0xF7A, s1;
	s8 =	simm.s32 @!p0 $0x1BF5;
	p2 =	por !p2, p0  }
0x20: {  	[sflag:s8] =	ssyncset.s32 @!p0 $0xFFFFF086;
	s6 =	sadd.s32 @!p0 s3, s7;
	s7 =	simm.s32 @!p0 $0x108  }
0x21: {  	s3 =	sadd.s32 s3, s9;
	s6 =	sadd.s32 @!p0 $0x88, s6;
	s7 =	simm.s32 @p2 $0x1082  }
0x22: {  	[simem:s7], [sflag:s8] =	dma.local @!p0 [hbm:s6], $0xF7A  }
0x23: {  	s9 =	sor.u32 $0xD0000000, s2;
	s6 =	simm.s32 $0x108;
	_ =	swait.ge @!p0 [sflag:s8], $0x0  }
0x24: {  	s3 =	sadd.s32 $0x88, s3;
	s6 =	simm.s32 @!p1 $0x1082;
	[sflag:s4] =	ssyncset.s32 $0xFFFFF086  }
0x25: {  	[simem:s6], [sflag:s4] =	dma.local [hbm:s3], $0xF7A  }
0x26: {  	[smem:$0x3F9B] =	sst s1;
	(tag) =	ssettag s2;
	_ =	strace s9  }
0x27: {  	s1 =	sld [smem:$0x3FAB]  }
0x28: {  	s2 =	sld [smem:$0x3FAC]  }
0x29: {  	s4 =	sld [smem:$0x3FAE]  }
0x2a: {  	p0 =	seq.s32 s5, $0x0;
	s5 =	sld [smem:$0x3FAF]  }
0x2b: {  	s6 =	sld [smem:$0x3FB0]  }
0x2c: {  	s7 =	sld [smem:$0x3FB1]  }
0x2d: {  	s3 =	simm.s32 $0x108;
	s8 =	sld [smem:$0x3FB2]  }
0x2e: {  	s3 =	simm.s32 @!p0 $0x1082;
	s9 =	sld [smem:$0x3FB3]  }
0x2f: {  	lr =	sadd.s32 s0, s3;
	s0 =	sld [smem:$0x3FAA]  }
0x30: {  	s3 =	sld [smem:$0x3FAD]  }
0x31: {  	[smem:$0x3FB6] =	sst s10  }
0x32: {  	s10 =	sld [smem:$0x3FB4];
	_ =	sdelay $0x3  }
0x33: {  	p0 =	seq.s32 s10, $0x1;
	s10 =	sld [smem:$0x3FB6];
	_ =	sdelay $0x3  }
0x34: {  	[smem:$0x3FB6] =	sst s10  }
0x35: {  	s10 =	sld [smem:$0x3FB5];
	_ =	sdelay $0x3  }
0x36: {  	p1 =	seq.s32 s10, $0x1;
	s10 =	sld [smem:$0x3FB6];
	_ =	sdelay $0x3  }
0x37: {  	[smem:$0x3FB6] =	sst s10  }
0x38: {  	s10 =	sld [smem:$0x3FB7]  }
0x39: {  	_ = 	snop;
	(pc) =	sbr.ind lr, $3  }
0x3a: {  	_ = 	snop  }
0x3b: {  	_ = 	snop  }
0x3c: {  	p2 =	seq.s32 s10, $0x1;
	s10 =	sld [smem:$0x3FB6]  }
0x3d: {  	_ =	shalt  }
0x3e: {  	_ =	shalt  }
0x3f: {  	_ =	shalt  }
0x40: {  	_ =	shalt  }
0x41: {  	_ =	shalt  }
0x42: {  	_ =	shalt  }
0x43: {  	_ =	shalt  }
0x44: {  	_ =	shalt  }
0x45: {  	_ =	shalt  }
0x46: {  	_ =	shalt  }
0x47: {  	_ =	shalt  }
0x48: {  	_ =	shalt  }
0x49: {  	_ =	shalt  }
0x4a: {  	_ =	shalt  }
0x4b: {  	_ =	shalt  }
0x4c: {  	_ =	shalt  }
0x4d: {  	_ =	shalt  }
0x4e: {  	_ =	shalt  }
0x4f: {  	_ =	shalt  }
0x50: {  	_ =	shalt  }
0x51: {  	_ =	shalt  }
0x52: {  	_ =	shalt  }
0x53: {  	_ =	shalt  }
0x54: {  	_ =	shalt  }
0x55: {  	_ =	shalt  }
0x56: {  	_ =	shalt  }
0x57: {  	_ =	shalt  }
0x58: {  	_ =	shalt  }
0x59: {  	_ =	shalt  }
0x5a: {  	_ =	shalt  }
0x5b: {  	_ =	shalt  }
0x5c: {  	_ =	shalt  }
0x5d: {  	_ =	shalt  }
0x5e: {  	_ =	shalt  }
0x5f: {  	_ =	shalt  }
0x60: {  	_ =	shalt  }
0x61: {  	_ =	shalt  }
0x62: {  	_ =	shalt  }
0x63: {  	_ =	shalt  }
0x64: {  	_ =	shalt  }
0x65: {  	_ =	shalt  }
0x66: {  	_ =	shalt  }
0x67: {  	_ =	shalt  }
0x68: {  	_ =	shalt  }
0x69: {  	_ =	shalt  }
0x6a: {  	_ =	shalt  }
0x6b: {  	_ =	shalt  }
0x6c: {  	_ =	shalt  }
0x6d: {  	_ =	shalt  }
0x6e: {  	_ =	shalt  }
0x6f: {  	_ =	shalt  }
0x70: {  	_ =	shalt  }
0x71: {  	_ =	shalt  }
0x72: {  	_ =	shalt  }
0x73: {  	_ =	shalt  }
0x74: {  	_ =	shalt  }
0x75: {  	_ =	shalt  }
0x76: {  	_ =	shalt  }
0x77: {  	_ =	shalt  }
0x78: {  	_ =	shalt  }
0x79: {  	_ =	shalt  }
0x7a: {  	_ =	shalt  }
0x7b: {  	_ =	shalt  }
0x7c: {  	_ =	shalt  }
0x7d: {  	_ =	shalt  }
0x7e: {  	_ =	shalt  }
0x7f: {  	_ =	shalt  }
0x80: {  	_ =	shalt  }
0x81: {  	_ =	shalt  }
0x82: {  	_ =	shalt  }
0x83: {  	_ =	shalt  }
0x84: {  	_ =	shalt  }
0x85: {  	_ =	shalt  }
0x86: {  	_ =	shalt  }
0x87: {  	_ =	shalt  }
.Lfunc_end0:
.L_simem_size_0:
called_computation.2_lowered:
.L_overlay_start_0:
0x88: {  	s2 =	sld [smem:$0x3FD9]  }
0x89: {  	s3 =	sld [smem:$0x3FFE];
	_ =	sdelay $0x1  }
0x8a: {  	s1 =	srdreg.scid  }
0x8b: {  	s0 =	sand.u32 $0x1, s1  }
0x8c: {  	s17 =	sshll.u32 s0, $0xA;
	s2 =	sadd.s32 s3, s2  }
0x8d: {  	s2 =	sadd.s32 s2, s17  }
0x8e: {  	[smem:$0x3FC2] =	sst s2  }
0x8f: {  	_ = 	snop  }
0x90: {  	s2 =	sld [smem:$0x3FD0];
	(tm) =	ssettm $0x1  }
0x91: {  	s18 =	sld [smem:$0x3FFB];
	_ =	sdelay $0x3  }
0x92: {  	_ =	strace s18  }
0x93: {  	s3 =	sld [smem:$0x3FFC];
	_ =	sdelay $0x3  }
0x94: {  	_ =	strace s3  }
0x95: {  	s3 =	sld [smem:$0x3FFD];
	_ =	sdelay $0x3  }
0x96: {  	_ =	strace s3  }
0x97: {  	_ =	strace $0x8FFFFFFF  }
0x98: {  	s19 =	sld [smem:$0x3FDB];
	_ =	sdelay $0x1  }
0x99: {  	s4 =	simm.s32 $_scs_section_size  }
0x9a: {  	s5 =	simm.s32 $_size__tile_overlayer_lowered;
	s6 =	simm.s32 $_tile_overlayer_lowered  }
0x9b: {  	s22 =	simm.s32 $0x1BFF;
	s21 =	sshll.u32 s6, $0x1;
	s3 =	sadd.s32 s4, s19  }
0x9c: {  	s7 =	simm.s32 $0x0;
	s20 =	sshll.u32 s5, $0x1;
	s5 =	sadd.s32 s21, s3  }
0x9d: {  	[timem:s7], [sflag:s22] =	dma.local [hbm:s5], s20  }
0x9e: {  	_ =	swait.ge [sflag:s22], s20  }
0x9f: {  	s4 =	ssub.s32 $0x0, s20;
	[sflag:s22] =	ssyncset.done $0x0  }
0xa0: {  	[sflag:s22] =	ssyncadd.s32 s4;
	_ =	sdelay $0x1  }
0xa1: {  	s23 =	simm.s32 $0x1B8B  }
0xa2: {  	_ =	swait.ge [sflag:s23], $0x1  }
0xa3: {  	[sflag:s23] =	ssyncset.done $0x0  }
0xa4: {  	s25 =	simm.s32 $0x1B8E;
	s24 =	sld [smem:$0x3FFE];
	[sflag:s23] =	ssyncadd.s32 $0xFFFFFFFF  }
0xa5: {  	s26 =	simm.s32 $execute0_lowered;
	[smem:$0x3FD2] =	sst s25  }
0xa6: {  	s5 =	sshll.u32 s26, $0x1;
	_ =	strace $0x8000004C;
	[dreg:$0x1] =	wrdreg $0xFFFFFFFF  }
0xa7: {  	s28 =	simm.s32 $_size_execute0_lowered;
	s3 =	sadd.s32 s3, s5;
	[dreg:$0x0] =	wrdreg $0x0  }
0xa8: {  	s5 =	sshll.u32 s28, $0x1;
	[dreg:$0x2] =	wrdreg s3  }
0xa9: {  	[dreg:$0x3] =	wrdreg s5  }
0xaa: {  	[dreg:$0x4] =	wrdreg $0xC0  }
0xab: {  	_ =	task [dreg:s7], $0x5FFFF  }
0xac: {  	[dreg:$0x1] =	wrdreg $0xFFFFFFFF  }
0xad: {  	[dreg:$0x0] =	wrdreg $0x60  }
0xae: {  	[dreg:$0x2] =	wrdreg s24  }
0xaf: {  	[dreg:$0x3] =	wrdreg s2  }
0xb0: {  	[dreg:$0x4] =	wrdreg $0x0  }
0xb1: {  	[dreg:$0x5] =	wrdreg $0x9  }
0xb2: {  	_ =	task.clear_ibuf [dreg:s7], $0x6FFFF;
	_ =	strace $0x9000004C  }
0xb3: {  	s29 =	simm.s32 $0x9;
	_ =	strace $0x8000004E  }
0xb4: {  	_ =	swait.ge [sflag:s29], $0x1  }
0xb5: {  	[sflag:s29] =	ssyncadd.s32 $0xFFFFFFFF  }
0xb6: {  	_ =	strace $0x9000004E  }
0xb7: {  	_ =	sfence  }
0xb8: {  	s30 =	sld [smem:$0x0];
	_ =	sdelay $0x2  }
0xb9: {  	s31 =	sshll.u32 s1, $0xD;
	s1 =	sshrl.u32 s1, $0x2  }
0xba: {  	s3 =	sand.u32 $0x4000, s31;
	s1 =	sadd.s32 s1, s30  }
0xbb: {  	s0 =	sor.u32 s3, s0;
	s1 =	sshll.u32 s1, $0x11  }
0xbc: {  	s0 =	sor.u32 s1, s0  }
0xbd: {  	s0 =	sadd.s32 $0x8F2B, s0  }
0xbe: {  	[sflag:s0] =	ssyncadd.remote.s32 $0x1  }
0xbf: {  	_ =	sfence.sel $0xFFFF  }
0xc0: {  	[dreg:$0x0] =	wrdreg $0xFFFFFFFF;
	(pc) =	sbr.abs _section_cstart, $3  }
0xc1: {  	[dreg:$0x1] =	wrdreg $0xFFFFFFFF  }
0xc2: {  	_ =	task.clear_ibuf [dreg:s7], $0x2FFFF;
	_ =	strace $0x9FFFFFFF  }
0xc3: {  	(tm) =	ssettm $0x7FFFFFFF  }
tec
execute0_lowered:
.L_overlay_start_1:
0x0: {  	(tag) =	ssettag $0x1  }
0x1: {  	s0 =	srdreg.scid;
	s1 =	rddreg [dreg:$0x0]  }
0x2: {  	s3 =	rddreg [dreg:$0x1];
	s9 =	stileid.u32  }
0x3: {  	s2 =	rddreg [dreg:$0x2];
	s6 =	simm.s32 $0x0;
	s19 =	simm.s32 $0x64  }
0x4: {  	s10 =	simm.s32 $0x7;
	s11 =	simm.s32 $0x9;
	s13 =	simm.s32 $0xA  }
0x5: {  	s16 =	simm.s32 $0xB;
	s18 =	simm.s32 $0xD;
	s17 =	simm.s32 $0xF  }
0x6: {  	s12 =	simm.s32 $0x10;
	s14 =	simm.s32 $0x11;
	s15 =	simm.s32 $0x12  }
0x7: {  	s30 =	simm.s32 $0x9150;
	s28 =	simm.s32 $0x9DD0;
	s31 =	simm.s32 $0xA410  }
0x8: {  	s0 =	sand.u32 $0x1, s0;
	[smem:$0x7FF] =	sst s6;
	s7 =	smul.u32 $0x2700, s9  }
0x9: {  	s24 =	sshll.u32 s9, $0x6;
	p0 =	sne.s32 s9, $0xF;
	s4 =	sshll.u32 s0, $0x4  }
0xa: {  	s20 =	smul.u32 $0x4E20, s0;
	_ =	strace $0x8000004D;
	s0 =	ssub.s32 $0x2, s0  }
0xb: {  	[dreg:$0x6] =	wrdreg s24;
	s4 =	sor.u32 s9, s4;
	s8 =	sshrl.u32 s0, $0x1  }
0xc: {  	s21 =	sshrl.u32 s7, $0x3;
	s22 =	sadd.s32 s7, s2;
	s7 =	sor.u32 $0x1C15, s24  }
0xd: {  	s9 =	simm.s32 $0x6;
	s5 =	smul.u32 $0x514, s4;
	s4 =	sadd.s32 $0xBA00, s1  }
0xe: {  	s0 =	ssub.s32 s0, s8;
	[dreg:$0x4] =	wrdreg s21;
	s23 =	sadd.s32 s3, s21  }
0xf: {  	[dreg:$0x7] =	wrdreg s7;
	s7 =	sadd.s32 $0x27000, s2;
	s3 =	sadd.s32 $0x4E00, s3  }
0x10: {  	s8 =	simm.s32 $0x7E90;
	s21 =	simm.s32 $0x84D0;
	[dreg:$0x5] =	wrdreg s23  }
0x11: {  	[dreg:$0x8] =	wrdreg s3;
	s0 =	smax.u32 s0, $0x1;
	s3 =	sshrl.u32 s22, $0x3  }
0x12: {  	s29 =	sshrl.u32 @!p0 s7, $0x3;
	s7 =	simm.s32 $0xC;
	s22 =	simm.s32 $0x14  }
0x13: {  	s23 =	simm.s32 $0x9790;
	s5 =	sadd.s32 s5, s1;
	[dreg:$0xc] =	wrdreg s0  }
.Ltmp0:
0x14: {  	s1 =	sadd.s32 s20, s1;
	[dreg:$0xd] =	wrdreg s3;
	(pc) =	sbr.rel .LBB2_1-.Ltmp0, $4  }
0x15: {  	s20 =	simm.s32 $0x13;
	[dreg:$0xe] =	wrdreg s29;
	s25 =	sadd.s32 $0x29400, s5  }
0x16: {  	s0 =	simm.s32 $0x0;
	s26 =	sadd.s32 $0x1600, s5;
	[dreg:$0x9] =	wrdreg s25  }
0x17: {  	s1 =	sadd.s32 $0x10A00, s1;
	s5 =	simm.s32 $0x8;
	[dreg:$0xa] =	wrdreg s26  }
0x18: {  	[dreg:$0xb] =	wrdreg s1;
	s1 =	simm.s32 $0xE;
	s25 =	simm.s32 $0x8B10  }
.LBB2_4:
0x19: {  	_ =	swait.ge [sflag:s7], $0x640  }
0x1a: {  	[sflag:s7] =	ssyncset.done $0x0  }
0x1b: {  	[sflag:s7] =	ssyncadd.s32 $0xFFFFF9C0  }
0x1c: {  	_ =	swait.ge [sflag:s18], $0x640  }
0x1d: {  	[sflag:s18] =	ssyncset.done $0x0  }
0x1e: {  	[sflag:s18] =	ssyncadd.s32 $0xFFFFF9C0  }
0x1f: {  	_ =	swait.ge [sflag:s1], $0x640  }
0x20: {  	[sflag:s1] =	ssyncset.done $0x0  }
0x21: {  	[sflag:s1] =	ssyncadd.s32 $0xFFFFF9C0  }
0x22: {  	_ =	swait.ge [sflag:s17], $0x640  }
0x23: {  	[sflag:s17] =	ssyncset.done $0x0  }
0x24: {  	[sflag:s17] =	ssyncadd.s32 $0xFFFFF9C0  }
0x25: {  	_ =	swait.ge [sflag:s12], $0x640  }
0x26: {  	[sflag:s12] =	ssyncset.done $0x0  }
0x27: {  	[sflag:s12] =	ssyncadd.s32 $0xFFFFF9C0  }
0x28: {  	_ =	swait.ge [sflag:s14], $0x640  }
0x29: {  	[sflag:s14] =	ssyncset.done $0x0  }
0x2a: {  	[sflag:s14] =	ssyncadd.s32 $0xFFFFF9C0  }
0x2b: {  	_ =	swait.ge [sflag:s15], $0x640  }
0x2c: {  	[sflag:s15] =	ssyncset.done $0x0  }
0x2d: {  	[sflag:s15] =	ssyncadd.s32 $0xFFFFF9C0  }
0x2e: {  	_ =	swait.ge [sflag:s20], $0x640  }
0x2f: {  	[sflag:s20] =	ssyncset.done $0x0  }
0x30: {  	[sflag:s20] =	ssyncadd.s32 $0xFFFFF9C0  }
0x31: {  	_ =	swait.ge [sflag:s22], $0x640  }
0x32: {  	[sflag:s22] =	ssyncset.done $0x0  }
0x33: {  	[sflag:s22] =	ssyncadd.s32 $0xFFFFF9C0  }
0x34: {  	[bflag:$0x0] =	sbarrier.arrive $0xFFFF  }
0x35: {  	s24 =	rddreg [dreg:$0x4]  }
0x36: {  	s3 =	rddreg [dreg:$0xb]  }
0x37: {  	s0 =	simm.s32 $0x19;
	s26 =	rddreg [dreg:$0x6]  }
0x38: {  	s29 =	rddreg [dreg:$0xd];
	s24 =	sadd.s32 s24, s3;
	s26 =	sor.u32 $0x1C19, s26  }
0x39: {  	[hbm:s24], [sflag:s26] =	dma.local [spmem:s29], $0x4E0  }
0x3a: {  	_ =	swait.ge [sflag:s0], $0x4E0  }
0x3b: {  	s24 =	sadd.s32 @!p0 $0x4E00, s3;
	[sflag:s0] =	ssyncset.done $0x0  }
0x3c: {  	s3 =	smov.u32 s29;
	s29 =	rddreg [dreg:$0xe];
	[sflag:s0] =	ssyncadd.s32 $0xFFFFFB20  }
0x3d: {  	[hbm:s24], [sflag:s26] =	dma.local @!p0 [spmem:s29], $0x20  }
0x3e: {  	s24 =	simm.s32 @!p0 $0x19  }
0x3f: {  	_ =	swait.ge @!p0 [sflag:s24], $0x20  }
0x40: {  	s26 =	rddreg [dreg:$0xf]  }
0x41: {  	s6 =	rddreg [dreg:$0xc];
	s0 =	sadd.s32 $0x1, s26  }
0x42: {  	p1 =	sne.s32 s0, s6  }
.Ltmp1:
0x43: {  	_ = 	snop;
	(pc) =	sbr.rel @!p1 .LBB2_5-.Ltmp1, $3  }
0x44: {  	_ =	sdelay $0x1  }
0x45: {  	[sflag:s24] =	ssyncset.done @!p0 $0x0  }
0x46: {  	[sflag:s24] =	ssyncadd.s32 @!p0 $0xFFFFFFE0  }
.LBB2_1:
0x47: {  	[dreg:$0xf] =	wrdreg s0  }
0x48: {  	s24 =	rddreg [dreg:$0x5]  }
0x49: {  	s26 =	rddreg [dreg:$0x7]  }
0x4a: {  	[spmem:s3], [sflag:s26] =	dma.local [hbm:s24], $0x4E0  }
0x4b: {  	s24 =	simm.s32 @!p0 $0x1FD6;
	s26 =	rddreg [dreg:$0x8]  }
0x4c: {  	[spmem:s29], [sflag:s24] =	dma.local @!p0 [hbm:s26], $0x20  }
0x4d: {  	s6 =	simm.s32 $0x2710;
	s24 =	simm.s32 $0x0;
	s26 =	rddreg [dreg:$0x9]  }
0x4e: {  	[tilespmem:s6], [sflag:$0x17] =	stream.linear.gather [hbm4b:s26+s24], $0x28A0, $0x38;
	[tilespmem:$0xB6D0] =	vst v63  }
0x4f: {  	s0 =	simm.s32 $0x4FB0;
	s3 =	rddreg [dreg:$0xa]  }
0x50: {  	[tilespmem:s0], [sflag:$0x18] =	stream.linear.gather [hbm4b:s3+s24], $0x28A0, $0x38;
	[tilespmem:$0xB6D0] =	vst v63  }
0x51: {  	s3 =	simm.s32 $0x17  }
0x52: {  	_ =	swait.ge [sflag:s3], $0x28A0  }
0x53: {  	[sflag:s3] =	ssyncset.done $0x0  }
0x54: {  	s24 =	simm.s32 $0x7850;
	[sflag:s3] =	ssyncadd.s32 $0xFFFFD760  }
0x55: {  	[tilespmem:s24], [sflag:$0x1] =	stream.indirect.gather [hbm4b:s4+s19], $0x10, s6, s19, $0xb8;
	[tilespmem:$0xB6D0] =	vst v63  }
0x56: {  	s29 =	simm.s32 $0x7E90;
	s26 =	simm.s32 $0x2778  }
0x57: {  	[tilespmem:s29], [sflag:$0x2] =	stream.indirect.gather [hbm4b:s4+s19], $0x10, s26, s19, $0xb8;
	[tilespmem:$0xB6D0] =	vst v63  }
0x58: {  	s3 =	simm.s32 $0x27E0  }
0x59: {  	[tilespmem:s21], [sflag:$0x3] =	stream.indirect.gather [hbm4b:s4+s19], $0x10, s3, s19, $0xb8;
	[tilespmem:$0xB6D0] =	vst v63  }
0x5a: {  	s6 =	simm.s32 $0x2848  }
0x5b: {  	[tilespmem:s25], [sflag:$0x4] =	stream.indirect.gather [hbm4b:s4+s19], $0x10, s6, s19, $0xb8;
	[tilespmem:$0xB6D0] =	vst v63  }
0x5c: {  	s26 =	simm.s32 $0x28B0  }
0x5d: {  	[tilespmem:s30], [sflag:$0x5] =	stream.indirect.gather [hbm4b:s4+s19], $0x10, s26, s19, $0xb8;
	[tilespmem:$0xB6D0] =	vst v63  }
0x5e: {  	s29 =	simm.s32 $0x2918  }
0x5f: {  	[tilespmem:s23], [sflag:$0x6] =	stream.indirect.gather [hbm4b:s4+s19], $0x10, s29, s19, $0xb8;
	[tilespmem:$0xB6D0] =	vst v63  }
0x60: {  	s3 =	simm.s32 $0x2980  }
0x61: {  	[tilespmem:s28], [sflag:$0x7] =	stream.indirect.gather [hbm4b:s4+s19], $0x10, s3, s19, $0xb8;
	[tilespmem:$0xB6D0] =	vst v63  }
0x62: {  	s6 =	simm.s32 $0x29E8  }
0x63: {  	[tilespmem:s31], [sflag:$0x8] =	stream.indirect.gather [hbm4b:s4+s19], $0x10, s6, s19, $0xb8;
	[tilespmem:$0xB6D0] =	vst v63  }
0x64: {  	s26 =	simm.s32 $0x2A50;
	s3 =	simm.s32 $0xAA50  }
0x65: {  	[tilespmem:s3], [sflag:$0x9] =	stream.indirect.gather [hbm4b:s4+s19], $0x10, s26, s19, $0xb8;
	[tilespmem:$0xB6D0] =	vst v63  }
0x66: {  	s29 =	simm.s32 $0x2AB8;
	s6 =	simm.s32 $0xB090;
	s26 =	simm.s32 $0x15  }
0x67: {  	[tilespmem:s6], [sflag:$0xA] =	stream.indirect.gather [hbm4b:s4+s19], $0x10, s29, s19, $0xb8;
	[tilespmem:$0xB6D0] =	vst v63  }
0x68: {  	_ =	swait.ge [sflag:s26], $0x4E0  }
0x69: {  	[sflag:s26] =	ssyncset.done $0x0  }
0x6a: {  	s24 =	simm.s32 @!p0 $0x16;
	[sflag:s26] =	ssyncadd.s32 $0xFFFFFB20  }
0x6b: {  	_ =	swait.ge @!p0 [sflag:s24], $0x20  }
0x6c: {  	[sflag:s24] =	ssyncset.done @!p0 $0x0  }
0x6d: {  	s29 =	simm.s32 $0x18;
	[sflag:s24] =	ssyncadd.s32 @!p0 $0xFFFFFFE0  }
0x6e: {  	_ =	swait.ge [sflag:s29], $0x28A0  }
0x6f: {  	[sflag:s29] =	ssyncset.done $0x0  }
0x70: {  	[sflag:s29] =	ssyncadd.s32 $0xFFFFD760  }
0x71: {  	s0 =	simm.s32 $0x7850;
	s24 =	simm.s32 $0x0;
	[bflag:$0x0] =	sbarrier.arrive $0xFFFF  }
.LBB2_2:
0x72: {  	s29 =	simm.s32 $0x1  }
0x73: {  	_ =	swait.ge [sflag:s29], $0x640  }
0x74: {  	s26 =	sshra.s32 s24, $0x2;
	[sflag:s29] =	ssyncset.done $0x0  }
0x75: {  	[sflag:s29] =	ssyncadd.s32 $0xFFFFF9C0;
	s29 =	sadd.s32 $0x4FB0, s26  }
0x76: {  	[spmem:s2] =	stream.indirect.scatter.add.f32 [tilespmem:s0], [sflag:$0xB], $0x10, s29, s19, $0xb8;
	[tilespmem:$0xB6D0] =	vst v63  }
0x77: {  	s29 =	simm.s32 $0x2  }
0x78: {  	_ =	swait.ge [sflag:s29], $0x640  }
0x79: {  	[sflag:s29] =	ssyncset.done $0x0  }
0x7a: {  	[sflag:s29] =	ssyncadd.s32 $0xFFFFF9C0;
	s29 =	sadd.s32 $0x5018, s26  }
0x7b: {  	[spmem:s2] =	stream.indirect.scatter.add.f32 [tilespmem:s8], [sflag:$0xC], $0x10, s29, s19, $0xb8;
	[tilespmem:$0xB6D0] =	vst v63  }
0x7c: {  	s29 =	simm.s32 $0x3  }
0x7d: {  	_ =	swait.ge [sflag:s29], $0x640  }
0x7e: {  	[sflag:s29] =	ssyncset.done $0x0  }
0x7f: {  	[sflag:s29] =	ssyncadd.s32 $0xFFFFF9C0;
	s29 =	sadd.s32 $0x5080, s26  }
0x80: {  	[spmem:s2] =	stream.indirect.scatter.add.f32 [tilespmem:s21], [sflag:$0xD], $0x10, s29, s19, $0xb8;
	[tilespmem:$0xB6D0] =	vst v63  }
0x81: {  	s29 =	simm.s32 $0x4  }
0x82: {  	_ =	swait.ge [sflag:s29], $0x640  }
0x83: {  	[sflag:s29] =	ssyncset.done $0x0  }
0x84: {  	[sflag:s29] =	ssyncadd.s32 $0xFFFFF9C0;
	s29 =	sadd.s32 $0x50E8, s26  }
0x85: {  	[spmem:s2] =	stream.indirect.scatter.add.f32 [tilespmem:s25], [sflag:$0xE], $0x10, s29, s19, $0xb8;
	[tilespmem:$0xB6D0] =	vst v63  }
0x86: {  	s29 =	simm.s32 $0x5  }
0x87: {  	_ =	swait.ge [sflag:s29], $0x640  }
0x88: {  	[sflag:s29] =	ssyncset.done $0x0  }
0x89: {  	[sflag:s29] =	ssyncadd.s32 $0xFFFFF9C0;
	s29 =	sadd.s32 $0x5150, s26  }
0x8a: {  	[spmem:s2] =	stream.indirect.scatter.add.f32 [tilespmem:s30], [sflag:$0xF], $0x10, s29, s19, $0xb8;
	[tilespmem:$0xB6D0] =	vst v63  }
0x8b: {  	_ =	swait.ge [sflag:s9], $0x640  }
0x8c: {  	[sflag:s9] =	ssyncset.done $0x0  }
0x8d: {  	s29 =	sadd.s32 $0x51B8, s26;
	[sflag:s9] =	ssyncadd.s32 $0xFFFFF9C0  }
0x8e: {  	[spmem:s2] =	stream.indirect.scatter.add.f32 [tilespmem:s23], [sflag:$0x10], $0x10, s29, s19, $0xb8;
	[tilespmem:$0xB6D0] =	vst v63  }
0x8f: {  	_ =	swait.ge [sflag:s10], $0x640  }
0x90: {  	[sflag:s10] =	ssyncset.done $0x0  }
0x91: {  	s29 =	sadd.s32 $0x5220, s26;
	[sflag:s10] =	ssyncadd.s32 $0xFFFFF9C0  }
0x92: {  	[spmem:s2] =	stream.indirect.scatter.add.f32 [tilespmem:s28], [sflag:$0x11], $0x10, s29, s19, $0xb8;
	[tilespmem:$0xB6D0] =	vst v63  }
0x93: {  	_ =	swait.ge [sflag:s5], $0x640  }
0x94: {  	[sflag:s5] =	ssyncset.done $0x0  }
0x95: {  	s29 =	sadd.s32 $0x5288, s26;
	[sflag:s5] =	ssyncadd.s32 $0xFFFFF9C0  }
0x96: {  	[spmem:s2] =	stream.indirect.scatter.add.f32 [tilespmem:s31], [sflag:$0x12], $0x10, s29, s19, $0xb8;
	[tilespmem:$0xB6D0] =	vst v63  }
0x97: {  	_ =	swait.ge [sflag:s11], $0x640  }
0x98: {  	[sflag:s11] =	ssyncset.done $0x0  }
0x99: {  	s29 =	sadd.s32 $0x52F0, s26;
	[sflag:s11] =	ssyncadd.s32 $0xFFFFF9C0  }
0x9a: {  	[spmem:s2] =	stream.indirect.scatter.add.f32 [tilespmem:s3], [sflag:$0x13], $0x10, s29, s19, $0xb8;
	[tilespmem:$0xB6D0] =	vst v63  }
0x9b: {  	_ =	swait.ge [sflag:s13], $0x640  }
0x9c: {  	p1 =	seq.s32 s24, $0x9240;
	[sflag:s13] =	ssyncset.done $0x0  }
.Ltmp2:
0x9d: {  	s29 =	sadd.s32 $0x5358, s26;
	[sflag:s13] =	ssyncadd.s32 $0xFFFFF9C0;
	(pc) =	sbr.rel @p1 .LBB2_4-.Ltmp2, $4  }
0x9e: {  	[spmem:s2] =	stream.indirect.scatter.add.f32 [tilespmem:s6], [sflag:$0x14], $0x10, s29, s19, $0xb8;
	[tilespmem:$0xB6D0] =	vst v63  }
0x9f: {  	_ =	swait.ge [sflag:s16], $0x640  }
0xa0: {  	[sflag:s16] =	ssyncset.done $0x0  }
0xa1: {  	[sflag:s16] =	ssyncadd.s32 $0xFFFFF9C0  }
0xa2: {  	s29 =	sadd.s32 $0x2B20, s26  }
0xa3: {  	[tilespmem:s0], [sflag:$0x1] =	stream.indirect.gather [hbm4b:s4+s19], $0x10, s29, s19, $0xb8;
	[tilespmem:$0xB6D0] =	vst v63  }
0xa4: {  	_ =	swait.ge [sflag:s7], $0x640  }
0xa5: {  	[sflag:s7] =	ssyncset.done $0x0  }
0xa6: {  	s29 =	sadd.s32 $0x2B88, s26;
	[sflag:s7] =	ssyncadd.s32 $0xFFFFF9C0  }
0xa7: {  	[tilespmem:s8], [sflag:$0x2] =	stream.indirect.gather [hbm4b:s4+s19], $0x10, s29, s19, $0xb8;
	[tilespmem:$0xB6D0] =	vst v63  }
0xa8: {  	_ =	swait.ge [sflag:s18], $0x640  }
0xa9: {  	[sflag:s18] =	ssyncset.done $0x0  }
0xaa: {  	s29 =	sadd.s32 $0x2BF0, s26;
	[sflag:s18] =	ssyncadd.s32 $0xFFFFF9C0  }
0xab: {  	[tilespmem:s21], [sflag:$0x3] =	stream.indirect.gather [hbm4b:s4+s19], $0x10, s29, s19, $0xb8;
	[tilespmem:$0xB6D0] =	vst v63  }
0xac: {  	_ =	swait.ge [sflag:s1], $0x640  }
0xad: {  	[sflag:s1] =	ssyncset.done $0x0  }
0xae: {  	s29 =	sadd.s32 $0x2C58, s26;
	[sflag:s1] =	ssyncadd.s32 $0xFFFFF9C0  }
0xaf: {  	[tilespmem:s25], [sflag:$0x4] =	stream.indirect.gather [hbm4b:s4+s19], $0x10, s29, s19, $0xb8;
	[tilespmem:$0xB6D0] =	vst v63  }
0xb0: {  	_ =	swait.ge [sflag:s17], $0x640  }
0xb1: {  	[sflag:s17] =	ssyncset.done $0x0  }
0xb2: {  	s29 =	sadd.s32 $0x2CC0, s26;
	[sflag:s17] =	ssyncadd.s32 $0xFFFFF9C0  }
0xb3: {  	[tilespmem:s30], [sflag:$0x5] =	stream.indirect.gather [hbm4b:s4+s19], $0x10, s29, s19, $0xb8;
	[tilespmem:$0xB6D0] =	vst v63  }
0xb4: {  	_ =	swait.ge [sflag:s12], $0x640  }
0xb5: {  	[sflag:s12] =	ssyncset.done $0x0  }
0xb6: {  	s29 =	sadd.s32 $0x2D28, s26;
	[sflag:s12] =	ssyncadd.s32 $0xFFFFF9C0  }
0xb7: {  	[tilespmem:s23], [sflag:$0x6] =	stream.indirect.gather [hbm4b:s4+s19], $0x10, s29, s19, $0xb8;
	[tilespmem:$0xB6D0] =	vst v63  }
0xb8: {  	_ =	swait.ge [sflag:s14], $0x640  }
0xb9: {  	[sflag:s14] =	ssyncset.done $0x0  }
0xba: {  	s29 =	sadd.s32 $0x2D90, s26;
	[sflag:s14] =	ssyncadd.s32 $0xFFFFF9C0  }
0xbb: {  	[tilespmem:s28], [sflag:$0x7] =	stream.indirect.gather [hbm4b:s4+s19], $0x10, s29, s19, $0xb8;
	[tilespmem:$0xB6D0] =	vst v63  }
0xbc: {  	_ =	swait.ge [sflag:s15], $0x640  }
0xbd: {  	[sflag:s15] =	ssyncset.done $0x0  }
0xbe: {  	s29 =	sadd.s32 $0x2DF8, s26;
	[sflag:s15] =	ssyncadd.s32 $0xFFFFF9C0  }
0xbf: {  	[tilespmem:s31], [sflag:$0x8] =	stream.indirect.gather [hbm4b:s4+s19], $0x10, s29, s19, $0xb8;
	[tilespmem:$0xB6D0] =	vst v63  }
0xc0: {  	_ =	swait.ge [sflag:s20], $0x640  }
0xc1: {  	[sflag:s20] =	ssyncset.done $0x0  }
0xc2: {  	s29 =	sadd.s32 $0x2E60, s26;
	[sflag:s20] =	ssyncadd.s32 $0xFFFFF9C0  }
0xc3: {  	[tilespmem:s3], [sflag:$0x9] =	stream.indirect.gather [hbm4b:s4+s19], $0x10, s29, s19, $0xb8;
	[tilespmem:$0xB6D0] =	vst v63  }
.Ltmp3:
0xc4: {  	_ = 	snop;
	(pc) =	sbr.rel .LBB2_2-.Ltmp3, $4  }
0xc5: {  	_ =	swait.ge [sflag:s22], $0x640  }
0xc6: {  	[sflag:s22] =	ssyncset.done $0x0  }
0xc7: {  	s24 =	sadd.s32 $0x1040, s24;
	s29 =	sadd.s32 $0x2EC8, s26;
	[sflag:s22] =	ssyncadd.s32 $0xFFFFF9C0  }
0xc8: {  	[tilespmem:s6], [sflag:$0xA] =	stream.indirect.gather [hbm4b:s4+s19], $0x10, s29, s19, $0xb8;
	[tilespmem:$0xB6D0] =	vst v63  }
.LBB2_5:
0xc9: {  	_ =	sfence.sel $0x180000  }
0xca: {  	[bflag:$0x0] =	sbarrier.arrive $0xFFFF  }
0xcb: {  	_ =	strace $0x9000004D  }
0xcc: {  	s0 =	stileid.u32;
	[bflag:$0x2] =	sbarrier.arrive $0xFFFF  }
0xcd: {  	p0 =	sne.s32 s0, $0x0;
	s0 =	rddreg [dreg:$0x3]  }
0xce: {  	s0 =	sadd.s32 @!p0 $0x100000, s0  }
0xcf: {  	[sflag:s0] =	ssyncadd.tile.s32 @!p0 $0x1;
	_ =	shalt  }
.Lfunc_end2:
_tile_overlayer_lowered:
.L_overlay_start_2:
0xd0: {  	(tag) =	ssettag $0x2  }
0xd1: {  	s0 =	rddreg [dreg:$0x0];
	s2 =	stileid.u32  }
0xd2: {  	s1 =	rddreg [dreg:$0x1];
	p0 =	sne.s32 s2, $0x0  }
0xd3: {  	s3 =	rddreg [dreg:$0x2];
	[bflag:$0x3] =	sbarrier.arrive $0xFFFF;
	s2 =	simm.s32 @!p0 $0x1C19  }
0xd4: {  	[timem:s3], [sflag:s2] =	dma.local @!p0 [hbm:s0], s1  }
0xd5: {  	s0 =	simm.s32 @!p0 $0x19  }
0xd6: {  	_ =	swait.ge @!p0 [sflag:s0], s1  }
0xd7: {  	s1 =	ssub.s32 @!p0 $0x0, s1;
	[sflag:s0] =	ssyncset.done @!p0 $0x0  }
0xd8: {  	[sflag:s0] =	ssyncadd.s32 @!p0 s1  }
0xd9: {  	[bflag:$0x3] =	sbarrier.arrive $0xFFFF  }
0xda: {  	_ =	shalt  }

// kernel: kernel.8.cloned.1.call-start
scs
__scs_entry_jumppad:
0x0: {  	(pc) =	sbr.rel $0x88, $3  }
0x1: {  	(tag) =	ssettag $0x0;
	lr =	simm.s32 $0x1  }
0x2: {  	[smem:$0x3F9B] =	sst lr;
	_ =	strace $0xD0000000  }
0x3: {  	_ = 	snop  }
0x4: {  	_ = 	snop  }
0x5: {  	_ = 	snop  }
0x6: {  	_ = 	snop  }
0x7: {  	_ = 	snop  }
__scs_overlays_trampoline_lowered:
0x8: {  	[smem:$0x3FAA] =	sst s0  }
0x9: {  	[smem:$0x3FAB] =	sst s1  }
0xa: {  	[smem:$0x3FAC] =	sst s2  }
0xb: {  	[smem:$0x3FAD] =	sst s3  }
0xc: {  	[smem:$0x3FAE] =	sst s4  }
0xd: {  	[smem:$0x3FAF] =	sst s5  }
0xe: {  	[smem:$0x3FB0] =	sst s6  }
0xf: {  	[smem:$0x3FB1] =	sst s7  }
0x10: {  	[smem:$0x3FB2] =	sst s8  }
0x11: {  	[smem:$0x3FB3] =	sst s9;
	s0 =	simm.s32 @!p0 $0x0  }
0x12: {  	s1 =	sld [smem:$0x3F99];
	s0 =	simm.s32 @p0 $0x1  }
0x13: {  	[smem:$0x3FB4] =	sst s0;
	s0 =	simm.s32 @!p1 $0x0  }
0x14: {  	s2 =	sld [smem:$0x3F98];
	s0 =	simm.s32 @p1 $0x1  }
0x15: {  	[smem:$0x3FB5] =	sst s0;
	s0 =	simm.s32 @!p2 $0x0  }
0x16: {  	s3 =	sld [smem:$0x3FDB];
	s0 =	simm.s32 @p2 $0x1  }
0x17: {  	s4 =	simm.s32 $0x1BF5;
	[smem:$0x3FB7] =	sst s0  }
0x18: {  	s0 =	sld [smem:$0x3F9A];
	_ =	swait.ge [sflag:s4], $0x0  }
0x19: {  	s7 =	sld [smem:$0x3F9B]  }
0x1a: {  	s8 =	sadd.s32 $0xFFFFE003, lr  }
0x1b: {  	s9 =	sadd.s32 $0xFFFFFEF7, lr;
	s5 =	simm.s32 $0xFFFFFFFF;
	p2 =	slt.u32 s8, $0xFFFFF086  }
0x1c: {  	p1 =	slt.u32 s9, $0xF7A;
	s5 =	simm.s32 @!p2 $0x0  }
0x1d: {  	s5 =	simm.s32 @p1 $0x1;
	p0 =	seq.s32 s7, s2  }
0x1e: {  	s7 =	smul.u32 @!p0 $0xF7A, s2;
	p2 =	seq.s32 @!p0 s5, $0x0  }
0x1f: {  	s9 =	smul.u32 $0xF7A, s1;
	s8 =	simm.s32 @!p0 $0x1BF5;
	p2 =	por !p2, p0  }
0x20: {  	[sflag:s8] =	ssyncset.s32 @!p0 $0xFFFFF086;
	s6 =	sadd.s32 @!p0 s3, s7;
	s7 =	simm.s32 @!p0 $0x108  }
0x21: {  	s3 =	sadd.s32 s3, s9;
	s6 =	sadd.s32 @!p0 $0x88, s6;
	s7 =	simm.s32 @p2 $0x1082  }
0x22: {  	[simem:s7], [sflag:s8] =	dma.local @!p0 [hbm:s6], $0xF7A  }
0x23: {  	s9 =	sor.u32 $0xD0000000, s2;
	s6 =	simm.s32 $0x108;
	_ =	swait.ge @!p0 [sflag:s8], $0x0  }
0x24: {  	s3 =	sadd.s32 $0x88, s3;
	s6 =	simm.s32 @!p1 $0x1082;
	[sflag:s4] =	ssyncset.s32 $0xFFFFF086  }
0x25: {  	[simem:s6], [sflag:s4] =	dma.local [hbm:s3], $0xF7A  }
0x26: {  	[smem:$0x3F9B] =	sst s1;
	(tag) =	ssettag s2;
	_ =	strace s9  }
0x27: {  	s1 =	sld [smem:$0x3FAB]  }
0x28: {  	s2 =	sld [smem:$0x3FAC]  }
0x29: {  	s4 =	sld [smem:$0x3FAE]  }
0x2a: {  	p0 =	seq.s32 s5, $0x0;
	s5 =	sld [smem:$0x3FAF]  }
0x2b: {  	s6 =	sld [smem:$0x3FB0]  }
0x2c: {  	s7 =	sld [smem:$0x3FB1]  }
0x2d: {  	s3 =	simm.s32 $0x108;
	s8 =	sld [smem:$0x3FB2]  }
0x2e: {  	s3 =	simm.s32 @!p0 $0x1082;
	s9 =	sld [smem:$0x3FB3]  }
0x2f: {  	lr =	sadd.s32 s0, s3;
	s0 =	sld [smem:$0x3FAA]  }
0x30: {  	s3 =	sld [smem:$0x3FAD]  }
0x31: {  	[smem:$0x3FB6] =	sst s10  }
0x32: {  	s10 =	sld [smem:$0x3FB4];
	_ =	sdelay $0x3  }
0x33: {  	p0 =	seq.s32 s10, $0x1;
	s10 =	sld [smem:$0x3FB6];
	_ =	sdelay $0x3  }
0x34: {  	[smem:$0x3FB6] =	sst s10  }
0x35: {  	s10 =	sld [smem:$0x3FB5];
	_ =	sdelay $0x3  }
0x36: {  	p1 =	seq.s32 s10, $0x1;
	s10 =	sld [smem:$0x3FB6];
	_ =	sdelay $0x3  }
0x37: {  	[smem:$0x3FB6] =	sst s10  }
0x38: {  	s10 =	sld [smem:$0x3FB7]  }
0x39: {  	_ = 	snop;
	(pc) =	sbr.ind lr, $3  }
0x3a: {  	_ = 	snop  }
0x3b: {  	_ = 	snop  }
0x3c: {  	p2 =	seq.s32 s10, $0x1;
	s10 =	sld [smem:$0x3FB6]  }
0x3d: {  	_ =	shalt  }
0x3e: {  	_ =	shalt  }
0x3f: {  	_ =	shalt  }
0x40: {  	_ =	shalt  }
0x41: {  	_ =	shalt  }
0x42: {  	_ =	shalt  }
0x43: {  	_ =	shalt  }
0x44: {  	_ =	shalt  }
0x45: {  	_ =	shalt  }
0x46: {  	_ =	shalt  }
0x47: {  	_ =	shalt  }
0x48: {  	_ =	shalt  }
0x49: {  	_ =	shalt  }
0x4a: {  	_ =	shalt  }
0x4b: {  	_ =	shalt  }
0x4c: {  	_ =	shalt  }
0x4d: {  	_ =	shalt  }
0x4e: {  	_ =	shalt  }
0x4f: {  	_ =	shalt  }
0x50: {  	_ =	shalt  }
0x51: {  	_ =	shalt  }
0x52: {  	_ =	shalt  }
0x53: {  	_ =	shalt  }
0x54: {  	_ =	shalt  }
0x55: {  	_ =	shalt  }
0x56: {  	_ =	shalt  }
0x57: {  	_ =	shalt  }
0x58: {  	_ =	shalt  }
0x59: {  	_ =	shalt  }
0x5a: {  	_ =	shalt  }
0x5b: {  	_ =	shalt  }
0x5c: {  	_ =	shalt  }
0x5d: {  	_ =	shalt  }
0x5e: {  	_ =	shalt  }
0x5f: {  	_ =	shalt  }
0x60: {  	_ =	shalt  }
0x61: {  	_ =	shalt  }
0x62: {  	_ =	shalt  }
0x63: {  	_ =	shalt  }
0x64: {  	_ =	shalt  }
0x65: {  	_ =	shalt  }
0x66: {  	_ =	shalt  }
0x67: {  	_ =	shalt  }
0x68: {  	_ =	shalt  }
0x69: {  	_ =	shalt  }
0x6a: {  	_ =	shalt  }
0x6b: {  	_ =	shalt  }
0x6c: {  	_ =	shalt  }
0x6d: {  	_ =	shalt  }
0x6e: {  	_ =	shalt  }
0x6f: {  	_ =	shalt  }
0x70: {  	_ =	shalt  }
0x71: {  	_ =	shalt  }
0x72: {  	_ =	shalt  }
0x73: {  	_ =	shalt  }
0x74: {  	_ =	shalt  }
0x75: {  	_ =	shalt  }
0x76: {  	_ =	shalt  }
0x77: {  	_ =	shalt  }
0x78: {  	_ =	shalt  }
0x79: {  	_ =	shalt  }
0x7a: {  	_ =	shalt  }
0x7b: {  	_ =	shalt  }
0x7c: {  	_ =	shalt  }
0x7d: {  	_ =	shalt  }
0x7e: {  	_ =	shalt  }
0x7f: {  	_ =	shalt  }
0x80: {  	_ =	shalt  }
0x81: {  	_ =	shalt  }
0x82: {  	_ =	shalt  }
0x83: {  	_ =	shalt  }
0x84: {  	_ =	shalt  }
0x85: {  	_ =	shalt  }
0x86: {  	_ =	shalt  }
0x87: {  	_ =	shalt  }
.Lfunc_end0:
.L_simem_size_0:
called_computation_lowered:
.L_overlay_start_0:
0x88: {  	s2 =	sld [smem:$0x3FD9]  }
0x89: {  	s3 =	sld [smem:$0x3FFE];
	_ =	sdelay $0x1  }
0x8a: {  	s1 =	srdreg.scid  }
0x8b: {  	s0 =	sand.u32 $0x1, s1  }
0x8c: {  	s17 =	sshll.u32 s0, $0xA;
	s2 =	sadd.s32 s3, s2  }
0x8d: {  	s2 =	sadd.s32 s2, s17  }
0x8e: {  	[smem:$0x3FC2] =	sst s2  }
0x8f: {  	_ = 	snop  }
0x90: {  	s2 =	sld [smem:$0x3FD0];
	(tm) =	ssettm $0x1  }
0x91: {  	s18 =	sld [smem:$0x3FFB];
	_ =	sdelay $0x3  }
0x92: {  	_ =	strace s18  }
0x93: {  	s3 =	sld [smem:$0x3FFC];
	_ =	sdelay $0x3  }
0x94: {  	_ =	strace s3  }
0x95: {  	s3 =	sld [smem:$0x3FFD];
	_ =	sdelay $0x3  }
0x96: {  	_ =	strace s3  }
0x97: {  	_ =	strace $0x8FFFFFFF  }
0x98: {  	s19 =	sld [smem:$0x3FDB];
	_ =	sdelay $0x1  }
0x99: {  	s4 =	simm.s32 $_scs_section_size  }
0x9a: {  	s5 =	simm.s32 $_size__tile_overlayer_lowered;
	s6 =	simm.s32 $_tile_overlayer_lowered  }
0x9b: {  	s22 =	simm.s32 $0x1BFF;
	s21 =	sshll.u32 s6, $0x1;
	s3 =	sadd.s32 s4, s19  }
0x9c: {  	s7 =	simm.s32 $0x0;
	s20 =	sshll.u32 s5, $0x1;
	s5 =	sadd.s32 s21, s3  }
0x9d: {  	[timem:s7], [sflag:s22] =	dma.local [hbm:s5], s20  }
0x9e: {  	_ =	swait.ge [sflag:s22], s20  }
0x9f: {  	s4 =	ssub.s32 $0x0, s20;
	[sflag:s22] =	ssyncset.done $0x0  }
0xa0: {  	[sflag:s22] =	ssyncadd.s32 s4;
	_ =	sdelay $0x1  }
0xa1: {  	s23 =	simm.s32 $0x1B8B  }
0xa2: {  	_ =	swait.ge [sflag:s23], $0x1  }
0xa3: {  	[sflag:s23] =	ssyncset.done $0x0  }
0xa4: {  	s25 =	simm.s32 $0x1B8E;
	s24 =	sld [smem:$0x3FFE];
	[sflag:s23] =	ssyncadd.s32 $0xFFFFFFFF  }
0xa5: {  	s26 =	simm.s32 $execute0_lowered;
	[smem:$0x3FD2] =	sst s25  }
0xa6: {  	s5 =	sshll.u32 s26, $0x1;
	_ =	strace $0x80000046;
	[dreg:$0x1] =	wrdreg $0xFFFFFFFF  }
0xa7: {  	s28 =	simm.s32 $_size_execute0_lowered;
	s3 =	sadd.s32 s3, s5;
	[dreg:$0x0] =	wrdreg $0x0  }
0xa8: {  	s5 =	sshll.u32 s28, $0x1;
	[dreg:$0x2] =	wrdreg s3  }
0xa9: {  	[dreg:$0x3] =	wrdreg s5  }
0xaa: {  	[dreg:$0x4] =	wrdreg $0xC0  }
0xab: {  	_ =	task [dreg:s7], $0x5FFFF  }
0xac: {  	[dreg:$0x1] =	wrdreg $0xFFFFFFFF  }
0xad: {  	[dreg:$0x0] =	wrdreg $0x60  }
0xae: {  	[dreg:$0x2] =	wrdreg s24  }
0xaf: {  	[dreg:$0x3] =	wrdreg s2  }
0xb0: {  	[dreg:$0x4] =	wrdreg $0x0  }
0xb1: {  	[dreg:$0x5] =	wrdreg $0x9  }
0xb2: {  	_ =	task.clear_ibuf [dreg:s7], $0x6FFFF;
	_ =	strace $0x90000046  }
0xb3: {  	s29 =	simm.s32 $0x9;
	_ =	strace $0x80000048  }
0xb4: {  	_ =	swait.ge [sflag:s29], $0x1  }
0xb5: {  	[sflag:s29] =	ssyncadd.s32 $0xFFFFFFFF  }
0xb6: {  	_ =	strace $0x90000048  }
0xb7: {  	_ =	sfence  }
0xb8: {  	s30 =	sld [smem:$0x0];
	_ =	sdelay $0x2  }
0xb9: {  	s31 =	sshll.u32 s1, $0xD;
	s1 =	sshrl.u32 s1, $0x2  }
0xba: {  	s3 =	sand.u32 $0x4000, s31;
	s1 =	sadd.s32 s1, s30  }
0xbb: {  	s0 =	sor.u32 s3, s0;
	s1 =	sshll.u32 s1, $0x11  }
0xbc: {  	s0 =	sor.u32 s1, s0  }
0xbd: {  	s0 =	sadd.s32 $0x8F2B, s0  }
0xbe: {  	[sflag:s0] =	ssyncadd.remote.s32 $0x1  }
0xbf: {  	_ =	sfence.sel $0xFFFF  }
0xc0: {  	[dreg:$0x0] =	wrdreg $0xFFFFFFFF;
	(pc) =	sbr.abs _section_cstart, $3  }
0xc1: {  	[dreg:$0x1] =	wrdreg $0xFFFFFFFF  }
0xc2: {  	_ =	task.clear_ibuf [dreg:s7], $0x2FFFF;
	_ =	strace $0x9FFFFFFF  }
0xc3: {  	(tm) =	ssettm $0x7FFFFFFF  }
tec
execute0_lowered:
.L_overlay_start_1:
0x0: {  	(tag) =	ssettag $0x1  }
0x1: {  	s0 =	srdreg.scid;
	s1 =	rddreg [dreg:$0x0]  }
0x2: {  	s8 =	rddreg [dreg:$0x1];
	s13 =	stileid.u32  }
0x3: {  	s2 =	rddreg [dreg:$0x2];
	s15 =	simm.s32 $0x4FB0;
	s16 =	simm.s32 $0x2710  }
0x4: {  	s17 =	simm.s32 $0x64;
	s28 =	simm.s32 $0x1;
	s29 =	simm.s32 $0x2  }
0x5: {  	s30 =	simm.s32 $0x3;
	s31 =	simm.s32 $0x4;
	s18 =	simm.s32 $0x7  }
0x6: {  	s19 =	simm.s32 $0x8;
	s20 =	simm.s32 $0x9;
	s21 =	simm.s32 $0xA  }
0x7: {  	s22 =	simm.s32 $0x0;
	s0 =	sand.u32 $0x1, s0;
	s6 =	smul.u32 $0x2700, s13  }
0x8: {  	s26 =	sshll.u32 s13, $0x6;
	s14 =	sadd.s32 $0x27000, s2;
	p0 =	sne.s32 s13, $0xF  }
0x9: {  	s3 =	sshll.u32 s0, $0x4;
	s5 =	smul.u32 $0x4E20, s0;
	s0 =	ssub.s32 $0x2, s0  }
0xa: {  	s14 =	sshrl.u32 @!p0 s14, $0x3;
	s4 =	sor.u32 s13, s3;
	s3 =	simm.s32 $0x0  }
0xb: {  	s7 =	sshrl.u32 s0, $0x1;
	s12 =	sadd.s32 s6, s2;
	s13 =	simm.s32 $0xB  }
0xc: {  	s4 =	smul.u32 $0x514, s4;
	[smem:$0x7FF] =	sst s3;
	s0 =	ssub.s32 s0, s7  }
0xd: {  	s7 =	sor.u32 $0x1C0B, s26;
	s12 =	sshrl.u32 s12, $0x3;
	s26 =	simm.s32 $0x2AB8  }
0xe: {  	_ =	strace $0x80000047;
	s11 =	smax.u32 s0, $0x1;
	s9 =	sadd.s32 s4, s1  }
0xf: {  	s4 =	sadd.s32 $0xBA00, s1;
	s1 =	sadd.s32 s5, s1;
	s5 =	sshrl.u32 s6, $0x3  }
0x10: {  	s0 =	simm.s32 $0x6;
	s6 =	sadd.s32 s8, s5;
	s8 =	sadd.s32 $0x4E00, s8  }
0x11: {  	s9 =	sadd.s32 $0x1600, s9;
	s10 =	sadd.s32 $0xBC00, s1;
	s1 =	simm.s32 $0x5  }
.LBB2_1:
0x12: {  	[spmem:s12], [sflag:s7] =	dma.local [hbm:s6], $0x4E0  }
0x13: {  	_ =	swait.ge [sflag:s13], $0x4E0  }
0x14: {  	[sflag:s13] =	ssyncset.done $0x0  }
0x15: {  	s23 =	simm.s32 @!p0 $0xB;
	[sflag:s13] =	ssyncadd.s32 $0xFFFFFB20  }
0x16: {  	[spmem:s14], [sflag:s7] =	dma.local @!p0 [hbm:s8], $0x20  }
0x17: {  	_ =	swait.ge @!p0 [sflag:s23], $0x20  }
0x18: {  	[sflag:s23] =	ssyncset.done @!p0 $0x0  }
0x19: {  	[sflag:s23] =	ssyncadd.s32 @!p0 $0xFFFFFFE0  }
0x1a: {  	[tilespmem:s15], [sflag:$0xB] =	stream.linear.gather [hbm4b:s4+s3], $0x640, $0x38;
	[tilespmem:$0x55F0] =	vst v63  }
0x1b: {  	_ =	swait.ge [sflag:s13], $0x640  }
0x1c: {  	[sflag:s13] =	ssyncset.done $0x0  }
0x1d: {  	[sflag:s13] =	ssyncadd.s32 $0xFFFFF9C0  }
0x1e: {  	[tilespmem:s16], [sflag:$0xB] =	stream.linear.gather [hbm4b:s9+s3], $0x28A0, $0x38;
	[tilespmem:$0x55F0] =	vst v63  }
0x1f: {  	_ =	swait.ge [sflag:s13], $0x28A0  }
0x20: {  	[sflag:s13] =	ssyncset.done $0x0  }
0x21: {  	[sflag:s13] =	ssyncadd.s32 $0xFFFFD760  }
0x22: {  	[bflag:$0x0] =	sbarrier.arrive $0xFFFF  }
0x23: {  	[spmem:s2] =	stream.indirect.scatter.add.f32 [tilespmem:s15], [sflag:$0x1], $0x10, s16, s17, $0xb8;
	[tilespmem:$0x55F0] =	vst v63  }
0x24: {  	s25 =	simm.s32 $0x2778  }
0x25: {  	[spmem:s2] =	stream.indirect.scatter.add.f32 [tilespmem:s15], [sflag:$0x2], $0x10, s25, s17, $0xb8;
	[tilespmem:$0x55F0] =	vst v63  }
0x26: {  	s24 =	simm.s32 $0x27E0  }
0x27: {  	[spmem:s2] =	stream.indirect.scatter.add.f32 [tilespmem:s15], [sflag:$0x3], $0x10, s24, s17, $0xb8;
	[tilespmem:$0x55F0] =	vst v63  }
0x28: {  	s25 =	simm.s32 $0x2848  }
0x29: {  	[spmem:s2] =	stream.indirect.scatter.add.f32 [tilespmem:s15], [sflag:$0x4], $0x10, s25, s17, $0xb8;
	[tilespmem:$0x55F0] =	vst v63  }
0x2a: {  	s24 =	simm.s32 $0x28B0  }
0x2b: {  	[spmem:s2] =	stream.indirect.scatter.add.f32 [tilespmem:s15], [sflag:$0x5], $0x10, s24, s17, $0xb8;
	[tilespmem:$0x55F0] =	vst v63  }
0x2c: {  	s25 =	simm.s32 $0x2918  }
0x2d: {  	[spmem:s2] =	stream.indirect.scatter.add.f32 [tilespmem:s15], [sflag:$0x6], $0x10, s25, s17, $0xb8;
	[tilespmem:$0x55F0] =	vst v63  }
0x2e: {  	s24 =	simm.s32 $0x2980  }
0x2f: {  	[spmem:s2] =	stream.indirect.scatter.add.f32 [tilespmem:s15], [sflag:$0x7], $0x10, s24, s17, $0xb8;
	[tilespmem:$0x55F0] =	vst v63  }
0x30: {  	s25 =	simm.s32 $0x29E8  }
0x31: {  	[spmem:s2] =	stream.indirect.scatter.add.f32 [tilespmem:s15], [sflag:$0x8], $0x10, s25, s17, $0xb8;
	[tilespmem:$0x55F0] =	vst v63  }
0x32: {  	s24 =	simm.s32 $0x2A50  }
0x33: {  	[spmem:s2] =	stream.indirect.scatter.add.f32 [tilespmem:s15], [sflag:$0x9], $0x10, s24, s17, $0xb8;
	[tilespmem:$0x55F0] =	vst v63  }
0x34: {  	_ = 	snop  }
0x35: {  	[spmem:s2] =	stream.indirect.scatter.add.f32 [tilespmem:s15], [sflag:$0xA], $0x10, s26, s17, $0xb8;
	[tilespmem:$0x55F0] =	vst v63  }
0x36: {  	_ =	swait.ge [sflag:s28], $0x640  }
0x37: {  	[sflag:s28] =	ssyncset.done $0x0  }
0x38: {  	s25 =	simm.s32 $0x2B20;
	[sflag:s28] =	ssyncadd.s32 $0xFFFFF9C0  }
0x39: {  	[spmem:s2] =	stream.indirect.scatter.add.f32 [tilespmem:s15], [sflag:$0x1], $0x10, s25, s17, $0xb8;
	[tilespmem:$0x55F0] =	vst v63  }
0x3a: {  	_ =	swait.ge [sflag:s29], $0x640  }
0x3b: {  	[sflag:s29] =	ssyncset.done $0x0  }
0x3c: {  	s24 =	simm.s32 $0x2B88;
	[sflag:s29] =	ssyncadd.s32 $0xFFFFF9C0  }
0x3d: {  	[spmem:s2] =	stream.indirect.scatter.add.f32 [tilespmem:s15], [sflag:$0x2], $0x10, s24, s17, $0xb8;
	[tilespmem:$0x55F0] =	vst v63  }
0x3e: {  	_ =	swait.ge [sflag:s30], $0x640  }
0x3f: {  	[sflag:s30] =	ssyncset.done $0x0  }
0x40: {  	s25 =	simm.s32 $0x2BF0;
	[sflag:s30] =	ssyncadd.s32 $0xFFFFF9C0  }
0x41: {  	[spmem:s2] =	stream.indirect.scatter.add.f32 [tilespmem:s15], [sflag:$0x3], $0x10, s25, s17, $0xb8;
	[tilespmem:$0x55F0] =	vst v63  }
0x42: {  	_ =	swait.ge [sflag:s31], $0x640  }
0x43: {  	[sflag:s31] =	ssyncset.done $0x0  }
0x44: {  	s24 =	simm.s32 $0x2C58;
	[sflag:s31] =	ssyncadd.s32 $0xFFFFF9C0  }
0x45: {  	[spmem:s2] =	stream.indirect.scatter.add.f32 [tilespmem:s15], [sflag:$0x4], $0x10, s24, s17, $0xb8;
	[tilespmem:$0x55F0] =	vst v63  }
0x46: {  	_ =	swait.ge [sflag:s1], $0x640  }
0x47: {  	[sflag:s1] =	ssyncset.done $0x0  }
0x48: {  	s25 =	simm.s32 $0x2CC0;
	[sflag:s1] =	ssyncadd.s32 $0xFFFFF9C0  }
0x49: {  	[spmem:s2] =	stream.indirect.scatter.add.f32 [tilespmem:s15], [sflag:$0x5], $0x10, s25, s17, $0xb8;
	[tilespmem:$0x55F0] =	vst v63  }
0x4a: {  	_ =	swait.ge [sflag:s0], $0x640  }
0x4b: {  	[sflag:s0] =	ssyncset.done $0x0  }
0x4c: {  	s24 =	simm.s32 $0x2D28;
	[sflag:s0] =	ssyncadd.s32 $0xFFFFF9C0  }
0x4d: {  	[spmem:s2] =	stream.indirect.scatter.add.f32 [tilespmem:s15], [sflag:$0x6], $0x10, s24, s17, $0xb8;
	[tilespmem:$0x55F0] =	vst v63  }
0x4e: {  	_ =	swait.ge [sflag:s18], $0x640  }
0x4f: {  	[sflag:s18] =	ssyncset.done $0x0  }
0x50: {  	s25 =	simm.s32 $0x2D90;
	[sflag:s18] =	ssyncadd.s32 $0xFFFFF9C0  }
0x51: {  	[spmem:s2] =	stream.indirect.scatter.add.f32 [tilespmem:s15], [sflag:$0x7], $0x10, s25, s17, $0xb8;
	[tilespmem:$0x55F0] =	vst v63  }
0x52: {  	_ =	swait.ge [sflag:s19], $0x640  }
0x53: {  	[sflag:s19] =	ssyncset.done $0x0  }
0x54: {  	s24 =	simm.s32 $0x2DF8;
	[sflag:s19] =	ssyncadd.s32 $0xFFFFF9C0  }
0x55: {  	[spmem:s2] =	stream.indirect.scatter.add.f32 [tilespmem:s15], [sflag:$0x8], $0x10, s24, s17, $0xb8;
	[tilespmem:$0x55F0] =	vst v63  }
0x56: {  	_ =	swait.ge [sflag:s20], $0x640  }
0x57: {  	[sflag:s20] =	ssyncset.done $0x0  }
0x58: {  	s25 =	simm.s32 $0x2E60;
	[sflag:s20] =	ssyncadd.s32 $0xFFFFF9C0  }
0x59: {  	[spmem:s2] =	stream.indirect.scatter.add.f32 [tilespmem:s15], [sflag:$0x9], $0x10, s25, s17, $0xb8;
	[tilespmem:$0x55F0] =	vst v63  }
0x5a: {  	_ =	swait.ge [sflag:s21], $0x640  }
0x5b: {  	[sflag:s21] =	ssyncset.done $0x0  }
0x5c: {  	s23 =	simm.s32 $0x1040;
	s24 =	simm.s32 $0x2EC8;
	[sflag:s21] =	ssyncadd.s32 $0xFFFFF9C0  }
.LBB2_2:
0x5d: {  	[spmem:s2] =	stream.indirect.scatter.add.f32 [tilespmem:s15], [sflag:$0xA], $0x10, s24, s17, $0xb8;
	[tilespmem:$0x55F0] =	vst v63  }
0x5e: {  	s24 =	smov.u32 s23  }
0x5f: {  	p1 =	sne.s32 s23, $0x8200;
	s23 =	sadd.s32 $0x1040, s23;
	_ =	swait.ge [sflag:s28], $0x640  }
0x60: {  	s24 =	sshra.s32 s24, $0x2;
	[sflag:s28] =	ssyncset.done $0x0  }
0x61: {  	s25 =	sadd.s32 $0x2B20, s24;
	[sflag:s28] =	ssyncadd.s32 $0xFFFFF9C0  }
0x62: {  	[spmem:s2] =	stream.indirect.scatter.add.f32 [tilespmem:s15], [sflag:$0x1], $0x10, s25, s17, $0xb8;
	[tilespmem:$0x55F0] =	vst v63  }
0x63: {  	_ =	swait.ge [sflag:s29], $0x640  }
0x64: {  	[sflag:s29] =	ssyncset.done $0x0  }
0x65: {  	s25 =	sadd.s32 $0x2B88, s24;
	[sflag:s29] =	ssyncadd.s32 $0xFFFFF9C0  }
0x66: {  	[spmem:s2] =	stream.indirect.scatter.add.f32 [tilespmem:s15], [sflag:$0x2], $0x10, s25, s17, $0xb8;
	[tilespmem:$0x55F0] =	vst v63  }
0x67: {  	_ =	swait.ge [sflag:s30], $0x640  }
0x68: {  	[sflag:s30] =	ssyncset.done $0x0  }
0x69: {  	s25 =	sadd.s32 $0x2BF0, s24;
	[sflag:s30] =	ssyncadd.s32 $0xFFFFF9C0  }
0x6a: {  	[spmem:s2] =	stream.indirect.scatter.add.f32 [tilespmem:s15], [sflag:$0x3], $0x10, s25, s17, $0xb8;
	[tilespmem:$0x55F0] =	vst v63  }
0x6b: {  	_ =	swait.ge [sflag:s31], $0x640  }
0x6c: {  	[sflag:s31] =	ssyncset.done $0x0  }
0x6d: {  	s25 =	sadd.s32 $0x2C58, s24;
	[sflag:s31] =	ssyncadd.s32 $0xFFFFF9C0  }
0x6e: {  	[spmem:s2] =	stream.indirect.scatter.add.f32 [tilespmem:s15], [sflag:$0x4], $0x10, s25, s17, $0xb8;
	[tilespmem:$0x55F0] =	vst v63  }
0x6f: {  	_ =	swait.ge [sflag:s1], $0x640  }
0x70: {  	[sflag:s1] =	ssyncset.done $0x0  }
0x71: {  	s25 =	sadd.s32 $0x2CC0, s24;
	[sflag:s1] =	ssyncadd.s32 $0xFFFFF9C0  }
0x72: {  	[spmem:s2] =	stream.indirect.scatter.add.f32 [tilespmem:s15], [sflag:$0x5], $0x10, s25, s17, $0xb8;
	[tilespmem:$0x55F0] =	vst v63  }
0x73: {  	_ =	swait.ge [sflag:s0], $0x640  }
0x74: {  	[sflag:s0] =	ssyncset.done $0x0  }
0x75: {  	s25 =	sadd.s32 $0x2D28, s24;
	[sflag:s0] =	ssyncadd.s32 $0xFFFFF9C0  }
0x76: {  	[spmem:s2] =	stream.indirect.scatter.add.f32 [tilespmem:s15], [sflag:$0x6], $0x10, s25, s17, $0xb8;
	[tilespmem:$0x55F0] =	vst v63  }
0x77: {  	_ =	swait.ge [sflag:s18], $0x640  }
0x78: {  	[sflag:s18] =	ssyncset.done $0x0  }
0x79: {  	s25 =	sadd.s32 $0x2D90, s24;
	[sflag:s18] =	ssyncadd.s32 $0xFFFFF9C0  }
0x7a: {  	[spmem:s2] =	stream.indirect.scatter.add.f32 [tilespmem:s15], [sflag:$0x7], $0x10, s25, s17, $0xb8;
	[tilespmem:$0x55F0] =	vst v63  }
0x7b: {  	_ =	swait.ge [sflag:s19], $0x640  }
0x7c: {  	[sflag:s19] =	ssyncset.done $0x0  }
0x7d: {  	s25 =	sadd.s32 $0x2DF8, s24;
	[sflag:s19] =	ssyncadd.s32 $0xFFFFF9C0  }
0x7e: {  	[spmem:s2] =	stream.indirect.scatter.add.f32 [tilespmem:s15], [sflag:$0x8], $0x10, s25, s17, $0xb8;
	[tilespmem:$0x55F0] =	vst v63  }
0x7f: {  	_ =	swait.ge [sflag:s20], $0x640  }
0x80: {  	[sflag:s20] =	ssyncset.done $0x0  }
.Ltmp0:
0x81: {  	s25 =	sadd.s32 $0x2E60, s24;
	[sflag:s20] =	ssyncadd.s32 $0xFFFFF9C0;
	(pc) =	sbr.rel @p1 .LBB2_2-.Ltmp0, $4  }
0x82: {  	[spmem:s2] =	stream.indirect.scatter.add.f32 [tilespmem:s15], [sflag:$0x9], $0x10, s25, s17, $0xb8;
	[tilespmem:$0x55F0] =	vst v63  }
0x83: {  	_ =	swait.ge [sflag:s21], $0x640  }
0x84: {  	[sflag:s21] =	ssyncset.done $0x0  }
0x85: {  	s24 =	sadd.s32 $0x2EC8, s24;
	[sflag:s21] =	ssyncadd.s32 $0xFFFFF9C0  }
0x86: {  	[spmem:s2] =	stream.indirect.scatter.add.f32 [tilespmem:s15], [sflag:$0xA], $0x10, s24, s17, $0xb8;
	[tilespmem:$0x55F0] =	vst v63  }
0x87: {  	_ =	swait.ge [sflag:s28], $0x640  }
0x88: {  	[sflag:s28] =	ssyncset.done $0x0  }
0x89: {  	[sflag:s28] =	ssyncadd.s32 $0xFFFFF9C0  }
0x8a: {  	_ =	swait.ge [sflag:s29], $0x640  }
0x8b: {  	[sflag:s29] =	ssyncset.done $0x0  }
0x8c: {  	[sflag:s29] =	ssyncadd.s32 $0xFFFFF9C0  }
0x8d: {  	_ =	swait.ge [sflag:s30], $0x640  }
0x8e: {  	[sflag:s30] =	ssyncset.done $0x0  }
0x8f: {  	[sflag:s30] =	ssyncadd.s32 $0xFFFFF9C0  }
0x90: {  	_ =	swait.ge [sflag:s31], $0x640  }
0x91: {  	[sflag:s31] =	ssyncset.done $0x0  }
0x92: {  	[sflag:s31] =	ssyncadd.s32 $0xFFFFF9C0  }
0x93: {  	_ =	swait.ge [sflag:s1], $0x640  }
0x94: {  	[sflag:s1] =	ssyncset.done $0x0  }
0x95: {  	[sflag:s1] =	ssyncadd.s32 $0xFFFFF9C0  }
0x96: {  	_ =	swait.ge [sflag:s0], $0x640  }
0x97: {  	[sflag:s0] =	ssyncset.done $0x0  }
0x98: {  	[sflag:s0] =	ssyncadd.s32 $0xFFFFF9C0  }
0x99: {  	_ =	swait.ge [sflag:s18], $0x640  }
0x9a: {  	[sflag:s18] =	ssyncset.done $0x0  }
0x9b: {  	[sflag:s18] =	ssyncadd.s32 $0xFFFFF9C0  }
0x9c: {  	_ =	swait.ge [sflag:s19], $0x640  }
0x9d: {  	[sflag:s19] =	ssyncset.done $0x0  }
0x9e: {  	[sflag:s19] =	ssyncadd.s32 $0xFFFFF9C0  }
0x9f: {  	_ =	swait.ge [sflag:s20], $0x640  }
0xa0: {  	[sflag:s20] =	ssyncset.done $0x0  }
0xa1: {  	[sflag:s20] =	ssyncadd.s32 $0xFFFFF9C0  }
0xa2: {  	_ =	swait.ge [sflag:s21], $0x640  }
0xa3: {  	[sflag:s21] =	ssyncset.done $0x0  }
0xa4: {  	[sflag:s21] =	ssyncadd.s32 $0xFFFFF9C0  }
0xa5: {  	s23 =	sadd.s32 s5, s10;
	[bflag:$0x0] =	sbarrier.arrive $0xFFFF  }
0xa6: {  	[hbm:s23], [sflag:s7] =	dma.local [spmem:s12], $0x4E0  }
0xa7: {  	_ =	swait.ge [sflag:s13], $0x4E0  }
0xa8: {  	s22 =	sadd.s32 $0x1, s22;
	[sflag:s13] =	ssyncset.done $0x0  }
0xa9: {  	p1 =	sne.s32 s22, s11;
	s23 =	sadd.s32 @!p0 $0x4E00, s10;
	[sflag:s13] =	ssyncadd.s32 $0xFFFFFB20  }
0xaa: {  	[hbm:s23], [sflag:s7] =	dma.local @!p0 [spmem:s14], $0x20  }
.Ltmp1:
0xab: {  	_ = 	snop;
	(pc) =	sbr.rel @p1 .LBB2_1-.Ltmp1, $4  }
0xac: {  	s23 =	simm.s32 @!p0 $0xB  }
0xad: {  	_ =	swait.ge @!p0 [sflag:s23], $0x20  }
0xae: {  	[sflag:s23] =	ssyncset.done @!p0 $0x0  }
0xaf: {  	[sflag:s23] =	ssyncadd.s32 @!p0 $0xFFFFFFE0  }
0xb0: {  	_ =	sfence.sel $0x180000  }
0xb1: {  	[bflag:$0x0] =	sbarrier.arrive $0xFFFF  }
0xb2: {  	_ =	strace $0x90000047  }
0xb3: {  	s0 =	stileid.u32;
	[bflag:$0x2] =	sbarrier.arrive $0xFFFF  }
0xb4: {  	p0 =	sne.s32 s0, $0x0;
	s0 =	rddreg [dreg:$0x3]  }
0xb5: {  	s0 =	sadd.s32 @!p0 $0x100000, s0  }
0xb6: {  	[sflag:s0] =	ssyncadd.tile.s32 @!p0 $0x1;
	_ =	shalt  }
.Lfunc_end2:
_tile_overlayer_lowered:
.L_overlay_start_2:
0xb7: {  	(tag) =	ssettag $0x2  }
0xb8: {  	s0 =	rddreg [dreg:$0x0];
	s2 =	stileid.u32  }
0xb9: {  	s1 =	rddreg [dreg:$0x1];
	p0 =	sne.s32 s2, $0x0  }
0xba: {  	s3 =	rddreg [dreg:$0x2];
	[bflag:$0x3] =	sbarrier.arrive $0xFFFF;
	s2 =	simm.s32 @!p0 $0x1C0B  }
0xbb: {  	[timem:s3], [sflag:s2] =	dma.local @!p0 [hbm:s0], s1  }
0xbc: {  	s0 =	simm.s32 @!p0 $0xB  }
0xbd: {  	_ =	swait.ge @!p0 [sflag:s0], s1  }
0xbe: {  	s1 =	ssub.s32 @!p0 $0x0, s1;
	[sflag:s0] =	ssyncset.done @!p0 $0x0  }
0xbf: {  	[sflag:s0] =	ssyncadd.s32 @!p0 s1  }
0xc0: {  	[bflag:$0x3] =	sbarrier.arrive $0xFFFF  }
0xc1: {  	_ =	shalt  }

</sc_bundles>
